<compile_context>
chip_gen: v7x
topology: tpu7x:2x2x1
jax: 0.10.2.dev20260603
libtpu: 0.0.44.dev20260713+nightly
codegen_flags: <defaults>
</compile_context>

<pallas_src>
import functools

import jax
import jax.numpy as jnp
from jax import lax
from jax.experimental import pallas as pl
from jax.experimental.pallas import tpu as pltpu
from jax.experimental.pallas import tpu_sc as plsc

N = 10000
C = 128
OUT = 128
K = 32

NW = 32
NPAD = 10240
PER_W = NPAD // NW
CHUNK = 4
NCHUNK = PER_W // CHUNK
LG = OUT // 16


def _mm_body(x_ref, wc_ref, b_ref, a_ref, t_ref):
    i = pl.program_id(0)
    xb = x_ref[...]
    rid = lax.broadcasted_iota(jnp.int32, (_MM_BLK, 1), 0) + i * _MM_BLK
    xb = jnp.where(rid < N, xb, 1e6)
    dn = (((1,), (1,)), ((), ()))
    h = lax.dot_general(xb, wc_ref[...], dn, preferred_element_type=jnp.float32)
    a_ref[...] = h[:, :OUT] + b_ref[...]
    t_ref[...] = h[:, OUT:]


_MM_BLK = 2048


def _mm(x, wc, b2):
    return pl.pallas_call(
        _mm_body,
        grid=(NPAD // _MM_BLK,),
        in_specs=[
            pl.BlockSpec((_MM_BLK, C), lambda i: (i, 0)),
            pl.BlockSpec((2 * OUT, C), lambda i: (0, 0)),
            pl.BlockSpec((1, OUT), lambda i: (0, 0)),
        ],
        out_specs=[
            pl.BlockSpec((_MM_BLK, OUT), lambda i: (i, 0)),
            pl.BlockSpec((_MM_BLK, OUT), lambda i: (i, 0)),
        ],
        out_shape=[
            jax.ShapeDtypeStruct((NPAD, OUT), jnp.float32),
            jax.ShapeDtypeStruct((NPAD, OUT), jnp.float32),
        ],
    )(x, wc, b2)


@functools.partial(
    pl.kernel,
    out_type=jax.ShapeDtypeStruct((N, OUT), jnp.float32),
    mesh=plsc.VectorSubcoreMesh(core_axis_name="c", subcore_axis_name="s"),
    compiler_params=pltpu.CompilerParams(needs_layout_passes=False),
    scratch_types=[
        pltpu.VMEM_SHARED((NPAD, OUT), jnp.float32),
        pltpu.VMEM((PER_W * K,), jnp.int32),
        pltpu.VMEM((CHUNK * K, OUT), jnp.float32),
        pltpu.VMEM((CHUNK * K, OUT), jnp.float32),
        pltpu.VMEM((CHUNK, OUT), jnp.float32),
        pltpu.VMEM((CHUNK, OUT), jnp.float32),
        pltpu.VMEM((CHUNK, OUT), jnp.float32),
        pltpu.VMEM((CHUNK, OUT), jnp.float32),
        pltpu.SemaphoreType.DMA,
        pltpu.SemaphoreType.DMA,
        pltpu.SemaphoreType.DMA,
        pltpu.SemaphoreType.DMA,
        pltpu.SemaphoreType.DMA,
        pltpu.SemaphoreType.DMA,
    ],
)
def _sc_gather_max(
    t_hbm, idx_hbm, a_hbm, out_hbm,
    t_sh, idx_v, gbuf0, gbuf1, abuf0, abuf1, obuf0, obuf1,
    gsem0, gsem1, asem0, asem1, osem0, osem1,
):
    sid = lax.axis_index("s")
    wid = sid * 2 + lax.axis_index("c")
    base = jnp.minimum(wid * PER_W, N - PER_W)
    rows = NPAD // 16
    pltpu.sync_copy(
        t_hbm.at[pl.ds(sid * rows, rows)], t_sh.at[pl.ds(sid * rows, rows)]
    )
    pltpu.sync_copy(idx_hbm.at[pl.ds(base * K, PER_W * K)], idx_v)
    plsc.subcore_barrier()

    gbufs = (gbuf0, gbuf1)
    abufs = (abuf0, abuf1)
    obufs = (obuf0, obuf1)
    gsems = (gsem0, gsem1)
    asems = (asem0, asem1)
    osems = (osem0, osem1)

    def start(ch, slot):
        pltpu.async_copy(
            t_sh.at[idx_v.at[pl.ds(ch * (CHUNK * K), CHUNK * K)]],
            gbufs[slot], gsems[slot],
        )
        pltpu.async_copy(
            a_hbm.at[pl.ds(base + ch * CHUNK, CHUNK)], abufs[slot], asems[slot]
        )

    def finish(ch, slot, wait_store):
        gbuf, abuf, obuf = gbufs[slot], abufs[slot], obufs[slot]
        pltpu.make_async_copy(
            t_sh.at[idx_v.at[pl.ds(ch * (CHUNK * K), CHUNK * K)]],
            gbuf, gsems[slot],
        ).wait()
        pltpu.make_async_copy(
            a_hbm.at[pl.ds(base + ch * CHUNK, CHUNK)], abuf, asems[slot]
        ).wait()

        @pl.when(wait_store)
        def _():
            pltpu.make_async_copy(
                obuf, out_hbm.at[pl.ds(base, CHUNK)], osems[slot]
            ).wait()

        def node_body(n, carry2):
            rb = n * K
            for g in range(LG):
                sl = pl.ds(g * 16, 16)
                acc = gbuf[rb, sl]
                for k in range(1, K):
                    acc = jnp.maximum(acc, gbuf[rb + k, sl])
                obuf[n, sl] = jnp.maximum(acc + abuf[n, sl], 0.0)
            return carry2

        lax.fori_loop(0, CHUNK, node_body, 0)
        pltpu.async_copy(
            obuf, out_hbm.at[pl.ds(base + ch * CHUNK, CHUNK)], osems[slot]
        )

    start(0, 0)
    start(1, 1)

    def pair_body(p, carry):
        ch0 = 2 * p
        finish(ch0, 0, p > 0)

        @pl.when(ch0 + 2 < NCHUNK)
        def _():
            start(ch0 + 2, 0)

        finish(ch0 + 1, 1, p > 0)

        @pl.when(ch0 + 3 < NCHUNK)
        def _():
            start(ch0 + 3, 1)

        return carry

    lax.fori_loop(0, NCHUNK // 2, pair_body, 0)
    pltpu.make_async_copy(obuf0, out_hbm.at[pl.ds(base, CHUNK)], osem0).wait()
    pltpu.make_async_copy(obuf1, out_hbm.at[pl.ds(base, CHUNK)], osem1).wait()


def kernel(x, edge_index, W, b):
    x = x.astype(jnp.float32)
    W = W.astype(jnp.float32)
    idx = edge_index[0].astype(jnp.int32).reshape(N * K)
    w1 = W[:, :C]
    w2 = W[:, C:]
    wc = jnp.concatenate([w1 - w2, w2], axis=0)
    a, t = _mm(x, wc, b.astype(jnp.float32).reshape(1, OUT))
    return _sc_gather_max(t, idx, a)

# --- scband reference (transcript-rebuilt; emitter-appended) ---
"""Pipeline reference for scband-edge-conv1d-80358838108754 (READ-ONLY COPY).

The authoritative reference and input builder live on the scoring server;
editing this copy changes nothing except your own understanding.
"""

import jax, jax.numpy as jnp
import numpy as np

N = 10000
C = 128
OUT = 128
K = 32

def setup_inputs(seed: int = 0) -> dict:
    key = jax.random.key(seed)
    k1, k2, k3, k4 = jax.random.split(key, 4)
    x = jax.random.normal(k1, (N, C), dtype=jnp.float32)
    # neighbor indices into s_pts (which has N+1 rows; index N is the 1e6 sentinel)
    edge_index = jax.random.randint(k2, (2, N, K), 0, N + 1, dtype=jnp.int64)
    # Conv1dLayer([2C, OUT]) with kernel_size=1 == pointwise linear over channel dim
    W = jax.random.normal(k3, (OUT, 2 * C), dtype=jnp.float32) * (1.0 / np.sqrt(2 * C))
    b = jax.random.normal(k4, (OUT,), dtype=jnp.float32) * 0.01
    return {"x": x, "edge_index": edge_index, "W": W, "b": b}

def reference(x, edge_index, W, b):
    n, c = x.shape
    k = edge_index.shape[-1]
    # get_center_feature: repeat each node feature k times -> [N, C, k]
    x_i = jnp.repeat(x[:, :, None], k, axis=2)
    # sentinel row appended for out-of-range / padded neighbors
    s_pts = jnp.concatenate([x, jnp.zeros_like(x[:1, :]) + 1000000.0], axis=0)  # [N+1, C]
    x_j = jnp.take(s_pts, edge_index[0], axis=0)          # [N, k, C] gather
    x_j = jnp.transpose(x_j, (0, 2, 1))                   # [N, C, k]
    feat = jnp.concatenate([x_i, x_j - x_i], axis=1)       # [N, 2C, k]
    # Conv1d(2C -> OUT, kernel=1) + bias + relu (norm=None)
    h = jnp.einsum('oc,nck->nok', W, feat) + b[None, :, None]
    h = jax.nn.relu(h)
    # aggr='max' over neighbor dim, keepdim=False -> [N, OUT]
    out = jnp.max(h, axis=-1)
    return out

if __name__ == "__main__":
    import jax
    _d = setup_inputs()
    print(jax.jit(kernel)(*tuple(_d.values())))

</pallas_src>

<mosaic_0001>
#map = affine_map<(d0, d1) -> (0, 0)>
#map1 = affine_map<(d0, d1) -> (0)>
module attributes {stable_mosaic.version = 14 : i64} {
  func.func @_sc_gather_max(%arg0: i32, %arg1: i32, %arg2: memref<10240x128xf32, #tpu.memory_space<hbm>>, %arg3: memref<320000xi32, #tpu.memory_space<hbm>>, %arg4: memref<10240x128xf32, #tpu.memory_space<hbm>>, %arg5: memref<10000x128xf32, #tpu.memory_space<hbm>>, %arg6: memref<10240x128xf32, #tpu.memory_space<vmem_shared>>, %arg7: memref<10240xi32, #tpu.memory_space<vmem>>, %arg8: memref<128x128xf32, #tpu.memory_space<vmem>>, %arg9: memref<128x128xf32, #tpu.memory_space<vmem>>, %arg10: memref<4x128xf32, #tpu.memory_space<vmem>>, %arg11: memref<4x128xf32, #tpu.memory_space<vmem>>, %arg12: memref<4x128xf32, #tpu.memory_space<vmem>>, %arg13: memref<4x128xf32, #tpu.memory_space<vmem>>, %arg14: memref<!tpu.dma_semaphore, #tpu.memory_space<semaphore_mem>>, %arg15: memref<!tpu.dma_semaphore, #tpu.memory_space<semaphore_mem>>, %arg16: memref<!tpu.dma_semaphore, #tpu.memory_space<semaphore_mem>>, %arg17: memref<!tpu.dma_semaphore, #tpu.memory_space<semaphore_mem>>, %arg18: memref<!tpu.dma_semaphore, #tpu.memory_space<semaphore_mem>>, %arg19: memref<!tpu.dma_semaphore, #tpu.memory_space<semaphore_mem>>) attributes {dimension_semantics = [#tpu.dimension_semantics<core_parallel>, #tpu.dimension_semantics<subcore_parallel>], iteration_bounds = array<i64: 2, 16>, scalar_prefetch = 0 : i64, scratch_operands = 14 : i64, tpu.core_type = #tpu.core_type<sc_vector_subcore>, window_params = [{transform_indices = #map}, {transform_indices = #map1}, {transform_indices = #map}, {transform_indices = #map}]} {
    %mul3A = arith.constant 2 : i32
    %mul3A_0 = arith.muli %arg1, %mul3A : i32
    %add3A = arith.addi %mul3A_0, %arg0 : i32
    %mul3A_1 = arith.constant 320 : i32
    %mul3A_2 = arith.muli %add3A, %mul3A_1 : i32
    %min3A = arith.constant 9680 : i32
    %min3A_3 = arith.minsi %mul3A_2, %min3A : i32
    %mul3A_4 = arith.constant 640 : i32
    %mul3A_5 = arith.muli %arg1, %mul3A_4 : i32
    %mul3A_6 = arith.constant 640 : i32
    %mul3A_7 = arith.muli %arg1, %mul3A_6 : i32
    "tpu.region"() ({
      %run_scoped3A = tpu.sem_alloc : memref<!tpu.dma_semaphore, #tpu.memory_space<semaphore_mem>>
      %dma_start3A_43 = arith.constant 0 : i32
      %dma_start3A_44 = tpu.memref_slice %arg6[%mul3A_7, %dma_start3A_43] : memref<10240x128xf32, #tpu.memory_space<vmem_shared>> -> memref<640x128xf32, #tpu.memory_space<vmem_shared>>
      %dma_start3A_45 = arith.constant 0 : i32
      %dma_start3A_46 = tpu.memref_slice %arg2[%mul3A_5, %dma_start3A_45] : memref<10240x128xf32, #tpu.memory_space<hbm>> -> memref<640x128xf32, #tpu.memory_space<hbm>>
      tpu.enqueue_dma source(%dma_start3A_46 : memref<640x128xf32, #tpu.memory_space<hbm>>) target(%dma_start3A_44 : memref<640x128xf32, #tpu.memory_space<vmem_shared>>) target_semaphore(%run_scoped3A : memref<!tpu.dma_semaphore, #tpu.memory_space<semaphore_mem>>)
      %dma_wait3A_47 = arith.constant 0 : i32
      %dma_wait3A_48 = tpu.memref_slice %arg6[%mul3A_7, %dma_wait3A_47] : memref<10240x128xf32, #tpu.memory_space<vmem_shared>> -> memref<640x128xf32, #tpu.memory_space<vmem_shared>>
      %dma_wait3A_49 = arith.constant 0 : i32
      %dma_wait3A_50 = tpu.memref_slice %arg2[%mul3A_5, %dma_wait3A_49] : memref<10240x128xf32, #tpu.memory_space<hbm>> -> memref<640x128xf32, #tpu.memory_space<hbm>>
      tpu.wait_dma2 semaphore(%run_scoped3A : memref<!tpu.dma_semaphore, #tpu.memory_space<semaphore_mem>>) src(%dma_wait3A_50 : memref<640x128xf32, #tpu.memory_space<hbm>>) dst(%dma_wait3A_48 : memref<640x128xf32, #tpu.memory_space<vmem_shared>>)
      tpu.yield
    }) : () -> ()
    %mul3A_8 = arith.constant 32 : i32
    %mul3A_9 = arith.muli %min3A_3, %mul3A_8 : i32
    "tpu.region"() ({
      %run_scoped3A = tpu.sem_alloc : memref<!tpu.dma_semaphore, #tpu.memory_space<semaphore_mem>>
      %dma_start3A_43 = tpu.memref_slice %arg3[%mul3A_9] : memref<320000xi32, #tpu.memory_space<hbm>> -> memref<10240xi32, #tpu.memory_space<hbm>>
      %dma_start3A_44 = tpu.memref_slice %arg3[%mul3A_9] : memref<320000xi32, #tpu.memory_space<hbm>> -> memref<10240xi32, #tpu.memory_space<hbm>>
      tpu.enqueue_dma source(%dma_start3A_44 : memref<10240xi32, #tpu.memory_space<hbm>>) target(%arg7 : memref<10240xi32, #tpu.memory_space<vmem>>) target_semaphore(%run_scoped3A : memref<!tpu.dma_semaphore, #tpu.memory_space<semaphore_mem>>)
      %dma_wait3A_45 = tpu.memref_slice %arg3[%mul3A_9] : memref<320000xi32, #tpu.memory_space<hbm>> -> memref<10240xi32, #tpu.memory_space<hbm>>
      %dma_wait3A_46 = tpu.memref_slice %arg3[%mul3A_9] : memref<320000xi32, #tpu.memory_space<hbm>> -> memref<10240xi32, #tpu.memory_space<hbm>>
      tpu.wait_dma2 semaphore(%run_scoped3A : memref<!tpu.dma_semaphore, #tpu.memory_space<semaphore_mem>>) src(%dma_wait3A_46 : memref<10240xi32, #tpu.memory_space<hbm>>) dst(%arg7 : memref<10240xi32, #tpu.memory_space<vmem>>)
      tpu.yield
    }) : () -> ()
    %barrier3A = arith.constant 0 : index
    tpu.barrier barrier_id(%barrier3A)
    %dma_start3A = arith.constant 0 : i32
    %dma_start3A_10 = tpu.memref_slice %arg7[%dma_start3A] : memref<10240xi32, #tpu.memory_space<vmem>> -> memref<128xi32, #tpu.memory_space<vmem>>
    %dma_start3A_11 = arith.constant 0 : i32
    %dma_start3A_12 = arith.constant 0 : i32
    %dma_start3A_13 = tpu.memref_slice %arg6[%dma_start3A_11, %dma_start3A_12] : memref<10240x128xf32, #tpu.memory_space<vmem_shared>> -> memref<10240x128xf32, #tpu.memory_space<vmem_shared>>
    tpu.enqueue_indirect_dma source(%dma_start3A_13 : memref<10240x128xf32, #tpu.memory_space<vmem_shared>>) target(%arg8 : memref<128x128xf32, #tpu.memory_space<vmem>>) offsets(%dma_start3A_10 : memref<128xi32, #tpu.memory_space<vmem>>) semaphore(%arg14 : memref<!tpu.dma_semaphore, #tpu.memory_space<semaphore_mem>>)
    %add3A_14 = arith.constant 0 : i32
    %add3A_15 = arith.addi %min3A_3, %add3A_14 : i32
    %dma_start3A_16 = arith.constant 0 : i32
    %dma_start3A_17 = tpu.memref_slice %arg4[%add3A_15, %dma_start3A_16] : memref<10240x128xf32, #tpu.memory_space<hbm>> -> memref<4x128xf32, #tpu.memory_space<hbm>>
    %dma_start3A_18 = arith.constant 0 : i32
    %dma_start3A_19 = tpu.memref_slice %arg4[%add3A_15, %dma_start3A_18] : memref<10240x128xf32, #tpu.memory_space<hbm>> -> memref<4x128xf32, #tpu.memory_space<hbm>>
    tpu.enqueue_dma source(%dma_start3A_19 : memref<4x128xf32, #tpu.memory_space<hbm>>) target(%arg10 : memref<4x128xf32, #tpu.memory_space<vmem>>) target_semaphore(%arg16 : memref<!tpu.dma_semaphore, #tpu.memory_space<semaphore_mem>>)
    %dma_start3A_20 = arith.constant 128 : i32
    %dma_start3A_21 = tpu.memref_slice %arg7[%dma_start3A_20] : memref<10240xi32, #tpu.memory_space<vmem>> -> memref<128xi32, #tpu.memory_space<vmem>>
    %dma_start3A_22 = arith.constant 0 : i32
    %dma_start3A_23 = arith.constant 0 : i32
    %dma_start3A_24 = tpu.memref_slice %arg6[%dma_start3A_22, %dma_start3A_23] : memref<10240x128xf32, #tpu.memory_space<vmem_shared>> -> memref<10240x128xf32, #tpu.memory_space<vmem_shared>>
    tpu.enqueue_indirect_dma source(%dma_start3A_24 : memref<10240x128xf32, #tpu.memory_space<vmem_shared>>) target(%arg9 : memref<128x128xf32, #tpu.memory_space<vmem>>) offsets(%dma_start3A_21 : memref<128xi32, #tpu.memory_space<vmem>>) semaphore(%arg15 : memref<!tpu.dma_semaphore, #tpu.memory_space<semaphore_mem>>)
    %add3A_25 = arith.constant 4 : i32
    %add3A_26 = arith.addi %min3A_3, %add3A_25 : i32
    %dma_start3A_27 = arith.constant 0 : i32
    %dma_start3A_28 = tpu.memref_slice %arg4[%add3A_26, %dma_start3A_27] : memref<10240x128xf32, #tpu.memory_space<hbm>> -> memref<4x128xf32, #tpu.memory_space<hbm>>
    %dma_start3A_29 = arith.constant 0 : i32
    %dma_start3A_30 = tpu.memref_slice %arg4[%add3A_26, %dma_start3A_29] : memref<10240x128xf32, #tpu.memory_space<hbm>> -> memref<4x128xf32, #tpu.memory_space<hbm>>
    tpu.enqueue_dma source(%dma_start3A_30 : memref<4x128xf32, #tpu.memory_space<hbm>>) target(%arg11 : memref<4x128xf32, #tpu.memory_space<vmem>>) target_semaphore(%arg17 : memref<!tpu.dma_semaphore, #tpu.memory_space<semaphore_mem>>)
    %scan3A = arith.constant 0 : i32
    %scan3A_31 = arith.constant 0 : i32
    %scan3A_32 = arith.constant 40 : i32
    %scan3A_33 = arith.addi %scan3A_31, %scan3A_32 : i32
    %scan3A_34 = arith.constant 1 : i32
    scf.for %scan3A_43 = %scan3A_31 to %scan3A_33 step %scan3A_34  : i32 {
      %mul3A_44 = arith.constant 2 : i32
      %mul3A_45 = arith.muli %mul3A_44, %scan3A_43 : i32
      %gt3A = arith.constant 0 : i32
      %gt3A_46 = arith.cmpi sgt, %scan3A_43, %gt3A : i32
      %mul3A_47 = arith.constant 128 : i32
      %mul3A_48 = arith.muli %mul3A_45, %mul3A_47 : i32
      %dma_wait3A_49 = tpu.memref_slice %arg7[%mul3A_48] : memref<10240xi32, #tpu.memory_space<vmem>> -> memref<128xi32, #tpu.memory_space<vmem>>
      %dma_wait3A_50 = arith.constant 0 : i32
      %dma_wait3A_51 = arith.constant 0 : i32
      %dma_wait3A_52 = tpu.memref_slice %arg6[%dma_wait3A_50, %dma_wait3A_51] : memref<10240x128xf32, #tpu.memory_space<vmem_shared>> -> memref<10240x128xf32, #tpu.memory_space<vmem_shared>>
      tpu.wait_indirect_dma semaphore(%arg14 : memref<!tpu.dma_semaphore, #tpu.memory_space<semaphore_mem>>) src(%dma_wait3A_52 : memref<10240x128xf32, #tpu.memory_space<vmem_shared>>) dst(%arg8 : memref<128x128xf32, #tpu.memory_space<vmem>>)
      %mul3A_53 = arith.constant 4 : i32
      %mul3A_54 = arith.muli %mul3A_45, %mul3A_53 : i32
      %add3A_55 = arith.addi %min3A_3, %mul3A_54 : i32
      %dma_wait3A_56 = arith.constant 0 : i32
      %dma_wait3A_57 = tpu.memref_slice %arg4[%add3A_55, %dma_wait3A_56] : memref<10240x128xf32, #tpu.memory_space<hbm>> -> memref<4x128xf32, #tpu.memory_space<hbm>>
      %dma_wait3A_58 = arith.constant 0 : i32
      %dma_wait3A_59 = tpu.memref_slice %arg4[%add3A_55, %dma_wait3A_58] : memref<10240x128xf32, #tpu.memory_space<hbm>> -> memref<4x128xf32, #tpu.memory_space<hbm>>
      tpu.wait_dma2 semaphore(%arg16 : memref<!tpu.dma_semaphore, #tpu.memory_space<semaphore_mem>>) src(%dma_wait3A_59 : memref<4x128xf32, #tpu.memory_space<hbm>>) dst(%arg10 : memref<4x128xf32, #tpu.memory_space<vmem>>)
      %convert_element_type3A = arith.extui %gt3A_46 : i1 to i32
      %cond3A = arith.constant 0 : i32
      %cond3A_60 = arith.cmpi ne, %convert_element_type3A, %cond3A : i32
      scf.if %cond3A_60 {
        %dma_wait3A_120 = arith.constant 0 : i32
        %dma_wait3A_121 = tpu.memref_slice %arg5[%min3A_3, %dma_wait3A_120] : memref<10000x128xf32, #tpu.memory_space<hbm>> -> memref<4x128xf32, #tpu.memory_space<hbm>>
        %dma_wait3A_122 = arith.constant 0 : i32
        %dma_wait3A_123 = tpu.memref_slice %arg5[%min3A_3, %dma_wait3A_122] : memref<10000x128xf32, #tpu.memory_space<hbm>> -> memref<4x128xf32, #tpu.memory_space<hbm>>
        tpu.wait_dma2 semaphore(%arg18 : memref<!tpu.dma_semaphore, #tpu.memory_space<semaphore_mem>>) src(%arg12 : memref<4x128xf32, #tpu.memory_space<vmem>>) dst(%dma_wait3A_123 : memref<4x128xf32, #tpu.memory_space<hbm>>)
      } else {
      }
      %scan3A_61 = arith.constant 0 : i32
      %scan3A_62 = arith.constant 0 : i32
      %scan3A_63 = arith.constant 4 : i32
      %scan3A_64 = arith.addi %scan3A_62, %scan3A_63 : i32
      %scan3A_65 = arith.constant 1 : i32
      scf.for %scan3A_120 = %scan3A_62 to %scan3A_64 step %scan3A_65  : i32 {
        %mul3A_121 = arith.constant 32 : i32
        %mul3A_122 = arith.muli %scan3A_120, %mul3A_121 : i32
        %get3A = arith.index_cast %mul3A_122 : i32 to index
        %get3A_123 = arith.constant 0 : index
        %get3A_124 = tpu.vector_load %arg8[%get3A, %get3A_123] {strides = array<i32>} : memref<128x128xf32, #tpu.memory_space<vmem>>, vector<16xf32>,
        %add3A_125 = arith.constant 1 : i32
        %add3A_126 = arith.addi %mul3A_122, %add3A_125 : i32
        %get3A_127 = arith.index_cast %add3A_126 : i32 to index
        %get3A_128 = arith.constant 0 : index
        %get3A_129 = tpu.vector_load %arg8[%get3A_127, %get3A_128] {strides = array<i32>} : memref<128x128xf32, #tpu.memory_space<vmem>>, vector<16xf32>,
        %max3A = arith.maximumf %get3A_124, %get3A_129 : vector<16xf32>
        %add3A_130 = arith.constant 2 : i32
        %add3A_131 = arith.addi %mul3A_122, %add3A_130 : i32
        %get3A_132 = arith.index_cast %add3A_131 : i32 to index
        %get3A_133 = arith.constant 0 : index
        %get3A_134 = tpu.vector_load %arg8[%get3A_132, %get3A_133] {strides = array<i32>} : memref<128x128xf32, #tpu.memory_space<vmem>>, vector<16xf32>,
        %max3A_135 = arith.maximumf %max3A, %get3A_134 : vector<16xf32>
        %add3A_136 = arith.constant 3 : i32
        %add3A_137 = arith.addi %mul3A_122, %add3A_136 : i32
        %get3A_138 = arith.index_cast %add3A_137 : i32 to index
        %get3A_139 = arith.constant 0 : index
        %get3A_140 = tpu.vector_load %arg8[%get3A_138, %get3A_139] {strides = array<i32>} : memref<128x128xf32, #tpu.memory_space<vmem>>, vector<16xf32>,
        %max3A_141 = arith.maximumf %max3A_135, %get3A_140 : vector<16xf32>
        %add3A_142 = arith.constant 4 : i32
        %add3A_143 = arith.addi %mul3A_122, %add3A_142 : i32
        %get3A_144 = arith.index_cast %add3A_143 : i32 to index
        %get3A_145 = arith.constant 0 : index
        %get3A_146 = tpu.vector_load %arg8[%get3A_144, %get3A_145] {strides = array<i32>} : memref<128x128xf32, #tpu.memory_space<vmem>>, vector<16xf32>,
        %max3A_147 = arith.maximumf %max3A_141, %get3A_146 : vector<16xf32>
        %add3A_148 = arith.constant 5 : i32
        %add3A_149 = arith.addi %mul3A_122, %add3A_148 : i32
        %get3A_150 = arith.index_cast %add3A_149 : i32 to index
        %get3A_151 = arith.constant 0 : index
        %get3A_152 = tpu.vector_load %arg8[%get3A_150, %get3A_151] {strides = array<i32>} : memref<128x128xf32, #tpu.memory_space<vmem>>, vector<16xf32>,
        %max3A_153 = arith.maximumf %max3A_147, %get3A_152 : vector<16xf32>
        %add3A_154 = arith.constant 6 : i32
        %add3A_155 = arith.addi %mul3A_122, %add3A_154 : i32
        %get3A_156 = arith.index_cast %add3A_155 : i32 to index
        %get3A_157 = arith.constant 0 : index
        %get3A_158 = tpu.vector_load %arg8[%get3A_156, %get3A_157] {strides = array<i32>} : memref<128x128xf32, #tpu.memory_space<vmem>>, vector<16xf32>,
        %max3A_159 = arith.maximumf %max3A_153, %get3A_158 : vector<16xf32>
        %add3A_160 = arith.constant 7 : i32
        %add3A_161 = arith.addi %mul3A_122, %add3A_160 : i32
        %get3A_162 = arith.index_cast %add3A_161 : i32 to index
        %get3A_163 = arith.constant 0 : index
        %get3A_164 = tpu.vector_load %arg8[%get3A_162, %get3A_163] {strides = array<i32>} : memref<128x128xf32, #tpu.memory_space<vmem>>, vector<16xf32>,
        %max3A_165 = arith.maximumf %max3A_159, %get3A_164 : vector<16xf32>
        %add3A_166 = arith.constant 8 : i32
        %add3A_167 = arith.addi %mul3A_122, %add3A_166 : i32
        %get3A_168 = arith.index_cast %add3A_167 : i32 to index
        %get3A_169 = arith.constant 0 : index
        %get3A_170 = tpu.vector_load %arg8[%get3A_168, %get3A_169] {strides = array<i32>} : memref<128x128xf32, #tpu.memory_space<vmem>>, vector<16xf32>,
        %max3A_171 = arith.maximumf %max3A_165, %get3A_170 : vector<16xf32>
        %add3A_172 = arith.constant 9 : i32
        %add3A_173 = arith.addi %mul3A_122, %add3A_172 : i32
        %get3A_174 = arith.index_cast %add3A_173 : i32 to index
        %get3A_175 = arith.constant 0 : index
        %get3A_176 = tpu.vector_load %arg8[%get3A_174, %get3A_175] {strides = array<i32>} : memref<128x128xf32, #tpu.memory_space<vmem>>, vector<16xf32>,
        %max3A_177 = arith.maximumf %max3A_171, %get3A_176 : vector<16xf32>
        %add3A_178 = arith.constant 10 : i32
        %add3A_179 = arith.addi %mul3A_122, %add3A_178 : i32
        %get3A_180 = arith.index_cast %add3A_179 : i32 to index
        %get3A_181 = arith.constant 0 : index
        %get3A_182 = tpu.vector_load %arg8[%get3A_180, %get3A_181] {strides = array<i32>} : memref<128x128xf32, #tpu.memory_space<vmem>>, vector<16xf32>,
        %max3A_183 = arith.maximumf %max3A_177, %get3A_182 : vector<16xf32>
        %add3A_184 = arith.constant 11 : i32
        %add3A_185 = arith.addi %mul3A_122, %add3A_184 : i32
        %get3A_186 = arith.index_cast %add3A_185 : i32 to index
        %get3A_187 = arith.constant 0 : index
        %get3A_188 = tpu.vector_load %arg8[%get3A_186, %get3A_187] {strides = array<i32>} : memref<128x128xf32, #tpu.memory_space<vmem>>, vector<16xf32>,
        %max3A_189 = arith.maximumf %max3A_183, %get3A_188 : vector<16xf32>
        %add3A_190 = arith.constant 12 : i32
        %add3A_191 = arith.addi %mul3A_122, %add3A_190 : i32
        %get3A_192 = arith.index_cast %add3A_191 : i32 to index
        %get3A_193 = arith.constant 0 : index
        %get3A_194 = tpu.vector_load %arg8[%get3A_192, %get3A_193] {strides = array<i32>} : memref<128x128xf32, #tpu.memory_space<vmem>>, vector<16xf32>,
        %max3A_195 = arith.maximumf %max3A_189, %get3A_194 : vector<16xf32>
        %add3A_196 = arith.constant 13 : i32
        %add3A_197 = arith.addi %mul3A_122, %add3A_196 : i32
        %get3A_198 = arith.index_cast %add3A_197 : i32 to index
        %get3A_199 = arith.constant 0 : index
        %get3A_200 = tpu.vector_load %arg8[%get3A_198, %get3A_199] {strides = array<i32>} : memref<128x128xf32, #tpu.memory_space<vmem>>, vector<16xf32>,
        %max3A_201 = arith.maximumf %max3A_195, %get3A_200 : vector<16xf32>
        %add3A_202 = arith.constant 14 : i32
        %add3A_203 = arith.addi %mul3A_122, %add3A_202 : i32
        %get3A_204 = arith.index_cast %add3A_203 : i32 to index
        %get3A_205 = arith.constant 0 : index
        %get3A_206 = tpu.vector_load %arg8[%get3A_204, %get3A_205] {strides = array<i32>} : memref<128x128xf32, #tpu.memory_space<vmem>>, vector<16xf32>,
        %max3A_207 = arith.maximumf %max3A_201, %get3A_206 : vector<16xf32>
        %add3A_208 = arith.constant 15 : i32
        %add3A_209 = arith.addi %mul3A_122, %add3A_208 : i32
        %get3A_210 = arith.index_cast %add3A_209 : i32 to index
        %get3A_211 = arith.constant 0 : index
        %get3A_212 = tpu.vector_load %arg8[%get3A_210, %get3A_211] {strides = array<i32>} : memref<128x128xf32, #tpu.memory_space<vmem>>, vector<16xf32>,
        %max3A_213 = arith.maximumf %max3A_207, %get3A_212 : vector<16xf32>
        %add3A_214 = arith.constant 16 : i32
        %add3A_215 = arith.addi %mul3A_122, %add3A_214 : i32
        %get3A_216 = arith.index_cast %add3A_215 : i32 to index
        %get3A_217 = arith.constant 0 : index
        %get3A_218 = tpu.vector_load %arg8[%get3A_216, %get3A_217] {strides = array<i32>} : memref<128x128xf32, #tpu.memory_space<vmem>>, vector<16xf32>,
        %max3A_219 = arith.maximumf %max3A_213, %get3A_218 : vector<16xf32>
        %add3A_220 = arith.constant 17 : i32
        %add3A_221 = arith.addi %mul3A_122, %add3A_220 : i32
        %get3A_222 = arith.index_cast %add3A_221 : i32 to index
        %get3A_223 = arith.constant 0 : index
        %get3A_224 = tpu.vector_load %arg8[%get3A_222, %get3A_223] {strides = array<i32>} : memref<128x128xf32, #tpu.memory_space<vmem>>, vector<16xf32>,
        %max3A_225 = arith.maximumf %max3A_219, %get3A_224 : vector<16xf32>
        %add3A_226 = arith.constant 18 : i32
        %add3A_227 = arith.addi %mul3A_122, %add3A_226 : i32
        %get3A_228 = arith.index_cast %add3A_227 : i32 to index
        %get3A_229 = arith.constant 0 : index
        %get3A_230 = tpu.vector_load %arg8[%get3A_228, %get3A_229] {strides = array<i32>} : memref<128x128xf32, #tpu.memory_space<vmem>>, vector<16xf32>,
        %max3A_231 = arith.maximumf %max3A_225, %get3A_230 : vector<16xf32>
        %add3A_232 = arith.constant 19 : i32
        %add3A_233 = arith.addi %mul3A_122, %add3A_232 : i32
        %get3A_234 = arith.index_cast %add3A_233 : i32 to index
        %get3A_235 = arith.constant 0 : index
        %get3A_236 = tpu.vector_load %arg8[%get3A_234, %get3A_235] {strides = array<i32>} : memref<128x128xf32, #tpu.memory_space<vmem>>, vector<16xf32>,
        %max3A_237 = arith.maximumf %max3A_231, %get3A_236 : vector<16xf32>
        %add3A_238 = arith.constant 20 : i32
        %add3A_239 = arith.addi %mul3A_122, %add3A_238 : i32
        %get3A_240 = arith.index_cast %add3A_239 : i32 to index
        %get3A_241 = arith.constant 0 : index
        %get3A_242 = tpu.vector_load %arg8[%get3A_240, %get3A_241] {strides = array<i32>} : memref<128x128xf32, #tpu.memory_space<vmem>>, vector<16xf32>,
        %max3A_243 = arith.maximumf %max3A_237, %get3A_242 : vector<16xf32>
        %add3A_244 = arith.constant 21 : i32
        %add3A_245 = arith.addi %mul3A_122, %add3A_244 : i32
        %get3A_246 = arith.index_cast %add3A_245 : i32 to index
        %get3A_247 = arith.constant 0 : index
        %get3A_248 = tpu.vector_load %arg8[%get3A_246, %get3A_247] {strides = array<i32>} : memref<128x128xf32, #tpu.memory_space<vmem>>, vector<16xf32>,
        %max3A_249 = arith.maximumf %max3A_243, %get3A_248 : vector<16xf32>
        %add3A_250 = arith.constant 22 : i32
        %add3A_251 = arith.addi %mul3A_122, %add3A_250 : i32
        %get3A_252 = arith.index_cast %add3A_251 : i32 to index
        %get3A_253 = arith.constant 0 : index
        %get3A_254 = tpu.vector_load %arg8[%get3A_252, %get3A_253] {strides = array<i32>} : memref<128x128xf32, #tpu.memory_space<vmem>>, vector<16xf32>,
        %max3A_255 = arith.maximumf %max3A_249, %get3A_254 : vector<16xf32>
        %add3A_256 = arith.constant 23 : i32
        %add3A_257 = arith.addi %mul3A_122, %add3A_256 : i32
        %get3A_258 = arith.index_cast %add3A_257 : i32 to index
        %get3A_259 = arith.constant 0 : index
        %get3A_260 = tpu.vector_load %arg8[%get3A_258, %get3A_259] {strides = array<i32>} : memref<128x128xf32, #tpu.memory_space<vmem>>, vector<16xf32>,
        %max3A_261 = arith.maximumf %max3A_255, %get3A_260 : vector<16xf32>
        %add3A_262 = arith.constant 24 : i32
        %add3A_263 = arith.addi %mul3A_122, %add3A_262 : i32
        %get3A_264 = arith.index_cast %add3A_263 : i32 to index
        %get3A_265 = arith.constant 0 : index
        %get3A_266 = tpu.vector_load %arg8[%get3A_264, %get3A_265] {strides = array<i32>} : memref<128x128xf32, #tpu.memory_space<vmem>>, vector<16xf32>,
        %max3A_267 = arith.maximumf %max3A_261, %get3A_266 : vector<16xf32>
        %add3A_268 = arith.constant 25 : i32
        %add3A_269 = arith.addi %mul3A_122, %add3A_268 : i32
        %get3A_270 = arith.index_cast %add3A_269 : i32 to index
        %get3A_271 = arith.constant 0 : index
        %get3A_272 = tpu.vector_load %arg8[%get3A_270, %get3A_271] {strides = array<i32>} : memref<128x128xf32, #tpu.memory_space<vmem>>, vector<16xf32>,
        %max3A_273 = arith.maximumf %max3A_267, %get3A_272 : vector<16xf32>
        %add3A_274 = arith.constant 26 : i32
        %add3A_275 = arith.addi %mul3A_122, %add3A_274 : i32
        %get3A_276 = arith.index_cast %add3A_275 : i32 to index
        %get3A_277 = arith.constant 0 : index
        %get3A_278 = tpu.vector_load %arg8[%get3A_276, %get3A_277] {strides = array<i32>} : memref<128x128xf32, #tpu.memory_space<vmem>>, vector<16xf32>,
        %max3A_279 = arith.maximumf %max3A_273, %get3A_278 : vector<16xf32>
        %add3A_280 = arith.constant 27 : i32
        %add3A_281 = arith.addi %mul3A_122, %add3A_280 : i32
        %get3A_282 = arith.index_cast %add3A_281 : i32 to index
        %get3A_283 = arith.constant 0 : index
        %get3A_284 = tpu.vector_load %arg8[%get3A_282, %get3A_283] {strides = array<i32>} : memref<128x128xf32, #tpu.memory_space<vmem>>, vector<16xf32>,
        %max3A_285 = arith.maximumf %max3A_279, %get3A_284 : vector<16xf32>
        %add3A_286 = arith.constant 28 : i32
        %add3A_287 = arith.addi %mul3A_122, %add3A_286 : i32
        %get3A_288 = arith.index_cast %add3A_287 : i32 to index
        %get3A_289 = arith.constant 0 : index
        %get3A_290 = tpu.vector_load %arg8[%get3A_288, %get3A_289] {strides = array<i32>} : memref<128x128xf32, #tpu.memory_space<vmem>>, vector<16xf32>,
        %max3A_291 = arith.maximumf %max3A_285, %get3A_290 : vector<16xf32>
        %add3A_292 = arith.constant 29 : i32
        %add3A_293 = arith.addi %mul3A_122, %add3A_292 : i32
        %get3A_294 = arith.index_cast %add3A_293 : i32 to index
        %get3A_295 = arith.constant 0 : index
        %get3A_296 = tpu.vector_load %arg8[%get3A_294, %get3A_295] {strides = array<i32>} : memref<128x128xf32, #tpu.memory_space<vmem>>, vector<16xf32>,
        %max3A_297 = arith.maximumf %max3A_291, %get3A_296 : vector<16xf32>
        %add3A_298 = arith.constant 30 : i32
        %add3A_299 = arith.addi %mul3A_122, %add3A_298 : i32
        %get3A_300 = arith.index_cast %add3A_299 : i32 to index
        %get3A_301 = arith.constant 0 : index
        %get3A_302 = tpu.vector_load %arg8[%get3A_300, %get3A_301] {strides = array<i32>} : memref<128x128xf32, #tpu.memory_space<vmem>>, vector<16xf32>,
        %max3A_303 = arith.maximumf %max3A_297, %get3A_302 : vector<16xf32>
        %add3A_304 = arith.constant 31 : i32
        %add3A_305 = arith.addi %mul3A_122, %add3A_304 : i32
        %get3A_306 = arith.index_cast %add3A_305 : i32 to index
        %get3A_307 = arith.constant 0 : index
        %get3A_308 = tpu.vector_load %arg8[%get3A_306, %get3A_307] {strides = array<i32>} : memref<128x128xf32, #tpu.memory_space<vmem>>, vector<16xf32>,
        %max3A_309 = arith.maximumf %max3A_303, %get3A_308 : vector<16xf32>
        %get3A_310 = arith.index_cast %scan3A_120 : i32 to index
        %get3A_311 = arith.constant 0 : index
        %get3A_312 = tpu.vector_load %arg10[%get3A_310, %get3A_311] {strides = array<i32>} : memref<4x128xf32, #tpu.memory_space<vmem>>, vector<16xf32>,
        %add3A_313 = arith.addf %max3A_309, %get3A_312 : vector<16xf32>
        %max3A_314 = arith.constant 0.000000e+00 : f32
        %max3A_315 = vector.broadcast %max3A_314 : f32 to vector<16xf32>
        %max3A_316 = arith.maximumf %add3A_313, %max3A_315 : vector<16xf32>
        %swap3A = arith.index_cast %scan3A_120 : i32 to index
        %swap3A_317 = arith.constant 0 : index
        %swap3A_318 = tpu.vector_load %arg12[%swap3A, %swap3A_317] {strides = array<i32>} : memref<4x128xf32, #tpu.memory_space<vmem>>, vector<16xf32>,
        tpu.vector_store %arg12[%swap3A, %swap3A_317], %max3A_316 {strides = array<i32>} : memref<4x128xf32, #tpu.memory_space<vmem>>, vector<16xf32>,
        %get3A_319 = arith.index_cast %mul3A_122 : i32 to index
        %get3A_320 = arith.constant 16 : index
        %get3A_321 = tpu.vector_load %arg8[%get3A_319, %get3A_320] {strides = array<i32>} : memref<128x128xf32, #tpu.memory_space<vmem>>, vector<16xf32>,
        %add3A_322 = arith.constant 1 : i32
        %add3A_323 = arith.addi %mul3A_122, %add3A_322 : i32
        %get3A_324 = arith.index_cast %add3A_323 : i32 to index
        %get3A_325 = arith.constant 16 : index
        %get3A_326 = tpu.vector_load %arg8[%get3A_324, %get3A_325] {strides = array<i32>} : memref<128x128xf32, #tpu.memory_space<vmem>>, vector<16xf32>,
        %max3A_327 = arith.maximumf %get3A_321, %get3A_326 : vector<16xf32>
        %add3A_328 = arith.constant 2 : i32
        %add3A_329 = arith.addi %mul3A_122, %add3A_328 : i32
        %get3A_330 = arith.index_cast %add3A_329 : i32 to index
        %get3A_331 = arith.constant 16 : index
        %get3A_332 = tpu.vector_load %arg8[%get3A_330, %get3A_331] {strides = array<i32>} : memref<128x128xf32, #tpu.memory_space<vmem>>, vector<16xf32>,
        %max3A_333 = arith.maximumf %max3A_327, %get3A_332 : vector<16xf32>
        %add3A_334 = arith.constant 3 : i32
        %add3A_335 = arith.addi %mul3A_122, %add3A_334 : i32
        %get3A_336 = arith.index_cast %add3A_335 : i32 to index
        %get3A_337 = arith.constant 16 : index
        %get3A_338 = tpu.vector_load %arg8[%get3A_336, %get3A_337] {strides = array<i32>} : memref<128x128xf32, #tpu.memory_space<vmem>>, vector<16xf32>,
        %max3A_339 = arith.maximumf %max3A_333, %get3A_338 : vector<16xf32>
        %add3A_340 = arith.constant 4 : i32
        %add3A_341 = arith.addi %mul3A_122, %add3A_340 : i32
        %get3A_342 = arith.index_cast %add3A_341 : i32 to index
        %get3A_343 = arith.constant 16 : index
        %get3A_344 = tpu.vector_load %arg8[%get3A_342, %get3A_343] {strides = array<i32>} : memref<128x128xf32, #tpu.memory_space<vmem>>, vector<16xf32>,
        %max3A_345 = arith.maximumf %max3A_339, %get3A_344 : vector<16xf32>
        %add3A_346 = arith.constant 5 : i32
        %add3A_347 = arith.addi %mul3A_122, %add3A_346 : i32
        %get3A_348 = arith.index_cast %add3A_347 : i32 to index
        %get3A_349 = arith.constant 16 : index
        %get3A_350 = tpu.vector_load %arg8[%get3A_348, %get3A_349] {strides = array<i32>} : memref<128x128xf32, #tpu.memory_space<vmem>>, vector<16xf32>,
        %max3A_351 = arith.maximumf %max3A_345, %get3A_350 : vector<16xf32>
        %add3A_352 = arith.constant 6 : i32
        %add3A_353 = arith.addi %mul3A_122, %add3A_352 : i32
        %get3A_354 = arith.index_cast %add3A_353 : i32 to index
        %get3A_355 = arith.constant 16 : index
        %get3A_356 = tpu.vector_load %arg8[%get3A_354, %get3A_355] {strides = array<i32>} : memref<128x128xf32, #tpu.memory_space<vmem>>, vector<16xf32>,
        %max3A_357 = arith.maximumf %max3A_351, %get3A_356 : vector<16xf32>
        %add3A_358 = arith.constant 7 : i32
        %add3A_359 = arith.addi %mul3A_122, %add3A_358 : i32
        %get3A_360 = arith.index_cast %add3A_359 : i32 to index
        %get3A_361 = arith.constant 16 : index
        %get3A_362 = tpu.vector_load %arg8[%get3A_360, %get3A_361] {strides = array<i32>} : memref<128x128xf32, #tpu.memory_space<vmem>>, vector<16xf32>,
        %max3A_363 = arith.maximumf %max3A_357, %get3A_362 : vector<16xf32>
        %add3A_364 = arith.constant 8 : i32
        %add3A_365 = arith.addi %mul3A_122, %add3A_364 : i32
        %get3A_366 = arith.index_cast %add3A_365 : i32 to index
        %get3A_367 = arith.constant 16 : index
        %get3A_368 = tpu.vector_load %arg8[%get3A_366, %get3A_367] {strides = array<i32>} : memref<128x128xf32, #tpu.memory_space<vmem>>, vector<16xf32>,
        %max3A_369 = arith.maximumf %max3A_363, %get3A_368 : vector<16xf32>
        %add3A_370 = arith.constant 9 : i32
        %add3A_371 = arith.addi %mul3A_122, %add3A_370 : i32
        %get3A_372 = arith.index_cast %add3A_371 : i32 to index
        %get3A_373 = arith.constant 16 : index
        %get3A_374 = tpu.vector_load %arg8[%get3A_372, %get3A_373] {strides = array<i32>} : memref<128x128xf32, #tpu.memory_space<vmem>>, vector<16xf32>,
        %max3A_375 = arith.maximumf %max3A_369, %get3A_374 : vector<16xf32>
        %add3A_376 = arith.constant 10 : i32
        %add3A_377 = arith.addi %mul3A_122, %add3A_376 : i32
        %get3A_378 = arith.index_cast %add3A_377 : i32 to index
        %get3A_379 = arith.constant 16 : index
        %get3A_380 = tpu.vector_load %arg8[%get3A_378, %get3A_379] {strides = array<i32>} : memref<128x128xf32, #tpu.memory_space<vmem>>, vector<16xf32>,
        %max3A_381 = arith.maximumf %max3A_375, %get3A_380 : vector<16xf32>
        %add3A_382 = arith.constant 11 : i32
        %add3A_383 = arith.addi %mul3A_122, %add3A_382 : i32
        %get3A_384 = arith.index_cast %add3A_383 : i32 to index
        %get3A_385 = arith.constant 16 : index
        %get3A_386 = tpu.vector_load %arg8[%get3A_384, %get3A_385] {strides = array<i32>} : memref<128x128xf32, #tpu.memory_space<vmem>>, vector<16xf32>,
        %max3A_387 = arith.maximumf %max3A_381, %get3A_386 : vector<16xf32>
        %add3A_388 = arith.constant 12 : i32
        %add3A_389 = arith.addi %mul3A_122, %add3A_388 : i32
        %get3A_390 = arith.index_cast %add3A_389 : i32 to index
        %get3A_391 = arith.constant 16 : index
        %get3A_392 = tpu.vector_load %arg8[%get3A_390, %get3A_391] {strides = array<i32>} : memref<128x128xf32, #tpu.memory_space<vmem>>, vector<16xf32>,
        %max3A_393 = arith.maximumf %max3A_387, %get3A_392 : vector<16xf32>
        %add3A_394 = arith.constant 13 : i32
        %add3A_395 = arith.addi %mul3A_122, %add3A_394 : i32
        %get3A_396 = arith.index_cast %add3A_395 : i32 to index
        %get3A_397 = arith.constant 16 : index
        %get3A_398 = tpu.vector_load %arg8[%get3A_396, %get3A_397] {strides = array<i32>} : memref<128x128xf32, #tpu.memory_space<vmem>>, vector<16xf32>,
        %max3A_399 = arith.maximumf %max3A_393, %get3A_398 : vector<16xf32>
        %add3A_400 = arith.constant 14 : i32
        %add3A_401 = arith.addi %mul3A_122, %add3A_400 : i32
        %get3A_402 = arith.index_cast %add3A_401 : i32 to index
        %get3A_403 = arith.constant 16 : index
        %get3A_404 = tpu.vector_load %arg8[%get3A_402, %get3A_403] {strides = array<i32>} : memref<128x128xf32, #tpu.memory_space<vmem>>, vector<16xf32>,
        %max3A_405 = arith.maximumf %max3A_399, %get3A_404 : vector<16xf32>
        %add3A_406 = arith.constant 15 : i32
        %add3A_407 = arith.addi %mul3A_122, %add3A_406 : i32
        %get3A_408 = arith.index_cast %add3A_407 : i32 to index
        %get3A_409 = arith.constant 16 : index
        %get3A_410 = tpu.vector_load %arg8[%get3A_408, %get3A_409] {strides = array<i32>} : memref<128x128xf32, #tpu.memory_space<vmem>>, vector<16xf32>,
        %max3A_411 = arith.maximumf %max3A_405, %get3A_410 : vector<16xf32>
        %add3A_412 = arith.constant 16 : i32
        %add3A_413 = arith.addi %mul3A_122, %add3A_412 : i32
        %get3A_414 = arith.index_cast %add3A_413 : i32 to index
        %get3A_415 = arith.constant 16 : index
        %get3A_416 = tpu.vector_load %arg8[%get3A_414, %get3A_415] {strides = array<i32>} : memref<128x128xf32, #tpu.memory_space<vmem>>, vector<16xf32>,
        %max3A_417 = arith.maximumf %max3A_411, %get3A_416 : vector<16xf32>
        %add3A_418 = arith.constant 17 : i32
        %add3A_419 = arith.addi %mul3A_122, %add3A_418 : i32
        %get3A_420 = arith.index_cast %add3A_419 : i32 to index
        %get3A_421 = arith.constant 16 : index
        %get3A_422 = tpu.vector_load %arg8[%get3A_420, %get3A_421] {strides = array<i32>} : memref<128x128xf32, #tpu.memory_space<vmem>>, vector<16xf32>,
        %max3A_423 = arith.maximumf %max3A_417, %get3A_422 : vector<16xf32>
        %add3A_424 = arith.constant 18 : i32
        %add3A_425 = arith.addi %mul3A_122, %add3A_424 : i32
        %get3A_426 = arith.index_cast %add3A_425 : i32 to index
        %get3A_427 = arith.constant 16 : index
        %get3A_428 = tpu.vector_load %arg8[%get3A_426, %get3A_427] {strides = array<i32>} : memref<128x128xf32, #tpu.memory_space<vmem>>, vector<16xf32>,
        %max3A_429 = arith.maximumf %max3A_423, %get3A_428 : vector<16xf32>
        %add3A_430 = arith.constant 19 : i32
        %add3A_431 = arith.addi %mul3A_122, %add3A_430 : i32
        %get3A_432 = arith.index_cast %add3A_431 : i32 to index
        %get3A_433 = arith.constant 16 : index
        %get3A_434 = tpu.vector_load %arg8[%get3A_432, %get3A_433] {strides = array<i32>} : memref<128x128xf32, #tpu.memory_space<vmem>>, vector<16xf32>,
        %max3A_435 = arith.maximumf %max3A_429, %get3A_434 : vector<16xf32>
        %add3A_436 = arith.constant 20 : i32
        %add3A_437 = arith.addi %mul3A_122, %add3A_436 : i32
        %get3A_438 = arith.index_cast %add3A_437 : i32 to index
        %get3A_439 = arith.constant 16 : index
        %get3A_440 = tpu.vector_load %arg8[%get3A_438, %get3A_439] {strides = array<i32>} : memref<128x128xf32, #tpu.memory_space<vmem>>, vector<16xf32>,
        %max3A_441 = arith.maximumf %max3A_435, %get3A_440 : vector<16xf32>
        %add3A_442 = arith.constant 21 : i32
        %add3A_443 = arith.addi %mul3A_122, %add3A_442 : i32
        %get3A_444 = arith.index_cast %add3A_443 : i32 to index
        %get3A_445 = arith.constant 16 : index
        %get3A_446 = tpu.vector_load %arg8[%get3A_444, %get3A_445] {strides = array<i32>} : memref<128x128xf32, #tpu.memory_space<vmem>>, vector<16xf32>,
        %max3A_447 = arith.maximumf %max3A_441, %get3A_446 : vector<16xf32>
        %add3A_448 = arith.constant 22 : i32
        %add3A_449 = arith.addi %mul3A_122, %add3A_448 : i32
        %get3A_450 = arith.index_cast %add3A_449 : i32 to index
        %get3A_451 = arith.constant 16 : index
        %get3A_452 = tpu.vector_load %arg8[%get3A_450, %get3A_451] {strides = array<i32>} : memref<128x128xf32, #tpu.memory_space<vmem>>, vector<16xf32>,
        %max3A_453 = arith.maximumf %max3A_447, %get3A_452 : vector<16xf32>
        %add3A_454 = arith.constant 23 : i32
        %add3A_455 = arith.addi %mul3A_122, %add3A_454 : i32
        %get3A_456 = arith.index_cast %add3A_455 : i32 to index
        %get3A_457 = arith.constant 16 : index
        %get3A_458 = tpu.vector_load %arg8[%get3A_456, %get3A_457] {strides = array<i32>} : memref<128x128xf32, #tpu.memory_space<vmem>>, vector<16xf32>,
        %max3A_459 = arith.maximumf %max3A_453, %get3A_458 : vector<16xf32>
        %add3A_460 = arith.constant 24 : i32
        %add3A_461 = arith.addi %mul3A_122, %add3A_460 : i32
        %get3A_462 = arith.index_cast %add3A_461 : i32 to index
        %get3A_463 = arith.constant 16 : index
        %get3A_464 = tpu.vector_load %arg8[%get3A_462, %get3A_463] {strides = array<i32>} : memref<128x128xf32, #tpu.memory_space<vmem>>, vector<16xf32>,
        %max3A_465 = arith.maximumf %max3A_459, %get3A_464 : vector<16xf32>
        %add3A_466 = arith.constant 25 : i32
        %add3A_467 = arith.addi %mul3A_122, %add3A_466 : i32
        %get3A_468 = arith.index_cast %add3A_467 : i32 to index
        %get3A_469 = arith.constant 16 : index
        %get3A_470 = tpu.vector_load %arg8[%get3A_468, %get3A_469] {strides = array<i32>} : memref<128x128xf32, #tpu.memory_space<vmem>>, vector<16xf32>,
        %max3A_471 = arith.maximumf %max3A_465, %get3A_470 : vector<16xf32>
        %add3A_472 = arith.constant 26 : i32
        %add3A_473 = arith.addi %mul3A_122, %add3A_472 : i32
        %get3A_474 = arith.index_cast %add3A_473 : i32 to index
        %get3A_475 = arith.constant 16 : index
        %get3A_476 = tpu.vector_load %arg8[%get3A_474, %get3A_475] {strides = array<i32>} : memref<128x128xf32, #tpu.memory_space<vmem>>, vector<16xf32>,
        %max3A_477 = arith.maximumf %max3A_471, %get3A_476 : vector<16xf32>
        %add3A_478 = arith.constant 27 : i32
        %add3A_479 = arith.addi %mul3A_122, %add3A_478 : i32
        %get3A_480 = arith.index_cast %add3A_479 : i32 to index
        %get3A_481 = arith.constant 16 : index
        %get3A_482 = tpu.vector_load %arg8[%get3A_480, %get3A_481] {strides = array<i32>} : memref<128x128xf32, #tpu.memory_space<vmem>>, vector<16xf32>,
        %max3A_483 = arith.maximumf %max3A_477, %get3A_482 : vector<16xf32>
        %add3A_484 = arith.constant 28 : i32
        %add3A_485 = arith.addi %mul3A_122, %add3A_484 : i32
        %get3A_486 = arith.index_cast %add3A_485 : i32 to index
        %get3A_487 = arith.constant 16 : index
        %get3A_488 = tpu.vector_load %arg8[%get3A_486, %get3A_487] {strides = array<i32>} : memref<128x128xf32, #tpu.memory_space<vmem>>, vector<16xf32>,
        %max3A_489 = arith.maximumf %max3A_483, %get3A_488 : vector<16xf32>
        %add3A_490 = arith.constant 29 : i32
        %add3A_491 = arith.addi %mul3A_122, %add3A_490 : i32
        %get3A_492 = arith.index_cast %add3A_491 : i32 to index
        %get3A_493 = arith.constant 16 : index
        %get3A_494 = tpu.vector_load %arg8[%get3A_492, %get3A_493] {strides = array<i32>} : memref<128x128xf32, #tpu.memory_space<vmem>>, vector<16xf32>,
        %max3A_495 = arith.maximumf %max3A_489, %get3A_494 : vector<16xf32>
        %add3A_496 = arith.constant 30 : i32
        %add3A_497 = arith.addi %mul3A_122, %add3A_496 : i32
        %get3A_498 = arith.index_cast %add3A_497 : i32 to index
        %get3A_499 = arith.constant 16 : index
        %get3A_500 = tpu.vector_load %arg8[%get3A_498, %get3A_499] {strides = array<i32>} : memref<128x128xf32, #tpu.memory_space<vmem>>, vector<16xf32>,
        %max3A_501 = arith.maximumf %max3A_495, %get3A_500 : vector<16xf32>
        %add3A_502 = arith.constant 31 : i32
        %add3A_503 = arith.addi %mul3A_122, %add3A_502 : i32
        %get3A_504 = arith.index_cast %add3A_503 : i32 to index
        %get3A_505 = arith.constant 16 : index
        %get3A_506 = tpu.vector_load %arg8[%get3A_504, %get3A_505] {strides = array<i32>} : memref<128x128xf32, #tpu.memory_space<vmem>>, vector<16xf32>,
        %max3A_507 = arith.maximumf %max3A_501, %get3A_506 : vector<16xf32>
        %get3A_508 = arith.index_cast %scan3A_120 : i32 to index
        %get3A_509 = arith.constant 16 : index
        %get3A_510 = tpu.vector_load %arg10[%get3A_508, %get3A_509] {strides = array<i32>} : memref<4x128xf32, #tpu.memory_space<vmem>>, vector<16xf32>,
        %add3A_511 = arith.addf %max3A_507, %get3A_510 : vector<16xf32>
        %max3A_512 = arith.constant 0.000000e+00 : f32
        %max3A_513 = vector.broadcast %max3A_512 : f32 to vector<16xf32>
        %max3A_514 = arith.maximumf %add3A_511, %max3A_513 : vector<16xf32>
        %swap3A_515 = arith.index_cast %scan3A_120 : i32 to index
        %swap3A_516 = arith.constant 16 : index
        %swap3A_517 = tpu.vector_load %arg12[%swap3A_515, %swap3A_516] {strides = array<i32>} : memref<4x128xf32, #tpu.memory_space<vmem>>, vector<16xf32>,
        tpu.vector_store %arg12[%swap3A_515, %swap3A_516], %max3A_514 {strides = array<i32>} : memref<4x128xf32, #tpu.memory_space<vmem>>, vector<16xf32>,
        %get3A_518 = arith.index_cast %mul3A_122 : i32 to index
        %get3A_519 = arith.constant 32 : index
        %get3A_520 = tpu.vector_load %arg8[%get3A_518, %get3A_519] {strides = array<i32>} : memref<128x128xf32, #tpu.memory_space<vmem>>, vector<16xf32>,
        %add3A_521 = arith.constant 1 : i32
        %add3A_522 = arith.addi %mul3A_122, %add3A_521 : i32
        %get3A_523 = arith.index_cast %add3A_522 : i32 to index
        %get3A_524 = arith.constant 32 : index
        %get3A_525 = tpu.vector_load %arg8[%get3A_523, %get3A_524] {strides = array<i32>} : memref<128x128xf32, #tpu.memory_space<vmem>>, vector<16xf32>,
        %max3A_526 = arith.maximumf %get3A_520, %get3A_525 : vector<16xf32>
        %add3A_527 = arith.constant 2 : i32
        %add3A_528 = arith.addi %mul3A_122, %add3A_527 : i32
        %get3A_529 = arith.index_cast %add3A_528 : i32 to index
        %get3A_530 = arith.constant 32 : index
        %get3A_531 = tpu.vector_load %arg8[%get3A_529, %get3A_530] {strides = array<i32>} : memref<128x128xf32, #tpu.memory_space<vmem>>, vector<16xf32>,
        %max3A_532 = arith.maximumf %max3A_526, %get3A_531 : vector<16xf32>
        %add3A_533 = arith.constant 3 : i32
        %add3A_534 = arith.addi %mul3A_122, %add3A_533 : i32
        %get3A_535 = arith.index_cast %add3A_534 : i32 to index
        %get3A_536 = arith.constant 32 : index
        %get3A_537 = tpu.vector_load %arg8[%get3A_535, %get3A_536] {strides = array<i32>} : memref<128x128xf32, #tpu.memory_space<vmem>>, vector<16xf32>,
        %max3A_538 = arith.maximumf %max3A_532, %get3A_537 : vector<16xf32>
        %add3A_539 = arith.constant 4 : i32
        %add3A_540 = arith.addi %mul3A_122, %add3A_539 : i32
        %get3A_541 = arith.index_cast %add3A_540 : i32 to index
        %get3A_542 = arith.constant 32 : index
        %get3A_543 = tpu.vector_load %arg8[%get3A_541, %get3A_542] {strides = array<i32>} : memref<128x128xf32, #tpu.memory_space<vmem>>, vector<16xf32>,
        %max3A_544 = arith.maximumf %max3A_538, %get3A_543 : vector<16xf32>
        %add3A_545 = arith.constant 5 : i32
        %add3A_546 = arith.addi %mul3A_122, %add3A_545 : i32
        %get3A_547 = arith.index_cast %add3A_546 : i32 to index
        %get3A_548 = arith.constant 32 : index
        %get3A_549 = tpu.vector_load %arg8[%get3A_547, %get3A_548] {strides = array<i32>} : memref<128x128xf32, #tpu.memory_space<vmem>>, vector<16xf32>,
        %max3A_550 = arith.maximumf %max3A_544, %get3A_549 : vector<16xf32>
        %add3A_551 = arith.constant 6 : i32
        %add3A_552 = arith.addi %mul3A_122, %add3A_551 : i32
        %get3A_553 = arith.index_cast %add3A_552 : i32 to index
        %get3A_554 = arith.constant 32 : index
        %get3A_555 = tpu.vector_load %arg8[%get3A_553, %get3A_554] {strides = array<i32>} : memref<128x128xf32, #tpu.memory_space<vmem>>, vector<16xf32>,
        %max3A_556 = arith.maximumf %max3A_550, %get3A_555 : vector<16xf32>
        %add3A_557 = arith.constant 7 : i32
        %add3A_558 = arith.addi %mul3A_122, %add3A_557 : i32
        %get3A_559 = arith.index_cast %add3A_558 : i32 to index
        %get3A_560 = arith.constant 32 : index
        %get3A_561 = tpu.vector_load %arg8[%get3A_559, %get3A_560] {strides = array<i32>} : memref<128x128xf32, #tpu.memory_space<vmem>>, vector<16xf32>,
        %max3A_562 = arith.maximumf %max3A_556, %get3A_561 : vector<16xf32>
        %add3A_563 = arith.constant 8 : i32
        %add3A_564 = arith.addi %mul3A_122, %add3A_563 : i32
        %get3A_565 = arith.index_cast %add3A_564 : i32 to index
        %get3A_566 = arith.constant 32 : index
        %get3A_567 = tpu.vector_load %arg8[%get3A_565, %get3A_566] {strides = array<i32>} : memref<128x128xf32, #tpu.memory_space<vmem>>, vector<16xf32>,
        %max3A_568 = arith.maximumf %max3A_562, %get3A_567 : vector<16xf32>
        %add3A_569 = arith.constant 9 : i32
        %add3A_570 = arith.addi %mul3A_122, %add3A_569 : i32
        %get3A_571 = arith.index_cast %add3A_570 : i32 to index
        %get3A_572 = arith.constant 32 : index
        %get3A_573 = tpu.vector_load %arg8[%get3A_571, %get3A_572] {strides = array<i32>} : memref<128x128xf32, #tpu.memory_space<vmem>>, vector<16xf32>,
        %max3A_574 = arith.maximumf %max3A_568, %get3A_573 : vector<16xf32>
        %add3A_575 = arith.constant 10 : i32
        %add3A_576 = arith.addi %mul3A_122, %add3A_575 : i32
        %get3A_577 = arith.index_cast %add3A_576 : i32 to index
        %get3A_578 = arith.constant 32 : index
        %get3A_579 = tpu.vector_load %arg8[%get3A_577, %get3A_578] {strides = array<i32>} : memref<128x128xf32, #tpu.memory_space<vmem>>, vector<16xf32>,
        %max3A_580 = arith.maximumf %max3A_574, %get3A_579 : vector<16xf32>
        %add3A_581 = arith.constant 11 : i32
        %add3A_582 = arith.addi %mul3A_122, %add3A_581 : i32
        %get3A_583 = arith.index_cast %add3A_582 : i32 to index
        %get3A_584 = arith.constant 32 : index
        %get3A_585 = tpu.vector_load %arg8[%get3A_583, %get3A_584] {strides = array<i32>} : memref<128x128xf32, #tpu.memory_space<vmem>>, vector<16xf32>,
        %max3A_586 = arith.maximumf %max3A_580, %get3A_585 : vector<16xf32>
        %add3A_587 = arith.constant 12 : i32
        %add3A_588 = arith.addi %mul3A_122, %add3A_587 : i32
        %get3A_589 = arith.index_cast %add3A_588 : i32 to index
        %get3A_590 = arith.constant 32 : index
        %get3A_591 = tpu.vector_load %arg8[%get3A_589, %get3A_590] {strides = array<i32>} : memref<128x128xf32, #tpu.memory_space<vmem>>, vector<16xf32>,
        %max3A_592 = arith.maximumf %max3A_586, %get3A_591 : vector<16xf32>
        %add3A_593 = arith.constant 13 : i32
        %add3A_594 = arith.addi %mul3A_122, %add3A_593 : i32
        %get3A_595 = arith.index_cast %add3A_594 : i32 to index
        %get3A_596 = arith.constant 32 : index
        %get3A_597 = tpu.vector_load %arg8[%get3A_595, %get3A_596] {strides = array<i32>} : memref<128x128xf32, #tpu.memory_space<vmem>>, vector<16xf32>,
        %max3A_598 = arith.maximumf %max3A_592, %get3A_597 : vector<16xf32>
        %add3A_599 = arith.constant 14 : i32
        %add3A_600 = arith.addi %mul3A_122, %add3A_599 : i32
        %get3A_601 = arith.index_cast %add3A_600 : i32 to index
        %get3A_602 = arith.constant 32 : index
        %get3A_603 = tpu.vector_load %arg8[%get3A_601, %get3A_602] {strides = array<i32>} : memref<128x128xf32, #tpu.memory_space<vmem>>, vector<16xf32>,
        %max3A_604 = arith.maximumf %max3A_598, %get3A_603 : vector<16xf32>
        %add3A_605 = arith.constant 15 : i32
        %add3A_606 = arith.addi %mul3A_122, %add3A_605 : i32
        %get3A_607 = arith.index_cast %add3A_606 : i32 to index
        %get3A_608 = arith.constant 32 : index
        %get3A_609 = tpu.vector_load %arg8[%get3A_607, %get3A_608] {strides = array<i32>} : memref<128x128xf32, #tpu.memory_space<vmem>>, vector<16xf32>,
        %max3A_610 = arith.maximumf %max3A_604, %get3A_609 : vector<16xf32>
        %add3A_611 = arith.constant 16 : i32
        %add3A_612 = arith.addi %mul3A_122, %add3A_611 : i32
        %get3A_613 = arith.index_cast %add3A_612 : i32 to index
        %get3A_614 = arith.constant 32 : index
        %get3A_615 = tpu.vector_load %arg8[%get3A_613, %get3A_614] {strides = array<i32>} : memref<128x128xf32, #tpu.memory_space<vmem>>, vector<16xf32>,
        %max3A_616 = arith.maximumf %max3A_610, %get3A_615 : vector<16xf32>
        %add3A_617 = arith.constant 17 : i32
        %add3A_618 = arith.addi %mul3A_122, %add3A_617 : i32
        %get3A_619 = arith.index_cast %add3A_618 : i32 to index
        %get3A_620 = arith.constant 32 : index
        %get3A_621 = tpu.vector_load %arg8[%get3A_619, %get3A_620] {strides = array<i32>} : memref<128x128xf32, #tpu.memory_space<vmem>>, vector<16xf32>,
        %max3A_622 = arith.maximumf %max3A_616, %get3A_621 : vector<16xf32>
        %add3A_623 = arith.constant 18 : i32
        %add3A_624 = arith.addi %mul3A_122, %add3A_623 : i32
        %get3A_625 = arith.index_cast %add3A_624 : i32 to index
        %get3A_626 = arith.constant 32 : index
        %get3A_627 = tpu.vector_load %arg8[%get3A_625, %get3A_626] {strides = array<i32>} : memref<128x128xf32, #tpu.memory_space<vmem>>, vector<16xf32>,
        %max3A_628 = arith.maximumf %max3A_622, %get3A_627 : vector<16xf32>
        %add3A_629 = arith.constant 19 : i32
        %add3A_630 = arith.addi %mul3A_122, %add3A_629 : i32
        %get3A_631 = arith.index_cast %add3A_630 : i32 to index
        %get3A_632 = arith.constant 32 : index
        %get3A_633 = tpu.vector_load %arg8[%get3A_631, %get3A_632] {strides = array<i32>} : memref<128x128xf32, #tpu.memory_space<vmem>>, vector<16xf32>,
        %max3A_634 = arith.maximumf %max3A_628, %get3A_633 : vector<16xf32>
        %add3A_635 = arith.constant 20 : i32
        %add3A_636 = arith.addi %mul3A_122, %add3A_635 : i32
        %get3A_637 = arith.index_cast %add3A_636 : i32 to index
        %get3A_638 = arith.constant 32 : index
        %get3A_639 = tpu.vector_load %arg8[%get3A_637, %get3A_638] {strides = array<i32>} : memref<128x128xf32, #tpu.memory_space<vmem>>, vector<16xf32>,
        %max3A_640 = arith.maximumf %max3A_634, %get3A_639 : vector<16xf32>
        %add3A_641 = arith.constant 21 : i32
        %add3A_642 = arith.addi %mul3A_122, %add3A_641 : i32
        %get3A_643 = arith.index_cast %add3A_642 : i32 to index
        %get3A_644 = arith.constant 32 : index
        %get3A_645 = tpu.vector_load %arg8[%get3A_643, %get3A_644] {strides = array<i32>} : memref<128x128xf32, #tpu.memory_space<vmem>>, vector<16xf32>,
        %max3A_646 = arith.maximumf %max3A_640, %get3A_645 : vector<16xf32>
        %add3A_647 = arith.constant 22 : i32
        %add3A_648 = arith.addi %mul3A_122, %add3A_647 : i32
        %get3A_649 = arith.index_cast %add3A_648 : i32 to index
        %get3A_650 = arith.constant 32 : index
        %get3A_651 = tpu.vector_load %arg8[%get3A_649, %get3A_650] {strides = array<i32>} : memref<128x128xf32, #tpu.memory_space<vmem>>, vector<16xf32>,
        %max3A_652 = arith.maximumf %max3A_646, %get3A_651 : vector<16xf32>
        %add3A_653 = arith.constant 23 : i32
        %add3A_654 = arith.addi %mul3A_122, %add3A_653 : i32
        %get3A_655 = arith.index_cast %add3A_654 : i32 to index
        %get3A_656 = arith.constant 32 : index
        %get3A_657 = tpu.vector_load %arg8[%get3A_655, %get3A_656] {strides = array<i32>} : memref<128x128xf32, #tpu.memory_space<vmem>>, vector<16xf32>,
        %max3A_658 = arith.maximumf %max3A_652, %get3A_657 : vector<16xf32>
        %add3A_659 = arith.constant 24 : i32
        %add3A_660 = arith.addi %mul3A_122, %add3A_659 : i32
        %get3A_661 = arith.index_cast %add3A_660 : i32 to index
        %get3A_662 = arith.constant 32 : index
        %get3A_663 = tpu.vector_load %arg8[%get3A_661, %get3A_662] {strides = array<i32>} : memref<128x128xf32, #tpu.memory_space<vmem>>, vector<16xf32>,
        %max3A_664 = arith.maximumf %max3A_658, %get3A_663 : vector<16xf32>
        %add3A_665 = arith.constant 25 : i32
        %add3A_666 = arith.addi %mul3A_122, %add3A_665 : i32
        %get3A_667 = arith.index_cast %add3A_666 : i32 to index
        %get3A_668 = arith.constant 32 : index
        %get3A_669 = tpu.vector_load %arg8[%get3A_667, %get3A_668] {strides = array<i32>} : memref<128x128xf32, #tpu.memory_space<vmem>>, vector<16xf32>,
        %max3A_670 = arith.maximumf %max3A_664, %get3A_669 : vector<16xf32>
        %add3A_671 = arith.constant 26 : i32
        %add3A_672 = arith.addi %mul3A_122, %add3A_671 : i32
        %get3A_673 = arith.index_cast %add3A_672 : i32 to index
        %get3A_674 = arith.constant 32 : index
        %get3A_675 = tpu.vector_load %arg8[%get3A_673, %get3A_674] {strides = array<i32>} : memref<128x128xf32, #tpu.memory_space<vmem>>, vector<16xf32>,
        %max3A_676 = arith.maximumf %max3A_670, %get3A_675 : vector<16xf32>
        %add3A_677 = arith.constant 27 : i32
        %add3A_678 = arith.addi %mul3A_122, %add3A_677 : i32
        %get3A_679 = arith.index_cast %add3A_678 : i32 to index
        %get3A_680 = arith.constant 32 : index
        %get3A_681 = tpu.vector_load %arg8[%get3A_679, %get3A_680] {strides = array<i32>} : memref<128x128xf32, #tpu.memory_space<vmem>>, vector<16xf32>,
        %max3A_682 = arith.maximumf %max3A_676, %get3A_681 : vector<16xf32>
        %add3A_683 = arith.constant 28 : i32
        %add3A_684 = arith.addi %mul3A_122, %add3A_683 : i32
        %get3A_685 = arith.index_cast %add3A_684 : i32 to index
        %get3A_686 = arith.constant 32 : index
        %get3A_687 = tpu.vector_load %arg8[%get3A_685, %get3A_686] {strides = array<i32>} : memref<128x128xf32, #tpu.memory_space<vmem>>, vector<16xf32>,
        %max3A_688 = arith.maximumf %max3A_682, %get3A_687 : vector<16xf32>
        %add3A_689 = arith.constant 29 : i32
        %add3A_690 = arith.addi %mul3A_122, %add3A_689 : i32
        %get3A_691 = arith.index_cast %add3A_690 : i32 to index
        %get3A_692 = arith.constant 32 : index
        %get3A_693 = tpu.vector_load %arg8[%get3A_691, %get3A_692] {strides = array<i32>} : memref<128x128xf32, #tpu.memory_space<vmem>>, vector<16xf32>,
        %max3A_694 = arith.maximumf %max3A_688, %get3A_693 : vector<16xf32>
        %add3A_695 = arith.constant 30 : i32
        %add3A_696 = arith.addi %mul3A_122, %add3A_695 : i32
        %get3A_697 = arith.index_cast %add3A_696 : i32 to index
        %get3A_698 = arith.constant 32 : index
        %get3A_699 = tpu.vector_load %arg8[%get3A_697, %get3A_698] {strides = array<i32>} : memref<128x128xf32, #tpu.memory_space<vmem>>, vector<16xf32>,
        %max3A_700 = arith.maximumf %max3A_694, %get3A_699 : vector<16xf32>
        %add3A_701 = arith.constant 31 : i32
        %add3A_702 = arith.addi %mul3A_122, %add3A_701 : i32
        %get3A_703 = arith.index_cast %add3A_702 : i32 to index
        %get3A_704 = arith.constant 32 : index
        %get3A_705 = tpu.vector_load %arg8[%get3A_703, %get3A_704] {strides = array<i32>} : memref<128x128xf32, #tpu.memory_space<vmem>>, vector<16xf32>,
        %max3A_706 = arith.maximumf %max3A_700, %get3A_705 : vector<16xf32>
        %get3A_707 = arith.index_cast %scan3A_120 : i32 to index
        %get3A_708 = arith.constant 32 : index
        %get3A_709 = tpu.vector_load %arg10[%get3A_707, %get3A_708] {strides = array<i32>} : memref<4x128xf32, #tpu.memory_space<vmem>>, vector<16xf32>,
        %add3A_710 = arith.addf %max3A_706, %get3A_709 : vector<16xf32>
        %max3A_711 = arith.constant 0.000000e+00 : f32
        %max3A_712 = vector.broadcast %max3A_711 : f32 to vector<16xf32>
        %max3A_713 = arith.maximumf %add3A_710, %max3A_712 : vector<16xf32>
        %swap3A_714 = arith.index_cast %scan3A_120 : i32 to index
        %swap3A_715 = arith.constant 32 : index
        %swap3A_716 = tpu.vector_load %arg12[%swap3A_714, %swap3A_715] {strides = array<i32>} : memref<4x128xf32, #tpu.memory_space<vmem>>, vector<16xf32>,
        tpu.vector_store %arg12[%swap3A_714, %swap3A_715], %max3A_713 {strides = array<i32>} : memref<4x128xf32, #tpu.memory_space<vmem>>, vector<16xf32>,
        %get3A_717 = arith.index_cast %mul3A_122 : i32 to index
        %get3A_718 = arith.constant 48 : index
        %get3A_719 = tpu.vector_load %arg8[%get3A_717, %get3A_718] {strides = array<i32>} : memref<128x128xf32, #tpu.memory_space<vmem>>, vector<16xf32>,
        %add3A_720 = arith.constant 1 : i32
        %add3A_721 = arith.addi %mul3A_122, %add3A_720 : i32
        %get3A_722 = arith.index_cast %add3A_721 : i32 to index
        %get3A_723 = arith.constant 48 : index
        %get3A_724 = tpu.vector_load %arg8[%get3A_722, %get3A_723] {strides = array<i32>} : memref<128x128xf32, #tpu.memory_space<vmem>>, vector<16xf32>,
        %max3A_725 = arith.maximumf %get3A_719, %get3A_724 : vector<16xf32>
        %add3A_726 = arith.constant 2 : i32
        %add3A_727 = arith.addi %mul3A_122, %add3A_726 : i32
        %get3A_728 = arith.index_cast %add3A_727 : i32 to index
        %get3A_729 = arith.constant 48 : index
        %get3A_730 = tpu.vector_load %arg8[%get3A_728, %get3A_729] {strides = array<i32>} : memref<128x128xf32, #tpu.memory_space<vmem>>, vector<16xf32>,
        %max3A_731 = arith.maximumf %max3A_725, %get3A_730 : vector<16xf32>
        %add3A_732 = arith.constant 3 : i32
        %add3A_733 = arith.addi %mul3A_122, %add3A_732 : i32
        %get3A_734 = arith.index_cast %add3A_733 : i32 to index
        %get3A_735 = arith.constant 48 : index
        %get3A_736 = tpu.vector_load %arg8[%get3A_734, %get3A_735] {strides = array<i32>} : memref<128x128xf32, #tpu.memory_space<vmem>>, vector<16xf32>,
        %max3A_737 = arith.maximumf %max3A_731, %get3A_736 : vector<16xf32>
        %add3A_738 = arith.constant 4 : i32
        %add3A_739 = arith.addi %mul3A_122, %add3A_738 : i32
        %get3A_740 = arith.index_cast %add3A_739 : i32 to index
        %get3A_741 = arith.constant 48 : index
        %get3A_742 = tpu.vector_load %arg8[%get3A_740, %get3A_741] {strides = array<i32>} : memref<128x128xf32, #tpu.memory_space<vmem>>, vector<16xf32>,
        %max3A_743 = arith.maximumf %max3A_737, %get3A_742 : vector<16xf32>
        %add3A_744 = arith.constant 5 : i32
        %add3A_745 = arith.addi %mul3A_122, %add3A_744 : i32
        %get3A_746 = arith.index_cast %add3A_745 : i32 to index
        %get3A_747 = arith.constant 48 : index
        %get3A_748 = tpu.vector_load %arg8[%get3A_746, %get3A_747] {strides = array<i32>} : memref<128x128xf32, #tpu.memory_space<vmem>>, vector<16xf32>,
        %max3A_749 = arith.maximumf %max3A_743, %get3A_748 : vector<16xf32>
        %add3A_750 = arith.constant 6 : i32
        %add3A_751 = arith.addi %mul3A_122, %add3A_750 : i32
        %get3A_752 = arith.index_cast %add3A_751 : i32 to index
        %get3A_753 = arith.constant 48 : index
        %get3A_754 = tpu.vector_load %arg8[%get3A_752, %get3A_753] {strides = array<i32>} : memref<128x128xf32, #tpu.memory_space<vmem>>, vector<16xf32>,
        %max3A_755 = arith.maximumf %max3A_749, %get3A_754 : vector<16xf32>
        %add3A_756 = arith.constant 7 : i32
        %add3A_757 = arith.addi %mul3A_122, %add3A_756 : i32
        %get3A_758 = arith.index_cast %add3A_757 : i32 to index
        %get3A_759 = arith.constant 48 : index
        %get3A_760 = tpu.vector_load %arg8[%get3A_758, %get3A_759] {strides = array<i32>} : memref<128x128xf32, #tpu.memory_space<vmem>>, vector<16xf32>,
        %max3A_761 = arith.maximumf %max3A_755, %get3A_760 : vector<16xf32>
        %add3A_762 = arith.constant 8 : i32
        %add3A_763 = arith.addi %mul3A_122, %add3A_762 : i32
        %get3A_764 = arith.index_cast %add3A_763 : i32 to index
        %get3A_765 = arith.constant 48 : index
        %get3A_766 = tpu.vector_load %arg8[%get3A_764, %get3A_765] {strides = array<i32>} : memref<128x128xf32, #tpu.memory_space<vmem>>, vector<16xf32>,
        %max3A_767 = arith.maximumf %max3A_761, %get3A_766 : vector<16xf32>
        %add3A_768 = arith.constant 9 : i32
        %add3A_769 = arith.addi %mul3A_122, %add3A_768 : i32
        %get3A_770 = arith.index_cast %add3A_769 : i32 to index
        %get3A_771 = arith.constant 48 : index
        %get3A_772 = tpu.vector_load %arg8[%get3A_770, %get3A_771] {strides = array<i32>} : memref<128x128xf32, #tpu.memory_space<vmem>>, vector<16xf32>,
        %max3A_773 = arith.maximumf %max3A_767, %get3A_772 : vector<16xf32>
        %add3A_774 = arith.constant 10 : i32
        %add3A_775 = arith.addi %mul3A_122, %add3A_774 : i32
        %get3A_776 = arith.index_cast %add3A_775 : i32 to index
        %get3A_777 = arith.constant 48 : index
        %get3A_778 = tpu.vector_load %arg8[%get3A_776, %get3A_777] {strides = array<i32>} : memref<128x128xf32, #tpu.memory_space<vmem>>, vector<16xf32>,
        %max3A_779 = arith.maximumf %max3A_773, %get3A_778 : vector<16xf32>
        %add3A_780 = arith.constant 11 : i32
        %add3A_781 = arith.addi %mul3A_122, %add3A_780 : i32
        %get3A_782 = arith.index_cast %add3A_781 : i32 to index
        %get3A_783 = arith.constant 48 : index
        %get3A_784 = tpu.vector_load %arg8[%get3A_782, %get3A_783] {strides = array<i32>} : memref<128x128xf32, #tpu.memory_space<vmem>>, vector<16xf32>,
        %max3A_785 = arith.maximumf %max3A_779, %get3A_784 : vector<16xf32>
        %add3A_786 = arith.constant 12 : i32
        %add3A_787 = arith.addi %mul3A_122, %add3A_786 : i32
        %get3A_788 = arith.index_cast %add3A_787 : i32 to index
        %get3A_789 = arith.constant 48 : index
        %get3A_790 = tpu.vector_load %arg8[%get3A_788, %get3A_789] {strides = array<i32>} : memref<128x128xf32, #tpu.memory_space<vmem>>, vector<16xf32>,
        %max3A_791 = arith.maximumf %max3A_785, %get3A_790 : vector<16xf32>
        %add3A_792 = arith.constant 13 : i32
        %add3A_793 = arith.addi %mul3A_122, %add3A_792 : i32
        %get3A_794 = arith.index_cast %add3A_793 : i32 to index
        %get3A_795 = arith.constant 48 : index
        %get3A_796 = tpu.vector_load %arg8[%get3A_794, %get3A_795] {strides = array<i32>} : memref<128x128xf32, #tpu.memory_space<vmem>>, vector<16xf32>,
        %max3A_797 = arith.maximumf %max3A_791, %get3A_796 : vector<16xf32>
        %add3A_798 = arith.constant 14 : i32
        %add3A_799 = arith.addi %mul3A_122, %add3A_798 : i32
        %get3A_800 = arith.index_cast %add3A_799 : i32 to index
        %get3A_801 = arith.constant 48 : index
        %get3A_802 = tpu.vector_load %arg8[%get3A_800, %get3A_801] {strides = array<i32>} : memref<128x128xf32, #tpu.memory_space<vmem>>, vector<16xf32>,
        %max3A_803 = arith.maximumf %max3A_797, %get3A_802 : vector<16xf32>
        %add3A_804 = arith.constant 15 : i32
        %add3A_805 = arith.addi %mul3A_122, %add3A_804 : i32
        %get3A_806 = arith.index_cast %add3A_805 : i32 to index
        %get3A_807 = arith.constant 48 : index
        %get3A_808 = tpu.vector_load %arg8[%get3A_806, %get3A_807] {strides = array<i32>} : memref<128x128xf32, #tpu.memory_space<vmem>>, vector<16xf32>,
        %max3A_809 = arith.maximumf %max3A_803, %get3A_808 : vector<16xf32>
        %add3A_810 = arith.constant 16 : i32
        %add3A_811 = arith.addi %mul3A_122, %add3A_810 : i32
        %get3A_812 = arith.index_cast %add3A_811 : i32 to index
        %get3A_813 = arith.constant 48 : index
        %get3A_814 = tpu.vector_load %arg8[%get3A_812, %get3A_813] {strides = array<i32>} : memref<128x128xf32, #tpu.memory_space<vmem>>, vector<16xf32>,
        %max3A_815 = arith.maximumf %max3A_809, %get3A_814 : vector<16xf32>
        %add3A_816 = arith.constant 17 : i32
        %add3A_817 = arith.addi %mul3A_122, %add3A_816 : i32
        %get3A_818 = arith.index_cast %add3A_817 : i32 to index
        %get3A_819 = arith.constant 48 : index
        %get3A_820 = tpu.vector_load %arg8[%get3A_818, %get3A_819] {strides = array<i32>} : memref<128x128xf32, #tpu.memory_space<vmem>>, vector<16xf32>,
        %max3A_821 = arith.maximumf %max3A_815, %get3A_820 : vector<16xf32>
        %add3A_822 = arith.constant 18 : i32
        %add3A_823 = arith.addi %mul3A_122, %add3A_822 : i32
        %get3A_824 = arith.index_cast %add3A_823 : i32 to index
        %get3A_825 = arith.constant 48 : index
        %get3A_826 = tpu.vector_load %arg8[%get3A_824, %get3A_825] {strides = array<i32>} : memref<128x128xf32, #tpu.memory_space<vmem>>, vector<16xf32>,
        %max3A_827 = arith.maximumf %max3A_821, %get3A_826 : vector<16xf32>
        %add3A_828 = arith.constant 19 : i32
        %add3A_829 = arith.addi %mul3A_122, %add3A_828 : i32
        %get3A_830 = arith.index_cast %add3A_829 : i32 to index
        %get3A_831 = arith.constant 48 : index
        %get3A_832 = tpu.vector_load %arg8[%get3A_830, %get3A_831] {strides = array<i32>} : memref<128x128xf32, #tpu.memory_space<vmem>>, vector<16xf32>,
        %max3A_833 = arith.maximumf %max3A_827, %get3A_832 : vector<16xf32>
        %add3A_834 = arith.constant 20 : i32
        %add3A_835 = arith.addi %mul3A_122, %add3A_834 : i32
        %get3A_836 = arith.index_cast %add3A_835 : i32 to index
        %get3A_837 = arith.constant 48 : index
        %get3A_838 = tpu.vector_load %arg8[%get3A_836, %get3A_837] {strides = array<i32>} : memref<128x128xf32, #tpu.memory_space<vmem>>, vector<16xf32>,
        %max3A_839 = arith.maximumf %max3A_833, %get3A_838 : vector<16xf32>
        %add3A_840 = arith.constant 21 : i32
        %add3A_841 = arith.addi %mul3A_122, %add3A_840 : i32
        %get3A_842 = arith.index_cast %add3A_841 : i32 to index
        %get3A_843 = arith.constant 48 : index
        %get3A_844 = tpu.vector_load %arg8[%get3A_842, %get3A_843] {strides = array<i32>} : memref<128x128xf32, #tpu.memory_space<vmem>>, vector<16xf32>,
        %max3A_845 = arith.maximumf %max3A_839, %get3A_844 : vector<16xf32>
        %add3A_846 = arith.constant 22 : i32
        %add3A_847 = arith.addi %mul3A_122, %add3A_846 : i32
        %get3A_848 = arith.index_cast %add3A_847 : i32 to index
        %get3A_849 = arith.constant 48 : index
        %get3A_850 = tpu.vector_load %arg8[%get3A_848, %get3A_849] {strides = array<i32>} : memref<128x128xf32, #tpu.memory_space<vmem>>, vector<16xf32>,
        %max3A_851 = arith.maximumf %max3A_845, %get3A_850 : vector<16xf32>
        %add3A_852 = arith.constant 23 : i32
        %add3A_853 = arith.addi %mul3A_122, %add3A_852 : i32
        %get3A_854 = arith.index_cast %add3A_853 : i32 to index
        %get3A_855 = arith.constant 48 : index
        %get3A_856 = tpu.vector_load %arg8[%get3A_854, %get3A_855] {strides = array<i32>} : memref<128x128xf32, #tpu.memory_space<vmem>>, vector<16xf32>,
        %max3A_857 = arith.maximumf %max3A_851, %get3A_856 : vector<16xf32>
        %add3A_858 = arith.constant 24 : i32
        %add3A_859 = arith.addi %mul3A_122, %add3A_858 : i32
        %get3A_860 = arith.index_cast %add3A_859 : i32 to index
        %get3A_861 = arith.constant 48 : index
        %get3A_862 = tpu.vector_load %arg8[%get3A_860, %get3A_861] {strides = array<i32>} : memref<128x128xf32, #tpu.memory_space<vmem>>, vector<16xf32>,
        %max3A_863 = arith.maximumf %max3A_857, %get3A_862 : vector<16xf32>
        %add3A_864 = arith.constant 25 : i32
        %add3A_865 = arith.addi %mul3A_122, %add3A_864 : i32
        %get3A_866 = arith.index_cast %add3A_865 : i32 to index
        %get3A_867 = arith.constant 48 : index
        %get3A_868 = tpu.vector_load %arg8[%get3A_866, %get3A_867] {strides = array<i32>} : memref<128x128xf32, #tpu.memory_space<vmem>>, vector<16xf32>,
        %max3A_869 = arith.maximumf %max3A_863, %get3A_868 : vector<16xf32>
        %add3A_870 = arith.constant 26 : i32
        %add3A_871 = arith.addi %mul3A_122, %add3A_870 : i32
        %get3A_872 = arith.index_cast %add3A_871 : i32 to index
        %get3A_873 = arith.constant 48 : index
        %get3A_874 = tpu.vector_load %arg8[%get3A_872, %get3A_873] {strides = array<i32>} : memref<128x128xf32, #tpu.memory_space<vmem>>, vector<16xf32>,
        %max3A_875 = arith.maximumf %max3A_869, %get3A_874 : vector<16xf32>
        %add3A_876 = arith.constant 27 : i32
        %add3A_877 = arith.addi %mul3A_122, %add3A_876 : i32
        %get3A_878 = arith.index_cast %add3A_877 : i32 to index
        %get3A_879 = arith.constant 48 : index
        %get3A_880 = tpu.vector_load %arg8[%get3A_878, %get3A_879] {strides = array<i32>} : memref<128x128xf32, #tpu.memory_space<vmem>>, vector<16xf32>,
        %max3A_881 = arith.maximumf %max3A_875, %get3A_880 : vector<16xf32>
        %add3A_882 = arith.constant 28 : i32
        %add3A_883 = arith.addi %mul3A_122, %add3A_882 : i32
        %get3A_884 = arith.index_cast %add3A_883 : i32 to index
        %get3A_885 = arith.constant 48 : index
        %get3A_886 = tpu.vector_load %arg8[%get3A_884, %get3A_885] {strides = array<i32>} : memref<128x128xf32, #tpu.memory_space<vmem>>, vector<16xf32>,
        %max3A_887 = arith.maximumf %max3A_881, %get3A_886 : vector<16xf32>
        %add3A_888 = arith.constant 29 : i32
        %add3A_889 = arith.addi %mul3A_122, %add3A_888 : i32
        %get3A_890 = arith.index_cast %add3A_889 : i32 to index
        %get3A_891 = arith.constant 48 : index
        %get3A_892 = tpu.vector_load %arg8[%get3A_890, %get3A_891] {strides = array<i32>} : memref<128x128xf32, #tpu.memory_space<vmem>>, vector<16xf32>,
        %max3A_893 = arith.maximumf %max3A_887, %get3A_892 : vector<16xf32>
        %add3A_894 = arith.constant 30 : i32
        %add3A_895 = arith.addi %mul3A_122, %add3A_894 : i32
        %get3A_896 = arith.index_cast %add3A_895 : i32 to index
        %get3A_897 = arith.constant 48 : index
        %get3A_898 = tpu.vector_load %arg8[%get3A_896, %get3A_897] {strides = array<i32>} : memref<128x128xf32, #tpu.memory_space<vmem>>, vector<16xf32>,
        %max3A_899 = arith.maximumf %max3A_893, %get3A_898 : vector<16xf32>
        %add3A_900 = arith.constant 31 : i32
        %add3A_901 = arith.addi %mul3A_122, %add3A_900 : i32
        %get3A_902 = arith.index_cast %add3A_901 : i32 to index
        %get3A_903 = arith.constant 48 : index
        %get3A_904 = tpu.vector_load %arg8[%get3A_902, %get3A_903] {strides = array<i32>} : memref<128x128xf32, #tpu.memory_space<vmem>>, vector<16xf32>,
        %max3A_905 = arith.maximumf %max3A_899, %get3A_904 : vector<16xf32>
        %get3A_906 = arith.index_cast %scan3A_120 : i32 to index
        %get3A_907 = arith.constant 48 : index
        %get3A_908 = tpu.vector_load %arg10[%get3A_906, %get3A_907] {strides = array<i32>} : memref<4x128xf32, #tpu.memory_space<vmem>>, vector<16xf32>,
        %add3A_909 = arith.addf %max3A_905, %get3A_908 : vector<16xf32>
        %max3A_910 = arith.constant 0.000000e+00 : f32
        %max3A_911 = vector.broadcast %max3A_910 : f32 to vector<16xf32>
        %max3A_912 = arith.maximumf %add3A_909, %max3A_911 : vector<16xf32>
        %swap3A_913 = arith.index_cast %scan3A_120 : i32 to index
        %swap3A_914 = arith.constant 48 : index
        %swap3A_915 = tpu.vector_load %arg12[%swap3A_913, %swap3A_914] {strides = array<i32>} : memref<4x128xf32, #tpu.memory_space<vmem>>, vector<16xf32>,
        tpu.vector_store %arg12[%swap3A_913, %swap3A_914], %max3A_912 {strides = array<i32>} : memref<4x128xf32, #tpu.memory_space<vmem>>, vector<16xf32>,
        %get3A_916 = arith.index_cast %mul3A_122 : i32 to index
        %get3A_917 = arith.constant 64 : index
        %get3A_918 = tpu.vector_load %arg8[%get3A_916, %get3A_917] {strides = array<i32>} : memref<128x128xf32, #tpu.memory_space<vmem>>, vector<16xf32>,
        %add3A_919 = arith.constant 1 : i32
        %add3A_920 = arith.addi %mul3A_122, %add3A_919 : i32
        %get3A_921 = arith.index_cast %add3A_920 : i32 to index
        %get3A_922 = arith.constant 64 : index
        %get3A_923 = tpu.vector_load %arg8[%get3A_921, %get3A_922] {strides = array<i32>} : memref<128x128xf32, #tpu.memory_space<vmem>>, vector<16xf32>,
        %max3A_924 = arith.maximumf %get3A_918, %get3A_923 : vector<16xf32>
        %add3A_925 = arith.constant 2 : i32
        %add3A_926 = arith.addi %mul3A_122, %add3A_925 : i32
        %get3A_927 = arith.index_cast %add3A_926 : i32 to index
        %get3A_928 = arith.constant 64 : index
        %get3A_929 = tpu.vector_load %arg8[%get3A_927, %get3A_928] {strides = array<i32>} : memref<128x128xf32, #tpu.memory_space<vmem>>, vector<16xf32>,
        %max3A_930 = arith.maximumf %max3A_924, %get3A_929 : vector<16xf32>
        %add3A_931 = arith.constant 3 : i32
        %add3A_932 = arith.addi %mul3A_122, %add3A_931 : i32
        %get3A_933 = arith.index_cast %add3A_932 : i32 to index
        %get3A_934 = arith.constant 64 : index
        %get3A_935 = tpu.vector_load %arg8[%get3A_933, %get3A_934] {strides = array<i32>} : memref<128x128xf32, #tpu.memory_space<vmem>>, vector<16xf32>,
        %max3A_936 = arith.maximumf %max3A_930, %get3A_935 : vector<16xf32>
        %add3A_937 = arith.constant 4 : i32
        %add3A_938 = arith.addi %mul3A_122, %add3A_937 : i32
        %get3A_939 = arith.index_cast %add3A_938 : i32 to index
        %get3A_940 = arith.constant 64 : index
        %get3A_941 = tpu.vector_load %arg8[%get3A_939, %get3A_940] {strides = array<i32>} : memref<128x128xf32, #tpu.memory_space<vmem>>, vector<16xf32>,
        %max3A_942 = arith.maximumf %max3A_936, %get3A_941 : vector<16xf32>
        %add3A_943 = arith.constant 5 : i32
        %add3A_944 = arith.addi %mul3A_122, %add3A_943 : i32
        %get3A_945 = arith.index_cast %add3A_944 : i32 to index
        %get3A_946 = arith.constant 64 : index
        %get3A_947 = tpu.vector_load %arg8[%get3A_945, %get3A_946] {strides = array<i32>} : memref<128x128xf32, #tpu.memory_space<vmem>>, vector<16xf32>,
        %max3A_948 = arith.maximumf %max3A_942, %get3A_947 : vector<16xf32>
        %add3A_949 = arith.constant 6 : i32
        %add3A_950 = arith.addi %mul3A_122, %add3A_949 : i32
        %get3A_951 = arith.index_cast %add3A_950 : i32 to index
        %get3A_952 = arith.constant 64 : index
        %get3A_953 = tpu.vector_load %arg8[%get3A_951, %get3A_952] {strides = array<i32>} : memref<128x128xf32, #tpu.memory_space<vmem>>, vector<16xf32>,
        %max3A_954 = arith.maximumf %max3A_948, %get3A_953 : vector<16xf32>
        %add3A_955 = arith.constant 7 : i32
        %add3A_956 = arith.addi %mul3A_122, %add3A_955 : i32
        %get3A_957 = arith.index_cast %add3A_956 : i32 to index
        %get3A_958 = arith.constant 64 : index
        %get3A_959 = tpu.vector_load %arg8[%get3A_957, %get3A_958] {strides = array<i32>} : memref<128x128xf32, #tpu.memory_space<vmem>>, vector<16xf32>,
        %max3A_960 = arith.maximumf %max3A_954, %get3A_959 : vector<16xf32>
        %add3A_961 = arith.constant 8 : i32
        %add3A_962 = arith.addi %mul3A_122, %add3A_961 : i32
        %get3A_963 = arith.index_cast %add3A_962 : i32 to index
        %get3A_964 = arith.constant 64 : index
        %get3A_965 = tpu.vector_load %arg8[%get3A_963, %get3A_964] {strides = array<i32>} : memref<128x128xf32, #tpu.memory_space<vmem>>, vector<16xf32>,
        %max3A_966 = arith.maximumf %max3A_960, %get3A_965 : vector<16xf32>
        %add3A_967 = arith.constant 9 : i32
        %add3A_968 = arith.addi %mul3A_122, %add3A_967 : i32
        %get3A_969 = arith.index_cast %add3A_968 : i32 to index
        %get3A_970 = arith.constant 64 : index
        %get3A_971 = tpu.vector_load %arg8[%get3A_969, %get3A_970] {strides = array<i32>} : memref<128x128xf32, #tpu.memory_space<vmem>>, vector<16xf32>,
        %max3A_972 = arith.maximumf %max3A_966, %get3A_971 : vector<16xf32>
        %add3A_973 = arith.constant 10 : i32
        %add3A_974 = arith.addi %mul3A_122, %add3A_973 : i32
        %get3A_975 = arith.index_cast %add3A_974 : i32 to index
        %get3A_976 = arith.constant 64 : index
        %get3A_977 = tpu.vector_load %arg8[%get3A_975, %get3A_976] {strides = array<i32>} : memref<128x128xf32, #tpu.memory_space<vmem>>, vector<16xf32>,
        %max3A_978 = arith.maximumf %max3A_972, %get3A_977 : vector<16xf32>
        %add3A_979 = arith.constant 11 : i32
        %add3A_980 = arith.addi %mul3A_122, %add3A_979 : i32
        %get3A_981 = arith.index_cast %add3A_980 : i32 to index
        %get3A_982 = arith.constant 64 : index
        %get3A_983 = tpu.vector_load %arg8[%get3A_981, %get3A_982] {strides = array<i32>} : memref<128x128xf32, #tpu.memory_space<vmem>>, vector<16xf32>,
        %max3A_984 = arith.maximumf %max3A_978, %get3A_983 : vector<16xf32>
        %add3A_985 = arith.constant 12 : i32
        %add3A_986 = arith.addi %mul3A_122, %add3A_985 : i32
        %get3A_987 = arith.index_cast %add3A_986 : i32 to index
        %get3A_988 = arith.constant 64 : index
        %get3A_989 = tpu.vector_load %arg8[%get3A_987, %get3A_988] {strides = array<i32>} : memref<128x128xf32, #tpu.memory_space<vmem>>, vector<16xf32>,
        %max3A_990 = arith.maximumf %max3A_984, %get3A_989 : vector<16xf32>
        %add3A_991 = arith.constant 13 : i32
        %add3A_992 = arith.addi %mul3A_122, %add3A_991 : i32
        %get3A_993 = arith.index_cast %add3A_992 : i32 to index
        %get3A_994 = arith.constant 64 : index
        %get3A_995 = tpu.vector_load %arg8[%get3A_993, %get3A_994] {strides = array<i32>} : memref<128x128xf32, #tpu.memory_space<vmem>>, vector<16xf32>,
        %max3A_996 = arith.maximumf %max3A_990, %get3A_995 : vector<16xf32>
        %add3A_997 = arith.constant 14 : i32
        %add3A_998 = arith.addi %mul3A_122, %add3A_997 : i32
        %get3A_999 = arith.index_cast %add3A_998 : i32 to index
        %get3A_1000 = arith.constant 64 : index
        %get3A_1001 = tpu.vector_load %arg8[%get3A_999, %get3A_1000] {strides = array<i32>} : memref<128x128xf32, #tpu.memory_space<vmem>>, vector<16xf32>,
        %max3A_1002 = arith.maximumf %max3A_996, %get3A_1001 : vector<16xf32>
        %add3A_1003 = arith.constant 15 : i32
        %add3A_1004 = arith.addi %mul3A_122, %add3A_1003 : i32
        %get3A_1005 = arith.index_cast %add3A_1004 : i32 to index
        %get3A_1006 = arith.constant 64 : index
        %get3A_1007 = tpu.vector_load %arg8[%get3A_1005, %get3A_1006] {strides = array<i32>} : memref<128x128xf32, #tpu.memory_space<vmem>>, vector<16xf32>,
        %max3A_1008 = arith.maximumf %max3A_1002, %get3A_1007 : vector<16xf32>
        %add3A_1009 = arith.constant 16 : i32
        %add3A_1010 = arith.addi %mul3A_122, %add3A_1009 : i32
        %get3A_1011 = arith.index_cast %add3A_1010 : i32 to index
        %get3A_1012 = arith.constant 64 : index
        %get3A_1013 = tpu.vector_load %arg8[%get3A_1011, %get3A_1012] {strides = array<i32>} : memref<128x128xf32, #tpu.memory_space<vmem>>, vector<16xf32>,
        %max3A_1014 = arith.maximumf %max3A_1008, %get3A_1013 : vector<16xf32>
        %add3A_1015 = arith.constant 17 : i32
        %add3A_1016 = arith.addi %mul3A_122, %add3A_1015 : i32
        %get3A_1017 = arith.index_cast %add3A_1016 : i32 to index
        %get3A_1018 = arith.constant 64 : index
        %get3A_1019 = tpu.vector_load %arg8[%get3A_1017, %get3A_1018] {strides = array<i32>} : memref<128x128xf32, #tpu.memory_space<vmem>>, vector<16xf32>,
        %max3A_1020 = arith.maximumf %max3A_1014, %get3A_1019 : vector<16xf32>
        %add3A_1021 = arith.constant 18 : i32
        %add3A_1022 = arith.addi %mul3A_122, %add3A_1021 : i32
        %get3A_1023 = arith.index_cast %add3A_1022 : i32 to index
        %get3A_1024 = arith.constant 64 : index
        %get3A_1025 = tpu.vector_load %arg8[%get3A_1023, %get3A_1024] {strides = array<i32>} : memref<128x128xf32, #tpu.memory_space<vmem>>, vector<16xf32>,
        %max3A_1026 = arith.maximumf %max3A_1020, %get3A_1025 : vector<16xf32>
        %add3A_1027 = arith.constant 19 : i32
        %add3A_1028 = arith.addi %mul3A_122, %add3A_1027 : i32
        %get3A_1029 = arith.index_cast %add3A_1028 : i32 to index
        %get3A_1030 = arith.constant 64 : index
        %get3A_1031 = tpu.vector_load %arg8[%get3A_1029, %get3A_1030] {strides = array<i32>} : memref<128x128xf32, #tpu.memory_space<vmem>>, vector<16xf32>,
        %max3A_1032 = arith.maximumf %max3A_1026, %get3A_1031 : vector<16xf32>
        %add3A_1033 = arith.constant 20 : i32
        %add3A_1034 = arith.addi %mul3A_122, %add3A_1033 : i32
        %get3A_1035 = arith.index_cast %add3A_1034 : i32 to index
        %get3A_1036 = arith.constant 64 : index
        %get3A_1037 = tpu.vector_load %arg8[%get3A_1035, %get3A_1036] {strides = array<i32>} : memref<128x128xf32, #tpu.memory_space<vmem>>, vector<16xf32>,
        %max3A_1038 = arith.maximumf %max3A_1032, %get3A_1037 : vector<16xf32>
        %add3A_1039 = arith.constant 21 : i32
        %add3A_1040 = arith.addi %mul3A_122, %add3A_1039 : i32
        %get3A_1041 = arith.index_cast %add3A_1040 : i32 to index
        %get3A_1042 = arith.constant 64 : index
        %get3A_1043 = tpu.vector_load %arg8[%get3A_1041, %get3A_1042] {strides = array<i32>} : memref<128x128xf32, #tpu.memory_space<vmem>>, vector<16xf32>,
        %max3A_1044 = arith.maximumf %max3A_1038, %get3A_1043 : vector<16xf32>
        %add3A_1045 = arith.constant 22 : i32
        %add3A_1046 = arith.addi %mul3A_122, %add3A_1045 : i32
        %get3A_1047 = arith.index_cast %add3A_1046 : i32 to index
        %get3A_1048 = arith.constant 64 : index
        %get3A_1049 = tpu.vector_load %arg8[%get3A_1047, %get3A_1048] {strides = array<i32>} : memref<128x128xf32, #tpu.memory_space<vmem>>, vector<16xf32>,
        %max3A_1050 = arith.maximumf %max3A_1044, %get3A_1049 : vector<16xf32>
        %add3A_1051 = arith.constant 23 : i32
        %add3A_1052 = arith.addi %mul3A_122, %add3A_1051 : i32
        %get3A_1053 = arith.index_cast %add3A_1052 : i32 to index
        %get3A_1054 = arith.constant 64 : index
        %get3A_1055 = tpu.vector_load %arg8[%get3A_1053, %get3A_1054] {strides = array<i32>} : memref<128x128xf32, #tpu.memory_space<vmem>>, vector<16xf32>,
        %max3A_1056 = arith.maximumf %max3A_1050, %get3A_1055 : vector<16xf32>
        %add3A_1057 = arith.constant 24 : i32
        %add3A_1058 = arith.addi %mul3A_122, %add3A_1057 : i32
        %get3A_1059 = arith.index_cast %add3A_1058 : i32 to index
        %get3A_1060 = arith.constant 64 : index
        %get3A_1061 = tpu.vector_load %arg8[%get3A_1059, %get3A_1060] {strides = array<i32>} : memref<128x128xf32, #tpu.memory_space<vmem>>, vector<16xf32>,
        %max3A_1062 = arith.maximumf %max3A_1056, %get3A_1061 : vector<16xf32>
        %add3A_1063 = arith.constant 25 : i32
        %add3A_1064 = arith.addi %mul3A_122, %add3A_1063 : i32
        %get3A_1065 = arith.index_cast %add3A_1064 : i32 to index
        %get3A_1066 = arith.constant 64 : index
        %get3A_1067 = tpu.vector_load %arg8[%get3A_1065, %get3A_1066] {strides = array<i32>} : memref<128x128xf32, #tpu.memory_space<vmem>>, vector<16xf32>,
        %max3A_1068 = arith.maximumf %max3A_1062, %get3A_1067 : vector<16xf32>
        %add3A_1069 = arith.constant 26 : i32
        %add3A_1070 = arith.addi %mul3A_122, %add3A_1069 : i32
        %get3A_1071 = arith.index_cast %add3A_1070 : i32 to index
        %get3A_1072 = arith.constant 64 : index
        %get3A_1073 = tpu.vector_load %arg8[%get3A_1071, %get3A_1072] {strides = array<i32>} : memref<128x128xf32, #tpu.memory_space<vmem>>, vector<16xf32>,
        %max3A_1074 = arith.maximumf %max3A_1068, %get3A_1073 : vector<16xf32>
        %add3A_1075 = arith.constant 27 : i32
        %add3A_1076 = arith.addi %mul3A_122, %add3A_1075 : i32
        %get3A_1077 = arith.index_cast %add3A_1076 : i32 to index
        %get3A_1078 = arith.constant 64 : index
        %get3A_1079 = tpu.vector_load %arg8[%get3A_1077, %get3A_1078] {strides = array<i32>} : memref<128x128xf32, #tpu.memory_space<vmem>>, vector<16xf32>,
        %max3A_1080 = arith.maximumf %max3A_1074, %get3A_1079 : vector<16xf32>
        %add3A_1081 = arith.constant 28 : i32
        %add3A_1082 = arith.addi %mul3A_122, %add3A_1081 : i32
        %get3A_1083 = arith.index_cast %add3A_1082 : i32 to index
        %get3A_1084 = arith.constant 64 : index
        %get3A_1085 = tpu.vector_load %arg8[%get3A_1083, %get3A_1084] {strides = array<i32>} : memref<128x128xf32, #tpu.memory_space<vmem>>, vector<16xf32>,
        %max3A_1086 = arith.maximumf %max3A_1080, %get3A_1085 : vector<16xf32>
        %add3A_1087 = arith.constant 29 : i32
        %add3A_1088 = arith.addi %mul3A_122, %add3A_1087 : i32
        %get3A_1089 = arith.index_cast %add3A_1088 : i32 to index
        %get3A_1090 = arith.constant 64 : index
        %get3A_1091 = tpu.vector_load %arg8[%get3A_1089, %get3A_1090] {strides = array<i32>} : memref<128x128xf32, #tpu.memory_space<vmem>>, vector<16xf32>,
        %max3A_1092 = arith.maximumf %max3A_1086, %get3A_1091 : vector<16xf32>
        %add3A_1093 = arith.constant 30 : i32
        %add3A_1094 = arith.addi %mul3A_122, %add3A_1093 : i32
        %get3A_1095 = arith.index_cast %add3A_1094 : i32 to index
        %get3A_1096 = arith.constant 64 : index
        %get3A_1097 = tpu.vector_load %arg8[%get3A_1095, %get3A_1096] {strides = array<i32>} : memref<128x128xf32, #tpu.memory_space<vmem>>, vector<16xf32>,
        %max3A_1098 = arith.maximumf %max3A_1092, %get3A_1097 : vector<16xf32>
        %add3A_1099 = arith.constant 31 : i32
        %add3A_1100 = arith.addi %mul3A_122, %add3A_1099 : i32
        %get3A_1101 = arith.index_cast %add3A_1100 : i32 to index
        %get3A_1102 = arith.constant 64 : index
        %get3A_1103 = tpu.vector_load %arg8[%get3A_1101, %get3A_1102] {strides = array<i32>} : memref<128x128xf32, #tpu.memory_space<vmem>>, vector<16xf32>,
        %max3A_1104 = arith.maximumf %max3A_1098, %get3A_1103 : vector<16xf32>
        %get3A_1105 = arith.index_cast %scan3A_120 : i32 to index
        %get3A_1106 = arith.constant 64 : index
        %get3A_1107 = tpu.vector_load %arg10[%get3A_1105, %get3A_1106] {strides = array<i32>} : memref<4x128xf32, #tpu.memory_space<vmem>>, vector<16xf32>,
        %add3A_1108 = arith.addf %max3A_1104, %get3A_1107 : vector<16xf32>
        %max3A_1109 = arith.constant 0.000000e+00 : f32
        %max3A_1110 = vector.broadcast %max3A_1109 : f32 to vector<16xf32>
        %max3A_1111 = arith.maximumf %add3A_1108, %max3A_1110 : vector<16xf32>
        %swap3A_1112 = arith.index_cast %scan3A_120 : i32 to index
        %swap3A_1113 = arith.constant 64 : index
        %swap3A_1114 = tpu.vector_load %arg12[%swap3A_1112, %swap3A_1113] {strides = array<i32>} : memref<4x128xf32, #tpu.memory_space<vmem>>, vector<16xf32>,
        tpu.vector_store %arg12[%swap3A_1112, %swap3A_1113], %max3A_1111 {strides = array<i32>} : memref<4x128xf32, #tpu.memory_space<vmem>>, vector<16xf32>,
        %get3A_1115 = arith.index_cast %mul3A_122 : i32 to index
        %get3A_1116 = arith.constant 80 : index
        %get3A_1117 = tpu.vector_load %arg8[%get3A_1115, %get3A_1116] {strides = array<i32>} : memref<128x128xf32, #tpu.memory_space<vmem>>, vector<16xf32>,
        %add3A_1118 = arith.constant 1 : i32
        %add3A_1119 = arith.addi %mul3A_122, %add3A_1118 : i32
        %get3A_1120 = arith.index_cast %add3A_1119 : i32 to index
        %get3A_1121 = arith.constant 80 : index
        %get3A_1122 = tpu.vector_load %arg8[%get3A_1120, %get3A_1121] {strides = array<i32>} : memref<128x128xf32, #tpu.memory_space<vmem>>, vector<16xf32>,
        %max3A_1123 = arith.maximumf %get3A_1117, %get3A_1122 : vector<16xf32>
        %add3A_1124 = arith.constant 2 : i32
        %add3A_1125 = arith.addi %mul3A_122, %add3A_1124 : i32
        %get3A_1126 = arith.index_cast %add3A_1125 : i32 to index
        %get3A_1127 = arith.constant 80 : index
        %get3A_1128 = tpu.vector_load %arg8[%get3A_1126, %get3A_1127] {strides = array<i32>} : memref<128x128xf32, #tpu.memory_space<vmem>>, vector<16xf32>,
        %max3A_1129 = arith.maximumf %max3A_1123, %get3A_1128 : vector<16xf32>
        %add3A_1130 = arith.constant 3 : i32
        %add3A_1131 = arith.addi %mul3A_122, %add3A_1130 : i32
        %get3A_1132 = arith.index_cast %add3A_1131 : i32 to index
        %get3A_1133 = arith.constant 80 : index
        %get3A_1134 = tpu.vector_load %arg8[%get3A_1132, %get3A_1133] {strides = array<i32>} : memref<128x128xf32, #tpu.memory_space<vmem>>, vector<16xf32>,
        %max3A_1135 = arith.maximumf %max3A_1129, %get3A_1134 : vector<16xf32>
        %add3A_1136 = arith.constant 4 : i32
        %add3A_1137 = arith.addi %mul3A_122, %add3A_1136 : i32
        %get3A_1138 = arith.index_cast %add3A_1137 : i32 to index
        %get3A_1139 = arith.constant 80 : index
        %get3A_1140 = tpu.vector_load %arg8[%get3A_1138, %get3A_1139] {strides = array<i32>} : memref<128x128xf32, #tpu.memory_space<vmem>>, vector<16xf32>,
        %max3A_1141 = arith.maximumf %max3A_1135, %get3A_1140 : vector<16xf32>
        %add3A_1142 = arith.constant 5 : i32
        %add3A_1143 = arith.addi %mul3A_122, %add3A_1142 : i32
        %get3A_1144 = arith.index_cast %add3A_1143 : i32 to index
        %get3A_1145 = arith.constant 80 : index
        %get3A_1146 = tpu.vector_load %arg8[%get3A_1144, %get3A_1145] {strides = array<i32>} : memref<128x128xf32, #tpu.memory_space<vmem>>, vector<16xf32>,
        %max3A_1147 = arith.maximumf %max3A_1141, %get3A_1146 : vector<16xf32>
        %add3A_1148 = arith.constant 6 : i32
        %add3A_1149 = arith.addi %mul3A_122, %add3A_1148 : i32
        %get3A_1150 = arith.index_cast %add3A_1149 : i32 to index
        %get3A_1151 = arith.constant 80 : index
        %get3A_1152 = tpu.vector_load %arg8[%get3A_1150, %get3A_1151] {strides = array<i32>} : memref<128x128xf32, #tpu.memory_space<vmem>>, vector<16xf32>,
        %max3A_1153 = arith.maximumf %max3A_1147, %get3A_1152 : vector<16xf32>
        %add3A_1154 = arith.constant 7 : i32
        %add3A_1155 = arith.addi %mul3A_122, %add3A_1154 : i32
        %get3A_1156 = arith.index_cast %add3A_1155 : i32 to index
        %get3A_1157 = arith.constant 80 : index
        %get3A_1158 = tpu.vector_load %arg8[%get3A_1156, %get3A_1157] {strides = array<i32>} : memref<128x128xf32, #tpu.memory_space<vmem>>, vector<16xf32>,
        %max3A_1159 = arith.maximumf %max3A_1153, %get3A_1158 : vector<16xf32>
        %add3A_1160 = arith.constant 8 : i32
        %add3A_1161 = arith.addi %mul3A_122, %add3A_1160 : i32
        %get3A_1162 = arith.index_cast %add3A_1161 : i32 to index
        %get3A_1163 = arith.constant 80 : index
        %get3A_1164 = tpu.vector_load %arg8[%get3A_1162, %get3A_1163] {strides = array<i32>} : memref<128x128xf32, #tpu.memory_space<vmem>>, vector<16xf32>,
        %max3A_1165 = arith.maximumf %max3A_1159, %get3A_1164 : vector<16xf32>
        %add3A_1166 = arith.constant 9 : i32
        %add3A_1167 = arith.addi %mul3A_122, %add3A_1166 : i32
        %get3A_1168 = arith.index_cast %add3A_1167 : i32 to index
        %get3A_1169 = arith.constant 80 : index
        %get3A_1170 = tpu.vector_load %arg8[%get3A_1168, %get3A_1169] {strides = array<i32>} : memref<128x128xf32, #tpu.memory_space<vmem>>, vector<16xf32>,
        %max3A_1171 = arith.maximumf %max3A_1165, %get3A_1170 : vector<16xf32>
        %add3A_1172 = arith.constant 10 : i32
        %add3A_1173 = arith.addi %mul3A_122, %add3A_1172 : i32
        %get3A_1174 = arith.index_cast %add3A_1173 : i32 to index
        %get3A_1175 = arith.constant 80 : index
        %get3A_1176 = tpu.vector_load %arg8[%get3A_1174, %get3A_1175] {strides = array<i32>} : memref<128x128xf32, #tpu.memory_space<vmem>>, vector<16xf32>,
        %max3A_1177 = arith.maximumf %max3A_1171, %get3A_1176 : vector<16xf32>
        %add3A_1178 = arith.constant 11 : i32
        %add3A_1179 = arith.addi %mul3A_122, %add3A_1178 : i32
        %get3A_1180 = arith.index_cast %add3A_1179 : i32 to index
        %get3A_1181 = arith.constant 80 : index
        %get3A_1182 = tpu.vector_load %arg8[%get3A_1180, %get3A_1181] {strides = array<i32>} : memref<128x128xf32, #tpu.memory_space<vmem>>, vector<16xf32>,
        %max3A_1183 = arith.maximumf %max3A_1177, %get3A_1182 : vector<16xf32>
        %add3A_1184 = arith.constant 12 : i32
        %add3A_1185 = arith.addi %mul3A_122, %add3A_1184 : i32
        %get3A_1186 = arith.index_cast %add3A_1185 : i32 to index
        %get3A_1187 = arith.constant 80 : index
        %get3A_1188 = tpu.vector_load %arg8[%get3A_1186, %get3A_1187] {strides = array<i32>} : memref<128x128xf32, #tpu.memory_space<vmem>>, vector<16xf32>,
        %max3A_1189 = arith.maximumf %max3A_1183, %get3A_1188 : vector<16xf32>
        %add3A_1190 = arith.constant 13 : i32
        %add3A_1191 = arith.addi %mul3A_122, %add3A_1190 : i32
        %get3A_1192 = arith.index_cast %add3A_1191 : i32 to index
        %get3A_1193 = arith.constant 80 : index
        %get3A_1194 = tpu.vector_load %arg8[%get3A_1192, %get3A_1193] {strides = array<i32>} : memref<128x128xf32, #tpu.memory_space<vmem>>, vector<16xf32>,
        %max3A_1195 = arith.maximumf %max3A_1189, %get3A_1194 : vector<16xf32>
        %add3A_1196 = arith.constant 14 : i32
        %add3A_1197 = arith.addi %mul3A_122, %add3A_1196 : i32
        %get3A_1198 = arith.index_cast %add3A_1197 : i32 to index
        %get3A_1199 = arith.constant 80 : index
        %get3A_1200 = tpu.vector_load %arg8[%get3A_1198, %get3A_1199] {strides = array<i32>} : memref<128x128xf32, #tpu.memory_space<vmem>>, vector<16xf32>,
        %max3A_1201 = arith.maximumf %max3A_1195, %get3A_1200 : vector<16xf32>
        %add3A_1202 = arith.constant 15 : i32
        %add3A_1203 = arith.addi %mul3A_122, %add3A_1202 : i32
        %get3A_1204 = arith.index_cast %add3A_1203 : i32 to index
        %get3A_1205 = arith.constant 80 : index
        %get3A_1206 = tpu.vector_load %arg8[%get3A_1204, %get3A_1205] {strides = array<i32>} : memref<128x128xf32, #tpu.memory_space<vmem>>, vector<16xf32>,
        %max3A_1207 = arith.maximumf %max3A_1201, %get3A_1206 : vector<16xf32>
        %add3A_1208 = arith.constant 16 : i32
        %add3A_1209 = arith.addi %mul3A_122, %add3A_1208 : i32
        %get3A_1210 = arith.index_cast %add3A_1209 : i32 to index
        %get3A_1211 = arith.constant 80 : index
        %get3A_1212 = tpu.vector_load %arg8[%get3A_1210, %get3A_1211] {strides = array<i32>} : memref<128x128xf32, #tpu.memory_space<vmem>>, vector<16xf32>,
        %max3A_1213 = arith.maximumf %max3A_1207, %get3A_1212 : vector<16xf32>
        %add3A_1214 = arith.constant 17 : i32
        %add3A_1215 = arith.addi %mul3A_122, %add3A_1214 : i32
        %get3A_1216 = arith.index_cast %add3A_1215 : i32 to index
        %get3A_1217 = arith.constant 80 : index
        %get3A_1218 = tpu.vector_load %arg8[%get3A_1216, %get3A_1217] {strides = array<i32>} : memref<128x128xf32, #tpu.memory_space<vmem>>, vector<16xf32>,
        %max3A_1219 = arith.maximumf %max3A_1213, %get3A_1218 : vector<16xf32>
        %add3A_1220 = arith.constant 18 : i32
        %add3A_1221 = arith.addi %mul3A_122, %add3A_1220 : i32
        %get3A_1222 = arith.index_cast %add3A_1221 : i32 to index
        %get3A_1223 = arith.constant 80 : index
        %get3A_1224 = tpu.vector_load %arg8[%get3A_1222, %get3A_1223] {strides = array<i32>} : memref<128x128xf32, #tpu.memory_space<vmem>>, vector<16xf32>,
        %max3A_1225 = arith.maximumf %max3A_1219, %get3A_1224 : vector<16xf32>
        %add3A_1226 = arith.constant 19 : i32
        %add3A_1227 = arith.addi %mul3A_122, %add3A_1226 : i32
        %get3A_1228 = arith.index_cast %add3A_1227 : i32 to index
        %get3A_1229 = arith.constant 80 : index
        %get3A_1230 = tpu.vector_load %arg8[%get3A_1228, %get3A_1229] {strides = array<i32>} : memref<128x128xf32, #tpu.memory_space<vmem>>, vector<16xf32>,
        %max3A_1231 = arith.maximumf %max3A_1225, %get3A_1230 : vector<16xf32>
        %add3A_1232 = arith.constant 20 : i32
        %add3A_1233 = arith.addi %mul3A_122, %add3A_1232 : i32
        %get3A_1234 = arith.index_cast %add3A_1233 : i32 to index
        %get3A_1235 = arith.constant 80 : index
        %get3A_1236 = tpu.vector_load %arg8[%get3A_1234, %get3A_1235] {strides = array<i32>} : memref<128x128xf32, #tpu.memory_space<vmem>>, vector<16xf32>,
        %max3A_1237 = arith.maximumf %max3A_1231, %get3A_1236 : vector<16xf32>
        %add3A_1238 = arith.constant 21 : i32
        %add3A_1239 = arith.addi %mul3A_122, %add3A_1238 : i32
        %get3A_1240 = arith.index_cast %add3A_1239 : i32 to index
        %get3A_1241 = arith.constant 80 : index
        %get3A_1242 = tpu.vector_load %arg8[%get3A_1240, %get3A_1241] {strides = array<i32>} : memref<128x128xf32, #tpu.memory_space<vmem>>, vector<16xf32>,
        %max3A_1243 = arith.maximumf %max3A_1237, %get3A_1242 : vector<16xf32>
        %add3A_1244 = arith.constant 22 : i32
        %add3A_1245 = arith.addi %mul3A_122, %add3A_1244 : i32
        %get3A_1246 = arith.index_cast %add3A_1245 : i32 to index
        %get3A_1247 = arith.constant 80 : index
        %get3A_1248 = tpu.vector_load %arg8[%get3A_1246, %get3A_1247] {strides = array<i32>} : memref<128x128xf32, #tpu.memory_space<vmem>>, vector<16xf32>,
        %max3A_1249 = arith.maximumf %max3A_1243, %get3A_1248 : vector<16xf32>
        %add3A_1250 = arith.constant 23 : i32
        %add3A_1251 = arith.addi %mul3A_122, %add3A_1250 : i32
        %get3A_1252 = arith.index_cast %add3A_1251 : i32 to index
        %get3A_1253 = arith.constant 80 : index
        %get3A_1254 = tpu.vector_load %arg8[%get3A_1252, %get3A_1253] {strides = array<i32>} : memref<128x128xf32, #tpu.memory_space<vmem>>, vector<16xf32>,
        %max3A_1255 = arith.maximumf %max3A_1249, %get3A_1254 : vector<16xf32>
        %add3A_1256 = arith.constant 24 : i32
        %add3A_1257 = arith.addi %mul3A_122, %add3A_1256 : i32
        %get3A_1258 = arith.index_cast %add3A_1257 : i32 to index
        %get3A_1259 = arith.constant 80 : index
        %get3A_1260 = tpu.vector_load %arg8[%get3A_1258, %get3A_1259] {strides = array<i32>} : memref<128x128xf32, #tpu.memory_space<vmem>>, vector<16xf32>,
        %max3A_1261 = arith.maximumf %max3A_1255, %get3A_1260 : vector<16xf32>
        %add3A_1262 = arith.constant 25 : i32
        %add3A_1263 = arith.addi %mul3A_122, %add3A_1262 : i32
        %get3A_1264 = arith.index_cast %add3A_1263 : i32 to index
        %get3A_1265 = arith.constant 80 : index
        %get3A_1266 = tpu.vector_load %arg8[%get3A_1264, %get3A_1265] {strides = array<i32>} : memref<128x128xf32, #tpu.memory_space<vmem>>, vector<16xf32>,
        %max3A_1267 = arith.maximumf %max3A_1261, %get3A_1266 : vector<16xf32>
        %add3A_1268 = arith.constant 26 : i32
        %add3A_1269 = arith.addi %mul3A_122, %add3A_1268 : i32
        %get3A_1270 = arith.index_cast %add3A_1269 : i32 to index
        %get3A_1271 = arith.constant 80 : index
        %get3A_1272 = tpu.vector_load %arg8[%get3A_1270, %get3A_1271] {strides = array<i32>} : memref<128x128xf32, #tpu.memory_space<vmem>>, vector<16xf32>,
        %max3A_1273 = arith.maximumf %max3A_1267, %get3A_1272 : vector<16xf32>
        %add3A_1274 = arith.constant 27 : i32
        %add3A_1275 = arith.addi %mul3A_122, %add3A_1274 : i32
        %get3A_1276 = arith.index_cast %add3A_1275 : i32 to index
        %get3A_1277 = arith.constant 80 : index
        %get3A_1278 = tpu.vector_load %arg8[%get3A_1276, %get3A_1277] {strides = array<i32>} : memref<128x128xf32, #tpu.memory_space<vmem>>, vector<16xf32>,
        %max3A_1279 = arith.maximumf %max3A_1273, %get3A_1278 : vector<16xf32>
        %add3A_1280 = arith.constant 28 : i32
        %add3A_1281 = arith.addi %mul3A_122, %add3A_1280 : i32
        %get3A_1282 = arith.index_cast %add3A_1281 : i32 to index
        %get3A_1283 = arith.constant 80 : index
        %get3A_1284 = tpu.vector_load %arg8[%get3A_1282, %get3A_1283] {strides = array<i32>} : memref<128x128xf32, #tpu.memory_space<vmem>>, vector<16xf32>,
        %max3A_1285 = arith.maximumf %max3A_1279, %get3A_1284 : vector<16xf32>
        %add3A_1286 = arith.constant 29 : i32
        %add3A_1287 = arith.addi %mul3A_122, %add3A_1286 : i32
        %get3A_1288 = arith.index_cast %add3A_1287 : i32 to index
        %get3A_1289 = arith.constant 80 : index
        %get3A_1290 = tpu.vector_load %arg8[%get3A_1288, %get3A_1289] {strides = array<i32>} : memref<128x128xf32, #tpu.memory_space<vmem>>, vector<16xf32>,
        %max3A_1291 = arith.maximumf %max3A_1285, %get3A_1290 : vector<16xf32>
        %add3A_1292 = arith.constant 30 : i32
        %add3A_1293 = arith.addi %mul3A_122, %add3A_1292 : i32
        %get3A_1294 = arith.index_cast %add3A_1293 : i32 to index
        %get3A_1295 = arith.constant 80 : index
        %get3A_1296 = tpu.vector_load %arg8[%get3A_1294, %get3A_1295] {strides = array<i32>} : memref<128x128xf32, #tpu.memory_space<vmem>>, vector<16xf32>,
        %max3A_1297 = arith.maximumf %max3A_1291, %get3A_1296 : vector<16xf32>
        %add3A_1298 = arith.constant 31 : i32
        %add3A_1299 = arith.addi %mul3A_122, %add3A_1298 : i32
        %get3A_1300 = arith.index_cast %add3A_1299 : i32 to index
        %get3A_1301 = arith.constant 80 : index
        %get3A_1302 = tpu.vector_load %arg8[%get3A_1300, %get3A_1301] {strides = array<i32>} : memref<128x128xf32, #tpu.memory_space<vmem>>, vector<16xf32>,
        %max3A_1303 = arith.maximumf %max3A_1297, %get3A_1302 : vector<16xf32>
        %get3A_1304 = arith.index_cast %scan3A_120 : i32 to index
        %get3A_1305 = arith.constant 80 : index
        %get3A_1306 = tpu.vector_load %arg10[%get3A_1304, %get3A_1305] {strides = array<i32>} : memref<4x128xf32, #tpu.memory_space<vmem>>, vector<16xf32>,
        %add3A_1307 = arith.addf %max3A_1303, %get3A_1306 : vector<16xf32>
        %max3A_1308 = arith.constant 0.000000e+00 : f32
        %max3A_1309 = vector.broadcast %max3A_1308 : f32 to vector<16xf32>
        %max3A_1310 = arith.maximumf %add3A_1307, %max3A_1309 : vector<16xf32>
        %swap3A_1311 = arith.index_cast %scan3A_120 : i32 to index
        %swap3A_1312 = arith.constant 80 : index
        %swap3A_1313 = tpu.vector_load %arg12[%swap3A_1311, %swap3A_1312] {strides = array<i32>} : memref<4x128xf32, #tpu.memory_space<vmem>>, vector<16xf32>,
        tpu.vector_store %arg12[%swap3A_1311, %swap3A_1312], %max3A_1310 {strides = array<i32>} : memref<4x128xf32, #tpu.memory_space<vmem>>, vector<16xf32>,
        %get3A_1314 = arith.index_cast %mul3A_122 : i32 to index
        %get3A_1315 = arith.constant 96 : index
        %get3A_1316 = tpu.vector_load %arg8[%get3A_1314, %get3A_1315] {strides = array<i32>} : memref<128x128xf32, #tpu.memory_space<vmem>>, vector<16xf32>,
        %add3A_1317 = arith.constant 1 : i32
        %add3A_1318 = arith.addi %mul3A_122, %add3A_1317 : i32
        %get3A_1319 = arith.index_cast %add3A_1318 : i32 to index
        %get3A_1320 = arith.constant 96 : index
        %get3A_1321 = tpu.vector_load %arg8[%get3A_1319, %get3A_1320] {strides = array<i32>} : memref<128x128xf32, #tpu.memory_space<vmem>>, vector<16xf32>,
        %max3A_1322 = arith.maximumf %get3A_1316, %get3A_1321 : vector<16xf32>
        %add3A_1323 = arith.constant 2 : i32
        %add3A_1324 = arith.addi %mul3A_122, %add3A_1323 : i32
        %get3A_1325 = arith.index_cast %add3A_1324 : i32 to index
        %get3A_1326 = arith.constant 96 : index
        %get3A_1327 = tpu.vector_load %arg8[%get3A_1325, %get3A_1326] {strides = array<i32>} : memref<128x128xf32, #tpu.memory_space<vmem>>, vector<16xf32>,
        %max3A_1328 = arith.maximumf %max3A_1322, %get3A_1327 : vector<16xf32>
        %add3A_1329 = arith.constant 3 : i32
        %add3A_1330 = arith.addi %mul3A_122, %add3A_1329 : i32
        %get3A_1331 = arith.index_cast %add3A_1330 : i32 to index
        %get3A_1332 = arith.constant 96 : index
        %get3A_1333 = tpu.vector_load %arg8[%get3A_1331, %get3A_1332] {strides = array<i32>} : memref<128x128xf32, #tpu.memory_space<vmem>>, vector<16xf32>,
        %max3A_1334 = arith.maximumf %max3A_1328, %get3A_1333 : vector<16xf32>
        %add3A_1335 = arith.constant 4 : i32
        %add3A_1336 = arith.addi %mul3A_122, %add3A_1335 : i32
        %get3A_1337 = arith.index_cast %add3A_1336 : i32 to index
        %get3A_1338 = arith.constant 96 : index
        %get3A_1339 = tpu.vector_load %arg8[%get3A_1337, %get3A_1338] {strides = array<i32>} : memref<128x128xf32, #tpu.memory_space<vmem>>, vector<16xf32>,
        %max3A_1340 = arith.maximumf %max3A_1334, %get3A_1339 : vector<16xf32>
        %add3A_1341 = arith.constant 5 : i32
        %add3A_1342 = arith.addi %mul3A_122, %add3A_1341 : i32
        %get3A_1343 = arith.index_cast %add3A_1342 : i32 to index
        %get3A_1344 = arith.constant 96 : index
        %get3A_1345 = tpu.vector_load %arg8[%get3A_1343, %get3A_1344] {strides = array<i32>} : memref<128x128xf32, #tpu.memory_space<vmem>>, vector<16xf32>,
        %max3A_1346 = arith.maximumf %max3A_1340, %get3A_1345 : vector<16xf32>
        %add3A_1347 = arith.constant 6 : i32
        %add3A_1348 = arith.addi %mul3A_122, %add3A_1347 : i32
        %get3A_1349 = arith.index_cast %add3A_1348 : i32 to index
        %get3A_1350 = arith.constant 96 : index
        %get3A_1351 = tpu.vector_load %arg8[%get3A_1349, %get3A_1350] {strides = array<i32>} : memref<128x128xf32, #tpu.memory_space<vmem>>, vector<16xf32>,
        %max3A_1352 = arith.maximumf %max3A_1346, %get3A_1351 : vector<16xf32>
        %add3A_1353 = arith.constant 7 : i32
        %add3A_1354 = arith.addi %mul3A_122, %add3A_1353 : i32
        %get3A_1355 = arith.index_cast %add3A_1354 : i32 to index
        %get3A_1356 = arith.constant 96 : index
        %get3A_1357 = tpu.vector_load %arg8[%get3A_1355, %get3A_1356] {strides = array<i32>} : memref<128x128xf32, #tpu.memory_space<vmem>>, vector<16xf32>,
        %max3A_1358 = arith.maximumf %max3A_1352, %get3A_1357 : vector<16xf32>
        %add3A_1359 = arith.constant 8 : i32
        %add3A_1360 = arith.addi %mul3A_122, %add3A_1359 : i32
        %get3A_1361 = arith.index_cast %add3A_1360 : i32 to index
        %get3A_1362 = arith.constant 96 : index
        %get3A_1363 = tpu.vector_load %arg8[%get3A_1361, %get3A_1362] {strides = array<i32>} : memref<128x128xf32, #tpu.memory_space<vmem>>, vector<16xf32>,
        %max3A_1364 = arith.maximumf %max3A_1358, %get3A_1363 : vector<16xf32>
        %add3A_1365 = arith.constant 9 : i32
        %add3A_1366 = arith.addi %mul3A_122, %add3A_1365 : i32
        %get3A_1367 = arith.index_cast %add3A_1366 : i32 to index
        %get3A_1368 = arith.constant 96 : index
        %get3A_1369 = tpu.vector_load %arg8[%get3A_1367, %get3A_1368] {strides = array<i32>} : memref<128x128xf32, #tpu.memory_space<vmem>>, vector<16xf32>,
        %max3A_1370 = arith.maximumf %max3A_1364, %get3A_1369 : vector<16xf32>
        %add3A_1371 = arith.constant 10 : i32
        %add3A_1372 = arith.addi %mul3A_122, %add3A_1371 : i32
        %get3A_1373 = arith.index_cast %add3A_1372 : i32 to index
        %get3A_1374 = arith.constant 96 : index
        %get3A_1375 = tpu.vector_load %arg8[%get3A_1373, %get3A_1374] {strides = array<i32>} : memref<128x128xf32, #tpu.memory_space<vmem>>, vector<16xf32>,
        %max3A_1376 = arith.maximumf %max3A_1370, %get3A_1375 : vector<16xf32>
        %add3A_1377 = arith.constant 11 : i32
        %add3A_1378 = arith.addi %mul3A_122, %add3A_1377 : i32
        %get3A_1379 = arith.index_cast %add3A_1378 : i32 to index
        %get3A_1380 = arith.constant 96 : index
        %get3A_1381 = tpu.vector_load %arg8[%get3A_1379, %get3A_1380] {strides = array<i32>} : memref<128x128xf32, #tpu.memory_space<vmem>>, vector<16xf32>,
        %max3A_1382 = arith.maximumf %max3A_1376, %get3A_1381 : vector<16xf32>
        %add3A_1383 = arith.constant 12 : i32
        %add3A_1384 = arith.addi %mul3A_122, %add3A_1383 : i32
        %get3A_1385 = arith.index_cast %add3A_1384 : i32 to index
        %get3A_1386 = arith.constant 96 : index
        %get3A_1387 = tpu.vector_load %arg8[%get3A_1385, %get3A_1386] {strides = array<i32>} : memref<128x128xf32, #tpu.memory_space<vmem>>, vector<16xf32>,
        %max3A_1388 = arith.maximumf %max3A_1382, %get3A_1387 : vector<16xf32>
        %add3A_1389 = arith.constant 13 : i32
        %add3A_1390 = arith.addi %mul3A_122, %add3A_1389 : i32
        %get3A_1391 = arith.index_cast %add3A_1390 : i32 to index
        %get3A_1392 = arith.constant 96 : index
        %get3A_1393 = tpu.vector_load %arg8[%get3A_1391, %get3A_1392] {strides = array<i32>} : memref<128x128xf32, #tpu.memory_space<vmem>>, vector<16xf32>,
        %max3A_1394 = arith.maximumf %max3A_1388, %get3A_1393 : vector<16xf32>
        %add3A_1395 = arith.constant 14 : i32
        %add3A_1396 = arith.addi %mul3A_122, %add3A_1395 : i32
        %get3A_1397 = arith.index_cast %add3A_1396 : i32 to index
        %get3A_1398 = arith.constant 96 : index
        %get3A_1399 = tpu.vector_load %arg8[%get3A_1397, %get3A_1398] {strides = array<i32>} : memref<128x128xf32, #tpu.memory_space<vmem>>, vector<16xf32>,
        %max3A_1400 = arith.maximumf %max3A_1394, %get3A_1399 : vector<16xf32>
        %add3A_1401 = arith.constant 15 : i32
        %add3A_1402 = arith.addi %mul3A_122, %add3A_1401 : i32
        %get3A_1403 = arith.index_cast %add3A_1402 : i32 to index
        %get3A_1404 = arith.constant 96 : index
        %get3A_1405 = tpu.vector_load %arg8[%get3A_1403, %get3A_1404] {strides = array<i32>} : memref<128x128xf32, #tpu.memory_space<vmem>>, vector<16xf32>,
        %max3A_1406 = arith.maximumf %max3A_1400, %get3A_1405 : vector<16xf32>
        %add3A_1407 = arith.constant 16 : i32
        %add3A_1408 = arith.addi %mul3A_122, %add3A_1407 : i32
        %get3A_1409 = arith.index_cast %add3A_1408 : i32 to index
        %get3A_1410 = arith.constant 96 : index
        %get3A_1411 = tpu.vector_load %arg8[%get3A_1409, %get3A_1410] {strides = array<i32>} : memref<128x128xf32, #tpu.memory_space<vmem>>, vector<16xf32>,
        %max3A_1412 = arith.maximumf %max3A_1406, %get3A_1411 : vector<16xf32>
        %add3A_1413 = arith.constant 17 : i32
        %add3A_1414 = arith.addi %mul3A_122, %add3A_1413 : i32
        %get3A_1415 = arith.index_cast %add3A_1414 : i32 to index
        %get3A_1416 = arith.constant 96 : index
        %get3A_1417 = tpu.vector_load %arg8[%get3A_1415, %get3A_1416] {strides = array<i32>} : memref<128x128xf32, #tpu.memory_space<vmem>>, vector<16xf32>,
        %max3A_1418 = arith.maximumf %max3A_1412, %get3A_1417 : vector<16xf32>
        %add3A_1419 = arith.constant 18 : i32
        %add3A_1420 = arith.addi %mul3A_122, %add3A_1419 : i32
        %get3A_1421 = arith.index_cast %add3A_1420 : i32 to index
        %get3A_1422 = arith.constant 96 : index
        %get3A_1423 = tpu.vector_load %arg8[%get3A_1421, %get3A_1422] {strides = array<i32>} : memref<128x128xf32, #tpu.memory_space<vmem>>, vector<16xf32>,
        %max3A_1424 = arith.maximumf %max3A_1418, %get3A_1423 : vector<16xf32>
        %add3A_1425 = arith.constant 19 : i32
        %add3A_1426 = arith.addi %mul3A_122, %add3A_1425 : i32
        %get3A_1427 = arith.index_cast %add3A_1426 : i32 to index
        %get3A_1428 = arith.constant 96 : index
        %get3A_1429 = tpu.vector_load %arg8[%get3A_1427, %get3A_1428] {strides = array<i32>} : memref<128x128xf32, #tpu.memory_space<vmem>>, vector<16xf32>,
        %max3A_1430 = arith.maximumf %max3A_1424, %get3A_1429 : vector<16xf32>
        %add3A_1431 = arith.constant 20 : i32
        %add3A_1432 = arith.addi %mul3A_122, %add3A_1431 : i32
        %get3A_1433 = arith.index_cast %add3A_1432 : i32 to index
        %get3A_1434 = arith.constant 96 : index
        %get3A_1435 = tpu.vector_load %arg8[%get3A_1433, %get3A_1434] {strides = array<i32>} : memref<128x128xf32, #tpu.memory_space<vmem>>, vector<16xf32>,
        %max3A_1436 = arith.maximumf %max3A_1430, %get3A_1435 : vector<16xf32>
        %add3A_1437 = arith.constant 21 : i32
        %add3A_1438 = arith.addi %mul3A_122, %add3A_1437 : i32
        %get3A_1439 = arith.index_cast %add3A_1438 : i32 to index
        %get3A_1440 = arith.constant 96 : index
        %get3A_1441 = tpu.vector_load %arg8[%get3A_1439, %get3A_1440] {strides = array<i32>} : memref<128x128xf32, #tpu.memory_space<vmem>>, vector<16xf32>,
        %max3A_1442 = arith.maximumf %max3A_1436, %get3A_1441 : vector<16xf32>
        %add3A_1443 = arith.constant 22 : i32
        %add3A_1444 = arith.addi %mul3A_122, %add3A_1443 : i32
        %get3A_1445 = arith.index_cast %add3A_1444 : i32 to index
        %get3A_1446 = arith.constant 96 : index
        %get3A_1447 = tpu.vector_load %arg8[%get3A_1445, %get3A_1446] {strides = array<i32>} : memref<128x128xf32, #tpu.memory_space<vmem>>, vector<16xf32>,
        %max3A_1448 = arith.maximumf %max3A_1442, %get3A_1447 : vector<16xf32>
        %add3A_1449 = arith.constant 23 : i32
        %add3A_1450 = arith.addi %mul3A_122, %add3A_1449 : i32
        %get3A_1451 = arith.index_cast %add3A_1450 : i32 to index
        %get3A_1452 = arith.constant 96 : index
        %get3A_1453 = tpu.vector_load %arg8[%get3A_1451, %get3A_1452] {strides = array<i32>} : memref<128x128xf32, #tpu.memory_space<vmem>>, vector<16xf32>,
        %max3A_1454 = arith.maximumf %max3A_1448, %get3A_1453 : vector<16xf32>
        %add3A_1455 = arith.constant 24 : i32
        %add3A_1456 = arith.addi %mul3A_122, %add3A_1455 : i32
        %get3A_1457 = arith.index_cast %add3A_1456 : i32 to index
        %get3A_1458 = arith.constant 96 : index
        %get3A_1459 = tpu.vector_load %arg8[%get3A_1457, %get3A_1458] {strides = array<i32>} : memref<128x128xf32, #tpu.memory_space<vmem>>, vector<16xf32>,
        %max3A_1460 = arith.maximumf %max3A_1454, %get3A_1459 : vector<16xf32>
        %add3A_1461 = arith.constant 25 : i32
        %add3A_1462 = arith.addi %mul3A_122, %add3A_1461 : i32
        %get3A_1463 = arith.index_cast %add3A_1462 : i32 to index
        %get3A_1464 = arith.constant 96 : index
        %get3A_1465 = tpu.vector_load %arg8[%get3A_1463, %get3A_1464] {strides = array<i32>} : memref<128x128xf32, #tpu.memory_space<vmem>>, vector<16xf32>,
        %max3A_1466 = arith.maximumf %max3A_1460, %get3A_1465 : vector<16xf32>
        %add3A_1467 = arith.constant 26 : i32
        %add3A_1468 = arith.addi %mul3A_122, %add3A_1467 : i32
        %get3A_1469 = arith.index_cast %add3A_1468 : i32 to index
        %get3A_1470 = arith.constant 96 : index
        %get3A_1471 = tpu.vector_load %arg8[%get3A_1469, %get3A_1470] {strides = array<i32>} : memref<128x128xf32, #tpu.memory_space<vmem>>, vector<16xf32>,
        %max3A_1472 = arith.maximumf %max3A_1466, %get3A_1471 : vector<16xf32>
        %add3A_1473 = arith.constant 27 : i32
        %add3A_1474 = arith.addi %mul3A_122, %add3A_1473 : i32
        %get3A_1475 = arith.index_cast %add3A_1474 : i32 to index
        %get3A_1476 = arith.constant 96 : index
        %get3A_1477 = tpu.vector_load %arg8[%get3A_1475, %get3A_1476] {strides = array<i32>} : memref<128x128xf32, #tpu.memory_space<vmem>>, vector<16xf32>,
        %max3A_1478 = arith.maximumf %max3A_1472, %get3A_1477 : vector<16xf32>
        %add3A_1479 = arith.constant 28 : i32
        %add3A_1480 = arith.addi %mul3A_122, %add3A_1479 : i32
        %get3A_1481 = arith.index_cast %add3A_1480 : i32 to index
        %get3A_1482 = arith.constant 96 : index
        %get3A_1483 = tpu.vector_load %arg8[%get3A_1481, %get3A_1482] {strides = array<i32>} : memref<128x128xf32, #tpu.memory_space<vmem>>, vector<16xf32>,
        %max3A_1484 = arith.maximumf %max3A_1478, %get3A_1483 : vector<16xf32>
        %add3A_1485 = arith.constant 29 : i32
        %add3A_1486 = arith.addi %mul3A_122, %add3A_1485 : i32
        %get3A_1487 = arith.index_cast %add3A_1486 : i32 to index
        %get3A_1488 = arith.constant 96 : index
        %get3A_1489 = tpu.vector_load %arg8[%get3A_1487, %get3A_1488] {strides = array<i32>} : memref<128x128xf32, #tpu.memory_space<vmem>>, vector<16xf32>,
        %max3A_1490 = arith.maximumf %max3A_1484, %get3A_1489 : vector<16xf32>
        %add3A_1491 = arith.constant 30 : i32
        %add3A_1492 = arith.addi %mul3A_122, %add3A_1491 : i32
        %get3A_1493 = arith.index_cast %add3A_1492 : i32 to index
        %get3A_1494 = arith.constant 96 : index
        %get3A_1495 = tpu.vector_load %arg8[%get3A_1493, %get3A_1494] {strides = array<i32>} : memref<128x128xf32, #tpu.memory_space<vmem>>, vector<16xf32>,
        %max3A_1496 = arith.maximumf %max3A_1490, %get3A_1495 : vector<16xf32>
        %add3A_1497 = arith.constant 31 : i32
        %add3A_1498 = arith.addi %mul3A_122, %add3A_1497 : i32
        %get3A_1499 = arith.index_cast %add3A_1498 : i32 to index
        %get3A_1500 = arith.constant 96 : index
        %get3A_1501 = tpu.vector_load %arg8[%get3A_1499, %get3A_1500] {strides = array<i32>} : memref<128x128xf32, #tpu.memory_space<vmem>>, vector<16xf32>,
        %max3A_1502 = arith.maximumf %max3A_1496, %get3A_1501 : vector<16xf32>
        %get3A_1503 = arith.index_cast %scan3A_120 : i32 to index
        %get3A_1504 = arith.constant 96 : index
        %get3A_1505 = tpu.vector_load %arg10[%get3A_1503, %get3A_1504] {strides = array<i32>} : memref<4x128xf32, #tpu.memory_space<vmem>>, vector<16xf32>,
        %add3A_1506 = arith.addf %max3A_1502, %get3A_1505 : vector<16xf32>
        %max3A_1507 = arith.constant 0.000000e+00 : f32
        %max3A_1508 = vector.broadcast %max3A_1507 : f32 to vector<16xf32>
        %max3A_1509 = arith.maximumf %add3A_1506, %max3A_1508 : vector<16xf32>
        %swap3A_1510 = arith.index_cast %scan3A_120 : i32 to index
        %swap3A_1511 = arith.constant 96 : index
        %swap3A_1512 = tpu.vector_load %arg12[%swap3A_1510, %swap3A_1511] {strides = array<i32>} : memref<4x128xf32, #tpu.memory_space<vmem>>, vector<16xf32>,
        tpu.vector_store %arg12[%swap3A_1510, %swap3A_1511], %max3A_1509 {strides = array<i32>} : memref<4x128xf32, #tpu.memory_space<vmem>>, vector<16xf32>,
        %get3A_1513 = arith.index_cast %mul3A_122 : i32 to index
        %get3A_1514 = arith.constant 112 : index
        %get3A_1515 = tpu.vector_load %arg8[%get3A_1513, %get3A_1514] {strides = array<i32>} : memref<128x128xf32, #tpu.memory_space<vmem>>, vector<16xf32>,
        %add3A_1516 = arith.constant 1 : i32
        %add3A_1517 = arith.addi %mul3A_122, %add3A_1516 : i32
        %get3A_1518 = arith.index_cast %add3A_1517 : i32 to index
        %get3A_1519 = arith.constant 112 : index
        %get3A_1520 = tpu.vector_load %arg8[%get3A_1518, %get3A_1519] {strides = array<i32>} : memref<128x128xf32, #tpu.memory_space<vmem>>, vector<16xf32>,
        %max3A_1521 = arith.maximumf %get3A_1515, %get3A_1520 : vector<16xf32>
        %add3A_1522 = arith.constant 2 : i32
        %add3A_1523 = arith.addi %mul3A_122, %add3A_1522 : i32
        %get3A_1524 = arith.index_cast %add3A_1523 : i32 to index
        %get3A_1525 = arith.constant 112 : index
        %get3A_1526 = tpu.vector_load %arg8[%get3A_1524, %get3A_1525] {strides = array<i32>} : memref<128x128xf32, #tpu.memory_space<vmem>>, vector<16xf32>,
        %max3A_1527 = arith.maximumf %max3A_1521, %get3A_1526 : vector<16xf32>
        %add3A_1528 = arith.constant 3 : i32
        %add3A_1529 = arith.addi %mul3A_122, %add3A_1528 : i32
        %get3A_1530 = arith.index_cast %add3A_1529 : i32 to index
        %get3A_1531 = arith.constant 112 : index
        %get3A_1532 = tpu.vector_load %arg8[%get3A_1530, %get3A_1531] {strides = array<i32>} : memref<128x128xf32, #tpu.memory_space<vmem>>, vector<16xf32>,
        %max3A_1533 = arith.maximumf %max3A_1527, %get3A_1532 : vector<16xf32>
        %add3A_1534 = arith.constant 4 : i32
        %add3A_1535 = arith.addi %mul3A_122, %add3A_1534 : i32
        %get3A_1536 = arith.index_cast %add3A_1535 : i32 to index
        %get3A_1537 = arith.constant 112 : index
        %get3A_1538 = tpu.vector_load %arg8[%get3A_1536, %get3A_1537] {strides = array<i32>} : memref<128x128xf32, #tpu.memory_space<vmem>>, vector<16xf32>,
        %max3A_1539 = arith.maximumf %max3A_1533, %get3A_1538 : vector<16xf32>
        %add3A_1540 = arith.constant 5 : i32
        %add3A_1541 = arith.addi %mul3A_122, %add3A_1540 : i32
        %get3A_1542 = arith.index_cast %add3A_1541 : i32 to index
        %get3A_1543 = arith.constant 112 : index
        %get3A_1544 = tpu.vector_load %arg8[%get3A_1542, %get3A_1543] {strides = array<i32>} : memref<128x128xf32, #tpu.memory_space<vmem>>, vector<16xf32>,
        %max3A_1545 = arith.maximumf %max3A_1539, %get3A_1544 : vector<16xf32>
        %add3A_1546 = arith.constant 6 : i32
        %add3A_1547 = arith.addi %mul3A_122, %add3A_1546 : i32
        %get3A_1548 = arith.index_cast %add3A_1547 : i32 to index
        %get3A_1549 = arith.constant 112 : index
        %get3A_1550 = tpu.vector_load %arg8[%get3A_1548, %get3A_1549] {strides = array<i32>} : memref<128x128xf32, #tpu.memory_space<vmem>>, vector<16xf32>,
        %max3A_1551 = arith.maximumf %max3A_1545, %get3A_1550 : vector<16xf32>
        %add3A_1552 = arith.constant 7 : i32
        %add3A_1553 = arith.addi %mul3A_122, %add3A_1552 : i32
        %get3A_1554 = arith.index_cast %add3A_1553 : i32 to index
        %get3A_1555 = arith.constant 112 : index
        %get3A_1556 = tpu.vector_load %arg8[%get3A_1554, %get3A_1555] {strides = array<i32>} : memref<128x128xf32, #tpu.memory_space<vmem>>, vector<16xf32>,
        %max3A_1557 = arith.maximumf %max3A_1551, %get3A_1556 : vector<16xf32>
        %add3A_1558 = arith.constant 8 : i32
        %add3A_1559 = arith.addi %mul3A_122, %add3A_1558 : i32
        %get3A_1560 = arith.index_cast %add3A_1559 : i32 to index
        %get3A_1561 = arith.constant 112 : index
        %get3A_1562 = tpu.vector_load %arg8[%get3A_1560, %get3A_1561] {strides = array<i32>} : memref<128x128xf32, #tpu.memory_space<vmem>>, vector<16xf32>,
        %max3A_1563 = arith.maximumf %max3A_1557, %get3A_1562 : vector<16xf32>
        %add3A_1564 = arith.constant 9 : i32
        %add3A_1565 = arith.addi %mul3A_122, %add3A_1564 : i32
        %get3A_1566 = arith.index_cast %add3A_1565 : i32 to index
        %get3A_1567 = arith.constant 112 : index
        %get3A_1568 = tpu.vector_load %arg8[%get3A_1566, %get3A_1567] {strides = array<i32>} : memref<128x128xf32, #tpu.memory_space<vmem>>, vector<16xf32>,
        %max3A_1569 = arith.maximumf %max3A_1563, %get3A_1568 : vector<16xf32>
        %add3A_1570 = arith.constant 10 : i32
        %add3A_1571 = arith.addi %mul3A_122, %add3A_1570 : i32
        %get3A_1572 = arith.index_cast %add3A_1571 : i32 to index
        %get3A_1573 = arith.constant 112 : index
        %get3A_1574 = tpu.vector_load %arg8[%get3A_1572, %get3A_1573] {strides = array<i32>} : memref<128x128xf32, #tpu.memory_space<vmem>>, vector<16xf32>,
        %max3A_1575 = arith.maximumf %max3A_1569, %get3A_1574 : vector<16xf32>
        %add3A_1576 = arith.constant 11 : i32
        %add3A_1577 = arith.addi %mul3A_122, %add3A_1576 : i32
        %get3A_1578 = arith.index_cast %add3A_1577 : i32 to index
        %get3A_1579 = arith.constant 112 : index
        %get3A_1580 = tpu.vector_load %arg8[%get3A_1578, %get3A_1579] {strides = array<i32>} : memref<128x128xf32, #tpu.memory_space<vmem>>, vector<16xf32>,
        %max3A_1581 = arith.maximumf %max3A_1575, %get3A_1580 : vector<16xf32>
        %add3A_1582 = arith.constant 12 : i32
        %add3A_1583 = arith.addi %mul3A_122, %add3A_1582 : i32
        %get3A_1584 = arith.index_cast %add3A_1583 : i32 to index
        %get3A_1585 = arith.constant 112 : index
        %get3A_1586 = tpu.vector_load %arg8[%get3A_1584, %get3A_1585] {strides = array<i32>} : memref<128x128xf32, #tpu.memory_space<vmem>>, vector<16xf32>,
        %max3A_1587 = arith.maximumf %max3A_1581, %get3A_1586 : vector<16xf32>
        %add3A_1588 = arith.constant 13 : i32
        %add3A_1589 = arith.addi %mul3A_122, %add3A_1588 : i32
        %get3A_1590 = arith.index_cast %add3A_1589 : i32 to index
        %get3A_1591 = arith.constant 112 : index
        %get3A_1592 = tpu.vector_load %arg8[%get3A_1590, %get3A_1591] {strides = array<i32>} : memref<128x128xf32, #tpu.memory_space<vmem>>, vector<16xf32>,
        %max3A_1593 = arith.maximumf %max3A_1587, %get3A_1592 : vector<16xf32>
        %add3A_1594 = arith.constant 14 : i32
        %add3A_1595 = arith.addi %mul3A_122, %add3A_1594 : i32
        %get3A_1596 = arith.index_cast %add3A_1595 : i32 to index
        %get3A_1597 = arith.constant 112 : index
        %get3A_1598 = tpu.vector_load %arg8[%get3A_1596, %get3A_1597] {strides = array<i32>} : memref<128x128xf32, #tpu.memory_space<vmem>>, vector<16xf32>,
        %max3A_1599 = arith.maximumf %max3A_1593, %get3A_1598 : vector<16xf32>
        %add3A_1600 = arith.constant 15 : i32
        %add3A_1601 = arith.addi %mul3A_122, %add3A_1600 : i32
        %get3A_1602 = arith.index_cast %add3A_1601 : i32 to index
        %get3A_1603 = arith.constant 112 : index
        %get3A_1604 = tpu.vector_load %arg8[%get3A_1602, %get3A_1603] {strides = array<i32>} : memref<128x128xf32, #tpu.memory_space<vmem>>, vector<16xf32>,
        %max3A_1605 = arith.maximumf %max3A_1599, %get3A_1604 : vector<16xf32>
        %add3A_1606 = arith.constant 16 : i32
        %add3A_1607 = arith.addi %mul3A_122, %add3A_1606 : i32
        %get3A_1608 = arith.index_cast %add3A_1607 : i32 to index
        %get3A_1609 = arith.constant 112 : index
        %get3A_1610 = tpu.vector_load %arg8[%get3A_1608, %get3A_1609] {strides = array<i32>} : memref<128x128xf32, #tpu.memory_space<vmem>>, vector<16xf32>,
        %max3A_1611 = arith.maximumf %max3A_1605, %get3A_1610 : vector<16xf32>
        %add3A_1612 = arith.constant 17 : i32
        %add3A_1613 = arith.addi %mul3A_122, %add3A_1612 : i32
        %get3A_1614 = arith.index_cast %add3A_1613 : i32 to index
        %get3A_1615 = arith.constant 112 : index
        %get3A_1616 = tpu.vector_load %arg8[%get3A_1614, %get3A_1615] {strides = array<i32>} : memref<128x128xf32, #tpu.memory_space<vmem>>, vector<16xf32>,
        %max3A_1617 = arith.maximumf %max3A_1611, %get3A_1616 : vector<16xf32>
        %add3A_1618 = arith.constant 18 : i32
        %add3A_1619 = arith.addi %mul3A_122, %add3A_1618 : i32
        %get3A_1620 = arith.index_cast %add3A_1619 : i32 to index
        %get3A_1621 = arith.constant 112 : index
        %get3A_1622 = tpu.vector_load %arg8[%get3A_1620, %get3A_1621] {strides = array<i32>} : memref<128x128xf32, #tpu.memory_space<vmem>>, vector<16xf32>,
        %max3A_1623 = arith.maximumf %max3A_1617, %get3A_1622 : vector<16xf32>
        %add3A_1624 = arith.constant 19 : i32
        %add3A_1625 = arith.addi %mul3A_122, %add3A_1624 : i32
        %get3A_1626 = arith.index_cast %add3A_1625 : i32 to index
        %get3A_1627 = arith.constant 112 : index
        %get3A_1628 = tpu.vector_load %arg8[%get3A_1626, %get3A_1627] {strides = array<i32>} : memref<128x128xf32, #tpu.memory_space<vmem>>, vector<16xf32>,
        %max3A_1629 = arith.maximumf %max3A_1623, %get3A_1628 : vector<16xf32>
        %add3A_1630 = arith.constant 20 : i32
        %add3A_1631 = arith.addi %mul3A_122, %add3A_1630 : i32
        %get3A_1632 = arith.index_cast %add3A_1631 : i32 to index
        %get3A_1633 = arith.constant 112 : index
        %get3A_1634 = tpu.vector_load %arg8[%get3A_1632, %get3A_1633] {strides = array<i32>} : memref<128x128xf32, #tpu.memory_space<vmem>>, vector<16xf32>,
        %max3A_1635 = arith.maximumf %max3A_1629, %get3A_1634 : vector<16xf32>
        %add3A_1636 = arith.constant 21 : i32
        %add3A_1637 = arith.addi %mul3A_122, %add3A_1636 : i32
        %get3A_1638 = arith.index_cast %add3A_1637 : i32 to index
        %get3A_1639 = arith.constant 112 : index
        %get3A_1640 = tpu.vector_load %arg8[%get3A_1638, %get3A_1639] {strides = array<i32>} : memref<128x128xf32, #tpu.memory_space<vmem>>, vector<16xf32>,
        %max3A_1641 = arith.maximumf %max3A_1635, %get3A_1640 : vector<16xf32>
        %add3A_1642 = arith.constant 22 : i32
        %add3A_1643 = arith.addi %mul3A_122, %add3A_1642 : i32
        %get3A_1644 = arith.index_cast %add3A_1643 : i32 to index
        %get3A_1645 = arith.constant 112 : index
        %get3A_1646 = tpu.vector_load %arg8[%get3A_1644, %get3A_1645] {strides = array<i32>} : memref<128x128xf32, #tpu.memory_space<vmem>>, vector<16xf32>,
        %max3A_1647 = arith.maximumf %max3A_1641, %get3A_1646 : vector<16xf32>
        %add3A_1648 = arith.constant 23 : i32
        %add3A_1649 = arith.addi %mul3A_122, %add3A_1648 : i32
        %get3A_1650 = arith.index_cast %add3A_1649 : i32 to index
        %get3A_1651 = arith.constant 112 : index
        %get3A_1652 = tpu.vector_load %arg8[%get3A_1650, %get3A_1651] {strides = array<i32>} : memref<128x128xf32, #tpu.memory_space<vmem>>, vector<16xf32>,
        %max3A_1653 = arith.maximumf %max3A_1647, %get3A_1652 : vector<16xf32>
        %add3A_1654 = arith.constant 24 : i32
        %add3A_1655 = arith.addi %mul3A_122, %add3A_1654 : i32
        %get3A_1656 = arith.index_cast %add3A_1655 : i32 to index
        %get3A_1657 = arith.constant 112 : index
        %get3A_1658 = tpu.vector_load %arg8[%get3A_1656, %get3A_1657] {strides = array<i32>} : memref<128x128xf32, #tpu.memory_space<vmem>>, vector<16xf32>,
        %max3A_1659 = arith.maximumf %max3A_1653, %get3A_1658 : vector<16xf32>
        %add3A_1660 = arith.constant 25 : i32
        %add3A_1661 = arith.addi %mul3A_122, %add3A_1660 : i32
        %get3A_1662 = arith.index_cast %add3A_1661 : i32 to index
        %get3A_1663 = arith.constant 112 : index
        %get3A_1664 = tpu.vector_load %arg8[%get3A_1662, %get3A_1663] {strides = array<i32>} : memref<128x128xf32, #tpu.memory_space<vmem>>, vector<16xf32>,
        %max3A_1665 = arith.maximumf %max3A_1659, %get3A_1664 : vector<16xf32>
        %add3A_1666 = arith.constant 26 : i32
        %add3A_1667 = arith.addi %mul3A_122, %add3A_1666 : i32
        %get3A_1668 = arith.index_cast %add3A_1667 : i32 to index
        %get3A_1669 = arith.constant 112 : index
        %get3A_1670 = tpu.vector_load %arg8[%get3A_1668, %get3A_1669] {strides = array<i32>} : memref<128x128xf32, #tpu.memory_space<vmem>>, vector<16xf32>,
        %max3A_1671 = arith.maximumf %max3A_1665, %get3A_1670 : vector<16xf32>
        %add3A_1672 = arith.constant 27 : i32
        %add3A_1673 = arith.addi %mul3A_122, %add3A_1672 : i32
        %get3A_1674 = arith.index_cast %add3A_1673 : i32 to index
        %get3A_1675 = arith.constant 112 : index
        %get3A_1676 = tpu.vector_load %arg8[%get3A_1674, %get3A_1675] {strides = array<i32>} : memref<128x128xf32, #tpu.memory_space<vmem>>, vector<16xf32>,
        %max3A_1677 = arith.maximumf %max3A_1671, %get3A_1676 : vector<16xf32>
        %add3A_1678 = arith.constant 28 : i32
        %add3A_1679 = arith.addi %mul3A_122, %add3A_1678 : i32
        %get3A_1680 = arith.index_cast %add3A_1679 : i32 to index
        %get3A_1681 = arith.constant 112 : index
        %get3A_1682 = tpu.vector_load %arg8[%get3A_1680, %get3A_1681] {strides = array<i32>} : memref<128x128xf32, #tpu.memory_space<vmem>>, vector<16xf32>,
        %max3A_1683 = arith.maximumf %max3A_1677, %get3A_1682 : vector<16xf32>
        %add3A_1684 = arith.constant 29 : i32
        %add3A_1685 = arith.addi %mul3A_122, %add3A_1684 : i32
        %get3A_1686 = arith.index_cast %add3A_1685 : i32 to index
        %get3A_1687 = arith.constant 112 : index
        %get3A_1688 = tpu.vector_load %arg8[%get3A_1686, %get3A_1687] {strides = array<i32>} : memref<128x128xf32, #tpu.memory_space<vmem>>, vector<16xf32>,
        %max3A_1689 = arith.maximumf %max3A_1683, %get3A_1688 : vector<16xf32>
        %add3A_1690 = arith.constant 30 : i32
        %add3A_1691 = arith.addi %mul3A_122, %add3A_1690 : i32
        %get3A_1692 = arith.index_cast %add3A_1691 : i32 to index
        %get3A_1693 = arith.constant 112 : index
        %get3A_1694 = tpu.vector_load %arg8[%get3A_1692, %get3A_1693] {strides = array<i32>} : memref<128x128xf32, #tpu.memory_space<vmem>>, vector<16xf32>,
        %max3A_1695 = arith.maximumf %max3A_1689, %get3A_1694 : vector<16xf32>
        %add3A_1696 = arith.constant 31 : i32
        %add3A_1697 = arith.addi %mul3A_122, %add3A_1696 : i32
        %get3A_1698 = arith.index_cast %add3A_1697 : i32 to index
        %get3A_1699 = arith.constant 112 : index
        %get3A_1700 = tpu.vector_load %arg8[%get3A_1698, %get3A_1699] {strides = array<i32>} : memref<128x128xf32, #tpu.memory_space<vmem>>, vector<16xf32>,
        %max3A_1701 = arith.maximumf %max3A_1695, %get3A_1700 : vector<16xf32>
        %get3A_1702 = arith.index_cast %scan3A_120 : i32 to index
        %get3A_1703 = arith.constant 112 : index
        %get3A_1704 = tpu.vector_load %arg10[%get3A_1702, %get3A_1703] {strides = array<i32>} : memref<4x128xf32, #tpu.memory_space<vmem>>, vector<16xf32>,
        %add3A_1705 = arith.addf %max3A_1701, %get3A_1704 : vector<16xf32>
        %max3A_1706 = arith.constant 0.000000e+00 : f32
        %max3A_1707 = vector.broadcast %max3A_1706 : f32 to vector<16xf32>
        %max3A_1708 = arith.maximumf %add3A_1705, %max3A_1707 : vector<16xf32>
        %swap3A_1709 = arith.index_cast %scan3A_120 : i32 to index
        %swap3A_1710 = arith.constant 112 : index
        %swap3A_1711 = tpu.vector_load %arg12[%swap3A_1709, %swap3A_1710] {strides = array<i32>} : memref<4x128xf32, #tpu.memory_space<vmem>>, vector<16xf32>,
        tpu.vector_store %arg12[%swap3A_1709, %swap3A_1710], %max3A_1708 {strides = array<i32>} : memref<4x128xf32, #tpu.memory_space<vmem>>, vector<16xf32>,
      }
      %scan3A_66 = arith.constant 4 : i32
      %mul3A_67 = arith.constant 4 : i32
      %mul3A_68 = arith.muli %mul3A_45, %mul3A_67 : i32
      %add3A_69 = arith.addi %min3A_3, %mul3A_68 : i32
      %dma_start3A_70 = arith.constant 0 : i32
      %dma_start3A_71 = tpu.memref_slice %arg5[%add3A_69, %dma_start3A_70] : memref<10000x128xf32, #tpu.memory_space<hbm>> -> memref<4x128xf32, #tpu.memory_space<hbm>>
      %dma_start3A_72 = arith.constant 0 : i32
      %dma_start3A_73 = tpu.memref_slice %arg5[%add3A_69, %dma_start3A_72] : memref<10000x128xf32, #tpu.memory_space<hbm>> -> memref<4x128xf32, #tpu.memory_space<hbm>>
      tpu.enqueue_dma source(%arg12 : memref<4x128xf32, #tpu.memory_space<vmem>>) target(%dma_start3A_73 : memref<4x128xf32, #tpu.memory_space<hbm>>) target_semaphore(%arg18 : memref<!tpu.dma_semaphore, #tpu.memory_space<semaphore_mem>>)
      %add3A_74 = arith.constant 2 : i32
      %add3A_75 = arith.addi %mul3A_45, %add3A_74 : i32
      %lt3A = arith.constant 80 : i32
      %lt3A_76 = arith.cmpi slt, %add3A_75, %lt3A : i32
      %convert_element_type3A_77 = arith.extui %lt3A_76 : i1 to i32
      %cond3A_78 = arith.constant 0 : i32
      %cond3A_79 = arith.cmpi ne, %convert_element_type3A_77, %cond3A_78 : i32
      scf.if %cond3A_79 {
        %add3A_120 = arith.constant 2 : i32
        %add3A_121 = arith.addi %mul3A_45, %add3A_120 : i32
        %mul3A_122 = arith.constant 128 : i32
        %mul3A_123 = arith.muli %add3A_121, %mul3A_122 : i32
        %dma_start3A_124 = tpu.memref_slice %arg7[%mul3A_123] : memref<10240xi32, #tpu.memory_space<vmem>> -> memref<128xi32, #tpu.memory_space<vmem>>
        %dma_start3A_125 = arith.constant 0 : i32
        %dma_start3A_126 = arith.constant 0 : i32
        %dma_start3A_127 = tpu.memref_slice %arg6[%dma_start3A_125, %dma_start3A_126] : memref<10240x128xf32, #tpu.memory_space<vmem_shared>> -> memref<10240x128xf32, #tpu.memory_space<vmem_shared>>
        tpu.enqueue_indirect_dma source(%dma_start3A_127 : memref<10240x128xf32, #tpu.memory_space<vmem_shared>>) target(%arg8 : memref<128x128xf32, #tpu.memory_space<vmem>>) offsets(%dma_start3A_124 : memref<128xi32, #tpu.memory_space<vmem>>) semaphore(%arg14 : memref<!tpu.dma_semaphore, #tpu.memory_space<semaphore_mem>>)
        %mul3A_128 = arith.constant 4 : i32
        %mul3A_129 = arith.muli %add3A_121, %mul3A_128 : i32
        %add3A_130 = arith.addi %min3A_3, %mul3A_129 : i32
        %dma_start3A_131 = arith.constant 0 : i32
        %dma_start3A_132 = tpu.memref_slice %arg4[%add3A_130, %dma_start3A_131] : memref<10240x128xf32, #tpu.memory_space<hbm>> -> memref<4x128xf32, #tpu.memory_space<hbm>>
        %dma_start3A_133 = arith.constant 0 : i32
        %dma_start3A_134 = tpu.memref_slice %arg4[%add3A_130, %dma_start3A_133] : memref<10240x128xf32, #tpu.memory_space<hbm>> -> memref<4x128xf32, #tpu.memory_space<hbm>>
        tpu.enqueue_dma source(%dma_start3A_134 : memref<4x128xf32, #tpu.memory_space<hbm>>) target(%arg10 : memref<4x128xf32, #tpu.memory_space<vmem>>) target_semaphore(%arg16 : memref<!tpu.dma_semaphore, #tpu.memory_space<semaphore_mem>>)
      } else {
      }
      %add3A_80 = arith.constant 1 : i32
      %add3A_81 = arith.addi %mul3A_45, %add3A_80 : i32
      %gt3A_82 = arith.constant 0 : i32
      %gt3A_83 = arith.cmpi sgt, %scan3A_43, %gt3A_82 : i32
      %mul3A_84 = arith.constant 128 : i32
      %mul3A_85 = arith.muli %add3A_81, %mul3A_84 : i32
      %dma_wait3A_86 = tpu.memref_slice %arg7[%mul3A_85] : memref<10240xi32, #tpu.memory_space<vmem>> -> memref<128xi32, #tpu.memory_space<vmem>>
      %dma_wait3A_87 = arith.constant 0 : i32
      %dma_wait3A_88 = arith.constant 0 : i32
      %dma_wait3A_89 = tpu.memref_slice %arg6[%dma_wait3A_87, %dma_wait3A_88] : memref<10240x128xf32, #tpu.memory_space<vmem_shared>> -> memref<10240x128xf32, #tpu.memory_space<vmem_shared>>
      tpu.wait_indirect_dma semaphore(%arg15 : memref<!tpu.dma_semaphore, #tpu.memory_space<semaphore_mem>>) src(%dma_wait3A_89 : memref<10240x128xf32, #tpu.memory_space<vmem_shared>>) dst(%arg9 : memref<128x128xf32, #tpu.memory_space<vmem>>)
      %mul3A_90 = arith.constant 4 : i32
      %mul3A_91 = arith.muli %add3A_81, %mul3A_90 : i32
      %add3A_92 = arith.addi %min3A_3, %mul3A_91 : i32
      %dma_wait3A_93 = arith.constant 0 : i32
      %dma_wait3A_94 = tpu.memref_slice %arg4[%add3A_92, %dma_wait3A_93] : memref<10240x128xf32, #tpu.memory_space<hbm>> -> memref<4x128xf32, #tpu.memory_space<hbm>>
      %dma_wait3A_95 = arith.constant 0 : i32
      %dma_wait3A_96 = tpu.memref_slice %arg4[%add3A_92, %dma_wait3A_95] : memref<10240x128xf32, #tpu.memory_space<hbm>> -> memref<4x128xf32, #tpu.memory_space<hbm>>
      tpu.wait_dma2 semaphore(%arg17 : memref<!tpu.dma_semaphore, #tpu.memory_space<semaphore_mem>>) src(%dma_wait3A_96 : memref<4x128xf32, #tpu.memory_space<hbm>>) dst(%arg11 : memref<4x128xf32, #tpu.memory_space<vmem>>)
      %convert_element_type3A_97 = arith.extui %gt3A_83 : i1 to i32
      %cond3A_98 = arith.constant 0 : i32
      %cond3A_99 = arith.cmpi ne, %convert_element_type3A_97, %cond3A_98 : i32
      scf.if %cond3A_99 {
        %dma_wait3A_120 = arith.constant 0 : i32
        %dma_wait3A_121 = tpu.memref_slice %arg5[%min3A_3, %dma_wait3A_120] : memref<10000x128xf32, #tpu.memory_space<hbm>> -> memref<4x128xf32, #tpu.memory_space<hbm>>
        %dma_wait3A_122 = arith.constant 0 : i32
        %dma_wait3A_123 = tpu.memref_slice %arg5[%min3A_3, %dma_wait3A_122] : memref<10000x128xf32, #tpu.memory_space<hbm>> -> memref<4x128xf32, #tpu.memory_space<hbm>>
        tpu.wait_dma2 semaphore(%arg19 : memref<!tpu.dma_semaphore, #tpu.memory_space<semaphore_mem>>) src(%arg13 : memref<4x128xf32, #tpu.memory_space<vmem>>) dst(%dma_wait3A_123 : memref<4x128xf32, #tpu.memory_space<hbm>>)
      } else {
      }
      %scan3A_100 = arith.constant 0 : i32
      %scan3A_101 = arith.constant 0 : i32
      %scan3A_102 = arith.constant 4 : i32
      %scan3A_103 = arith.addi %scan3A_101, %scan3A_102 : i32
      %scan3A_104 = arith.constant 1 : i32
      scf.for %scan3A_120 = %scan3A_101 to %scan3A_103 step %scan3A_104  : i32 {
        %mul3A_121 = arith.constant 32 : i32
        %mul3A_122 = arith.muli %scan3A_120, %mul3A_121 : i32
        %get3A = arith.index_cast %mul3A_122 : i32 to index
        %get3A_123 = arith.constant 0 : index
        %get3A_124 = tpu.vector_load %arg9[%get3A, %get3A_123] {strides = array<i32>} : memref<128x128xf32, #tpu.memory_space<vmem>>, vector<16xf32>,
        %add3A_125 = arith.constant 1 : i32
        %add3A_126 = arith.addi %mul3A_122, %add3A_125 : i32
        %get3A_127 = arith.index_cast %add3A_126 : i32 to index
        %get3A_128 = arith.constant 0 : index
        %get3A_129 = tpu.vector_load %arg9[%get3A_127, %get3A_128] {strides = array<i32>} : memref<128x128xf32, #tpu.memory_space<vmem>>, vector<16xf32>,
        %max3A = arith.maximumf %get3A_124, %get3A_129 : vector<16xf32>
        %add3A_130 = arith.constant 2 : i32
        %add3A_131 = arith.addi %mul3A_122, %add3A_130 : i32
        %get3A_132 = arith.index_cast %add3A_131 : i32 to index
        %get3A_133 = arith.constant 0 : index
        %get3A_134 = tpu.vector_load %arg9[%get3A_132, %get3A_133] {strides = array<i32>} : memref<128x128xf32, #tpu.memory_space<vmem>>, vector<16xf32>,
        %max3A_135 = arith.maximumf %max3A, %get3A_134 : vector<16xf32>
        %add3A_136 = arith.constant 3 : i32
        %add3A_137 = arith.addi %mul3A_122, %add3A_136 : i32
        %get3A_138 = arith.index_cast %add3A_137 : i32 to index
        %get3A_139 = arith.constant 0 : index
        %get3A_140 = tpu.vector_load %arg9[%get3A_138, %get3A_139] {strides = array<i32>} : memref<128x128xf32, #tpu.memory_space<vmem>>, vector<16xf32>,
        %max3A_141 = arith.maximumf %max3A_135, %get3A_140 : vector<16xf32>
        %add3A_142 = arith.constant 4 : i32
        %add3A_143 = arith.addi %mul3A_122, %add3A_142 : i32
        %get3A_144 = arith.index_cast %add3A_143 : i32 to index
        %get3A_145 = arith.constant 0 : index
        %get3A_146 = tpu.vector_load %arg9[%get3A_144, %get3A_145] {strides = array<i32>} : memref<128x128xf32, #tpu.memory_space<vmem>>, vector<16xf32>,
        %max3A_147 = arith.maximumf %max3A_141, %get3A_146 : vector<16xf32>
        %add3A_148 = arith.constant 5 : i32
        %add3A_149 = arith.addi %mul3A_122, %add3A_148 : i32
        %get3A_150 = arith.index_cast %add3A_149 : i32 to index
        %get3A_151 = arith.constant 0 : index
        %get3A_152 = tpu.vector_load %arg9[%get3A_150, %get3A_151] {strides = array<i32>} : memref<128x128xf32, #tpu.memory_space<vmem>>, vector<16xf32>,
        %max3A_153 = arith.maximumf %max3A_147, %get3A_152 : vector<16xf32>
        %add3A_154 = arith.constant 6 : i32
        %add3A_155 = arith.addi %mul3A_122, %add3A_154 : i32
        %get3A_156 = arith.index_cast %add3A_155 : i32 to index
        %get3A_157 = arith.constant 0 : index
        %get3A_158 = tpu.vector_load %arg9[%get3A_156, %get3A_157] {strides = array<i32>} : memref<128x128xf32, #tpu.memory_space<vmem>>, vector<16xf32>,
        %max3A_159 = arith.maximumf %max3A_153, %get3A_158 : vector<16xf32>
        %add3A_160 = arith.constant 7 : i32
        %add3A_161 = arith.addi %mul3A_122, %add3A_160 : i32
        %get3A_162 = arith.index_cast %add3A_161 : i32 to index
        %get3A_163 = arith.constant 0 : index
        %get3A_164 = tpu.vector_load %arg9[%get3A_162, %get3A_163] {strides = array<i32>} : memref<128x128xf32, #tpu.memory_space<vmem>>, vector<16xf32>,
        %max3A_165 = arith.maximumf %max3A_159, %get3A_164 : vector<16xf32>
        %add3A_166 = arith.constant 8 : i32
        %add3A_167 = arith.addi %mul3A_122, %add3A_166 : i32
        %get3A_168 = arith.index_cast %add3A_167 : i32 to index
        %get3A_169 = arith.constant 0 : index
        %get3A_170 = tpu.vector_load %arg9[%get3A_168, %get3A_169] {strides = array<i32>} : memref<128x128xf32, #tpu.memory_space<vmem>>, vector<16xf32>,
        %max3A_171 = arith.maximumf %max3A_165, %get3A_170 : vector<16xf32>
        %add3A_172 = arith.constant 9 : i32
        %add3A_173 = arith.addi %mul3A_122, %add3A_172 : i32
        %get3A_174 = arith.index_cast %add3A_173 : i32 to index
        %get3A_175 = arith.constant 0 : index
        %get3A_176 = tpu.vector_load %arg9[%get3A_174, %get3A_175] {strides = array<i32>} : memref<128x128xf32, #tpu.memory_space<vmem>>, vector<16xf32>,
        %max3A_177 = arith.maximumf %max3A_171, %get3A_176 : vector<16xf32>
        %add3A_178 = arith.constant 10 : i32
        %add3A_179 = arith.addi %mul3A_122, %add3A_178 : i32
        %get3A_180 = arith.index_cast %add3A_179 : i32 to index
        %get3A_181 = arith.constant 0 : index
        %get3A_182 = tpu.vector_load %arg9[%get3A_180, %get3A_181] {strides = array<i32>} : memref<128x128xf32, #tpu.memory_space<vmem>>, vector<16xf32>,
        %max3A_183 = arith.maximumf %max3A_177, %get3A_182 : vector<16xf32>
        %add3A_184 = arith.constant 11 : i32
        %add3A_185 = arith.addi %mul3A_122, %add3A_184 : i32
        %get3A_186 = arith.index_cast %add3A_185 : i32 to index
        %get3A_187 = arith.constant 0 : index
        %get3A_188 = tpu.vector_load %arg9[%get3A_186, %get3A_187] {strides = array<i32>} : memref<128x128xf32, #tpu.memory_space<vmem>>, vector<16xf32>,
        %max3A_189 = arith.maximumf %max3A_183, %get3A_188 : vector<16xf32>
        %add3A_190 = arith.constant 12 : i32
        %add3A_191 = arith.addi %mul3A_122, %add3A_190 : i32
        %get3A_192 = arith.index_cast %add3A_191 : i32 to index
        %get3A_193 = arith.constant 0 : index
        %get3A_194 = tpu.vector_load %arg9[%get3A_192, %get3A_193] {strides = array<i32>} : memref<128x128xf32, #tpu.memory_space<vmem>>, vector<16xf32>,
        %max3A_195 = arith.maximumf %max3A_189, %get3A_194 : vector<16xf32>
        %add3A_196 = arith.constant 13 : i32
        %add3A_197 = arith.addi %mul3A_122, %add3A_196 : i32
        %get3A_198 = arith.index_cast %add3A_197 : i32 to index
        %get3A_199 = arith.constant 0 : index
        %get3A_200 = tpu.vector_load %arg9[%get3A_198, %get3A_199] {strides = array<i32>} : memref<128x128xf32, #tpu.memory_space<vmem>>, vector<16xf32>,
        %max3A_201 = arith.maximumf %max3A_195, %get3A_200 : vector<16xf32>
        %add3A_202 = arith.constant 14 : i32
        %add3A_203 = arith.addi %mul3A_122, %add3A_202 : i32
        %get3A_204 = arith.index_cast %add3A_203 : i32 to index
        %get3A_205 = arith.constant 0 : index
        %get3A_206 = tpu.vector_load %arg9[%get3A_204, %get3A_205] {strides = array<i32>} : memref<128x128xf32, #tpu.memory_space<vmem>>, vector<16xf32>,
        %max3A_207 = arith.maximumf %max3A_201, %get3A_206 : vector<16xf32>
        %add3A_208 = arith.constant 15 : i32
        %add3A_209 = arith.addi %mul3A_122, %add3A_208 : i32
        %get3A_210 = arith.index_cast %add3A_209 : i32 to index
        %get3A_211 = arith.constant 0 : index
        %get3A_212 = tpu.vector_load %arg9[%get3A_210, %get3A_211] {strides = array<i32>} : memref<128x128xf32, #tpu.memory_space<vmem>>, vector<16xf32>,
        %max3A_213 = arith.maximumf %max3A_207, %get3A_212 : vector<16xf32>
        %add3A_214 = arith.constant 16 : i32
        %add3A_215 = arith.addi %mul3A_122, %add3A_214 : i32
        %get3A_216 = arith.index_cast %add3A_215 : i32 to index
        %get3A_217 = arith.constant 0 : index
        %get3A_218 = tpu.vector_load %arg9[%get3A_216, %get3A_217] {strides = array<i32>} : memref<128x128xf32, #tpu.memory_space<vmem>>, vector<16xf32>,
        %max3A_219 = arith.maximumf %max3A_213, %get3A_218 : vector<16xf32>
        %add3A_220 = arith.constant 17 : i32
        %add3A_221 = arith.addi %mul3A_122, %add3A_220 : i32
        %get3A_222 = arith.index_cast %add3A_221 : i32 to index
        %get3A_223 = arith.constant 0 : index
        %get3A_224 = tpu.vector_load %arg9[%get3A_222, %get3A_223] {strides = array<i32>} : memref<128x128xf32, #tpu.memory_space<vmem>>, vector<16xf32>,
        %max3A_225 = arith.maximumf %max3A_219, %get3A_224 : vector<16xf32>
        %add3A_226 = arith.constant 18 : i32
        %add3A_227 = arith.addi %mul3A_122, %add3A_226 : i32
        %get3A_228 = arith.index_cast %add3A_227 : i32 to index
        %get3A_229 = arith.constant 0 : index
        %get3A_230 = tpu.vector_load %arg9[%get3A_228, %get3A_229] {strides = array<i32>} : memref<128x128xf32, #tpu.memory_space<vmem>>, vector<16xf32>,
        %max3A_231 = arith.maximumf %max3A_225, %get3A_230 : vector<16xf32>
        %add3A_232 = arith.constant 19 : i32
        %add3A_233 = arith.addi %mul3A_122, %add3A_232 : i32
        %get3A_234 = arith.index_cast %add3A_233 : i32 to index
        %get3A_235 = arith.constant 0 : index
        %get3A_236 = tpu.vector_load %arg9[%get3A_234, %get3A_235] {strides = array<i32>} : memref<128x128xf32, #tpu.memory_space<vmem>>, vector<16xf32>,
        %max3A_237 = arith.maximumf %max3A_231, %get3A_236 : vector<16xf32>
        %add3A_238 = arith.constant 20 : i32
        %add3A_239 = arith.addi %mul3A_122, %add3A_238 : i32
        %get3A_240 = arith.index_cast %add3A_239 : i32 to index
        %get3A_241 = arith.constant 0 : index
        %get3A_242 = tpu.vector_load %arg9[%get3A_240, %get3A_241] {strides = array<i32>} : memref<128x128xf32, #tpu.memory_space<vmem>>, vector<16xf32>,
        %max3A_243 = arith.maximumf %max3A_237, %get3A_242 : vector<16xf32>
        %add3A_244 = arith.constant 21 : i32
        %add3A_245 = arith.addi %mul3A_122, %add3A_244 : i32
        %get3A_246 = arith.index_cast %add3A_245 : i32 to index
        %get3A_247 = arith.constant 0 : index
        %get3A_248 = tpu.vector_load %arg9[%get3A_246, %get3A_247] {strides = array<i32>} : memref<128x128xf32, #tpu.memory_space<vmem>>, vector<16xf32>,
        %max3A_249 = arith.maximumf %max3A_243, %get3A_248 : vector<16xf32>
        %add3A_250 = arith.constant 22 : i32
        %add3A_251 = arith.addi %mul3A_122, %add3A_250 : i32
        %get3A_252 = arith.index_cast %add3A_251 : i32 to index
        %get3A_253 = arith.constant 0 : index
        %get3A_254 = tpu.vector_load %arg9[%get3A_252, %get3A_253] {strides = array<i32>} : memref<128x128xf32, #tpu.memory_space<vmem>>, vector<16xf32>,
        %max3A_255 = arith.maximumf %max3A_249, %get3A_254 : vector<16xf32>
        %add3A_256 = arith.constant 23 : i32
        %add3A_257 = arith.addi %mul3A_122, %add3A_256 : i32
        %get3A_258 = arith.index_cast %add3A_257 : i32 to index
        %get3A_259 = arith.constant 0 : index
        %get3A_260 = tpu.vector_load %arg9[%get3A_258, %get3A_259] {strides = array<i32>} : memref<128x128xf32, #tpu.memory_space<vmem>>, vector<16xf32>,
        %max3A_261 = arith.maximumf %max3A_255, %get3A_260 : vector<16xf32>
        %add3A_262 = arith.constant 24 : i32
        %add3A_263 = arith.addi %mul3A_122, %add3A_262 : i32
        %get3A_264 = arith.index_cast %add3A_263 : i32 to index
        %get3A_265 = arith.constant 0 : index
        %get3A_266 = tpu.vector_load %arg9[%get3A_264, %get3A_265] {strides = array<i32>} : memref<128x128xf32, #tpu.memory_space<vmem>>, vector<16xf32>,
        %max3A_267 = arith.maximumf %max3A_261, %get3A_266 : vector<16xf32>
        %add3A_268 = arith.constant 25 : i32
        %add3A_269 = arith.addi %mul3A_122, %add3A_268 : i32
        %get3A_270 = arith.index_cast %add3A_269 : i32 to index
        %get3A_271 = arith.constant 0 : index
        %get3A_272 = tpu.vector_load %arg9[%get3A_270, %get3A_271] {strides = array<i32>} : memref<128x128xf32, #tpu.memory_space<vmem>>, vector<16xf32>,
        %max3A_273 = arith.maximumf %max3A_267, %get3A_272 : vector<16xf32>
        %add3A_274 = arith.constant 26 : i32
        %add3A_275 = arith.addi %mul3A_122, %add3A_274 : i32
        %get3A_276 = arith.index_cast %add3A_275 : i32 to index
        %get3A_277 = arith.constant 0 : index
        %get3A_278 = tpu.vector_load %arg9[%get3A_276, %get3A_277] {strides = array<i32>} : memref<128x128xf32, #tpu.memory_space<vmem>>, vector<16xf32>,
        %max3A_279 = arith.maximumf %max3A_273, %get3A_278 : vector<16xf32>
        %add3A_280 = arith.constant 27 : i32
        %add3A_281 = arith.addi %mul3A_122, %add3A_280 : i32
        %get3A_282 = arith.index_cast %add3A_281 : i32 to index
        %get3A_283 = arith.constant 0 : index
        %get3A_284 = tpu.vector_load %arg9[%get3A_282, %get3A_283] {strides = array<i32>} : memref<128x128xf32, #tpu.memory_space<vmem>>, vector<16xf32>,
        %max3A_285 = arith.maximumf %max3A_279, %get3A_284 : vector<16xf32>
        %add3A_286 = arith.constant 28 : i32
        %add3A_287 = arith.addi %mul3A_122, %add3A_286 : i32
        %get3A_288 = arith.index_cast %add3A_287 : i32 to index
        %get3A_289 = arith.constant 0 : index
        %get3A_290 = tpu.vector_load %arg9[%get3A_288, %get3A_289] {strides = array<i32>} : memref<128x128xf32, #tpu.memory_space<vmem>>, vector<16xf32>,
        %max3A_291 = arith.maximumf %max3A_285, %get3A_290 : vector<16xf32>
        %add3A_292 = arith.constant 29 : i32
        %add3A_293 = arith.addi %mul3A_122, %add3A_292 : i32
        %get3A_294 = arith.index_cast %add3A_293 : i32 to index
        %get3A_295 = arith.constant 0 : index
        %get3A_296 = tpu.vector_load %arg9[%get3A_294, %get3A_295] {strides = array<i32>} : memref<128x128xf32, #tpu.memory_space<vmem>>, vector<16xf32>,
        %max3A_297 = arith.maximumf %max3A_291, %get3A_296 : vector<16xf32>
        %add3A_298 = arith.constant 30 : i32
        %add3A_299 = arith.addi %mul3A_122, %add3A_298 : i32
        %get3A_300 = arith.index_cast %add3A_299 : i32 to index
        %get3A_301 = arith.constant 0 : index
        %get3A_302 = tpu.vector_load %arg9[%get3A_300, %get3A_301] {strides = array<i32>} : memref<128x128xf32, #tpu.memory_space<vmem>>, vector<16xf32>,
        %max3A_303 = arith.maximumf %max3A_297, %get3A_302 : vector<16xf32>
        %add3A_304 = arith.constant 31 : i32
        %add3A_305 = arith.addi %mul3A_122, %add3A_304 : i32
        %get3A_306 = arith.index_cast %add3A_305 : i32 to index
        %get3A_307 = arith.constant 0 : index
        %get3A_308 = tpu.vector_load %arg9[%get3A_306, %get3A_307] {strides = array<i32>} : memref<128x128xf32, #tpu.memory_space<vmem>>, vector<16xf32>,
        %max3A_309 = arith.maximumf %max3A_303, %get3A_308 : vector<16xf32>
        %get3A_310 = arith.index_cast %scan3A_120 : i32 to index
        %get3A_311 = arith.constant 0 : index
        %get3A_312 = tpu.vector_load %arg11[%get3A_310, %get3A_311] {strides = array<i32>} : memref<4x128xf32, #tpu.memory_space<vmem>>, vector<16xf32>,
        %add3A_313 = arith.addf %max3A_309, %get3A_312 : vector<16xf32>
        %max3A_314 = arith.constant 0.000000e+00 : f32
        %max3A_315 = vector.broadcast %max3A_314 : f32 to vector<16xf32>
        %max3A_316 = arith.maximumf %add3A_313, %max3A_315 : vector<16xf32>
        %swap3A = arith.index_cast %scan3A_120 : i32 to index
        %swap3A_317 = arith.constant 0 : index
        %swap3A_318 = tpu.vector_load %arg13[%swap3A, %swap3A_317] {strides = array<i32>} : memref<4x128xf32, #tpu.memory_space<vmem>>, vector<16xf32>,
        tpu.vector_store %arg13[%swap3A, %swap3A_317], %max3A_316 {strides = array<i32>} : memref<4x128xf32, #tpu.memory_space<vmem>>, vector<16xf32>,
        %get3A_319 = arith.index_cast %mul3A_122 : i32 to index
        %get3A_320 = arith.constant 16 : index
        %get3A_321 = tpu.vector_load %arg9[%get3A_319, %get3A_320] {strides = array<i32>} : memref<128x128xf32, #tpu.memory_space<vmem>>, vector<16xf32>,
        %add3A_322 = arith.constant 1 : i32
        %add3A_323 = arith.addi %mul3A_122, %add3A_322 : i32
        %get3A_324 = arith.index_cast %add3A_323 : i32 to index
        %get3A_325 = arith.constant 16 : index
        %get3A_326 = tpu.vector_load %arg9[%get3A_324, %get3A_325] {strides = array<i32>} : memref<128x128xf32, #tpu.memory_space<vmem>>, vector<16xf32>,
        %max3A_327 = arith.maximumf %get3A_321, %get3A_326 : vector<16xf32>
        %add3A_328 = arith.constant 2 : i32
        %add3A_329 = arith.addi %mul3A_122, %add3A_328 : i32
        %get3A_330 = arith.index_cast %add3A_329 : i32 to index
        %get3A_331 = arith.constant 16 : index
        %get3A_332 = tpu.vector_load %arg9[%get3A_330, %get3A_331] {strides = array<i32>} : memref<128x128xf32, #tpu.memory_space<vmem>>, vector<16xf32>,
        %max3A_333 = arith.maximumf %max3A_327, %get3A_332 : vector<16xf32>
        %add3A_334 = arith.constant 3 : i32
        %add3A_335 = arith.addi %mul3A_122, %add3A_334 : i32
        %get3A_336 = arith.index_cast %add3A_335 : i32 to index
        %get3A_337 = arith.constant 16 : index
        %get3A_338 = tpu.vector_load %arg9[%get3A_336, %get3A_337] {strides = array<i32>} : memref<128x128xf32, #tpu.memory_space<vmem>>, vector<16xf32>,
        %max3A_339 = arith.maximumf %max3A_333, %get3A_338 : vector<16xf32>
        %add3A_340 = arith.constant 4 : i32
        %add3A_341 = arith.addi %mul3A_122, %add3A_340 : i32
        %get3A_342 = arith.index_cast %add3A_341 : i32 to index
        %get3A_343 = arith.constant 16 : index
        %get3A_344 = tpu.vector_load %arg9[%get3A_342, %get3A_343] {strides = array<i32>} : memref<128x128xf32, #tpu.memory_space<vmem>>, vector<16xf32>,
        %max3A_345 = arith.maximumf %max3A_339, %get3A_344 : vector<16xf32>
        %add3A_346 = arith.constant 5 : i32
        %add3A_347 = arith.addi %mul3A_122, %add3A_346 : i32
        %get3A_348 = arith.index_cast %add3A_347 : i32 to index
        %get3A_349 = arith.constant 16 : index
        %get3A_350 = tpu.vector_load %arg9[%get3A_348, %get3A_349] {strides = array<i32>} : memref<128x128xf32, #tpu.memory_space<vmem>>, vector<16xf32>,
        %max3A_351 = arith.maximumf %max3A_345, %get3A_350 : vector<16xf32>
        %add3A_352 = arith.constant 6 : i32
        %add3A_353 = arith.addi %mul3A_122, %add3A_352 : i32
        %get3A_354 = arith.index_cast %add3A_353 : i32 to index
        %get3A_355 = arith.constant 16 : index
        %get3A_356 = tpu.vector_load %arg9[%get3A_354, %get3A_355] {strides = array<i32>} : memref<128x128xf32, #tpu.memory_space<vmem>>, vector<16xf32>,
        %max3A_357 = arith.maximumf %max3A_351, %get3A_356 : vector<16xf32>
        %add3A_358 = arith.constant 7 : i32
        %add3A_359 = arith.addi %mul3A_122, %add3A_358 : i32
        %get3A_360 = arith.index_cast %add3A_359 : i32 to index
        %get3A_361 = arith.constant 16 : index
        %get3A_362 = tpu.vector_load %arg9[%get3A_360, %get3A_361] {strides = array<i32>} : memref<128x128xf32, #tpu.memory_space<vmem>>, vector<16xf32>,
        %max3A_363 = arith.maximumf %max3A_357, %get3A_362 : vector<16xf32>
        %add3A_364 = arith.constant 8 : i32
        %add3A_365 = arith.addi %mul3A_122, %add3A_364 : i32
        %get3A_366 = arith.index_cast %add3A_365 : i32 to index
        %get3A_367 = arith.constant 16 : index
        %get3A_368 = tpu.vector_load %arg9[%get3A_366, %get3A_367] {strides = array<i32>} : memref<128x128xf32, #tpu.memory_space<vmem>>, vector<16xf32>,
        %max3A_369 = arith.maximumf %max3A_363, %get3A_368 : vector<16xf32>
        %add3A_370 = arith.constant 9 : i32
        %add3A_371 = arith.addi %mul3A_122, %add3A_370 : i32
        %get3A_372 = arith.index_cast %add3A_371 : i32 to index
        %get3A_373 = arith.constant 16 : index
        %get3A_374 = tpu.vector_load %arg9[%get3A_372, %get3A_373] {strides = array<i32>} : memref<128x128xf32, #tpu.memory_space<vmem>>, vector<16xf32>,
        %max3A_375 = arith.maximumf %max3A_369, %get3A_374 : vector<16xf32>
        %add3A_376 = arith.constant 10 : i32
        %add3A_377 = arith.addi %mul3A_122, %add3A_376 : i32
        %get3A_378 = arith.index_cast %add3A_377 : i32 to index
        %get3A_379 = arith.constant 16 : index
        %get3A_380 = tpu.vector_load %arg9[%get3A_378, %get3A_379] {strides = array<i32>} : memref<128x128xf32, #tpu.memory_space<vmem>>, vector<16xf32>,
        %max3A_381 = arith.maximumf %max3A_375, %get3A_380 : vector<16xf32>
        %add3A_382 = arith.constant 11 : i32
        %add3A_383 = arith.addi %mul3A_122, %add3A_382 : i32
        %get3A_384 = arith.index_cast %add3A_383 : i32 to index
        %get3A_385 = arith.constant 16 : index
        %get3A_386 = tpu.vector_load %arg9[%get3A_384, %get3A_385] {strides = array<i32>} : memref<128x128xf32, #tpu.memory_space<vmem>>, vector<16xf32>,
        %max3A_387 = arith.maximumf %max3A_381, %get3A_386 : vector<16xf32>
        %add3A_388 = arith.constant 12 : i32
        %add3A_389 = arith.addi %mul3A_122, %add3A_388 : i32
        %get3A_390 = arith.index_cast %add3A_389 : i32 to index
        %get3A_391 = arith.constant 16 : index
        %get3A_392 = tpu.vector_load %arg9[%get3A_390, %get3A_391] {strides = array<i32>} : memref<128x128xf32, #tpu.memory_space<vmem>>, vector<16xf32>,
        %max3A_393 = arith.maximumf %max3A_387, %get3A_392 : vector<16xf32>
        %add3A_394 = arith.constant 13 : i32
        %add3A_395 = arith.addi %mul3A_122, %add3A_394 : i32
        %get3A_396 = arith.index_cast %add3A_395 : i32 to index
        %get3A_397 = arith.constant 16 : index
        %get3A_398 = tpu.vector_load %arg9[%get3A_396, %get3A_397] {strides = array<i32>} : memref<128x128xf32, #tpu.memory_space<vmem>>, vector<16xf32>,
        %max3A_399 = arith.maximumf %max3A_393, %get3A_398 : vector<16xf32>
        %add3A_400 = arith.constant 14 : i32
        %add3A_401 = arith.addi %mul3A_122, %add3A_400 : i32
        %get3A_402 = arith.index_cast %add3A_401 : i32 to index
        %get3A_403 = arith.constant 16 : index
        %get3A_404 = tpu.vector_load %arg9[%get3A_402, %get3A_403] {strides = array<i32>} : memref<128x128xf32, #tpu.memory_space<vmem>>, vector<16xf32>,
        %max3A_405 = arith.maximumf %max3A_399, %get3A_404 : vector<16xf32>
        %add3A_406 = arith.constant 15 : i32
        %add3A_407 = arith.addi %mul3A_122, %add3A_406 : i32
        %get3A_408 = arith.index_cast %add3A_407 : i32 to index
        %get3A_409 = arith.constant 16 : index
        %get3A_410 = tpu.vector_load %arg9[%get3A_408, %get3A_409] {strides = array<i32>} : memref<128x128xf32, #tpu.memory_space<vmem>>, vector<16xf32>,
        %max3A_411 = arith.maximumf %max3A_405, %get3A_410 : vector<16xf32>
        %add3A_412 = arith.constant 16 : i32
        %add3A_413 = arith.addi %mul3A_122, %add3A_412 : i32
        %get3A_414 = arith.index_cast %add3A_413 : i32 to index
        %get3A_415 = arith.constant 16 : index
        %get3A_416 = tpu.vector_load %arg9[%get3A_414, %get3A_415] {strides = array<i32>} : memref<128x128xf32, #tpu.memory_space<vmem>>, vector<16xf32>,
        %max3A_417 = arith.maximumf %max3A_411, %get3A_416 : vector<16xf32>
        %add3A_418 = arith.constant 17 : i32
        %add3A_419 = arith.addi %mul3A_122, %add3A_418 : i32
        %get3A_420 = arith.index_cast %add3A_419 : i32 to index
        %get3A_421 = arith.constant 16 : index
        %get3A_422 = tpu.vector_load %arg9[%get3A_420, %get3A_421] {strides = array<i32>} : memref<128x128xf32, #tpu.memory_space<vmem>>, vector<16xf32>,
        %max3A_423 = arith.maximumf %max3A_417, %get3A_422 : vector<16xf32>
        %add3A_424 = arith.constant 18 : i32
        %add3A_425 = arith.addi %mul3A_122, %add3A_424 : i32
        %get3A_426 = arith.index_cast %add3A_425 : i32 to index
        %get3A_427 = arith.constant 16 : index
        %get3A_428 = tpu.vector_load %arg9[%get3A_426, %get3A_427] {strides = array<i32>} : memref<128x128xf32, #tpu.memory_space<vmem>>, vector<16xf32>,
        %max3A_429 = arith.maximumf %max3A_423, %get3A_428 : vector<16xf32>
        %add3A_430 = arith.constant 19 : i32
        %add3A_431 = arith.addi %mul3A_122, %add3A_430 : i32
        %get3A_432 = arith.index_cast %add3A_431 : i32 to index
        %get3A_433 = arith.constant 16 : index
        %get3A_434 = tpu.vector_load %arg9[%get3A_432, %get3A_433] {strides = array<i32>} : memref<128x128xf32, #tpu.memory_space<vmem>>, vector<16xf32>,
        %max3A_435 = arith.maximumf %max3A_429, %get3A_434 : vector<16xf32>
        %add3A_436 = arith.constant 20 : i32
        %add3A_437 = arith.addi %mul3A_122, %add3A_436 : i32
        %get3A_438 = arith.index_cast %add3A_437 : i32 to index
        %get3A_439 = arith.constant 16 : index
        %get3A_440 = tpu.vector_load %arg9[%get3A_438, %get3A_439] {strides = array<i32>} : memref<128x128xf32, #tpu.memory_space<vmem>>, vector<16xf32>,
        %max3A_441 = arith.maximumf %max3A_435, %get3A_440 : vector<16xf32>
        %add3A_442 = arith.constant 21 : i32
        %add3A_443 = arith.addi %mul3A_122, %add3A_442 : i32
        %get3A_444 = arith.index_cast %add3A_443 : i32 to index
        %get3A_445 = arith.constant 16 : index
        %get3A_446 = tpu.vector_load %arg9[%get3A_444, %get3A_445] {strides = array<i32>} : memref<128x128xf32, #tpu.memory_space<vmem>>, vector<16xf32>,
        %max3A_447 = arith.maximumf %max3A_441, %get3A_446 : vector<16xf32>
        %add3A_448 = arith.constant 22 : i32
        %add3A_449 = arith.addi %mul3A_122, %add3A_448 : i32
        %get3A_450 = arith.index_cast %add3A_449 : i32 to index
        %get3A_451 = arith.constant 16 : index
        %get3A_452 = tpu.vector_load %arg9[%get3A_450, %get3A_451] {strides = array<i32>} : memref<128x128xf32, #tpu.memory_space<vmem>>, vector<16xf32>,
        %max3A_453 = arith.maximumf %max3A_447, %get3A_452 : vector<16xf32>
        %add3A_454 = arith.constant 23 : i32
        %add3A_455 = arith.addi %mul3A_122, %add3A_454 : i32
        %get3A_456 = arith.index_cast %add3A_455 : i32 to index
        %get3A_457 = arith.constant 16 : index
        %get3A_458 = tpu.vector_load %arg9[%get3A_456, %get3A_457] {strides = array<i32>} : memref<128x128xf32, #tpu.memory_space<vmem>>, vector<16xf32>,
        %max3A_459 = arith.maximumf %max3A_453, %get3A_458 : vector<16xf32>
        %add3A_460 = arith.constant 24 : i32
        %add3A_461 = arith.addi %mul3A_122, %add3A_460 : i32
        %get3A_462 = arith.index_cast %add3A_461 : i32 to index
        %get3A_463 = arith.constant 16 : index
        %get3A_464 = tpu.vector_load %arg9[%get3A_462, %get3A_463] {strides = array<i32>} : memref<128x128xf32, #tpu.memory_space<vmem>>, vector<16xf32>,
        %max3A_465 = arith.maximumf %max3A_459, %get3A_464 : vector<16xf32>
        %add3A_466 = arith.constant 25 : i32
        %add3A_467 = arith.addi %mul3A_122, %add3A_466 : i32
        %get3A_468 = arith.index_cast %add3A_467 : i32 to index
        %get3A_469 = arith.constant 16 : index
        %get3A_470 = tpu.vector_load %arg9[%get3A_468, %get3A_469] {strides = array<i32>} : memref<128x128xf32, #tpu.memory_space<vmem>>, vector<16xf32>,
        %max3A_471 = arith.maximumf %max3A_465, %get3A_470 : vector<16xf32>
        %add3A_472 = arith.constant 26 : i32
        %add3A_473 = arith.addi %mul3A_122, %add3A_472 : i32
        %get3A_474 = arith.index_cast %add3A_473 : i32 to index
        %get3A_475 = arith.constant 16 : index
        %get3A_476 = tpu.vector_load %arg9[%get3A_474, %get3A_475] {strides = array<i32>} : memref<128x128xf32, #tpu.memory_space<vmem>>, vector<16xf32>,
        %max3A_477 = arith.maximumf %max3A_471, %get3A_476 : vector<16xf32>
        %add3A_478 = arith.constant 27 : i32
        %add3A_479 = arith.addi %mul3A_122, %add3A_478 : i32
        %get3A_480 = arith.index_cast %add3A_479 : i32 to index
        %get3A_481 = arith.constant 16 : index
        %get3A_482 = tpu.vector_load %arg9[%get3A_480, %get3A_481] {strides = array<i32>} : memref<128x128xf32, #tpu.memory_space<vmem>>, vector<16xf32>,
        %max3A_483 = arith.maximumf %max3A_477, %get3A_482 : vector<16xf32>
        %add3A_484 = arith.constant 28 : i32
        %add3A_485 = arith.addi %mul3A_122, %add3A_484 : i32
        %get3A_486 = arith.index_cast %add3A_485 : i32 to index
        %get3A_487 = arith.constant 16 : index
        %get3A_488 = tpu.vector_load %arg9[%get3A_486, %get3A_487] {strides = array<i32>} : memref<128x128xf32, #tpu.memory_space<vmem>>, vector<16xf32>,
        %max3A_489 = arith.maximumf %max3A_483, %get3A_488 : vector<16xf32>
        %add3A_490 = arith.constant 29 : i32
        %add3A_491 = arith.addi %mul3A_122, %add3A_490 : i32
        %get3A_492 = arith.index_cast %add3A_491 : i32 to index
        %get3A_493 = arith.constant 16 : index
        %get3A_494 = tpu.vector_load %arg9[%get3A_492, %get3A_493] {strides = array<i32>} : memref<128x128xf32, #tpu.memory_space<vmem>>, vector<16xf32>,
        %max3A_495 = arith.maximumf %max3A_489, %get3A_494 : vector<16xf32>
        %add3A_496 = arith.constant 30 : i32
        %add3A_497 = arith.addi %mul3A_122, %add3A_496 : i32
        %get3A_498 = arith.index_cast %add3A_497 : i32 to index
        %get3A_499 = arith.constant 16 : index
        %get3A_500 = tpu.vector_load %arg9[%get3A_498, %get3A_499] {strides = array<i32>} : memref<128x128xf32, #tpu.memory_space<vmem>>, vector<16xf32>,
        %max3A_501 = arith.maximumf %max3A_495, %get3A_500 : vector<16xf32>
        %add3A_502 = arith.constant 31 : i32
        %add3A_503 = arith.addi %mul3A_122, %add3A_502 : i32
        %get3A_504 = arith.index_cast %add3A_503 : i32 to index
        %get3A_505 = arith.constant 16 : index
        %get3A_506 = tpu.vector_load %arg9[%get3A_504, %get3A_505] {strides = array<i32>} : memref<128x128xf32, #tpu.memory_space<vmem>>, vector<16xf32>,
        %max3A_507 = arith.maximumf %max3A_501, %get3A_506 : vector<16xf32>
        %get3A_508 = arith.index_cast %scan3A_120 : i32 to index
        %get3A_509 = arith.constant 16 : index
        %get3A_510 = tpu.vector_load %arg11[%get3A_508, %get3A_509] {strides = array<i32>} : memref<4x128xf32, #tpu.memory_space<vmem>>, vector<16xf32>,
        %add3A_511 = arith.addf %max3A_507, %get3A_510 : vector<16xf32>
        %max3A_512 = arith.constant 0.000000e+00 : f32
        %max3A_513 = vector.broadcast %max3A_512 : f32 to vector<16xf32>
        %max3A_514 = arith.maximumf %add3A_511, %max3A_513 : vector<16xf32>
        %swap3A_515 = arith.index_cast %scan3A_120 : i32 to index
        %swap3A_516 = arith.constant 16 : index
        %swap3A_517 = tpu.vector_load %arg13[%swap3A_515, %swap3A_516] {strides = array<i32>} : memref<4x128xf32, #tpu.memory_space<vmem>>, vector<16xf32>,
        tpu.vector_store %arg13[%swap3A_515, %swap3A_516], %max3A_514 {strides = array<i32>} : memref<4x128xf32, #tpu.memory_space<vmem>>, vector<16xf32>,
        %get3A_518 = arith.index_cast %mul3A_122 : i32 to index
        %get3A_519 = arith.constant 32 : index
        %get3A_520 = tpu.vector_load %arg9[%get3A_518, %get3A_519] {strides = array<i32>} : memref<128x128xf32, #tpu.memory_space<vmem>>, vector<16xf32>,
        %add3A_521 = arith.constant 1 : i32
        %add3A_522 = arith.addi %mul3A_122, %add3A_521 : i32
        %get3A_523 = arith.index_cast %add3A_522 : i32 to index
        %get3A_524 = arith.constant 32 : index
        %get3A_525 = tpu.vector_load %arg9[%get3A_523, %get3A_524] {strides = array<i32>} : memref<128x128xf32, #tpu.memory_space<vmem>>, vector<16xf32>,
        %max3A_526 = arith.maximumf %get3A_520, %get3A_525 : vector<16xf32>
        %add3A_527 = arith.constant 2 : i32
        %add3A_528 = arith.addi %mul3A_122, %add3A_527 : i32
        %get3A_529 = arith.index_cast %add3A_528 : i32 to index
        %get3A_530 = arith.constant 32 : index
        %get3A_531 = tpu.vector_load %arg9[%get3A_529, %get3A_530] {strides = array<i32>} : memref<128x128xf32, #tpu.memory_space<vmem>>, vector<16xf32>,
        %max3A_532 = arith.maximumf %max3A_526, %get3A_531 : vector<16xf32>
        %add3A_533 = arith.constant 3 : i32
        %add3A_534 = arith.addi %mul3A_122, %add3A_533 : i32
        %get3A_535 = arith.index_cast %add3A_534 : i32 to index
        %get3A_536 = arith.constant 32 : index
        %get3A_537 = tpu.vector_load %arg9[%get3A_535, %get3A_536] {strides = array<i32>} : memref<128x128xf32, #tpu.memory_space<vmem>>, vector<16xf32>,
        %max3A_538 = arith.maximumf %max3A_532, %get3A_537 : vector<16xf32>
        %add3A_539 = arith.constant 4 : i32
        %add3A_540 = arith.addi %mul3A_122, %add3A_539 : i32
        %get3A_541 = arith.index_cast %add3A_540 : i32 to index
        %get3A_542 = arith.constant 32 : index
        %get3A_543 = tpu.vector_load %arg9[%get3A_541, %get3A_542] {strides = array<i32>} : memref<128x128xf32, #tpu.memory_space<vmem>>, vector<16xf32>,
        %max3A_544 = arith.maximumf %max3A_538, %get3A_543 : vector<16xf32>
        %add3A_545 = arith.constant 5 : i32
        %add3A_546 = arith.addi %mul3A_122, %add3A_545 : i32
        %get3A_547 = arith.index_cast %add3A_546 : i32 to index
        %get3A_548 = arith.constant 32 : index
        %get3A_549 = tpu.vector_load %arg9[%get3A_547, %get3A_548] {strides = array<i32>} : memref<128x128xf32, #tpu.memory_space<vmem>>, vector<16xf32>,
        %max3A_550 = arith.maximumf %max3A_544, %get3A_549 : vector<16xf32>
        %add3A_551 = arith.constant 6 : i32
        %add3A_552 = arith.addi %mul3A_122, %add3A_551 : i32
        %get3A_553 = arith.index_cast %add3A_552 : i32 to index
        %get3A_554 = arith.constant 32 : index
        %get3A_555 = tpu.vector_load %arg9[%get3A_553, %get3A_554] {strides = array<i32>} : memref<128x128xf32, #tpu.memory_space<vmem>>, vector<16xf32>,
        %max3A_556 = arith.maximumf %max3A_550, %get3A_555 : vector<16xf32>
        %add3A_557 = arith.constant 7 : i32
        %add3A_558 = arith.addi %mul3A_122, %add3A_557 : i32
        %get3A_559 = arith.index_cast %add3A_558 : i32 to index
        %get3A_560 = arith.constant 32 : index
        %get3A_561 = tpu.vector_load %arg9[%get3A_559, %get3A_560] {strides = array<i32>} : memref<128x128xf32, #tpu.memory_space<vmem>>, vector<16xf32>,
        %max3A_562 = arith.maximumf %max3A_556, %get3A_561 : vector<16xf32>
        %add3A_563 = arith.constant 8 : i32
        %add3A_564 = arith.addi %mul3A_122, %add3A_563 : i32
        %get3A_565 = arith.index_cast %add3A_564 : i32 to index
        %get3A_566 = arith.constant 32 : index
        %get3A_567 = tpu.vector_load %arg9[%get3A_565, %get3A_566] {strides = array<i32>} : memref<128x128xf32, #tpu.memory_space<vmem>>, vector<16xf32>,
        %max3A_568 = arith.maximumf %max3A_562, %get3A_567 : vector<16xf32>
        %add3A_569 = arith.constant 9 : i32
        %add3A_570 = arith.addi %mul3A_122, %add3A_569 : i32
        %get3A_571 = arith.index_cast %add3A_570 : i32 to index
        %get3A_572 = arith.constant 32 : index
        %get3A_573 = tpu.vector_load %arg9[%get3A_571, %get3A_572] {strides = array<i32>} : memref<128x128xf32, #tpu.memory_space<vmem>>, vector<16xf32>,
        %max3A_574 = arith.maximumf %max3A_568, %get3A_573 : vector<16xf32>
        %add3A_575 = arith.constant 10 : i32
        %add3A_576 = arith.addi %mul3A_122, %add3A_575 : i32
        %get3A_577 = arith.index_cast %add3A_576 : i32 to index
        %get3A_578 = arith.constant 32 : index
        %get3A_579 = tpu.vector_load %arg9[%get3A_577, %get3A_578] {strides = array<i32>} : memref<128x128xf32, #tpu.memory_space<vmem>>, vector<16xf32>,
        %max3A_580 = arith.maximumf %max3A_574, %get3A_579 : vector<16xf32>
        %add3A_581 = arith.constant 11 : i32
        %add3A_582 = arith.addi %mul3A_122, %add3A_581 : i32
        %get3A_583 = arith.index_cast %add3A_582 : i32 to index
        %get3A_584 = arith.constant 32 : index
        %get3A_585 = tpu.vector_load %arg9[%get3A_583, %get3A_584] {strides = array<i32>} : memref<128x128xf32, #tpu.memory_space<vmem>>, vector<16xf32>,
        %max3A_586 = arith.maximumf %max3A_580, %get3A_585 : vector<16xf32>
        %add3A_587 = arith.constant 12 : i32
        %add3A_588 = arith.addi %mul3A_122, %add3A_587 : i32
        %get3A_589 = arith.index_cast %add3A_588 : i32 to index
        %get3A_590 = arith.constant 32 : index
        %get3A_591 = tpu.vector_load %arg9[%get3A_589, %get3A_590] {strides = array<i32>} : memref<128x128xf32, #tpu.memory_space<vmem>>, vector<16xf32>,
        %max3A_592 = arith.maximumf %max3A_586, %get3A_591 : vector<16xf32>
        %add3A_593 = arith.constant 13 : i32
        %add3A_594 = arith.addi %mul3A_122, %add3A_593 : i32
        %get3A_595 = arith.index_cast %add3A_594 : i32 to index
        %get3A_596 = arith.constant 32 : index
        %get3A_597 = tpu.vector_load %arg9[%get3A_595, %get3A_596] {strides = array<i32>} : memref<128x128xf32, #tpu.memory_space<vmem>>, vector<16xf32>,
        %max3A_598 = arith.maximumf %max3A_592, %get3A_597 : vector<16xf32>
        %add3A_599 = arith.constant 14 : i32
        %add3A_600 = arith.addi %mul3A_122, %add3A_599 : i32
        %get3A_601 = arith.index_cast %add3A_600 : i32 to index
        %get3A_602 = arith.constant 32 : index
        %get3A_603 = tpu.vector_load %arg9[%get3A_601, %get3A_602] {strides = array<i32>} : memref<128x128xf32, #tpu.memory_space<vmem>>, vector<16xf32>,
        %max3A_604 = arith.maximumf %max3A_598, %get3A_603 : vector<16xf32>
        %add3A_605 = arith.constant 15 : i32
        %add3A_606 = arith.addi %mul3A_122, %add3A_605 : i32
        %get3A_607 = arith.index_cast %add3A_606 : i32 to index
        %get3A_608 = arith.constant 32 : index
        %get3A_609 = tpu.vector_load %arg9[%get3A_607, %get3A_608] {strides = array<i32>} : memref<128x128xf32, #tpu.memory_space<vmem>>, vector<16xf32>,
        %max3A_610 = arith.maximumf %max3A_604, %get3A_609 : vector<16xf32>
        %add3A_611 = arith.constant 16 : i32
        %add3A_612 = arith.addi %mul3A_122, %add3A_611 : i32
        %get3A_613 = arith.index_cast %add3A_612 : i32 to index
        %get3A_614 = arith.constant 32 : index
        %get3A_615 = tpu.vector_load %arg9[%get3A_613, %get3A_614] {strides = array<i32>} : memref<128x128xf32, #tpu.memory_space<vmem>>, vector<16xf32>,
        %max3A_616 = arith.maximumf %max3A_610, %get3A_615 : vector<16xf32>
        %add3A_617 = arith.constant 17 : i32
        %add3A_618 = arith.addi %mul3A_122, %add3A_617 : i32
        %get3A_619 = arith.index_cast %add3A_618 : i32 to index
        %get3A_620 = arith.constant 32 : index
        %get3A_621 = tpu.vector_load %arg9[%get3A_619, %get3A_620] {strides = array<i32>} : memref<128x128xf32, #tpu.memory_space<vmem>>, vector<16xf32>,
        %max3A_622 = arith.maximumf %max3A_616, %get3A_621 : vector<16xf32>
        %add3A_623 = arith.constant 18 : i32
        %add3A_624 = arith.addi %mul3A_122, %add3A_623 : i32
        %get3A_625 = arith.index_cast %add3A_624 : i32 to index
        %get3A_626 = arith.constant 32 : index
        %get3A_627 = tpu.vector_load %arg9[%get3A_625, %get3A_626] {strides = array<i32>} : memref<128x128xf32, #tpu.memory_space<vmem>>, vector<16xf32>,
        %max3A_628 = arith.maximumf %max3A_622, %get3A_627 : vector<16xf32>
        %add3A_629 = arith.constant 19 : i32
        %add3A_630 = arith.addi %mul3A_122, %add3A_629 : i32
        %get3A_631 = arith.index_cast %add3A_630 : i32 to index
        %get3A_632 = arith.constant 32 : index
        %get3A_633 = tpu.vector_load %arg9[%get3A_631, %get3A_632] {strides = array<i32>} : memref<128x128xf32, #tpu.memory_space<vmem>>, vector<16xf32>,
        %max3A_634 = arith.maximumf %max3A_628, %get3A_633 : vector<16xf32>
        %add3A_635 = arith.constant 20 : i32
        %add3A_636 = arith.addi %mul3A_122, %add3A_635 : i32
        %get3A_637 = arith.index_cast %add3A_636 : i32 to index
        %get3A_638 = arith.constant 32 : index
        %get3A_639 = tpu.vector_load %arg9[%get3A_637, %get3A_638] {strides = array<i32>} : memref<128x128xf32, #tpu.memory_space<vmem>>, vector<16xf32>,
        %max3A_640 = arith.maximumf %max3A_634, %get3A_639 : vector<16xf32>
        %add3A_641 = arith.constant 21 : i32
        %add3A_642 = arith.addi %mul3A_122, %add3A_641 : i32
        %get3A_643 = arith.index_cast %add3A_642 : i32 to index
        %get3A_644 = arith.constant 32 : index
        %get3A_645 = tpu.vector_load %arg9[%get3A_643, %get3A_644] {strides = array<i32>} : memref<128x128xf32, #tpu.memory_space<vmem>>, vector<16xf32>,
        %max3A_646 = arith.maximumf %max3A_640, %get3A_645 : vector<16xf32>
        %add3A_647 = arith.constant 22 : i32
        %add3A_648 = arith.addi %mul3A_122, %add3A_647 : i32
        %get3A_649 = arith.index_cast %add3A_648 : i32 to index
        %get3A_650 = arith.constant 32 : index
        %get3A_651 = tpu.vector_load %arg9[%get3A_649, %get3A_650] {strides = array<i32>} : memref<128x128xf32, #tpu.memory_space<vmem>>, vector<16xf32>,
        %max3A_652 = arith.maximumf %max3A_646, %get3A_651 : vector<16xf32>
        %add3A_653 = arith.constant 23 : i32
        %add3A_654 = arith.addi %mul3A_122, %add3A_653 : i32
        %get3A_655 = arith.index_cast %add3A_654 : i32 to index
        %get3A_656 = arith.constant 32 : index
        %get3A_657 = tpu.vector_load %arg9[%get3A_655, %get3A_656] {strides = array<i32>} : memref<128x128xf32, #tpu.memory_space<vmem>>, vector<16xf32>,
        %max3A_658 = arith.maximumf %max3A_652, %get3A_657 : vector<16xf32>
        %add3A_659 = arith.constant 24 : i32
        %add3A_660 = arith.addi %mul3A_122, %add3A_659 : i32
        %get3A_661 = arith.index_cast %add3A_660 : i32 to index
        %get3A_662 = arith.constant 32 : index
        %get3A_663 = tpu.vector_load %arg9[%get3A_661, %get3A_662] {strides = array<i32>} : memref<128x128xf32, #tpu.memory_space<vmem>>, vector<16xf32>,
        %max3A_664 = arith.maximumf %max3A_658, %get3A_663 : vector<16xf32>
        %add3A_665 = arith.constant 25 : i32
        %add3A_666 = arith.addi %mul3A_122, %add3A_665 : i32
        %get3A_667 = arith.index_cast %add3A_666 : i32 to index
        %get3A_668 = arith.constant 32 : index
        %get3A_669 = tpu.vector_load %arg9[%get3A_667, %get3A_668] {strides = array<i32>} : memref<128x128xf32, #tpu.memory_space<vmem>>, vector<16xf32>,
        %max3A_670 = arith.maximumf %max3A_664, %get3A_669 : vector<16xf32>
        %add3A_671 = arith.constant 26 : i32
        %add3A_672 = arith.addi %mul3A_122, %add3A_671 : i32
        %get3A_673 = arith.index_cast %add3A_672 : i32 to index
        %get3A_674 = arith.constant 32 : index
        %get3A_675 = tpu.vector_load %arg9[%get3A_673, %get3A_674] {strides = array<i32>} : memref<128x128xf32, #tpu.memory_space<vmem>>, vector<16xf32>,
        %max3A_676 = arith.maximumf %max3A_670, %get3A_675 : vector<16xf32>
        %add3A_677 = arith.constant 27 : i32
        %add3A_678 = arith.addi %mul3A_122, %add3A_677 : i32
        %get3A_679 = arith.index_cast %add3A_678 : i32 to index
        %get3A_680 = arith.constant 32 : index
        %get3A_681 = tpu.vector_load %arg9[%get3A_679, %get3A_680] {strides = array<i32>} : memref<128x128xf32, #tpu.memory_space<vmem>>, vector<16xf32>,
        %max3A_682 = arith.maximumf %max3A_676, %get3A_681 : vector<16xf32>
        %add3A_683 = arith.constant 28 : i32
        %add3A_684 = arith.addi %mul3A_122, %add3A_683 : i32
        %get3A_685 = arith.index_cast %add3A_684 : i32 to index
        %get3A_686 = arith.constant 32 : index
        %get3A_687 = tpu.vector_load %arg9[%get3A_685, %get3A_686] {strides = array<i32>} : memref<128x128xf32, #tpu.memory_space<vmem>>, vector<16xf32>,
        %max3A_688 = arith.maximumf %max3A_682, %get3A_687 : vector<16xf32>
        %add3A_689 = arith.constant 29 : i32
        %add3A_690 = arith.addi %mul3A_122, %add3A_689 : i32
        %get3A_691 = arith.index_cast %add3A_690 : i32 to index
        %get3A_692 = arith.constant 32 : index
        %get3A_693 = tpu.vector_load %arg9[%get3A_691, %get3A_692] {strides = array<i32>} : memref<128x128xf32, #tpu.memory_space<vmem>>, vector<16xf32>,
        %max3A_694 = arith.maximumf %max3A_688, %get3A_693 : vector<16xf32>
        %add3A_695 = arith.constant 30 : i32
        %add3A_696 = arith.addi %mul3A_122, %add3A_695 : i32
        %get3A_697 = arith.index_cast %add3A_696 : i32 to index
        %get3A_698 = arith.constant 32 : index
        %get3A_699 = tpu.vector_load %arg9[%get3A_697, %get3A_698] {strides = array<i32>} : memref<128x128xf32, #tpu.memory_space<vmem>>, vector<16xf32>,
        %max3A_700 = arith.maximumf %max3A_694, %get3A_699 : vector<16xf32>
        %add3A_701 = arith.constant 31 : i32
        %add3A_702 = arith.addi %mul3A_122, %add3A_701 : i32
        %get3A_703 = arith.index_cast %add3A_702 : i32 to index
        %get3A_704 = arith.constant 32 : index
        %get3A_705 = tpu.vector_load %arg9[%get3A_703, %get3A_704] {strides = array<i32>} : memref<128x128xf32, #tpu.memory_space<vmem>>, vector<16xf32>,
        %max3A_706 = arith.maximumf %max3A_700, %get3A_705 : vector<16xf32>
        %get3A_707 = arith.index_cast %scan3A_120 : i32 to index
        %get3A_708 = arith.constant 32 : index
        %get3A_709 = tpu.vector_load %arg11[%get3A_707, %get3A_708] {strides = array<i32>} : memref<4x128xf32, #tpu.memory_space<vmem>>, vector<16xf32>,
        %add3A_710 = arith.addf %max3A_706, %get3A_709 : vector<16xf32>
        %max3A_711 = arith.constant 0.000000e+00 : f32
        %max3A_712 = vector.broadcast %max3A_711 : f32 to vector<16xf32>
        %max3A_713 = arith.maximumf %add3A_710, %max3A_712 : vector<16xf32>
        %swap3A_714 = arith.index_cast %scan3A_120 : i32 to index
        %swap3A_715 = arith.constant 32 : index
        %swap3A_716 = tpu.vector_load %arg13[%swap3A_714, %swap3A_715] {strides = array<i32>} : memref<4x128xf32, #tpu.memory_space<vmem>>, vector<16xf32>,
        tpu.vector_store %arg13[%swap3A_714, %swap3A_715], %max3A_713 {strides = array<i32>} : memref<4x128xf32, #tpu.memory_space<vmem>>, vector<16xf32>,
        %get3A_717 = arith.index_cast %mul3A_122 : i32 to index
        %get3A_718 = arith.constant 48 : index
        %get3A_719 = tpu.vector_load %arg9[%get3A_717, %get3A_718] {strides = array<i32>} : memref<128x128xf32, #tpu.memory_space<vmem>>, vector<16xf32>,
        %add3A_720 = arith.constant 1 : i32
        %add3A_721 = arith.addi %mul3A_122, %add3A_720 : i32
        %get3A_722 = arith.index_cast %add3A_721 : i32 to index
        %get3A_723 = arith.constant 48 : index
        %get3A_724 = tpu.vector_load %arg9[%get3A_722, %get3A_723] {strides = array<i32>} : memref<128x128xf32, #tpu.memory_space<vmem>>, vector<16xf32>,
        %max3A_725 = arith.maximumf %get3A_719, %get3A_724 : vector<16xf32>
        %add3A_726 = arith.constant 2 : i32
        %add3A_727 = arith.addi %mul3A_122, %add3A_726 : i32
        %get3A_728 = arith.index_cast %add3A_727 : i32 to index
        %get3A_729 = arith.constant 48 : index
        %get3A_730 = tpu.vector_load %arg9[%get3A_728, %get3A_729] {strides = array<i32>} : memref<128x128xf32, #tpu.memory_space<vmem>>, vector<16xf32>,
        %max3A_731 = arith.maximumf %max3A_725, %get3A_730 : vector<16xf32>
        %add3A_732 = arith.constant 3 : i32
        %add3A_733 = arith.addi %mul3A_122, %add3A_732 : i32
        %get3A_734 = arith.index_cast %add3A_733 : i32 to index
        %get3A_735 = arith.constant 48 : index
        %get3A_736 = tpu.vector_load %arg9[%get3A_734, %get3A_735] {strides = array<i32>} : memref<128x128xf32, #tpu.memory_space<vmem>>, vector<16xf32>,
        %max3A_737 = arith.maximumf %max3A_731, %get3A_736 : vector<16xf32>
        %add3A_738 = arith.constant 4 : i32
        %add3A_739 = arith.addi %mul3A_122, %add3A_738 : i32
        %get3A_740 = arith.index_cast %add3A_739 : i32 to index
        %get3A_741 = arith.constant 48 : index
        %get3A_742 = tpu.vector_load %arg9[%get3A_740, %get3A_741] {strides = array<i32>} : memref<128x128xf32, #tpu.memory_space<vmem>>, vector<16xf32>,
        %max3A_743 = arith.maximumf %max3A_737, %get3A_742 : vector<16xf32>
        %add3A_744 = arith.constant 5 : i32
        %add3A_745 = arith.addi %mul3A_122, %add3A_744 : i32
        %get3A_746 = arith.index_cast %add3A_745 : i32 to index
        %get3A_747 = arith.constant 48 : index
        %get3A_748 = tpu.vector_load %arg9[%get3A_746, %get3A_747] {strides = array<i32>} : memref<128x128xf32, #tpu.memory_space<vmem>>, vector<16xf32>,
        %max3A_749 = arith.maximumf %max3A_743, %get3A_748 : vector<16xf32>
        %add3A_750 = arith.constant 6 : i32
        %add3A_751 = arith.addi %mul3A_122, %add3A_750 : i32
        %get3A_752 = arith.index_cast %add3A_751 : i32 to index
        %get3A_753 = arith.constant 48 : index
        %get3A_754 = tpu.vector_load %arg9[%get3A_752, %get3A_753] {strides = array<i32>} : memref<128x128xf32, #tpu.memory_space<vmem>>, vector<16xf32>,
        %max3A_755 = arith.maximumf %max3A_749, %get3A_754 : vector<16xf32>
        %add3A_756 = arith.constant 7 : i32
        %add3A_757 = arith.addi %mul3A_122, %add3A_756 : i32
        %get3A_758 = arith.index_cast %add3A_757 : i32 to index
        %get3A_759 = arith.constant 48 : index
        %get3A_760 = tpu.vector_load %arg9[%get3A_758, %get3A_759] {strides = array<i32>} : memref<128x128xf32, #tpu.memory_space<vmem>>, vector<16xf32>,
        %max3A_761 = arith.maximumf %max3A_755, %get3A_760 : vector<16xf32>
        %add3A_762 = arith.constant 8 : i32
        %add3A_763 = arith.addi %mul3A_122, %add3A_762 : i32
        %get3A_764 = arith.index_cast %add3A_763 : i32 to index
        %get3A_765 = arith.constant 48 : index
        %get3A_766 = tpu.vector_load %arg9[%get3A_764, %get3A_765] {strides = array<i32>} : memref<128x128xf32, #tpu.memory_space<vmem>>, vector<16xf32>,
        %max3A_767 = arith.maximumf %max3A_761, %get3A_766 : vector<16xf32>
        %add3A_768 = arith.constant 9 : i32
        %add3A_769 = arith.addi %mul3A_122, %add3A_768 : i32
        %get3A_770 = arith.index_cast %add3A_769 : i32 to index
        %get3A_771 = arith.constant 48 : index
        %get3A_772 = tpu.vector_load %arg9[%get3A_770, %get3A_771] {strides = array<i32>} : memref<128x128xf32, #tpu.memory_space<vmem>>, vector<16xf32>,
        %max3A_773 = arith.maximumf %max3A_767, %get3A_772 : vector<16xf32>
        %add3A_774 = arith.constant 10 : i32
        %add3A_775 = arith.addi %mul3A_122, %add3A_774 : i32
        %get3A_776 = arith.index_cast %add3A_775 : i32 to index
        %get3A_777 = arith.constant 48 : index
        %get3A_778 = tpu.vector_load %arg9[%get3A_776, %get3A_777] {strides = array<i32>} : memref<128x128xf32, #tpu.memory_space<vmem>>, vector<16xf32>,
        %max3A_779 = arith.maximumf %max3A_773, %get3A_778 : vector<16xf32>
        %add3A_780 = arith.constant 11 : i32
        %add3A_781 = arith.addi %mul3A_122, %add3A_780 : i32
        %get3A_782 = arith.index_cast %add3A_781 : i32 to index
        %get3A_783 = arith.constant 48 : index
        %get3A_784 = tpu.vector_load %arg9[%get3A_782, %get3A_783] {strides = array<i32>} : memref<128x128xf32, #tpu.memory_space<vmem>>, vector<16xf32>,
        %max3A_785 = arith.maximumf %max3A_779, %get3A_784 : vector<16xf32>
        %add3A_786 = arith.constant 12 : i32
        %add3A_787 = arith.addi %mul3A_122, %add3A_786 : i32
        %get3A_788 = arith.index_cast %add3A_787 : i32 to index
        %get3A_789 = arith.constant 48 : index
        %get3A_790 = tpu.vector_load %arg9[%get3A_788, %get3A_789] {strides = array<i32>} : memref<128x128xf32, #tpu.memory_space<vmem>>, vector<16xf32>,
        %max3A_791 = arith.maximumf %max3A_785, %get3A_790 : vector<16xf32>
        %add3A_792 = arith.constant 13 : i32
        %add3A_793 = arith.addi %mul3A_122, %add3A_792 : i32
        %get3A_794 = arith.index_cast %add3A_793 : i32 to index
        %get3A_795 = arith.constant 48 : index
        %get3A_796 = tpu.vector_load %arg9[%get3A_794, %get3A_795] {strides = array<i32>} : memref<128x128xf32, #tpu.memory_space<vmem>>, vector<16xf32>,
        %max3A_797 = arith.maximumf %max3A_791, %get3A_796 : vector<16xf32>
        %add3A_798 = arith.constant 14 : i32
        %add3A_799 = arith.addi %mul3A_122, %add3A_798 : i32
        %get3A_800 = arith.index_cast %add3A_799 : i32 to index
        %get3A_801 = arith.constant 48 : index
        %get3A_802 = tpu.vector_load %arg9[%get3A_800, %get3A_801] {strides = array<i32>} : memref<128x128xf32, #tpu.memory_space<vmem>>, vector<16xf32>,
        %max3A_803 = arith.maximumf %max3A_797, %get3A_802 : vector<16xf32>
        %add3A_804 = arith.constant 15 : i32
        %add3A_805 = arith.addi %mul3A_122, %add3A_804 : i32
        %get3A_806 = arith.index_cast %add3A_805 : i32 to index
        %get3A_807 = arith.constant 48 : index
        %get3A_808 = tpu.vector_load %arg9[%get3A_806, %get3A_807] {strides = array<i32>} : memref<128x128xf32, #tpu.memory_space<vmem>>, vector<16xf32>,
        %max3A_809 = arith.maximumf %max3A_803, %get3A_808 : vector<16xf32>
        %add3A_810 = arith.constant 16 : i32
        %add3A_811 = arith.addi %mul3A_122, %add3A_810 : i32
        %get3A_812 = arith.index_cast %add3A_811 : i32 to index
        %get3A_813 = arith.constant 48 : index
        %get3A_814 = tpu.vector_load %arg9[%get3A_812, %get3A_813] {strides = array<i32>} : memref<128x128xf32, #tpu.memory_space<vmem>>, vector<16xf32>,
        %max3A_815 = arith.maximumf %max3A_809, %get3A_814 : vector<16xf32>
        %add3A_816 = arith.constant 17 : i32
        %add3A_817 = arith.addi %mul3A_122, %add3A_816 : i32
        %get3A_818 = arith.index_cast %add3A_817 : i32 to index
        %get3A_819 = arith.constant 48 : index
        %get3A_820 = tpu.vector_load %arg9[%get3A_818, %get3A_819] {strides = array<i32>} : memref<128x128xf32, #tpu.memory_space<vmem>>, vector<16xf32>,
        %max3A_821 = arith.maximumf %max3A_815, %get3A_820 : vector<16xf32>
        %add3A_822 = arith.constant 18 : i32
        %add3A_823 = arith.addi %mul3A_122, %add3A_822 : i32
        %get3A_824 = arith.index_cast %add3A_823 : i32 to index
        %get3A_825 = arith.constant 48 : index
        %get3A_826 = tpu.vector_load %arg9[%get3A_824, %get3A_825] {strides = array<i32>} : memref<128x128xf32, #tpu.memory_space<vmem>>, vector<16xf32>,
        %max3A_827 = arith.maximumf %max3A_821, %get3A_826 : vector<16xf32>
        %add3A_828 = arith.constant 19 : i32
        %add3A_829 = arith.addi %mul3A_122, %add3A_828 : i32
        %get3A_830 = arith.index_cast %add3A_829 : i32 to index
        %get3A_831 = arith.constant 48 : index
        %get3A_832 = tpu.vector_load %arg9[%get3A_830, %get3A_831] {strides = array<i32>} : memref<128x128xf32, #tpu.memory_space<vmem>>, vector<16xf32>,
        %max3A_833 = arith.maximumf %max3A_827, %get3A_832 : vector<16xf32>
        %add3A_834 = arith.constant 20 : i32
        %add3A_835 = arith.addi %mul3A_122, %add3A_834 : i32
        %get3A_836 = arith.index_cast %add3A_835 : i32 to index
        %get3A_837 = arith.constant 48 : index
        %get3A_838 = tpu.vector_load %arg9[%get3A_836, %get3A_837] {strides = array<i32>} : memref<128x128xf32, #tpu.memory_space<vmem>>, vector<16xf32>,
        %max3A_839 = arith.maximumf %max3A_833, %get3A_838 : vector<16xf32>
        %add3A_840 = arith.constant 21 : i32
        %add3A_841 = arith.addi %mul3A_122, %add3A_840 : i32
        %get3A_842 = arith.index_cast %add3A_841 : i32 to index
        %get3A_843 = arith.constant 48 : index
        %get3A_844 = tpu.vector_load %arg9[%get3A_842, %get3A_843] {strides = array<i32>} : memref<128x128xf32, #tpu.memory_space<vmem>>, vector<16xf32>,
        %max3A_845 = arith.maximumf %max3A_839, %get3A_844 : vector<16xf32>
        %add3A_846 = arith.constant 22 : i32
        %add3A_847 = arith.addi %mul3A_122, %add3A_846 : i32
        %get3A_848 = arith.index_cast %add3A_847 : i32 to index
        %get3A_849 = arith.constant 48 : index
        %get3A_850 = tpu.vector_load %arg9[%get3A_848, %get3A_849] {strides = array<i32>} : memref<128x128xf32, #tpu.memory_space<vmem>>, vector<16xf32>,
        %max3A_851 = arith.maximumf %max3A_845, %get3A_850 : vector<16xf32>
        %add3A_852 = arith.constant 23 : i32
        %add3A_853 = arith.addi %mul3A_122, %add3A_852 : i32
        %get3A_854 = arith.index_cast %add3A_853 : i32 to index
        %get3A_855 = arith.constant 48 : index
        %get3A_856 = tpu.vector_load %arg9[%get3A_854, %get3A_855] {strides = array<i32>} : memref<128x128xf32, #tpu.memory_space<vmem>>, vector<16xf32>,
        %max3A_857 = arith.maximumf %max3A_851, %get3A_856 : vector<16xf32>
        %add3A_858 = arith.constant 24 : i32
        %add3A_859 = arith.addi %mul3A_122, %add3A_858 : i32
        %get3A_860 = arith.index_cast %add3A_859 : i32 to index
        %get3A_861 = arith.constant 48 : index
        %get3A_862 = tpu.vector_load %arg9[%get3A_860, %get3A_861] {strides = array<i32>} : memref<128x128xf32, #tpu.memory_space<vmem>>, vector<16xf32>,
        %max3A_863 = arith.maximumf %max3A_857, %get3A_862 : vector<16xf32>
        %add3A_864 = arith.constant 25 : i32
        %add3A_865 = arith.addi %mul3A_122, %add3A_864 : i32
        %get3A_866 = arith.index_cast %add3A_865 : i32 to index
        %get3A_867 = arith.constant 48 : index
        %get3A_868 = tpu.vector_load %arg9[%get3A_866, %get3A_867] {strides = array<i32>} : memref<128x128xf32, #tpu.memory_space<vmem>>, vector<16xf32>,
        %max3A_869 = arith.maximumf %max3A_863, %get3A_868 : vector<16xf32>
        %add3A_870 = arith.constant 26 : i32
        %add3A_871 = arith.addi %mul3A_122, %add3A_870 : i32
        %get3A_872 = arith.index_cast %add3A_871 : i32 to index
        %get3A_873 = arith.constant 48 : index
        %get3A_874 = tpu.vector_load %arg9[%get3A_872, %get3A_873] {strides = array<i32>} : memref<128x128xf32, #tpu.memory_space<vmem>>, vector<16xf32>,
        %max3A_875 = arith.maximumf %max3A_869, %get3A_874 : vector<16xf32>
        %add3A_876 = arith.constant 27 : i32
        %add3A_877 = arith.addi %mul3A_122, %add3A_876 : i32
        %get3A_878 = arith.index_cast %add3A_877 : i32 to index
        %get3A_879 = arith.constant 48 : index
        %get3A_880 = tpu.vector_load %arg9[%get3A_878, %get3A_879] {strides = array<i32>} : memref<128x128xf32, #tpu.memory_space<vmem>>, vector<16xf32>,
        %max3A_881 = arith.maximumf %max3A_875, %get3A_880 : vector<16xf32>
        %add3A_882 = arith.constant 28 : i32
        %add3A_883 = arith.addi %mul3A_122, %add3A_882 : i32
        %get3A_884 = arith.index_cast %add3A_883 : i32 to index
        %get3A_885 = arith.constant 48 : index
        %get3A_886 = tpu.vector_load %arg9[%get3A_884, %get3A_885] {strides = array<i32>} : memref<128x128xf32, #tpu.memory_space<vmem>>, vector<16xf32>,
        %max3A_887 = arith.maximumf %max3A_881, %get3A_886 : vector<16xf32>
        %add3A_888 = arith.constant 29 : i32
        %add3A_889 = arith.addi %mul3A_122, %add3A_888 : i32
        %get3A_890 = arith.index_cast %add3A_889 : i32 to index
        %get3A_891 = arith.constant 48 : index
        %get3A_892 = tpu.vector_load %arg9[%get3A_890, %get3A_891] {strides = array<i32>} : memref<128x128xf32, #tpu.memory_space<vmem>>, vector<16xf32>,
        %max3A_893 = arith.maximumf %max3A_887, %get3A_892 : vector<16xf32>
        %add3A_894 = arith.constant 30 : i32
        %add3A_895 = arith.addi %mul3A_122, %add3A_894 : i32
        %get3A_896 = arith.index_cast %add3A_895 : i32 to index
        %get3A_897 = arith.constant 48 : index
        %get3A_898 = tpu.vector_load %arg9[%get3A_896, %get3A_897] {strides = array<i32>} : memref<128x128xf32, #tpu.memory_space<vmem>>, vector<16xf32>,
        %max3A_899 = arith.maximumf %max3A_893, %get3A_898 : vector<16xf32>
        %add3A_900 = arith.constant 31 : i32
        %add3A_901 = arith.addi %mul3A_122, %add3A_900 : i32
        %get3A_902 = arith.index_cast %add3A_901 : i32 to index
        %get3A_903 = arith.constant 48 : index
        %get3A_904 = tpu.vector_load %arg9[%get3A_902, %get3A_903] {strides = array<i32>} : memref<128x128xf32, #tpu.memory_space<vmem>>, vector<16xf32>,
        %max3A_905 = arith.maximumf %max3A_899, %get3A_904 : vector<16xf32>
        %get3A_906 = arith.index_cast %scan3A_120 : i32 to index
        %get3A_907 = arith.constant 48 : index
        %get3A_908 = tpu.vector_load %arg11[%get3A_906, %get3A_907] {strides = array<i32>} : memref<4x128xf32, #tpu.memory_space<vmem>>, vector<16xf32>,
        %add3A_909 = arith.addf %max3A_905, %get3A_908 : vector<16xf32>
        %max3A_910 = arith.constant 0.000000e+00 : f32
        %max3A_911 = vector.broadcast %max3A_910 : f32 to vector<16xf32>
        %max3A_912 = arith.maximumf %add3A_909, %max3A_911 : vector<16xf32>
        %swap3A_913 = arith.index_cast %scan3A_120 : i32 to index
        %swap3A_914 = arith.constant 48 : index
        %swap3A_915 = tpu.vector_load %arg13[%swap3A_913, %swap3A_914] {strides = array<i32>} : memref<4x128xf32, #tpu.memory_space<vmem>>, vector<16xf32>,
        tpu.vector_store %arg13[%swap3A_913, %swap3A_914], %max3A_912 {strides = array<i32>} : memref<4x128xf32, #tpu.memory_space<vmem>>, vector<16xf32>,
        %get3A_916 = arith.index_cast %mul3A_122 : i32 to index
        %get3A_917 = arith.constant 64 : index
        %get3A_918 = tpu.vector_load %arg9[%get3A_916, %get3A_917] {strides = array<i32>} : memref<128x128xf32, #tpu.memory_space<vmem>>, vector<16xf32>,
        %add3A_919 = arith.constant 1 : i32
        %add3A_920 = arith.addi %mul3A_122, %add3A_919 : i32
        %get3A_921 = arith.index_cast %add3A_920 : i32 to index
        %get3A_922 = arith.constant 64 : index
        %get3A_923 = tpu.vector_load %arg9[%get3A_921, %get3A_922] {strides = array<i32>} : memref<128x128xf32, #tpu.memory_space<vmem>>, vector<16xf32>,
        %max3A_924 = arith.maximumf %get3A_918, %get3A_923 : vector<16xf32>
        %add3A_925 = arith.constant 2 : i32
        %add3A_926 = arith.addi %mul3A_122, %add3A_925 : i32
        %get3A_927 = arith.index_cast %add3A_926 : i32 to index
        %get3A_928 = arith.constant 64 : index
        %get3A_929 = tpu.vector_load %arg9[%get3A_927, %get3A_928] {strides = array<i32>} : memref<128x128xf32, #tpu.memory_space<vmem>>, vector<16xf32>,
        %max3A_930 = arith.maximumf %max3A_924, %get3A_929 : vector<16xf32>
        %add3A_931 = arith.constant 3 : i32
        %add3A_932 = arith.addi %mul3A_122, %add3A_931 : i32
        %get3A_933 = arith.index_cast %add3A_932 : i32 to index
        %get3A_934 = arith.constant 64 : index
        %get3A_935 = tpu.vector_load %arg9[%get3A_933, %get3A_934] {strides = array<i32>} : memref<128x128xf32, #tpu.memory_space<vmem>>, vector<16xf32>,
        %max3A_936 = arith.maximumf %max3A_930, %get3A_935 : vector<16xf32>
        %add3A_937 = arith.constant 4 : i32
        %add3A_938 = arith.addi %mul3A_122, %add3A_937 : i32
        %get3A_939 = arith.index_cast %add3A_938 : i32 to index
        %get3A_940 = arith.constant 64 : index
        %get3A_941 = tpu.vector_load %arg9[%get3A_939, %get3A_940] {strides = array<i32>} : memref<128x128xf32, #tpu.memory_space<vmem>>, vector<16xf32>,
        %max3A_942 = arith.maximumf %max3A_936, %get3A_941 : vector<16xf32>
        %add3A_943 = arith.constant 5 : i32
        %add3A_944 = arith.addi %mul3A_122, %add3A_943 : i32
        %get3A_945 = arith.index_cast %add3A_944 : i32 to index
        %get3A_946 = arith.constant 64 : index
        %get3A_947 = tpu.vector_load %arg9[%get3A_945, %get3A_946] {strides = array<i32>} : memref<128x128xf32, #tpu.memory_space<vmem>>, vector<16xf32>,
        %max3A_948 = arith.maximumf %max3A_942, %get3A_947 : vector<16xf32>
        %add3A_949 = arith.constant 6 : i32
        %add3A_950 = arith.addi %mul3A_122, %add3A_949 : i32
        %get3A_951 = arith.index_cast %add3A_950 : i32 to index
        %get3A_952 = arith.constant 64 : index
        %get3A_953 = tpu.vector_load %arg9[%get3A_951, %get3A_952] {strides = array<i32>} : memref<128x128xf32, #tpu.memory_space<vmem>>, vector<16xf32>,
        %max3A_954 = arith.maximumf %max3A_948, %get3A_953 : vector<16xf32>
        %add3A_955 = arith.constant 7 : i32
        %add3A_956 = arith.addi %mul3A_122, %add3A_955 : i32
        %get3A_957 = arith.index_cast %add3A_956 : i32 to index
        %get3A_958 = arith.constant 64 : index
        %get3A_959 = tpu.vector_load %arg9[%get3A_957, %get3A_958] {strides = array<i32>} : memref<128x128xf32, #tpu.memory_space<vmem>>, vector<16xf32>,
        %max3A_960 = arith.maximumf %max3A_954, %get3A_959 : vector<16xf32>
        %add3A_961 = arith.constant 8 : i32
        %add3A_962 = arith.addi %mul3A_122, %add3A_961 : i32
        %get3A_963 = arith.index_cast %add3A_962 : i32 to index
        %get3A_964 = arith.constant 64 : index
        %get3A_965 = tpu.vector_load %arg9[%get3A_963, %get3A_964] {strides = array<i32>} : memref<128x128xf32, #tpu.memory_space<vmem>>, vector<16xf32>,
        %max3A_966 = arith.maximumf %max3A_960, %get3A_965 : vector<16xf32>
        %add3A_967 = arith.constant 9 : i32
        %add3A_968 = arith.addi %mul3A_122, %add3A_967 : i32
        %get3A_969 = arith.index_cast %add3A_968 : i32 to index
        %get3A_970 = arith.constant 64 : index
        %get3A_971 = tpu.vector_load %arg9[%get3A_969, %get3A_970] {strides = array<i32>} : memref<128x128xf32, #tpu.memory_space<vmem>>, vector<16xf32>,
        %max3A_972 = arith.maximumf %max3A_966, %get3A_971 : vector<16xf32>
        %add3A_973 = arith.constant 10 : i32
        %add3A_974 = arith.addi %mul3A_122, %add3A_973 : i32
        %get3A_975 = arith.index_cast %add3A_974 : i32 to index
        %get3A_976 = arith.constant 64 : index
        %get3A_977 = tpu.vector_load %arg9[%get3A_975, %get3A_976] {strides = array<i32>} : memref<128x128xf32, #tpu.memory_space<vmem>>, vector<16xf32>,
        %max3A_978 = arith.maximumf %max3A_972, %get3A_977 : vector<16xf32>
        %add3A_979 = arith.constant 11 : i32
        %add3A_980 = arith.addi %mul3A_122, %add3A_979 : i32
        %get3A_981 = arith.index_cast %add3A_980 : i32 to index
        %get3A_982 = arith.constant 64 : index
        %get3A_983 = tpu.vector_load %arg9[%get3A_981, %get3A_982] {strides = array<i32>} : memref<128x128xf32, #tpu.memory_space<vmem>>, vector<16xf32>,
        %max3A_984 = arith.maximumf %max3A_978, %get3A_983 : vector<16xf32>
        %add3A_985 = arith.constant 12 : i32
        %add3A_986 = arith.addi %mul3A_122, %add3A_985 : i32
        %get3A_987 = arith.index_cast %add3A_986 : i32 to index
        %get3A_988 = arith.constant 64 : index
        %get3A_989 = tpu.vector_load %arg9[%get3A_987, %get3A_988] {strides = array<i32>} : memref<128x128xf32, #tpu.memory_space<vmem>>, vector<16xf32>,
        %max3A_990 = arith.maximumf %max3A_984, %get3A_989 : vector<16xf32>
        %add3A_991 = arith.constant 13 : i32
        %add3A_992 = arith.addi %mul3A_122, %add3A_991 : i32
        %get3A_993 = arith.index_cast %add3A_992 : i32 to index
        %get3A_994 = arith.constant 64 : index
        %get3A_995 = tpu.vector_load %arg9[%get3A_993, %get3A_994] {strides = array<i32>} : memref<128x128xf32, #tpu.memory_space<vmem>>, vector<16xf32>,
        %max3A_996 = arith.maximumf %max3A_990, %get3A_995 : vector<16xf32>
        %add3A_997 = arith.constant 14 : i32
        %add3A_998 = arith.addi %mul3A_122, %add3A_997 : i32
        %get3A_999 = arith.index_cast %add3A_998 : i32 to index
        %get3A_1000 = arith.constant 64 : index
        %get3A_1001 = tpu.vector_load %arg9[%get3A_999, %get3A_1000] {strides = array<i32>} : memref<128x128xf32, #tpu.memory_space<vmem>>, vector<16xf32>,
        %max3A_1002 = arith.maximumf %max3A_996, %get3A_1001 : vector<16xf32>
        %add3A_1003 = arith.constant 15 : i32
        %add3A_1004 = arith.addi %mul3A_122, %add3A_1003 : i32
        %get3A_1005 = arith.index_cast %add3A_1004 : i32 to index
        %get3A_1006 = arith.constant 64 : index
        %get3A_1007 = tpu.vector_load %arg9[%get3A_1005, %get3A_1006] {strides = array<i32>} : memref<128x128xf32, #tpu.memory_space<vmem>>, vector<16xf32>,
        %max3A_1008 = arith.maximumf %max3A_1002, %get3A_1007 : vector<16xf32>
        %add3A_1009 = arith.constant 16 : i32
        %add3A_1010 = arith.addi %mul3A_122, %add3A_1009 : i32
        %get3A_1011 = arith.index_cast %add3A_1010 : i32 to index
        %get3A_1012 = arith.constant 64 : index
        %get3A_1013 = tpu.vector_load %arg9[%get3A_1011, %get3A_1012] {strides = array<i32>} : memref<128x128xf32, #tpu.memory_space<vmem>>, vector<16xf32>,
        %max3A_1014 = arith.maximumf %max3A_1008, %get3A_1013 : vector<16xf32>
        %add3A_1015 = arith.constant 17 : i32
        %add3A_1016 = arith.addi %mul3A_122, %add3A_1015 : i32
        %get3A_1017 = arith.index_cast %add3A_1016 : i32 to index
        %get3A_1018 = arith.constant 64 : index
        %get3A_1019 = tpu.vector_load %arg9[%get3A_1017, %get3A_1018] {strides = array<i32>} : memref<128x128xf32, #tpu.memory_space<vmem>>, vector<16xf32>,
        %max3A_1020 = arith.maximumf %max3A_1014, %get3A_1019 : vector<16xf32>
        %add3A_1021 = arith.constant 18 : i32
        %add3A_1022 = arith.addi %mul3A_122, %add3A_1021 : i32
        %get3A_1023 = arith.index_cast %add3A_1022 : i32 to index
        %get3A_1024 = arith.constant 64 : index
        %get3A_1025 = tpu.vector_load %arg9[%get3A_1023, %get3A_1024] {strides = array<i32>} : memref<128x128xf32, #tpu.memory_space<vmem>>, vector<16xf32>,
        %max3A_1026 = arith.maximumf %max3A_1020, %get3A_1025 : vector<16xf32>
        %add3A_1027 = arith.constant 19 : i32
        %add3A_1028 = arith.addi %mul3A_122, %add3A_1027 : i32
        %get3A_1029 = arith.index_cast %add3A_1028 : i32 to index
        %get3A_1030 = arith.constant 64 : index
        %get3A_1031 = tpu.vector_load %arg9[%get3A_1029, %get3A_1030] {strides = array<i32>} : memref<128x128xf32, #tpu.memory_space<vmem>>, vector<16xf32>,
        %max3A_1032 = arith.maximumf %max3A_1026, %get3A_1031 : vector<16xf32>
        %add3A_1033 = arith.constant 20 : i32
        %add3A_1034 = arith.addi %mul3A_122, %add3A_1033 : i32
        %get3A_1035 = arith.index_cast %add3A_1034 : i32 to index
        %get3A_1036 = arith.constant 64 : index
        %get3A_1037 = tpu.vector_load %arg9[%get3A_1035, %get3A_1036] {strides = array<i32>} : memref<128x128xf32, #tpu.memory_space<vmem>>, vector<16xf32>,
        %max3A_1038 = arith.maximumf %max3A_1032, %get3A_1037 : vector<16xf32>
        %add3A_1039 = arith.constant 21 : i32
        %add3A_1040 = arith.addi %mul3A_122, %add3A_1039 : i32
        %get3A_1041 = arith.index_cast %add3A_1040 : i32 to index
        %get3A_1042 = arith.constant 64 : index
        %get3A_1043 = tpu.vector_load %arg9[%get3A_1041, %get3A_1042] {strides = array<i32>} : memref<128x128xf32, #tpu.memory_space<vmem>>, vector<16xf32>,
        %max3A_1044 = arith.maximumf %max3A_1038, %get3A_1043 : vector<16xf32>
        %add3A_1045 = arith.constant 22 : i32
        %add3A_1046 = arith.addi %mul3A_122, %add3A_1045 : i32
        %get3A_1047 = arith.index_cast %add3A_1046 : i32 to index
        %get3A_1048 = arith.constant 64 : index
        %get3A_1049 = tpu.vector_load %arg9[%get3A_1047, %get3A_1048] {strides = array<i32>} : memref<128x128xf32, #tpu.memory_space<vmem>>, vector<16xf32>,
        %max3A_1050 = arith.maximumf %max3A_1044, %get3A_1049 : vector<16xf32>
        %add3A_1051 = arith.constant 23 : i32
        %add3A_1052 = arith.addi %mul3A_122, %add3A_1051 : i32
        %get3A_1053 = arith.index_cast %add3A_1052 : i32 to index
        %get3A_1054 = arith.constant 64 : index
        %get3A_1055 = tpu.vector_load %arg9[%get3A_1053, %get3A_1054] {strides = array<i32>} : memref<128x128xf32, #tpu.memory_space<vmem>>, vector<16xf32>,
        %max3A_1056 = arith.maximumf %max3A_1050, %get3A_1055 : vector<16xf32>
        %add3A_1057 = arith.constant 24 : i32
        %add3A_1058 = arith.addi %mul3A_122, %add3A_1057 : i32
        %get3A_1059 = arith.index_cast %add3A_1058 : i32 to index
        %get3A_1060 = arith.constant 64 : index
        %get3A_1061 = tpu.vector_load %arg9[%get3A_1059, %get3A_1060] {strides = array<i32>} : memref<128x128xf32, #tpu.memory_space<vmem>>, vector<16xf32>,
        %max3A_1062 = arith.maximumf %max3A_1056, %get3A_1061 : vector<16xf32>
        %add3A_1063 = arith.constant 25 : i32
        %add3A_1064 = arith.addi %mul3A_122, %add3A_1063 : i32
        %get3A_1065 = arith.index_cast %add3A_1064 : i32 to index
        %get3A_1066 = arith.constant 64 : index
        %get3A_1067 = tpu.vector_load %arg9[%get3A_1065, %get3A_1066] {strides = array<i32>} : memref<128x128xf32, #tpu.memory_space<vmem>>, vector<16xf32>,
        %max3A_1068 = arith.maximumf %max3A_1062, %get3A_1067 : vector<16xf32>
        %add3A_1069 = arith.constant 26 : i32
        %add3A_1070 = arith.addi %mul3A_122, %add3A_1069 : i32
        %get3A_1071 = arith.index_cast %add3A_1070 : i32 to index
        %get3A_1072 = arith.constant 64 : index
        %get3A_1073 = tpu.vector_load %arg9[%get3A_1071, %get3A_1072] {strides = array<i32>} : memref<128x128xf32, #tpu.memory_space<vmem>>, vector<16xf32>,
        %max3A_1074 = arith.maximumf %max3A_1068, %get3A_1073 : vector<16xf32>
        %add3A_1075 = arith.constant 27 : i32
        %add3A_1076 = arith.addi %mul3A_122, %add3A_1075 : i32
        %get3A_1077 = arith.index_cast %add3A_1076 : i32 to index
        %get3A_1078 = arith.constant 64 : index
        %get3A_1079 = tpu.vector_load %arg9[%get3A_1077, %get3A_1078] {strides = array<i32>} : memref<128x128xf32, #tpu.memory_space<vmem>>, vector<16xf32>,
        %max3A_1080 = arith.maximumf %max3A_1074, %get3A_1079 : vector<16xf32>
        %add3A_1081 = arith.constant 28 : i32
        %add3A_1082 = arith.addi %mul3A_122, %add3A_1081 : i32
        %get3A_1083 = arith.index_cast %add3A_1082 : i32 to index
        %get3A_1084 = arith.constant 64 : index
        %get3A_1085 = tpu.vector_load %arg9[%get3A_1083, %get3A_1084] {strides = array<i32>} : memref<128x128xf32, #tpu.memory_space<vmem>>, vector<16xf32>,
        %max3A_1086 = arith.maximumf %max3A_1080, %get3A_1085 : vector<16xf32>
        %add3A_1087 = arith.constant 29 : i32
        %add3A_1088 = arith.addi %mul3A_122, %add3A_1087 : i32
        %get3A_1089 = arith.index_cast %add3A_1088 : i32 to index
        %get3A_1090 = arith.constant 64 : index
        %get3A_1091 = tpu.vector_load %arg9[%get3A_1089, %get3A_1090] {strides = array<i32>} : memref<128x128xf32, #tpu.memory_space<vmem>>, vector<16xf32>,
        %max3A_1092 = arith.maximumf %max3A_1086, %get3A_1091 : vector<16xf32>
        %add3A_1093 = arith.constant 30 : i32
        %add3A_1094 = arith.addi %mul3A_122, %add3A_1093 : i32
        %get3A_1095 = arith.index_cast %add3A_1094 : i32 to index
        %get3A_1096 = arith.constant 64 : index
        %get3A_1097 = tpu.vector_load %arg9[%get3A_1095, %get3A_1096] {strides = array<i32>} : memref<128x128xf32, #tpu.memory_space<vmem>>, vector<16xf32>,
        %max3A_1098 = arith.maximumf %max3A_1092, %get3A_1097 : vector<16xf32>
        %add3A_1099 = arith.constant 31 : i32
        %add3A_1100 = arith.addi %mul3A_122, %add3A_1099 : i32
        %get3A_1101 = arith.index_cast %add3A_1100 : i32 to index
        %get3A_1102 = arith.constant 64 : index
        %get3A_1103 = tpu.vector_load %arg9[%get3A_1101, %get3A_1102] {strides = array<i32>} : memref<128x128xf32, #tpu.memory_space<vmem>>, vector<16xf32>,
        %max3A_1104 = arith.maximumf %max3A_1098, %get3A_1103 : vector<16xf32>
        %get3A_1105 = arith.index_cast %scan3A_120 : i32 to index
        %get3A_1106 = arith.constant 64 : index
        %get3A_1107 = tpu.vector_load %arg11[%get3A_1105, %get3A_1106] {strides = array<i32>} : memref<4x128xf32, #tpu.memory_space<vmem>>, vector<16xf32>,
        %add3A_1108 = arith.addf %max3A_1104, %get3A_1107 : vector<16xf32>
        %max3A_1109 = arith.constant 0.000000e+00 : f32
        %max3A_1110 = vector.broadcast %max3A_1109 : f32 to vector<16xf32>
        %max3A_1111 = arith.maximumf %add3A_1108, %max3A_1110 : vector<16xf32>
        %swap3A_1112 = arith.index_cast %scan3A_120 : i32 to index
        %swap3A_1113 = arith.constant 64 : index
        %swap3A_1114 = tpu.vector_load %arg13[%swap3A_1112, %swap3A_1113] {strides = array<i32>} : memref<4x128xf32, #tpu.memory_space<vmem>>, vector<16xf32>,
        tpu.vector_store %arg13[%swap3A_1112, %swap3A_1113], %max3A_1111 {strides = array<i32>} : memref<4x128xf32, #tpu.memory_space<vmem>>, vector<16xf32>,
        %get3A_1115 = arith.index_cast %mul3A_122 : i32 to index
        %get3A_1116 = arith.constant 80 : index
        %get3A_1117 = tpu.vector_load %arg9[%get3A_1115, %get3A_1116] {strides = array<i32>} : memref<128x128xf32, #tpu.memory_space<vmem>>, vector<16xf32>,
        %add3A_1118 = arith.constant 1 : i32
        %add3A_1119 = arith.addi %mul3A_122, %add3A_1118 : i32
        %get3A_1120 = arith.index_cast %add3A_1119 : i32 to index
        %get3A_1121 = arith.constant 80 : index
        %get3A_1122 = tpu.vector_load %arg9[%get3A_1120, %get3A_1121] {strides = array<i32>} : memref<128x128xf32, #tpu.memory_space<vmem>>, vector<16xf32>,
        %max3A_1123 = arith.maximumf %get3A_1117, %get3A_1122 : vector<16xf32>
        %add3A_1124 = arith.constant 2 : i32
        %add3A_1125 = arith.addi %mul3A_122, %add3A_1124 : i32
        %get3A_1126 = arith.index_cast %add3A_1125 : i32 to index
        %get3A_1127 = arith.constant 80 : index
        %get3A_1128 = tpu.vector_load %arg9[%get3A_1126, %get3A_1127] {strides = array<i32>} : memref<128x128xf32, #tpu.memory_space<vmem>>, vector<16xf32>,
        %max3A_1129 = arith.maximumf %max3A_1123, %get3A_1128 : vector<16xf32>
        %add3A_1130 = arith.constant 3 : i32
        %add3A_1131 = arith.addi %mul3A_122, %add3A_1130 : i32
        %get3A_1132 = arith.index_cast %add3A_1131 : i32 to index
        %get3A_1133 = arith.constant 80 : index
        %get3A_1134 = tpu.vector_load %arg9[%get3A_1132, %get3A_1133] {strides = array<i32>} : memref<128x128xf32, #tpu.memory_space<vmem>>, vector<16xf32>,
        %max3A_1135 = arith.maximumf %max3A_1129, %get3A_1134 : vector<16xf32>
        %add3A_1136 = arith.constant 4 : i32
        %add3A_1137 = arith.addi %mul3A_122, %add3A_1136 : i32
        %get3A_1138 = arith.index_cast %add3A_1137 : i32 to index
        %get3A_1139 = arith.constant 80 : index
        %get3A_1140 = tpu.vector_load %arg9[%get3A_1138, %get3A_1139] {strides = array<i32>} : memref<128x128xf32, #tpu.memory_space<vmem>>, vector<16xf32>,
        %max3A_1141 = arith.maximumf %max3A_1135, %get3A_1140 : vector<16xf32>
        %add3A_1142 = arith.constant 5 : i32
        %add3A_1143 = arith.addi %mul3A_122, %add3A_1142 : i32
        %get3A_1144 = arith.index_cast %add3A_1143 : i32 to index
        %get3A_1145 = arith.constant 80 : index
        %get3A_1146 = tpu.vector_load %arg9[%get3A_1144, %get3A_1145] {strides = array<i32>} : memref<128x128xf32, #tpu.memory_space<vmem>>, vector<16xf32>,
        %max3A_1147 = arith.maximumf %max3A_1141, %get3A_1146 : vector<16xf32>
        %add3A_1148 = arith.constant 6 : i32
        %add3A_1149 = arith.addi %mul3A_122, %add3A_1148 : i32
        %get3A_1150 = arith.index_cast %add3A_1149 : i32 to index
        %get3A_1151 = arith.constant 80 : index
        %get3A_1152 = tpu.vector_load %arg9[%get3A_1150, %get3A_1151] {strides = array<i32>} : memref<128x128xf32, #tpu.memory_space<vmem>>, vector<16xf32>,
        %max3A_1153 = arith.maximumf %max3A_1147, %get3A_1152 : vector<16xf32>
        %add3A_1154 = arith.constant 7 : i32
        %add3A_1155 = arith.addi %mul3A_122, %add3A_1154 : i32
        %get3A_1156 = arith.index_cast %add3A_1155 : i32 to index
        %get3A_1157 = arith.constant 80 : index
        %get3A_1158 = tpu.vector_load %arg9[%get3A_1156, %get3A_1157] {strides = array<i32>} : memref<128x128xf32, #tpu.memory_space<vmem>>, vector<16xf32>,
        %max3A_1159 = arith.maximumf %max3A_1153, %get3A_1158 : vector<16xf32>
        %add3A_1160 = arith.constant 8 : i32
        %add3A_1161 = arith.addi %mul3A_122, %add3A_1160 : i32
        %get3A_1162 = arith.index_cast %add3A_1161 : i32 to index
        %get3A_1163 = arith.constant 80 : index
        %get3A_1164 = tpu.vector_load %arg9[%get3A_1162, %get3A_1163] {strides = array<i32>} : memref<128x128xf32, #tpu.memory_space<vmem>>, vector<16xf32>,
        %max3A_1165 = arith.maximumf %max3A_1159, %get3A_1164 : vector<16xf32>
        %add3A_1166 = arith.constant 9 : i32
        %add3A_1167 = arith.addi %mul3A_122, %add3A_1166 : i32
        %get3A_1168 = arith.index_cast %add3A_1167 : i32 to index
        %get3A_1169 = arith.constant 80 : index
        %get3A_1170 = tpu.vector_load %arg9[%get3A_1168, %get3A_1169] {strides = array<i32>} : memref<128x128xf32, #tpu.memory_space<vmem>>, vector<16xf32>,
        %max3A_1171 = arith.maximumf %max3A_1165, %get3A_1170 : vector<16xf32>
        %add3A_1172 = arith.constant 10 : i32
        %add3A_1173 = arith.addi %mul3A_122, %add3A_1172 : i32
        %get3A_1174 = arith.index_cast %add3A_1173 : i32 to index
        %get3A_1175 = arith.constant 80 : index
        %get3A_1176 = tpu.vector_load %arg9[%get3A_1174, %get3A_1175] {strides = array<i32>} : memref<128x128xf32, #tpu.memory_space<vmem>>, vector<16xf32>,
        %max3A_1177 = arith.maximumf %max3A_1171, %get3A_1176 : vector<16xf32>
        %add3A_1178 = arith.constant 11 : i32
        %add3A_1179 = arith.addi %mul3A_122, %add3A_1178 : i32
        %get3A_1180 = arith.index_cast %add3A_1179 : i32 to index
        %get3A_1181 = arith.constant 80 : index
        %get3A_1182 = tpu.vector_load %arg9[%get3A_1180, %get3A_1181] {strides = array<i32>} : memref<128x128xf32, #tpu.memory_space<vmem>>, vector<16xf32>,
        %max3A_1183 = arith.maximumf %max3A_1177, %get3A_1182 : vector<16xf32>
        %add3A_1184 = arith.constant 12 : i32
        %add3A_1185 = arith.addi %mul3A_122, %add3A_1184 : i32
        %get3A_1186 = arith.index_cast %add3A_1185 : i32 to index
        %get3A_1187 = arith.constant 80 : index
        %get3A_1188 = tpu.vector_load %arg9[%get3A_1186, %get3A_1187] {strides = array<i32>} : memref<128x128xf32, #tpu.memory_space<vmem>>, vector<16xf32>,
        %max3A_1189 = arith.maximumf %max3A_1183, %get3A_1188 : vector<16xf32>
        %add3A_1190 = arith.constant 13 : i32
        %add3A_1191 = arith.addi %mul3A_122, %add3A_1190 : i32
        %get3A_1192 = arith.index_cast %add3A_1191 : i32 to index
        %get3A_1193 = arith.constant 80 : index
        %get3A_1194 = tpu.vector_load %arg9[%get3A_1192, %get3A_1193] {strides = array<i32>} : memref<128x128xf32, #tpu.memory_space<vmem>>, vector<16xf32>,
        %max3A_1195 = arith.maximumf %max3A_1189, %get3A_1194 : vector<16xf32>
        %add3A_1196 = arith.constant 14 : i32
        %add3A_1197 = arith.addi %mul3A_122, %add3A_1196 : i32
        %get3A_1198 = arith.index_cast %add3A_1197 : i32 to index
        %get3A_1199 = arith.constant 80 : index
        %get3A_1200 = tpu.vector_load %arg9[%get3A_1198, %get3A_1199] {strides = array<i32>} : memref<128x128xf32, #tpu.memory_space<vmem>>, vector<16xf32>,
        %max3A_1201 = arith.maximumf %max3A_1195, %get3A_1200 : vector<16xf32>
        %add3A_1202 = arith.constant 15 : i32
        %add3A_1203 = arith.addi %mul3A_122, %add3A_1202 : i32
        %get3A_1204 = arith.index_cast %add3A_1203 : i32 to index
        %get3A_1205 = arith.constant 80 : index
        %get3A_1206 = tpu.vector_load %arg9[%get3A_1204, %get3A_1205] {strides = array<i32>} : memref<128x128xf32, #tpu.memory_space<vmem>>, vector<16xf32>,
        %max3A_1207 = arith.maximumf %max3A_1201, %get3A_1206 : vector<16xf32>
        %add3A_1208 = arith.constant 16 : i32
        %add3A_1209 = arith.addi %mul3A_122, %add3A_1208 : i32
        %get3A_1210 = arith.index_cast %add3A_1209 : i32 to index
        %get3A_1211 = arith.constant 80 : index
        %get3A_1212 = tpu.vector_load %arg9[%get3A_1210, %get3A_1211] {strides = array<i32>} : memref<128x128xf32, #tpu.memory_space<vmem>>, vector<16xf32>,
        %max3A_1213 = arith.maximumf %max3A_1207, %get3A_1212 : vector<16xf32>
        %add3A_1214 = arith.constant 17 : i32
        %add3A_1215 = arith.addi %mul3A_122, %add3A_1214 : i32
        %get3A_1216 = arith.index_cast %add3A_1215 : i32 to index
        %get3A_1217 = arith.constant 80 : index
        %get3A_1218 = tpu.vector_load %arg9[%get3A_1216, %get3A_1217] {strides = array<i32>} : memref<128x128xf32, #tpu.memory_space<vmem>>, vector<16xf32>,
        %max3A_1219 = arith.maximumf %max3A_1213, %get3A_1218 : vector<16xf32>
        %add3A_1220 = arith.constant 18 : i32
        %add3A_1221 = arith.addi %mul3A_122, %add3A_1220 : i32
        %get3A_1222 = arith.index_cast %add3A_1221 : i32 to index
        %get3A_1223 = arith.constant 80 : index
        %get3A_1224 = tpu.vector_load %arg9[%get3A_1222, %get3A_1223] {strides = array<i32>} : memref<128x128xf32, #tpu.memory_space<vmem>>, vector<16xf32>,
        %max3A_1225 = arith.maximumf %max3A_1219, %get3A_1224 : vector<16xf32>
        %add3A_1226 = arith.constant 19 : i32
        %add3A_1227 = arith.addi %mul3A_122, %add3A_1226 : i32
        %get3A_1228 = arith.index_cast %add3A_1227 : i32 to index
        %get3A_1229 = arith.constant 80 : index
        %get3A_1230 = tpu.vector_load %arg9[%get3A_1228, %get3A_1229] {strides = array<i32>} : memref<128x128xf32, #tpu.memory_space<vmem>>, vector<16xf32>,
        %max3A_1231 = arith.maximumf %max3A_1225, %get3A_1230 : vector<16xf32>
        %add3A_1232 = arith.constant 20 : i32
        %add3A_1233 = arith.addi %mul3A_122, %add3A_1232 : i32
        %get3A_1234 = arith.index_cast %add3A_1233 : i32 to index
        %get3A_1235 = arith.constant 80 : index
        %get3A_1236 = tpu.vector_load %arg9[%get3A_1234, %get3A_1235] {strides = array<i32>} : memref<128x128xf32, #tpu.memory_space<vmem>>, vector<16xf32>,
        %max3A_1237 = arith.maximumf %max3A_1231, %get3A_1236 : vector<16xf32>
        %add3A_1238 = arith.constant 21 : i32
        %add3A_1239 = arith.addi %mul3A_122, %add3A_1238 : i32
        %get3A_1240 = arith.index_cast %add3A_1239 : i32 to index
        %get3A_1241 = arith.constant 80 : index
        %get3A_1242 = tpu.vector_load %arg9[%get3A_1240, %get3A_1241] {strides = array<i32>} : memref<128x128xf32, #tpu.memory_space<vmem>>, vector<16xf32>,
        %max3A_1243 = arith.maximumf %max3A_1237, %get3A_1242 : vector<16xf32>
        %add3A_1244 = arith.constant 22 : i32
        %add3A_1245 = arith.addi %mul3A_122, %add3A_1244 : i32
        %get3A_1246 = arith.index_cast %add3A_1245 : i32 to index
        %get3A_1247 = arith.constant 80 : index
        %get3A_1248 = tpu.vector_load %arg9[%get3A_1246, %get3A_1247] {strides = array<i32>} : memref<128x128xf32, #tpu.memory_space<vmem>>, vector<16xf32>,
        %max3A_1249 = arith.maximumf %max3A_1243, %get3A_1248 : vector<16xf32>
        %add3A_1250 = arith.constant 23 : i32
        %add3A_1251 = arith.addi %mul3A_122, %add3A_1250 : i32
        %get3A_1252 = arith.index_cast %add3A_1251 : i32 to index
        %get3A_1253 = arith.constant 80 : index
        %get3A_1254 = tpu.vector_load %arg9[%get3A_1252, %get3A_1253] {strides = array<i32>} : memref<128x128xf32, #tpu.memory_space<vmem>>, vector<16xf32>,
        %max3A_1255 = arith.maximumf %max3A_1249, %get3A_1254 : vector<16xf32>
        %add3A_1256 = arith.constant 24 : i32
        %add3A_1257 = arith.addi %mul3A_122, %add3A_1256 : i32
        %get3A_1258 = arith.index_cast %add3A_1257 : i32 to index
        %get3A_1259 = arith.constant 80 : index
        %get3A_1260 = tpu.vector_load %arg9[%get3A_1258, %get3A_1259] {strides = array<i32>} : memref<128x128xf32, #tpu.memory_space<vmem>>, vector<16xf32>,
        %max3A_1261 = arith.maximumf %max3A_1255, %get3A_1260 : vector<16xf32>
        %add3A_1262 = arith.constant 25 : i32
        %add3A_1263 = arith.addi %mul3A_122, %add3A_1262 : i32
        %get3A_1264 = arith.index_cast %add3A_1263 : i32 to index
        %get3A_1265 = arith.constant 80 : index
        %get3A_1266 = tpu.vector_load %arg9[%get3A_1264, %get3A_1265] {strides = array<i32>} : memref<128x128xf32, #tpu.memory_space<vmem>>, vector<16xf32>,
        %max3A_1267 = arith.maximumf %max3A_1261, %get3A_1266 : vector<16xf32>
        %add3A_1268 = arith.constant 26 : i32
        %add3A_1269 = arith.addi %mul3A_122, %add3A_1268 : i32
        %get3A_1270 = arith.index_cast %add3A_1269 : i32 to index
        %get3A_1271 = arith.constant 80 : index
        %get3A_1272 = tpu.vector_load %arg9[%get3A_1270, %get3A_1271] {strides = array<i32>} : memref<128x128xf32, #tpu.memory_space<vmem>>, vector<16xf32>,
        %max3A_1273 = arith.maximumf %max3A_1267, %get3A_1272 : vector<16xf32>
        %add3A_1274 = arith.constant 27 : i32
        %add3A_1275 = arith.addi %mul3A_122, %add3A_1274 : i32
        %get3A_1276 = arith.index_cast %add3A_1275 : i32 to index
        %get3A_1277 = arith.constant 80 : index
        %get3A_1278 = tpu.vector_load %arg9[%get3A_1276, %get3A_1277] {strides = array<i32>} : memref<128x128xf32, #tpu.memory_space<vmem>>, vector<16xf32>,
        %max3A_1279 = arith.maximumf %max3A_1273, %get3A_1278 : vector<16xf32>
        %add3A_1280 = arith.constant 28 : i32
        %add3A_1281 = arith.addi %mul3A_122, %add3A_1280 : i32
        %get3A_1282 = arith.index_cast %add3A_1281 : i32 to index
        %get3A_1283 = arith.constant 80 : index
        %get3A_1284 = tpu.vector_load %arg9[%get3A_1282, %get3A_1283] {strides = array<i32>} : memref<128x128xf32, #tpu.memory_space<vmem>>, vector<16xf32>,
        %max3A_1285 = arith.maximumf %max3A_1279, %get3A_1284 : vector<16xf32>
        %add3A_1286 = arith.constant 29 : i32
        %add3A_1287 = arith.addi %mul3A_122, %add3A_1286 : i32
        %get3A_1288 = arith.index_cast %add3A_1287 : i32 to index
        %get3A_1289 = arith.constant 80 : index
        %get3A_1290 = tpu.vector_load %arg9[%get3A_1288, %get3A_1289] {strides = array<i32>} : memref<128x128xf32, #tpu.memory_space<vmem>>, vector<16xf32>,
        %max3A_1291 = arith.maximumf %max3A_1285, %get3A_1290 : vector<16xf32>
        %add3A_1292 = arith.constant 30 : i32
        %add3A_1293 = arith.addi %mul3A_122, %add3A_1292 : i32
        %get3A_1294 = arith.index_cast %add3A_1293 : i32 to index
        %get3A_1295 = arith.constant 80 : index
        %get3A_1296 = tpu.vector_load %arg9[%get3A_1294, %get3A_1295] {strides = array<i32>} : memref<128x128xf32, #tpu.memory_space<vmem>>, vector<16xf32>,
        %max3A_1297 = arith.maximumf %max3A_1291, %get3A_1296 : vector<16xf32>
        %add3A_1298 = arith.constant 31 : i32
        %add3A_1299 = arith.addi %mul3A_122, %add3A_1298 : i32
        %get3A_1300 = arith.index_cast %add3A_1299 : i32 to index
        %get3A_1301 = arith.constant 80 : index
        %get3A_1302 = tpu.vector_load %arg9[%get3A_1300, %get3A_1301] {strides = array<i32>} : memref<128x128xf32, #tpu.memory_space<vmem>>, vector<16xf32>,
        %max3A_1303 = arith.maximumf %max3A_1297, %get3A_1302 : vector<16xf32>
        %get3A_1304 = arith.index_cast %scan3A_120 : i32 to index
        %get3A_1305 = arith.constant 80 : index
        %get3A_1306 = tpu.vector_load %arg11[%get3A_1304, %get3A_1305] {strides = array<i32>} : memref<4x128xf32, #tpu.memory_space<vmem>>, vector<16xf32>,
        %add3A_1307 = arith.addf %max3A_1303, %get3A_1306 : vector<16xf32>
        %max3A_1308 = arith.constant 0.000000e+00 : f32
        %max3A_1309 = vector.broadcast %max3A_1308 : f32 to vector<16xf32>
        %max3A_1310 = arith.maximumf %add3A_1307, %max3A_1309 : vector<16xf32>
        %swap3A_1311 = arith.index_cast %scan3A_120 : i32 to index
        %swap3A_1312 = arith.constant 80 : index
        %swap3A_1313 = tpu.vector_load %arg13[%swap3A_1311, %swap3A_1312] {strides = array<i32>} : memref<4x128xf32, #tpu.memory_space<vmem>>, vector<16xf32>,
        tpu.vector_store %arg13[%swap3A_1311, %swap3A_1312], %max3A_1310 {strides = array<i32>} : memref<4x128xf32, #tpu.memory_space<vmem>>, vector<16xf32>,
        %get3A_1314 = arith.index_cast %mul3A_122 : i32 to index
        %get3A_1315 = arith.constant 96 : index
        %get3A_1316 = tpu.vector_load %arg9[%get3A_1314, %get3A_1315] {strides = array<i32>} : memref<128x128xf32, #tpu.memory_space<vmem>>, vector<16xf32>,
        %add3A_1317 = arith.constant 1 : i32
        %add3A_1318 = arith.addi %mul3A_122, %add3A_1317 : i32
        %get3A_1319 = arith.index_cast %add3A_1318 : i32 to index
        %get3A_1320 = arith.constant 96 : index
        %get3A_1321 = tpu.vector_load %arg9[%get3A_1319, %get3A_1320] {strides = array<i32>} : memref<128x128xf32, #tpu.memory_space<vmem>>, vector<16xf32>,
        %max3A_1322 = arith.maximumf %get3A_1316, %get3A_1321 : vector<16xf32>
        %add3A_1323 = arith.constant 2 : i32
        %add3A_1324 = arith.addi %mul3A_122, %add3A_1323 : i32
        %get3A_1325 = arith.index_cast %add3A_1324 : i32 to index
        %get3A_1326 = arith.constant 96 : index
        %get3A_1327 = tpu.vector_load %arg9[%get3A_1325, %get3A_1326] {strides = array<i32>} : memref<128x128xf32, #tpu.memory_space<vmem>>, vector<16xf32>,
        %max3A_1328 = arith.maximumf %max3A_1322, %get3A_1327 : vector<16xf32>
        %add3A_1329 = arith.constant 3 : i32
        %add3A_1330 = arith.addi %mul3A_122, %add3A_1329 : i32
        %get3A_1331 = arith.index_cast %add3A_1330 : i32 to index
        %get3A_1332 = arith.constant 96 : index
        %get3A_1333 = tpu.vector_load %arg9[%get3A_1331, %get3A_1332] {strides = array<i32>} : memref<128x128xf32, #tpu.memory_space<vmem>>, vector<16xf32>,
        %max3A_1334 = arith.maximumf %max3A_1328, %get3A_1333 : vector<16xf32>
        %add3A_1335 = arith.constant 4 : i32
        %add3A_1336 = arith.addi %mul3A_122, %add3A_1335 : i32
        %get3A_1337 = arith.index_cast %add3A_1336 : i32 to index
        %get3A_1338 = arith.constant 96 : index
        %get3A_1339 = tpu.vector_load %arg9[%get3A_1337, %get3A_1338] {strides = array<i32>} : memref<128x128xf32, #tpu.memory_space<vmem>>, vector<16xf32>,
        %max3A_1340 = arith.maximumf %max3A_1334, %get3A_1339 : vector<16xf32>
        %add3A_1341 = arith.constant 5 : i32
        %add3A_1342 = arith.addi %mul3A_122, %add3A_1341 : i32
        %get3A_1343 = arith.index_cast %add3A_1342 : i32 to index
        %get3A_1344 = arith.constant 96 : index
        %get3A_1345 = tpu.vector_load %arg9[%get3A_1343, %get3A_1344] {strides = array<i32>} : memref<128x128xf32, #tpu.memory_space<vmem>>, vector<16xf32>,
        %max3A_1346 = arith.maximumf %max3A_1340, %get3A_1345 : vector<16xf32>
        %add3A_1347 = arith.constant 6 : i32
        %add3A_1348 = arith.addi %mul3A_122, %add3A_1347 : i32
        %get3A_1349 = arith.index_cast %add3A_1348 : i32 to index
        %get3A_1350 = arith.constant 96 : index
        %get3A_1351 = tpu.vector_load %arg9[%get3A_1349, %get3A_1350] {strides = array<i32>} : memref<128x128xf32, #tpu.memory_space<vmem>>, vector<16xf32>,
        %max3A_1352 = arith.maximumf %max3A_1346, %get3A_1351 : vector<16xf32>
        %add3A_1353 = arith.constant 7 : i32
        %add3A_1354 = arith.addi %mul3A_122, %add3A_1353 : i32
        %get3A_1355 = arith.index_cast %add3A_1354 : i32 to index
        %get3A_1356 = arith.constant 96 : index
        %get3A_1357 = tpu.vector_load %arg9[%get3A_1355, %get3A_1356] {strides = array<i32>} : memref<128x128xf32, #tpu.memory_space<vmem>>, vector<16xf32>,
        %max3A_1358 = arith.maximumf %max3A_1352, %get3A_1357 : vector<16xf32>
        %add3A_1359 = arith.constant 8 : i32
        %add3A_1360 = arith.addi %mul3A_122, %add3A_1359 : i32
        %get3A_1361 = arith.index_cast %add3A_1360 : i32 to index
        %get3A_1362 = arith.constant 96 : index
        %get3A_1363 = tpu.vector_load %arg9[%get3A_1361, %get3A_1362] {strides = array<i32>} : memref<128x128xf32, #tpu.memory_space<vmem>>, vector<16xf32>,
        %max3A_1364 = arith.maximumf %max3A_1358, %get3A_1363 : vector<16xf32>
        %add3A_1365 = arith.constant 9 : i32
        %add3A_1366 = arith.addi %mul3A_122, %add3A_1365 : i32
        %get3A_1367 = arith.index_cast %add3A_1366 : i32 to index
        %get3A_1368 = arith.constant 96 : index
        %get3A_1369 = tpu.vector_load %arg9[%get3A_1367, %get3A_1368] {strides = array<i32>} : memref<128x128xf32, #tpu.memory_space<vmem>>, vector<16xf32>,
        %max3A_1370 = arith.maximumf %max3A_1364, %get3A_1369 : vector<16xf32>
        %add3A_1371 = arith.constant 10 : i32
        %add3A_1372 = arith.addi %mul3A_122, %add3A_1371 : i32
        %get3A_1373 = arith.index_cast %add3A_1372 : i32 to index
        %get3A_1374 = arith.constant 96 : index
        %get3A_1375 = tpu.vector_load %arg9[%get3A_1373, %get3A_1374] {strides = array<i32>} : memref<128x128xf32, #tpu.memory_space<vmem>>, vector<16xf32>,
        %max3A_1376 = arith.maximumf %max3A_1370, %get3A_1375 : vector<16xf32>
        %add3A_1377 = arith.constant 11 : i32
        %add3A_1378 = arith.addi %mul3A_122, %add3A_1377 : i32
        %get3A_1379 = arith.index_cast %add3A_1378 : i32 to index
        %get3A_1380 = arith.constant 96 : index
        %get3A_1381 = tpu.vector_load %arg9[%get3A_1379, %get3A_1380] {strides = array<i32>} : memref<128x128xf32, #tpu.memory_space<vmem>>, vector<16xf32>,
        %max3A_1382 = arith.maximumf %max3A_1376, %get3A_1381 : vector<16xf32>
        %add3A_1383 = arith.constant 12 : i32
        %add3A_1384 = arith.addi %mul3A_122, %add3A_1383 : i32
        %get3A_1385 = arith.index_cast %add3A_1384 : i32 to index
        %get3A_1386 = arith.constant 96 : index
        %get3A_1387 = tpu.vector_load %arg9[%get3A_1385, %get3A_1386] {strides = array<i32>} : memref<128x128xf32, #tpu.memory_space<vmem>>, vector<16xf32>,
        %max3A_1388 = arith.maximumf %max3A_1382, %get3A_1387 : vector<16xf32>
        %add3A_1389 = arith.constant 13 : i32
        %add3A_1390 = arith.addi %mul3A_122, %add3A_1389 : i32
        %get3A_1391 = arith.index_cast %add3A_1390 : i32 to index
        %get3A_1392 = arith.constant 96 : index
        %get3A_1393 = tpu.vector_load %arg9[%get3A_1391, %get3A_1392] {strides = array<i32>} : memref<128x128xf32, #tpu.memory_space<vmem>>, vector<16xf32>,
        %max3A_1394 = arith.maximumf %max3A_1388, %get3A_1393 : vector<16xf32>
        %add3A_1395 = arith.constant 14 : i32
        %add3A_1396 = arith.addi %mul3A_122, %add3A_1395 : i32
        %get3A_1397 = arith.index_cast %add3A_1396 : i32 to index
        %get3A_1398 = arith.constant 96 : index
        %get3A_1399 = tpu.vector_load %arg9[%get3A_1397, %get3A_1398] {strides = array<i32>} : memref<128x128xf32, #tpu.memory_space<vmem>>, vector<16xf32>,
        %max3A_1400 = arith.maximumf %max3A_1394, %get3A_1399 : vector<16xf32>
        %add3A_1401 = arith.constant 15 : i32
        %add3A_1402 = arith.addi %mul3A_122, %add3A_1401 : i32
        %get3A_1403 = arith.index_cast %add3A_1402 : i32 to index
        %get3A_1404 = arith.constant 96 : index
        %get3A_1405 = tpu.vector_load %arg9[%get3A_1403, %get3A_1404] {strides = array<i32>} : memref<128x128xf32, #tpu.memory_space<vmem>>, vector<16xf32>,
        %max3A_1406 = arith.maximumf %max3A_1400, %get3A_1405 : vector<16xf32>
        %add3A_1407 = arith.constant 16 : i32
        %add3A_1408 = arith.addi %mul3A_122, %add3A_1407 : i32
        %get3A_1409 = arith.index_cast %add3A_1408 : i32 to index
        %get3A_1410 = arith.constant 96 : index
        %get3A_1411 = tpu.vector_load %arg9[%get3A_1409, %get3A_1410] {strides = array<i32>} : memref<128x128xf32, #tpu.memory_space<vmem>>, vector<16xf32>,
        %max3A_1412 = arith.maximumf %max3A_1406, %get3A_1411 : vector<16xf32>
        %add3A_1413 = arith.constant 17 : i32
        %add3A_1414 = arith.addi %mul3A_122, %add3A_1413 : i32
        %get3A_1415 = arith.index_cast %add3A_1414 : i32 to index
        %get3A_1416 = arith.constant 96 : index
        %get3A_1417 = tpu.vector_load %arg9[%get3A_1415, %get3A_1416] {strides = array<i32>} : memref<128x128xf32, #tpu.memory_space<vmem>>, vector<16xf32>,
        %max3A_1418 = arith.maximumf %max3A_1412, %get3A_1417 : vector<16xf32>
        %add3A_1419 = arith.constant 18 : i32
        %add3A_1420 = arith.addi %mul3A_122, %add3A_1419 : i32
        %get3A_1421 = arith.index_cast %add3A_1420 : i32 to index
        %get3A_1422 = arith.constant 96 : index
        %get3A_1423 = tpu.vector_load %arg9[%get3A_1421, %get3A_1422] {strides = array<i32>} : memref<128x128xf32, #tpu.memory_space<vmem>>, vector<16xf32>,
        %max3A_1424 = arith.maximumf %max3A_1418, %get3A_1423 : vector<16xf32>
        %add3A_1425 = arith.constant 19 : i32
        %add3A_1426 = arith.addi %mul3A_122, %add3A_1425 : i32
        %get3A_1427 = arith.index_cast %add3A_1426 : i32 to index
        %get3A_1428 = arith.constant 96 : index
        %get3A_1429 = tpu.vector_load %arg9[%get3A_1427, %get3A_1428] {strides = array<i32>} : memref<128x128xf32, #tpu.memory_space<vmem>>, vector<16xf32>,
        %max3A_1430 = arith.maximumf %max3A_1424, %get3A_1429 : vector<16xf32>
        %add3A_1431 = arith.constant 20 : i32
        %add3A_1432 = arith.addi %mul3A_122, %add3A_1431 : i32
        %get3A_1433 = arith.index_cast %add3A_1432 : i32 to index
        %get3A_1434 = arith.constant 96 : index
        %get3A_1435 = tpu.vector_load %arg9[%get3A_1433, %get3A_1434] {strides = array<i32>} : memref<128x128xf32, #tpu.memory_space<vmem>>, vector<16xf32>,
        %max3A_1436 = arith.maximumf %max3A_1430, %get3A_1435 : vector<16xf32>
        %add3A_1437 = arith.constant 21 : i32
        %add3A_1438 = arith.addi %mul3A_122, %add3A_1437 : i32
        %get3A_1439 = arith.index_cast %add3A_1438 : i32 to index
        %get3A_1440 = arith.constant 96 : index
        %get3A_1441 = tpu.vector_load %arg9[%get3A_1439, %get3A_1440] {strides = array<i32>} : memref<128x128xf32, #tpu.memory_space<vmem>>, vector<16xf32>,
        %max3A_1442 = arith.maximumf %max3A_1436, %get3A_1441 : vector<16xf32>
        %add3A_1443 = arith.constant 22 : i32
        %add3A_1444 = arith.addi %mul3A_122, %add3A_1443 : i32
        %get3A_1445 = arith.index_cast %add3A_1444 : i32 to index
        %get3A_1446 = arith.constant 96 : index
        %get3A_1447 = tpu.vector_load %arg9[%get3A_1445, %get3A_1446] {strides = array<i32>} : memref<128x128xf32, #tpu.memory_space<vmem>>, vector<16xf32>,
        %max3A_1448 = arith.maximumf %max3A_1442, %get3A_1447 : vector<16xf32>
        %add3A_1449 = arith.constant 23 : i32
        %add3A_1450 = arith.addi %mul3A_122, %add3A_1449 : i32
        %get3A_1451 = arith.index_cast %add3A_1450 : i32 to index
        %get3A_1452 = arith.constant 96 : index
        %get3A_1453 = tpu.vector_load %arg9[%get3A_1451, %get3A_1452] {strides = array<i32>} : memref<128x128xf32, #tpu.memory_space<vmem>>, vector<16xf32>,
        %max3A_1454 = arith.maximumf %max3A_1448, %get3A_1453 : vector<16xf32>
        %add3A_1455 = arith.constant 24 : i32
        %add3A_1456 = arith.addi %mul3A_122, %add3A_1455 : i32
        %get3A_1457 = arith.index_cast %add3A_1456 : i32 to index
        %get3A_1458 = arith.constant 96 : index
        %get3A_1459 = tpu.vector_load %arg9[%get3A_1457, %get3A_1458] {strides = array<i32>} : memref<128x128xf32, #tpu.memory_space<vmem>>, vector<16xf32>,
        %max3A_1460 = arith.maximumf %max3A_1454, %get3A_1459 : vector<16xf32>
        %add3A_1461 = arith.constant 25 : i32
        %add3A_1462 = arith.addi %mul3A_122, %add3A_1461 : i32
        %get3A_1463 = arith.index_cast %add3A_1462 : i32 to index
        %get3A_1464 = arith.constant 96 : index
        %get3A_1465 = tpu.vector_load %arg9[%get3A_1463, %get3A_1464] {strides = array<i32>} : memref<128x128xf32, #tpu.memory_space<vmem>>, vector<16xf32>,
        %max3A_1466 = arith.maximumf %max3A_1460, %get3A_1465 : vector<16xf32>
        %add3A_1467 = arith.constant 26 : i32
        %add3A_1468 = arith.addi %mul3A_122, %add3A_1467 : i32
        %get3A_1469 = arith.index_cast %add3A_1468 : i32 to index
        %get3A_1470 = arith.constant 96 : index
        %get3A_1471 = tpu.vector_load %arg9[%get3A_1469, %get3A_1470] {strides = array<i32>} : memref<128x128xf32, #tpu.memory_space<vmem>>, vector<16xf32>,
        %max3A_1472 = arith.maximumf %max3A_1466, %get3A_1471 : vector<16xf32>
        %add3A_1473 = arith.constant 27 : i32
        %add3A_1474 = arith.addi %mul3A_122, %add3A_1473 : i32
        %get3A_1475 = arith.index_cast %add3A_1474 : i32 to index
        %get3A_1476 = arith.constant 96 : index
        %get3A_1477 = tpu.vector_load %arg9[%get3A_1475, %get3A_1476] {strides = array<i32>} : memref<128x128xf32, #tpu.memory_space<vmem>>, vector<16xf32>,
        %max3A_1478 = arith.maximumf %max3A_1472, %get3A_1477 : vector<16xf32>
        %add3A_1479 = arith.constant 28 : i32
        %add3A_1480 = arith.addi %mul3A_122, %add3A_1479 : i32
        %get3A_1481 = arith.index_cast %add3A_1480 : i32 to index
        %get3A_1482 = arith.constant 96 : index
        %get3A_1483 = tpu.vector_load %arg9[%get3A_1481, %get3A_1482] {strides = array<i32>} : memref<128x128xf32, #tpu.memory_space<vmem>>, vector<16xf32>,
        %max3A_1484 = arith.maximumf %max3A_1478, %get3A_1483 : vector<16xf32>
        %add3A_1485 = arith.constant 29 : i32
        %add3A_1486 = arith.addi %mul3A_122, %add3A_1485 : i32
        %get3A_1487 = arith.index_cast %add3A_1486 : i32 to index
        %get3A_1488 = arith.constant 96 : index
        %get3A_1489 = tpu.vector_load %arg9[%get3A_1487, %get3A_1488] {strides = array<i32>} : memref<128x128xf32, #tpu.memory_space<vmem>>, vector<16xf32>,
        %max3A_1490 = arith.maximumf %max3A_1484, %get3A_1489 : vector<16xf32>
        %add3A_1491 = arith.constant 30 : i32
        %add3A_1492 = arith.addi %mul3A_122, %add3A_1491 : i32
        %get3A_1493 = arith.index_cast %add3A_1492 : i32 to index
        %get3A_1494 = arith.constant 96 : index
        %get3A_1495 = tpu.vector_load %arg9[%get3A_1493, %get3A_1494] {strides = array<i32>} : memref<128x128xf32, #tpu.memory_space<vmem>>, vector<16xf32>,
        %max3A_1496 = arith.maximumf %max3A_1490, %get3A_1495 : vector<16xf32>
        %add3A_1497 = arith.constant 31 : i32
        %add3A_1498 = arith.addi %mul3A_122, %add3A_1497 : i32
        %get3A_1499 = arith.index_cast %add3A_1498 : i32 to index
        %get3A_1500 = arith.constant 96 : index
        %get3A_1501 = tpu.vector_load %arg9[%get3A_1499, %get3A_1500] {strides = array<i32>} : memref<128x128xf32, #tpu.memory_space<vmem>>, vector<16xf32>,
        %max3A_1502 = arith.maximumf %max3A_1496, %get3A_1501 : vector<16xf32>
        %get3A_1503 = arith.index_cast %scan3A_120 : i32 to index
        %get3A_1504 = arith.constant 96 : index
        %get3A_1505 = tpu.vector_load %arg11[%get3A_1503, %get3A_1504] {strides = array<i32>} : memref<4x128xf32, #tpu.memory_space<vmem>>, vector<16xf32>,
        %add3A_1506 = arith.addf %max3A_1502, %get3A_1505 : vector<16xf32>
        %max3A_1507 = arith.constant 0.000000e+00 : f32
        %max3A_1508 = vector.broadcast %max3A_1507 : f32 to vector<16xf32>
        %max3A_1509 = arith.maximumf %add3A_1506, %max3A_1508 : vector<16xf32>
        %swap3A_1510 = arith.index_cast %scan3A_120 : i32 to index
        %swap3A_1511 = arith.constant 96 : index
        %swap3A_1512 = tpu.vector_load %arg13[%swap3A_1510, %swap3A_1511] {strides = array<i32>} : memref<4x128xf32, #tpu.memory_space<vmem>>, vector<16xf32>,
        tpu.vector_store %arg13[%swap3A_1510, %swap3A_1511], %max3A_1509 {strides = array<i32>} : memref<4x128xf32, #tpu.memory_space<vmem>>, vector<16xf32>,
        %get3A_1513 = arith.index_cast %mul3A_122 : i32 to index
        %get3A_1514 = arith.constant 112 : index
        %get3A_1515 = tpu.vector_load %arg9[%get3A_1513, %get3A_1514] {strides = array<i32>} : memref<128x128xf32, #tpu.memory_space<vmem>>, vector<16xf32>,
        %add3A_1516 = arith.constant 1 : i32
        %add3A_1517 = arith.addi %mul3A_122, %add3A_1516 : i32
        %get3A_1518 = arith.index_cast %add3A_1517 : i32 to index
        %get3A_1519 = arith.constant 112 : index
        %get3A_1520 = tpu.vector_load %arg9[%get3A_1518, %get3A_1519] {strides = array<i32>} : memref<128x128xf32, #tpu.memory_space<vmem>>, vector<16xf32>,
        %max3A_1521 = arith.maximumf %get3A_1515, %get3A_1520 : vector<16xf32>
        %add3A_1522 = arith.constant 2 : i32
        %add3A_1523 = arith.addi %mul3A_122, %add3A_1522 : i32
        %get3A_1524 = arith.index_cast %add3A_1523 : i32 to index
        %get3A_1525 = arith.constant 112 : index
        %get3A_1526 = tpu.vector_load %arg9[%get3A_1524, %get3A_1525] {strides = array<i32>} : memref<128x128xf32, #tpu.memory_space<vmem>>, vector<16xf32>,
        %max3A_1527 = arith.maximumf %max3A_1521, %get3A_1526 : vector<16xf32>
        %add3A_1528 = arith.constant 3 : i32
        %add3A_1529 = arith.addi %mul3A_122, %add3A_1528 : i32
        %get3A_1530 = arith.index_cast %add3A_1529 : i32 to index
        %get3A_1531 = arith.constant 112 : index
        %get3A_1532 = tpu.vector_load %arg9[%get3A_1530, %get3A_1531] {strides = array<i32>} : memref<128x128xf32, #tpu.memory_space<vmem>>, vector<16xf32>,
        %max3A_1533 = arith.maximumf %max3A_1527, %get3A_1532 : vector<16xf32>
        %add3A_1534 = arith.constant 4 : i32
        %add3A_1535 = arith.addi %mul3A_122, %add3A_1534 : i32
        %get3A_1536 = arith.index_cast %add3A_1535 : i32 to index
        %get3A_1537 = arith.constant 112 : index
        %get3A_1538 = tpu.vector_load %arg9[%get3A_1536, %get3A_1537] {strides = array<i32>} : memref<128x128xf32, #tpu.memory_space<vmem>>, vector<16xf32>,
        %max3A_1539 = arith.maximumf %max3A_1533, %get3A_1538 : vector<16xf32>
        %add3A_1540 = arith.constant 5 : i32
        %add3A_1541 = arith.addi %mul3A_122, %add3A_1540 : i32
        %get3A_1542 = arith.index_cast %add3A_1541 : i32 to index
        %get3A_1543 = arith.constant 112 : index
        %get3A_1544 = tpu.vector_load %arg9[%get3A_1542, %get3A_1543] {strides = array<i32>} : memref<128x128xf32, #tpu.memory_space<vmem>>, vector<16xf32>,
        %max3A_1545 = arith.maximumf %max3A_1539, %get3A_1544 : vector<16xf32>
        %add3A_1546 = arith.constant 6 : i32
        %add3A_1547 = arith.addi %mul3A_122, %add3A_1546 : i32
        %get3A_1548 = arith.index_cast %add3A_1547 : i32 to index
        %get3A_1549 = arith.constant 112 : index
        %get3A_1550 = tpu.vector_load %arg9[%get3A_1548, %get3A_1549] {strides = array<i32>} : memref<128x128xf32, #tpu.memory_space<vmem>>, vector<16xf32>,
        %max3A_1551 = arith.maximumf %max3A_1545, %get3A_1550 : vector<16xf32>
        %add3A_1552 = arith.constant 7 : i32
        %add3A_1553 = arith.addi %mul3A_122, %add3A_1552 : i32
        %get3A_1554 = arith.index_cast %add3A_1553 : i32 to index
        %get3A_1555 = arith.constant 112 : index
        %get3A_1556 = tpu.vector_load %arg9[%get3A_1554, %get3A_1555] {strides = array<i32>} : memref<128x128xf32, #tpu.memory_space<vmem>>, vector<16xf32>,
        %max3A_1557 = arith.maximumf %max3A_1551, %get3A_1556 : vector<16xf32>
        %add3A_1558 = arith.constant 8 : i32
        %add3A_1559 = arith.addi %mul3A_122, %add3A_1558 : i32
        %get3A_1560 = arith.index_cast %add3A_1559 : i32 to index
        %get3A_1561 = arith.constant 112 : index
        %get3A_1562 = tpu.vector_load %arg9[%get3A_1560, %get3A_1561] {strides = array<i32>} : memref<128x128xf32, #tpu.memory_space<vmem>>, vector<16xf32>,
        %max3A_1563 = arith.maximumf %max3A_1557, %get3A_1562 : vector<16xf32>
        %add3A_1564 = arith.constant 9 : i32
        %add3A_1565 = arith.addi %mul3A_122, %add3A_1564 : i32
        %get3A_1566 = arith.index_cast %add3A_1565 : i32 to index
        %get3A_1567 = arith.constant 112 : index
        %get3A_1568 = tpu.vector_load %arg9[%get3A_1566, %get3A_1567] {strides = array<i32>} : memref<128x128xf32, #tpu.memory_space<vmem>>, vector<16xf32>,
        %max3A_1569 = arith.maximumf %max3A_1563, %get3A_1568 : vector<16xf32>
        %add3A_1570 = arith.constant 10 : i32
        %add3A_1571 = arith.addi %mul3A_122, %add3A_1570 : i32
        %get3A_1572 = arith.index_cast %add3A_1571 : i32 to index
        %get3A_1573 = arith.constant 112 : index
        %get3A_1574 = tpu.vector_load %arg9[%get3A_1572, %get3A_1573] {strides = array<i32>} : memref<128x128xf32, #tpu.memory_space<vmem>>, vector<16xf32>,
        %max3A_1575 = arith.maximumf %max3A_1569, %get3A_1574 : vector<16xf32>
        %add3A_1576 = arith.constant 11 : i32
        %add3A_1577 = arith.addi %mul3A_122, %add3A_1576 : i32
        %get3A_1578 = arith.index_cast %add3A_1577 : i32 to index
        %get3A_1579 = arith.constant 112 : index
        %get3A_1580 = tpu.vector_load %arg9[%get3A_1578, %get3A_1579] {strides = array<i32>} : memref<128x128xf32, #tpu.memory_space<vmem>>, vector<16xf32>,
        %max3A_1581 = arith.maximumf %max3A_1575, %get3A_1580 : vector<16xf32>
        %add3A_1582 = arith.constant 12 : i32
        %add3A_1583 = arith.addi %mul3A_122, %add3A_1582 : i32
        %get3A_1584 = arith.index_cast %add3A_1583 : i32 to index
        %get3A_1585 = arith.constant 112 : index
        %get3A_1586 = tpu.vector_load %arg9[%get3A_1584, %get3A_1585] {strides = array<i32>} : memref<128x128xf32, #tpu.memory_space<vmem>>, vector<16xf32>,
        %max3A_1587 = arith.maximumf %max3A_1581, %get3A_1586 : vector<16xf32>
        %add3A_1588 = arith.constant 13 : i32
        %add3A_1589 = arith.addi %mul3A_122, %add3A_1588 : i32
        %get3A_1590 = arith.index_cast %add3A_1589 : i32 to index
        %get3A_1591 = arith.constant 112 : index
        %get3A_1592 = tpu.vector_load %arg9[%get3A_1590, %get3A_1591] {strides = array<i32>} : memref<128x128xf32, #tpu.memory_space<vmem>>, vector<16xf32>,
        %max3A_1593 = arith.maximumf %max3A_1587, %get3A_1592 : vector<16xf32>
        %add3A_1594 = arith.constant 14 : i32
        %add3A_1595 = arith.addi %mul3A_122, %add3A_1594 : i32
        %get3A_1596 = arith.index_cast %add3A_1595 : i32 to index
        %get3A_1597 = arith.constant 112 : index
        %get3A_1598 = tpu.vector_load %arg9[%get3A_1596, %get3A_1597] {strides = array<i32>} : memref<128x128xf32, #tpu.memory_space<vmem>>, vector<16xf32>,
        %max3A_1599 = arith.maximumf %max3A_1593, %get3A_1598 : vector<16xf32>
        %add3A_1600 = arith.constant 15 : i32
        %add3A_1601 = arith.addi %mul3A_122, %add3A_1600 : i32
        %get3A_1602 = arith.index_cast %add3A_1601 : i32 to index
        %get3A_1603 = arith.constant 112 : index
        %get3A_1604 = tpu.vector_load %arg9[%get3A_1602, %get3A_1603] {strides = array<i32>} : memref<128x128xf32, #tpu.memory_space<vmem>>, vector<16xf32>,
        %max3A_1605 = arith.maximumf %max3A_1599, %get3A_1604 : vector<16xf32>
        %add3A_1606 = arith.constant 16 : i32
        %add3A_1607 = arith.addi %mul3A_122, %add3A_1606 : i32
        %get3A_1608 = arith.index_cast %add3A_1607 : i32 to index
        %get3A_1609 = arith.constant 112 : index
        %get3A_1610 = tpu.vector_load %arg9[%get3A_1608, %get3A_1609] {strides = array<i32>} : memref<128x128xf32, #tpu.memory_space<vmem>>, vector<16xf32>,
        %max3A_1611 = arith.maximumf %max3A_1605, %get3A_1610 : vector<16xf32>
        %add3A_1612 = arith.constant 17 : i32
        %add3A_1613 = arith.addi %mul3A_122, %add3A_1612 : i32
        %get3A_1614 = arith.index_cast %add3A_1613 : i32 to index
        %get3A_1615 = arith.constant 112 : index
        %get3A_1616 = tpu.vector_load %arg9[%get3A_1614, %get3A_1615] {strides = array<i32>} : memref<128x128xf32, #tpu.memory_space<vmem>>, vector<16xf32>,
        %max3A_1617 = arith.maximumf %max3A_1611, %get3A_1616 : vector<16xf32>
        %add3A_1618 = arith.constant 18 : i32
        %add3A_1619 = arith.addi %mul3A_122, %add3A_1618 : i32
        %get3A_1620 = arith.index_cast %add3A_1619 : i32 to index
        %get3A_1621 = arith.constant 112 : index
        %get3A_1622 = tpu.vector_load %arg9[%get3A_1620, %get3A_1621] {strides = array<i32>} : memref<128x128xf32, #tpu.memory_space<vmem>>, vector<16xf32>,
        %max3A_1623 = arith.maximumf %max3A_1617, %get3A_1622 : vector<16xf32>
        %add3A_1624 = arith.constant 19 : i32
        %add3A_1625 = arith.addi %mul3A_122, %add3A_1624 : i32
        %get3A_1626 = arith.index_cast %add3A_1625 : i32 to index
        %get3A_1627 = arith.constant 112 : index
        %get3A_1628 = tpu.vector_load %arg9[%get3A_1626, %get3A_1627] {strides = array<i32>} : memref<128x128xf32, #tpu.memory_space<vmem>>, vector<16xf32>,
        %max3A_1629 = arith.maximumf %max3A_1623, %get3A_1628 : vector<16xf32>
        %add3A_1630 = arith.constant 20 : i32
        %add3A_1631 = arith.addi %mul3A_122, %add3A_1630 : i32
        %get3A_1632 = arith.index_cast %add3A_1631 : i32 to index
        %get3A_1633 = arith.constant 112 : index
        %get3A_1634 = tpu.vector_load %arg9[%get3A_1632, %get3A_1633] {strides = array<i32>} : memref<128x128xf32, #tpu.memory_space<vmem>>, vector<16xf32>,
        %max3A_1635 = arith.maximumf %max3A_1629, %get3A_1634 : vector<16xf32>
        %add3A_1636 = arith.constant 21 : i32
        %add3A_1637 = arith.addi %mul3A_122, %add3A_1636 : i32
        %get3A_1638 = arith.index_cast %add3A_1637 : i32 to index
        %get3A_1639 = arith.constant 112 : index
        %get3A_1640 = tpu.vector_load %arg9[%get3A_1638, %get3A_1639] {strides = array<i32>} : memref<128x128xf32, #tpu.memory_space<vmem>>, vector<16xf32>,
        %max3A_1641 = arith.maximumf %max3A_1635, %get3A_1640 : vector<16xf32>
        %add3A_1642 = arith.constant 22 : i32
        %add3A_1643 = arith.addi %mul3A_122, %add3A_1642 : i32
        %get3A_1644 = arith.index_cast %add3A_1643 : i32 to index
        %get3A_1645 = arith.constant 112 : index
        %get3A_1646 = tpu.vector_load %arg9[%get3A_1644, %get3A_1645] {strides = array<i32>} : memref<128x128xf32, #tpu.memory_space<vmem>>, vector<16xf32>,
        %max3A_1647 = arith.maximumf %max3A_1641, %get3A_1646 : vector<16xf32>
        %add3A_1648 = arith.constant 23 : i32
        %add3A_1649 = arith.addi %mul3A_122, %add3A_1648 : i32
        %get3A_1650 = arith.index_cast %add3A_1649 : i32 to index
        %get3A_1651 = arith.constant 112 : index
        %get3A_1652 = tpu.vector_load %arg9[%get3A_1650, %get3A_1651] {strides = array<i32>} : memref<128x128xf32, #tpu.memory_space<vmem>>, vector<16xf32>,
        %max3A_1653 = arith.maximumf %max3A_1647, %get3A_1652 : vector<16xf32>
        %add3A_1654 = arith.constant 24 : i32
        %add3A_1655 = arith.addi %mul3A_122, %add3A_1654 : i32
        %get3A_1656 = arith.index_cast %add3A_1655 : i32 to index
        %get3A_1657 = arith.constant 112 : index
        %get3A_1658 = tpu.vector_load %arg9[%get3A_1656, %get3A_1657] {strides = array<i32>} : memref<128x128xf32, #tpu.memory_space<vmem>>, vector<16xf32>,
        %max3A_1659 = arith.maximumf %max3A_1653, %get3A_1658 : vector<16xf32>
        %add3A_1660 = arith.constant 25 : i32
        %add3A_1661 = arith.addi %mul3A_122, %add3A_1660 : i32
        %get3A_1662 = arith.index_cast %add3A_1661 : i32 to index
        %get3A_1663 = arith.constant 112 : index
        %get3A_1664 = tpu.vector_load %arg9[%get3A_1662, %get3A_1663] {strides = array<i32>} : memref<128x128xf32, #tpu.memory_space<vmem>>, vector<16xf32>,
        %max3A_1665 = arith.maximumf %max3A_1659, %get3A_1664 : vector<16xf32>
        %add3A_1666 = arith.constant 26 : i32
        %add3A_1667 = arith.addi %mul3A_122, %add3A_1666 : i32
        %get3A_1668 = arith.index_cast %add3A_1667 : i32 to index
        %get3A_1669 = arith.constant 112 : index
        %get3A_1670 = tpu.vector_load %arg9[%get3A_1668, %get3A_1669] {strides = array<i32>} : memref<128x128xf32, #tpu.memory_space<vmem>>, vector<16xf32>,
        %max3A_1671 = arith.maximumf %max3A_1665, %get3A_1670 : vector<16xf32>
        %add3A_1672 = arith.constant 27 : i32
        %add3A_1673 = arith.addi %mul3A_122, %add3A_1672 : i32
        %get3A_1674 = arith.index_cast %add3A_1673 : i32 to index
        %get3A_1675 = arith.constant 112 : index
        %get3A_1676 = tpu.vector_load %arg9[%get3A_1674, %get3A_1675] {strides = array<i32>} : memref<128x128xf32, #tpu.memory_space<vmem>>, vector<16xf32>,
        %max3A_1677 = arith.maximumf %max3A_1671, %get3A_1676 : vector<16xf32>
        %add3A_1678 = arith.constant 28 : i32
        %add3A_1679 = arith.addi %mul3A_122, %add3A_1678 : i32
        %get3A_1680 = arith.index_cast %add3A_1679 : i32 to index
        %get3A_1681 = arith.constant 112 : index
        %get3A_1682 = tpu.vector_load %arg9[%get3A_1680, %get3A_1681] {strides = array<i32>} : memref<128x128xf32, #tpu.memory_space<vmem>>, vector<16xf32>,
        %max3A_1683 = arith.maximumf %max3A_1677, %get3A_1682 : vector<16xf32>
        %add3A_1684 = arith.constant 29 : i32
        %add3A_1685 = arith.addi %mul3A_122, %add3A_1684 : i32
        %get3A_1686 = arith.index_cast %add3A_1685 : i32 to index
        %get3A_1687 = arith.constant 112 : index
        %get3A_1688 = tpu.vector_load %arg9[%get3A_1686, %get3A_1687] {strides = array<i32>} : memref<128x128xf32, #tpu.memory_space<vmem>>, vector<16xf32>,
        %max3A_1689 = arith.maximumf %max3A_1683, %get3A_1688 : vector<16xf32>
        %add3A_1690 = arith.constant 30 : i32
        %add3A_1691 = arith.addi %mul3A_122, %add3A_1690 : i32
        %get3A_1692 = arith.index_cast %add3A_1691 : i32 to index
        %get3A_1693 = arith.constant 112 : index
        %get3A_1694 = tpu.vector_load %arg9[%get3A_1692, %get3A_1693] {strides = array<i32>} : memref<128x128xf32, #tpu.memory_space<vmem>>, vector<16xf32>,
        %max3A_1695 = arith.maximumf %max3A_1689, %get3A_1694 : vector<16xf32>
        %add3A_1696 = arith.constant 31 : i32
        %add3A_1697 = arith.addi %mul3A_122, %add3A_1696 : i32
        %get3A_1698 = arith.index_cast %add3A_1697 : i32 to index
        %get3A_1699 = arith.constant 112 : index
        %get3A_1700 = tpu.vector_load %arg9[%get3A_1698, %get3A_1699] {strides = array<i32>} : memref<128x128xf32, #tpu.memory_space<vmem>>, vector<16xf32>,
        %max3A_1701 = arith.maximumf %max3A_1695, %get3A_1700 : vector<16xf32>
        %get3A_1702 = arith.index_cast %scan3A_120 : i32 to index
        %get3A_1703 = arith.constant 112 : index
        %get3A_1704 = tpu.vector_load %arg11[%get3A_1702, %get3A_1703] {strides = array<i32>} : memref<4x128xf32, #tpu.memory_space<vmem>>, vector<16xf32>,
        %add3A_1705 = arith.addf %max3A_1701, %get3A_1704 : vector<16xf32>
        %max3A_1706 = arith.constant 0.000000e+00 : f32
        %max3A_1707 = vector.broadcast %max3A_1706 : f32 to vector<16xf32>
        %max3A_1708 = arith.maximumf %add3A_1705, %max3A_1707 : vector<16xf32>
        %swap3A_1709 = arith.index_cast %scan3A_120 : i32 to index
        %swap3A_1710 = arith.constant 112 : index
        %swap3A_1711 = tpu.vector_load %arg13[%swap3A_1709, %swap3A_1710] {strides = array<i32>} : memref<4x128xf32, #tpu.memory_space<vmem>>, vector<16xf32>,
        tpu.vector_store %arg13[%swap3A_1709, %swap3A_1710], %max3A_1708 {strides = array<i32>} : memref<4x128xf32, #tpu.memory_space<vmem>>, vector<16xf32>,
      }
      %scan3A_105 = arith.constant 4 : i32
      %mul3A_106 = arith.constant 4 : i32
      %mul3A_107 = arith.muli %add3A_81, %mul3A_106 : i32
      %add3A_108 = arith.addi %min3A_3, %mul3A_107 : i32
      %dma_start3A_109 = arith.constant 0 : i32
      %dma_start3A_110 = tpu.memref_slice %arg5[%add3A_108, %dma_start3A_109] : memref<10000x128xf32, #tpu.memory_space<hbm>> -> memref<4x128xf32, #tpu.memory_space<hbm>>
      %dma_start3A_111 = arith.constant 0 : i32
      %dma_start3A_112 = tpu.memref_slice %arg5[%add3A_108, %dma_start3A_111] : memref<10000x128xf32, #tpu.memory_space<hbm>> -> memref<4x128xf32, #tpu.memory_space<hbm>>
      tpu.enqueue_dma source(%arg13 : memref<4x128xf32, #tpu.memory_space<vmem>>) target(%dma_start3A_112 : memref<4x128xf32, #tpu.memory_space<hbm>>) target_semaphore(%arg19 : memref<!tpu.dma_semaphore, #tpu.memory_space<semaphore_mem>>)
      %add3A_113 = arith.constant 3 : i32
      %add3A_114 = arith.addi %mul3A_45, %add3A_113 : i32
      %lt3A_115 = arith.constant 80 : i32
      %lt3A_116 = arith.cmpi slt, %add3A_114, %lt3A_115 : i32
      %convert_element_type3A_117 = arith.extui %lt3A_116 : i1 to i32
      %cond3A_118 = arith.constant 0 : i32
      %cond3A_119 = arith.cmpi ne, %convert_element_type3A_117, %cond3A_118 : i32
      scf.if %cond3A_119 {
        %add3A_120 = arith.constant 3 : i32
        %add3A_121 = arith.addi %mul3A_45, %add3A_120 : i32
        %mul3A_122 = arith.constant 128 : i32
        %mul3A_123 = arith.muli %add3A_121, %mul3A_122 : i32
        %dma_start3A_124 = tpu.memref_slice %arg7[%mul3A_123] : memref<10240xi32, #tpu.memory_space<vmem>> -> memref<128xi32, #tpu.memory_space<vmem>>
        %dma_start3A_125 = arith.constant 0 : i32
        %dma_start3A_126 = arith.constant 0 : i32
        %dma_start3A_127 = tpu.memref_slice %arg6[%dma_start3A_125, %dma_start3A_126] : memref<10240x128xf32, #tpu.memory_space<vmem_shared>> -> memref<10240x128xf32, #tpu.memory_space<vmem_shared>>
        tpu.enqueue_indirect_dma source(%dma_start3A_127 : memref<10240x128xf32, #tpu.memory_space<vmem_shared>>) target(%arg9 : memref<128x128xf32, #tpu.memory_space<vmem>>) offsets(%dma_start3A_124 : memref<128xi32, #tpu.memory_space<vmem>>) semaphore(%arg15 : memref<!tpu.dma_semaphore, #tpu.memory_space<semaphore_mem>>)
        %mul3A_128 = arith.constant 4 : i32
        %mul3A_129 = arith.muli %add3A_121, %mul3A_128 : i32
        %add3A_130 = arith.addi %min3A_3, %mul3A_129 : i32
        %dma_start3A_131 = arith.constant 0 : i32
        %dma_start3A_132 = tpu.memref_slice %arg4[%add3A_130, %dma_start3A_131] : memref<10240x128xf32, #tpu.memory_space<hbm>> -> memref<4x128xf32, #tpu.memory_space<hbm>>
        %dma_start3A_133 = arith.constant 0 : i32
        %dma_start3A_134 = tpu.memref_slice %arg4[%add3A_130, %dma_start3A_133] : memref<10240x128xf32, #tpu.memory_space<hbm>> -> memref<4x128xf32, #tpu.memory_space<hbm>>
        tpu.enqueue_dma source(%dma_start3A_134 : memref<4x128xf32, #tpu.memory_space<hbm>>) target(%arg11 : memref<4x128xf32, #tpu.memory_space<vmem>>) target_semaphore(%arg17 : memref<!tpu.dma_semaphore, #tpu.memory_space<semaphore_mem>>)
      } else {
      }
    }
    %scan3A_35 = arith.constant 40 : i32
    %dma_wait3A = arith.constant 0 : i32
    %dma_wait3A_36 = tpu.memref_slice %arg5[%min3A_3, %dma_wait3A] : memref<10000x128xf32, #tpu.memory_space<hbm>> -> memref<4x128xf32, #tpu.memory_space<hbm>>
    %dma_wait3A_37 = arith.constant 0 : i32
    %dma_wait3A_38 = tpu.memref_slice %arg5[%min3A_3, %dma_wait3A_37] : memref<10000x128xf32, #tpu.memory_space<hbm>> -> memref<4x128xf32, #tpu.memory_space<hbm>>
    tpu.wait_dma2 semaphore(%arg18 : memref<!tpu.dma_semaphore, #tpu.memory_space<semaphore_mem>>) src(%arg12 : memref<4x128xf32, #tpu.memory_space<vmem>>) dst(%dma_wait3A_38 : memref<4x128xf32, #tpu.memory_space<hbm>>)
    %dma_wait3A_39 = arith.constant 0 : i32
    %dma_wait3A_40 = tpu.memref_slice %arg5[%min3A_3, %dma_wait3A_39] : memref<10000x128xf32, #tpu.memory_space<hbm>> -> memref<4x128xf32, #tpu.memory_space<hbm>>
    %dma_wait3A_41 = arith.constant 0 : i32
    %dma_wait3A_42 = tpu.memref_slice %arg5[%min3A_3, %dma_wait3A_41] : memref<10000x128xf32, #tpu.memory_space<hbm>> -> memref<4x128xf32, #tpu.memory_space<hbm>>
    tpu.wait_dma2 semaphore(%arg19 : memref<!tpu.dma_semaphore, #tpu.memory_space<semaphore_mem>>) src(%arg13 : memref<4x128xf32, #tpu.memory_space<vmem>>) dst(%dma_wait3A_42 : memref<4x128xf32, #tpu.memory_space<hbm>>)
    return
  }
}

module attributes {stable_mosaic.version = 14 : i64} {
  func.func @_mm_body(%arg0: i32, %arg1: memref<2048x128xf32, #tpu.memory_space<vmem>>, %arg2: memref<256x128xf32, #tpu.memory_space<vmem>>, %arg3: memref<1x128xf32, #tpu.memory_space<vmem>>, %arg4: memref<2048x128xf32, #tpu.memory_space<vmem>>, %arg5: memref<2048x128xf32, #tpu.memory_space<vmem>>) attributes {dimension_semantics = [#tpu.dimension_semantics<arbitrary>], iteration_bounds = array<i64: 5>, scalar_prefetch = 0 : i64, scratch_operands = 0 : i64, tpu.core_type = #tpu.core_type<tc>, window_params = [{transform_indices = @transform_0, window_bounds = array<i64: 2048, 128>}, {pipeline_mode = #tpu.pipeline_mode<synchronous>, transform_indices = @transform_1, window_bounds = array<i64: 256, 128>}, {pipeline_mode = #tpu.pipeline_mode<synchronous>, transform_indices = @transform_2, window_bounds = array<i64: 1, 128>}, {transform_indices = @transform_3, window_bounds = array<i64: 2048, 128>}, {transform_indices = @transform_4, window_bounds = array<i64: 2048, 128>}]} {
    %get3A = arith.constant 0 : index
    %get3A_0 = arith.constant 0 : index
    %get3A_1 = vector.load %arg1[%get3A, %get3A_0] : memref<2048x128xf32, #tpu.memory_space<vmem>>, vector<2048x128xf32>
    %iota3A = tpu.iota {dimensions = array<i32: 0>} : vector<2048x1xi32>
    %mul3A = arith.constant 2048 : i32
    %mul3A_2 = arith.muli %arg0, %mul3A : i32
    %add3A = vector.broadcast %mul3A_2 : i32 to vector<2048x1xi32>
    %add3A_3 = arith.addi %iota3A, %add3A : vector<2048x1xi32>
    %lt3A = arith.constant 10000 : i32
    %lt3A_4 = vector.broadcast %lt3A : i32 to vector<2048x1xi32>
    %lt3A_5 = arith.cmpi slt, %add3A_3, %lt3A_4 : vector<2048x1xi32>
    %jit3A = arith.constant 1.000000e+06 : f32
    %broadcast_in_dim3A = vector.shape_cast %lt3A_5 : vector<2048x1xi1> to vector<2048x1xi1>
    %broadcast_in_dim3A_6 = vector.broadcast %broadcast_in_dim3A : vector<2048x1xi1> to vector<2048x128xi1>
    %broadcast_in_dim3A_7 = vector.broadcast %jit3A : f32 to vector<2048x128xf32>
    %select_n3A = arith.select %broadcast_in_dim3A_6, %get3A_1, %broadcast_in_dim3A_7 : vector<2048x128xi1>, vector<2048x128xf32>
    %get3A_8 = arith.constant 0 : index
    %get3A_9 = arith.constant 0 : index
    %get3A_10 = vector.load %arg2[%get3A_8, %get3A_9] : memref<256x128xf32, #tpu.memory_space<vmem>>, vector<256x128xf32>
    %dot_general3A = arith.constant dense<0.000000e+00> : vector<2048x256xf32>
    %dot_general3A_11 = tpu.matmul %select_n3A, %get3A_10, %dot_general3A {dimension_numbers = #tpu.dot_dimension_numbers<[1], [1], [0], [0], [0, 0, 1, 0], [], []>, transpose_lhs_hint = false} : vector<2048x128xf32>, vector<256x128xf32>, vector<2048x256xf32> -> vector<2048x256xf32>
    %slice3A = vector.extract_strided_slice %dot_general3A_11 {offsets = [0, 0], sizes = [2048, 128], strides = [1, 1]} : vector<2048x256xf32> to vector<2048x128xf32>
    %get3A_12 = arith.constant 0 : index
    %get3A_13 = arith.constant 0 : index
    %get3A_14 = vector.load %arg3[%get3A_12, %get3A_13] : memref<1x128xf32, #tpu.memory_space<vmem>>, vector<1x128xf32>
    %add3A_15 = vector.broadcast %get3A_14 : vector<1x128xf32> to vector<2048x128xf32>
    %add3A_16 = arith.addf %slice3A, %add3A_15 : vector<2048x128xf32>
    %swap3A = arith.constant 0 : index
    %swap3A_17 = arith.constant 0 : index
    %swap3A_18 = vector.load %arg4[%swap3A, %swap3A_17] : memref<2048x128xf32, #tpu.memory_space<vmem>>, vector<2048x128xf32>
    tpu.vector_store %arg4[%swap3A, %swap3A_17], %add3A_16 {strides = array<i32>} : memref<2048x128xf32, #tpu.memory_space<vmem>>, vector<2048x128xf32>,
    %slice3A_19 = vector.extract_strided_slice %dot_general3A_11 {offsets = [0, 128], sizes = [2048, 128], strides = [1, 1]} : vector<2048x256xf32> to vector<2048x128xf32>
    %swap3A_20 = arith.constant 0 : index
    %swap3A_21 = arith.constant 0 : index
    %swap3A_22 = vector.load %arg5[%swap3A_20, %swap3A_21] : memref<2048x128xf32, #tpu.memory_space<vmem>>, vector<2048x128xf32>
    tpu.vector_store %arg5[%swap3A_20, %swap3A_21], %slice3A_19 {strides = array<i32>} : memref<2048x128xf32, #tpu.memory_space<vmem>>, vector<2048x128xf32>,
    return
  }
  func.func @transform_0(%arg0: i32) -> (i32, i32) {
    %c0_i32 = arith.constant 0 : i32
    %c0_i32_0 = arith.constant 0 : i32
    return %arg0, %c0_i32 : i32, i32
  }
  func.func @transform_1(%arg0: i32) -> (i32, i32) {
    %c0_i32 = arith.constant 0 : i32
    %c0_i32_0 = arith.constant 0 : i32
    %c0_i32_1 = arith.constant 0 : i32
    return %c0_i32, %c0_i32_0 : i32, i32
  }
  func.func @transform_2(%arg0: i32) -> (i32, i32) {
    %c0_i32 = arith.constant 0 : i32
    %c0_i32_0 = arith.constant 0 : i32
    %c0_i32_1 = arith.constant 0 : i32
    return %c0_i32, %c0_i32_0 : i32, i32
  }
  func.func @transform_3(%arg0: i32) -> (i32, i32) {
    %c0_i32 = arith.constant 0 : i32
    %c0_i32_0 = arith.constant 0 : i32
    return %arg0, %c0_i32 : i32, i32
  }
  func.func @transform_4(%arg0: i32) -> (i32, i32) {
    %c0_i32 = arith.constant 0 : i32
    %c0_i32_0 = arith.constant 0 : i32
    return %arg0, %c0_i32 : i32, i32
  }
}

</mosaic_0001>

<sc_bundles>
// kernel: kernel.4.cloned.1.call-start
scs
__scs_entry_jumppad:
0x0: {  	(pc) =	sbr.rel $0x88, $3  }
0x1: {  	(tag) =	ssettag $0x0;
	lr =	simm.s32 $0x1  }
0x2: {  	[smem:$0x3F9D] =	sst lr;
	_ =	strace $0xD0000000  }
0x3: {  	_ = 	snop  }
0x4: {  	_ = 	snop  }
0x5: {  	_ = 	snop  }
0x6: {  	_ = 	snop  }
0x7: {  	_ = 	snop  }
__scs_overlays_trampoline_lowered:
0x8: {  	[smem:$0x3FAC] =	sst s0  }
0x9: {  	[smem:$0x3FAD] =	sst s1  }
0xa: {  	[smem:$0x3FAE] =	sst s2  }
0xb: {  	[smem:$0x3FAF] =	sst s3  }
0xc: {  	[smem:$0x3FB0] =	sst s4  }
0xd: {  	[smem:$0x3FB1] =	sst s5  }
0xe: {  	[smem:$0x3FB2] =	sst s6  }
0xf: {  	[smem:$0x3FB3] =	sst s7  }
0x10: {  	[smem:$0x3FB4] =	sst s8  }
0x11: {  	[smem:$0x3FB5] =	sst s9;
	s0 =	simm.s32 @!p0 $0x0  }
0x12: {  	s1 =	sld [smem:$0x3F9B];
	s0 =	simm.s32 @p0 $0x1  }
0x13: {  	[smem:$0x3FB6] =	sst s0;
	s0 =	simm.s32 @!p1 $0x0  }
0x14: {  	s2 =	sld [smem:$0x3F9A];
	s0 =	simm.s32 @p1 $0x1  }
0x15: {  	[smem:$0x3FB7] =	sst s0;
	s0 =	simm.s32 @!p2 $0x0  }
0x16: {  	s3 =	sld [smem:$0x3FDB];
	s0 =	simm.s32 @p2 $0x1  }
0x17: {  	s4 =	simm.s32 $0x1BF5;
	[smem:$0x3FB9] =	sst s0  }
0x18: {  	s0 =	sld [smem:$0x3F9C];
	_ =	swait.ge [sflag:s4], $0x0  }
0x19: {  	s7 =	sld [smem:$0x3F9D]  }
0x1a: {  	s8 =	sadd.s32 $0xFFFFE003, lr  }
0x1b: {  	s9 =	sadd.s32 $0xFFFFFEF7, lr;
	s5 =	simm.s32 $0xFFFFFFFF;
	p2 =	slt.u32 s8, $0xFFFFF086  }
0x1c: {  	p1 =	slt.u32 s9, $0xF7A;
	s5 =	simm.s32 @!p2 $0x0  }
0x1d: {  	s5 =	simm.s32 @p1 $0x1;
	p0 =	seq.s32 s7, s2  }
0x1e: {  	s7 =	smul.u32 @!p0 $0xF7A, s2;
	p2 =	seq.s32 @!p0 s5, $0x0  }
0x1f: {  	s9 =	smul.u32 $0xF7A, s1;
	s8 =	simm.s32 @!p0 $0x1BF5;
	p2 =	por !p2, p0  }
0x20: {  	[sflag:s8] =	ssyncset.s32 @!p0 $0xFFFFF086;
	s6 =	sadd.s32 @!p0 s3, s7;
	s7 =	simm.s32 @!p0 $0x108  }
0x21: {  	s3 =	sadd.s32 s3, s9;
	s6 =	sadd.s32 @!p0 $0x88, s6;
	s7 =	simm.s32 @p2 $0x1082  }
0x22: {  	[simem:s7], [sflag:s8] =	dma.local @!p0 [hbm:s6], $0xF7A  }
0x23: {  	s9 =	sor.u32 $0xD0000000, s2;
	s6 =	simm.s32 $0x108;
	_ =	swait.ge @!p0 [sflag:s8], $0x0  }
0x24: {  	s3 =	sadd.s32 $0x88, s3;
	s6 =	simm.s32 @!p1 $0x1082;
	[sflag:s4] =	ssyncset.s32 $0xFFFFF086  }
0x25: {  	[simem:s6], [sflag:s4] =	dma.local [hbm:s3], $0xF7A  }
0x26: {  	[smem:$0x3F9D] =	sst s1;
	(tag) =	ssettag s2;
	_ =	strace s9  }
0x27: {  	s1 =	sld [smem:$0x3FAD]  }
0x28: {  	s2 =	sld [smem:$0x3FAE]  }
0x29: {  	s4 =	sld [smem:$0x3FB0]  }
0x2a: {  	p0 =	seq.s32 s5, $0x0;
	s5 =	sld [smem:$0x3FB1]  }
0x2b: {  	s6 =	sld [smem:$0x3FB2]  }
0x2c: {  	s7 =	sld [smem:$0x3FB3]  }
0x2d: {  	s3 =	simm.s32 $0x108;
	s8 =	sld [smem:$0x3FB4]  }
0x2e: {  	s3 =	simm.s32 @!p0 $0x1082;
	s9 =	sld [smem:$0x3FB5]  }
0x2f: {  	lr =	sadd.s32 s0, s3;
	s0 =	sld [smem:$0x3FAC]  }
0x30: {  	s3 =	sld [smem:$0x3FAF]  }
0x31: {  	[smem:$0x3FB8] =	sst s10  }
0x32: {  	s10 =	sld [smem:$0x3FB6];
	_ =	sdelay $0x3  }
0x33: {  	p0 =	seq.s32 s10, $0x1;
	s10 =	sld [smem:$0x3FB8];
	_ =	sdelay $0x3  }
0x34: {  	[smem:$0x3FB8] =	sst s10  }
0x35: {  	s10 =	sld [smem:$0x3FB7];
	_ =	sdelay $0x3  }
0x36: {  	p1 =	seq.s32 s10, $0x1;
	s10 =	sld [smem:$0x3FB8];
	_ =	sdelay $0x3  }
0x37: {  	[smem:$0x3FB8] =	sst s10  }
0x38: {  	s10 =	sld [smem:$0x3FB9]  }
0x39: {  	_ = 	snop;
	(pc) =	sbr.ind lr, $3  }
0x3a: {  	_ = 	snop  }
0x3b: {  	_ = 	snop  }
0x3c: {  	p2 =	seq.s32 s10, $0x1;
	s10 =	sld [smem:$0x3FB8]  }
0x3d: {  	_ =	shalt  }
0x3e: {  	_ =	shalt  }
0x3f: {  	_ =	shalt  }
0x40: {  	_ =	shalt  }
0x41: {  	_ =	shalt  }
0x42: {  	_ =	shalt  }
0x43: {  	_ =	shalt  }
0x44: {  	_ =	shalt  }
0x45: {  	_ =	shalt  }
0x46: {  	_ =	shalt  }
0x47: {  	_ =	shalt  }
0x48: {  	_ =	shalt  }
0x49: {  	_ =	shalt  }
0x4a: {  	_ =	shalt  }
0x4b: {  	_ =	shalt  }
0x4c: {  	_ =	shalt  }
0x4d: {  	_ =	shalt  }
0x4e: {  	_ =	shalt  }
0x4f: {  	_ =	shalt  }
0x50: {  	_ =	shalt  }
0x51: {  	_ =	shalt  }
0x52: {  	_ =	shalt  }
0x53: {  	_ =	shalt  }
0x54: {  	_ =	shalt  }
0x55: {  	_ =	shalt  }
0x56: {  	_ =	shalt  }
0x57: {  	_ =	shalt  }
0x58: {  	_ =	shalt  }
0x59: {  	_ =	shalt  }
0x5a: {  	_ =	shalt  }
0x5b: {  	_ =	shalt  }
0x5c: {  	_ =	shalt  }
0x5d: {  	_ =	shalt  }
0x5e: {  	_ =	shalt  }
0x5f: {  	_ =	shalt  }
0x60: {  	_ =	shalt  }
0x61: {  	_ =	shalt  }
0x62: {  	_ =	shalt  }
0x63: {  	_ =	shalt  }
0x64: {  	_ =	shalt  }
0x65: {  	_ =	shalt  }
0x66: {  	_ =	shalt  }
0x67: {  	_ =	shalt  }
0x68: {  	_ =	shalt  }
0x69: {  	_ =	shalt  }
0x6a: {  	_ =	shalt  }
0x6b: {  	_ =	shalt  }
0x6c: {  	_ =	shalt  }
0x6d: {  	_ =	shalt  }
0x6e: {  	_ =	shalt  }
0x6f: {  	_ =	shalt  }
0x70: {  	_ =	shalt  }
0x71: {  	_ =	shalt  }
0x72: {  	_ =	shalt  }
0x73: {  	_ =	shalt  }
0x74: {  	_ =	shalt  }
0x75: {  	_ =	shalt  }
0x76: {  	_ =	shalt  }
0x77: {  	_ =	shalt  }
0x78: {  	_ =	shalt  }
0x79: {  	_ =	shalt  }
0x7a: {  	_ =	shalt  }
0x7b: {  	_ =	shalt  }
0x7c: {  	_ =	shalt  }
0x7d: {  	_ =	shalt  }
0x7e: {  	_ =	shalt  }
0x7f: {  	_ =	shalt  }
0x80: {  	_ =	shalt  }
0x81: {  	_ =	shalt  }
0x82: {  	_ =	shalt  }
0x83: {  	_ =	shalt  }
0x84: {  	_ =	shalt  }
0x85: {  	_ =	shalt  }
0x86: {  	_ =	shalt  }
0x87: {  	_ =	shalt  }
.Lfunc_end0:
.L_simem_size_0:
called_computation_lowered:
.L_overlay_start_0:
0x88: {  	s2 =	sld [smem:$0x3FD9]  }
0x89: {  	s3 =	sld [smem:$0x3FFE];
	_ =	sdelay $0x1  }
0x8a: {  	s1 =	srdreg.scid  }
0x8b: {  	s0 =	sand.u32 $0x1, s1  }
0x8c: {  	s17 =	sshll.u32 s0, $0xA;
	s2 =	sadd.s32 s3, s2  }
0x8d: {  	s2 =	sadd.s32 s2, s17  }
0x8e: {  	[smem:$0x3FC4] =	sst s2  }
0x8f: {  	_ = 	snop  }
0x90: {  	s2 =	sld [smem:$0x3FD0];
	(tm) =	ssettm $0x1  }
0x91: {  	s18 =	sld [smem:$0x3FFB];
	_ =	sdelay $0x3  }
0x92: {  	_ =	strace s18  }
0x93: {  	s3 =	sld [smem:$0x3FFC];
	_ =	sdelay $0x3  }
0x94: {  	_ =	strace s3  }
0x95: {  	s3 =	sld [smem:$0x3FFD];
	_ =	sdelay $0x3  }
0x96: {  	_ =	strace s3  }
0x97: {  	_ =	strace $0x8FFFFFFF  }
0x98: {  	s19 =	sld [smem:$0x3FDB];
	_ =	sdelay $0x1  }
0x99: {  	s4 =	simm.s32 $_scs_section_size  }
0x9a: {  	s5 =	simm.s32 $_size__tile_overlayer_lowered;
	s6 =	simm.s32 $_tile_overlayer_lowered  }
0x9b: {  	s22 =	simm.s32 $0x1BFF;
	s21 =	sshll.u32 s6, $0x1;
	s3 =	sadd.s32 s4, s19  }
0x9c: {  	s7 =	simm.s32 $0x0;
	s20 =	sshll.u32 s5, $0x1;
	s5 =	sadd.s32 s21, s3  }
0x9d: {  	[timem:s7], [sflag:s22] =	dma.local [hbm:s5], s20  }
0x9e: {  	_ =	swait.ge [sflag:s22], s20  }
0x9f: {  	s4 =	ssub.s32 $0x0, s20;
	[sflag:s22] =	ssyncset.done $0x0  }
0xa0: {  	[sflag:s22] =	ssyncadd.s32 s4;
	_ =	sdelay $0x1  }
0xa1: {  	s23 =	simm.s32 $0x1B8B  }
0xa2: {  	_ =	swait.ge [sflag:s23], $0x1  }
0xa3: {  	[sflag:s23] =	ssyncset.done $0x0  }
0xa4: {  	s25 =	simm.s32 $0x1B8E;
	s24 =	sld [smem:$0x3FFE];
	[sflag:s23] =	ssyncadd.s32 $0xFFFFFFFF  }
0xa5: {  	s26 =	simm.s32 $execute0_lowered;
	[smem:$0x3FD2] =	sst s25  }
0xa6: {  	s5 =	sshll.u32 s26, $0x1;
	_ =	strace $0x80000046;
	[dreg:$0x1] =	wrdreg $0xFFFFFFFF  }
0xa7: {  	s28 =	simm.s32 $_size_execute0_lowered;
	s3 =	sadd.s32 s3, s5;
	[dreg:$0x0] =	wrdreg $0x0  }
0xa8: {  	s5 =	sshll.u32 s28, $0x1;
	[dreg:$0x2] =	wrdreg s3  }
0xa9: {  	[dreg:$0x3] =	wrdreg s5  }
0xaa: {  	[dreg:$0x4] =	wrdreg $0xC0  }
0xab: {  	_ =	task [dreg:s7], $0x5FFFF  }
0xac: {  	[dreg:$0x1] =	wrdreg $0xFFFFFFFF  }
0xad: {  	[dreg:$0x0] =	wrdreg $0x60  }
0xae: {  	[dreg:$0x2] =	wrdreg s24  }
0xaf: {  	[dreg:$0x3] =	wrdreg s2  }
0xb0: {  	[dreg:$0x4] =	wrdreg $0x0  }
0xb1: {  	[dreg:$0x5] =	wrdreg $0x9  }
0xb2: {  	_ =	task.clear_ibuf [dreg:s7], $0x6FFFF;
	_ =	strace $0x90000046  }
0xb3: {  	s29 =	simm.s32 $0x9;
	_ =	strace $0x80000048  }
0xb4: {  	_ =	swait.ge [sflag:s29], $0x1  }
0xb5: {  	[sflag:s29] =	ssyncadd.s32 $0xFFFFFFFF  }
0xb6: {  	_ =	strace $0x90000048  }
0xb7: {  	_ =	sfence  }
0xb8: {  	s30 =	sld [smem:$0x0];
	_ =	sdelay $0x2  }
0xb9: {  	s31 =	sshll.u32 s1, $0xD;
	s1 =	sshrl.u32 s1, $0x2  }
0xba: {  	s3 =	sand.u32 $0x4000, s31;
	s1 =	sadd.s32 s1, s30  }
0xbb: {  	s0 =	sor.u32 s3, s0;
	s1 =	sshll.u32 s1, $0x11  }
0xbc: {  	s0 =	sor.u32 s1, s0  }
0xbd: {  	s0 =	sadd.s32 $0x8F2B, s0  }
0xbe: {  	[sflag:s0] =	ssyncadd.remote.s32 $0x1  }
0xbf: {  	_ =	sfence.sel $0xFFFF  }
0xc0: {  	[dreg:$0x0] =	wrdreg $0xFFFFFFFF;
	(pc) =	sbr.abs _section_cstart, $3  }
0xc1: {  	[dreg:$0x1] =	wrdreg $0xFFFFFFFF  }
0xc2: {  	_ =	task.clear_ibuf [dreg:s7], $0x2FFFF;
	_ =	strace $0x9FFFFFFF  }
0xc3: {  	(tm) =	ssettm $0x7FFFFFFF  }
tec
execute0_lowered:
.L_overlay_start_1:
0x0: {  	(tag) =	ssettag $0x1  }
0x1: {  	s0 =	rddreg [dreg:$0x0]  }
0x2: {  	s11 =	stileid.u32;
	s2 =	rddreg [dreg:$0x1]  }
0x3: {  	s1 =	srdreg.scid;
	s3 =	rddreg [dreg:$0x2];
	s14 =	simm.s32 $0x7  }
0x4: {  	s16 =	simm.s32 $0x80;
	s20 =	simm.s32 $0x1A800;
	s21 =	simm.s32 $0x1EA00  }
0x5: {  	s22 =	simm.s32 $0x1;
	s23 =	simm.s32 $0x3;
	s24 =	simm.s32 $0x1EC00  }
0x6: {  	s28 =	simm.s32 $0x1EE00;
	s29 =	simm.s32 $0x5;
	s30 =	simm.s32 $0x6  }
0x7: {  	s31 =	simm.s32 $0x0;
	s1 =	sand.u32 $0x1, s1;
	s6 =	smul.u32 $0x2800, s11  }
0x8: {  	s4 =	sshll.u32 s11, $0x1;
	s8 =	smul.u32 $0x50000, s11;
	s25 =	sshll.u32 s11, $0x6  }
0x9: {  	s5 =	sor.u32 s1, s4;
	s4 =	simm.s32 $0x0;
	s1 =	ssub.s32 $0x2, s1  }
0xa: {  	s5 =	smul.u32 $0x140, s5;
	[smem:$0x7FF] =	sst s4;
	s6 =	sadd.s32 s6, s0  }
0xb: {  	s9 =	sshrl.u32 s1, $0x1;
	s8 =	sshrl.u32 s8, $0x2;
	_ =	strace $0x80000047  }
0xc: {  	s1 =	ssub.s32 s1, s9;
	s13 =	sadd.s32 s8, s3;
	s6 =	sadd.s32 $0xB400, s6  }
0xd: {  	s5 =	smin.u32 s5, $0x25D0;
	[dreg:$0x4] =	wrdreg s6;
	s6 =	sor.u32 $0x1C07, s25  }
.Ltmp0:
0xe: {  	s11 =	smax.u32 s1, $0x1;
	s13 =	sshrl.u32 s13, $0x3;
	(pc) =	sbr.rel .LBB2_1-.Ltmp0, $4  }
0xf: {  	s25 =	simm.s32 $0x2;
	s7 =	sshll.u32 s5, $0x2;
	s10 =	sshll.u32 s5, $0x4  }
0x10: {  	s7 =	sadd.s32 s7, s0;
	s0 =	sadd.s32 s10, s0;
	s26 =	sadd.s32 s10, s2  }
0x11: {  	s10 =	sshrl.u32 s5, $0x3;
	s7 =	sadd.s32 $0x1600, s7;
	s8 =	sadd.s32 $0x33400, s0  }
0x12: {  	s9 =	sadd.s32 $0x33440, s0;
	s12 =	sadd.s32 $0x40, s26;
	s26 =	simm.s32 $0x4  }
.LBB2_8:
0x13: {  	s31 =	sadd.s32 $0x1, s31  }
0x14: {  	_ =	swait.ge [sflag:s29], $0x200;
	p0 =	sne.s32 s31, s11  }
.Ltmp1:
0x15: {  	[sflag:s29] =	ssyncset.done $0x0;
	(pc) =	sbr.rel @!p0 .LBB2_9-.Ltmp1, $4  }
0x16: {  	[sflag:s29] =	ssyncadd.s32 $0xFFFFFE00  }
0x17: {  	_ =	swait.ge [sflag:s30], $0x200  }
0x18: {  	[sflag:s30] =	ssyncset.done $0x0  }
0x19: {  	[sflag:s30] =	ssyncadd.s32 $0xFFFFFE00  }
.LBB2_1:
0x1a: {  	s0 =	rddreg [dreg:$0x4]  }
0x1b: {  	[spmem:s13], [sflag:s6] =	dma.local [hbm:s0], $0x2800  }
0x1c: {  	_ =	swait.ge [sflag:s14], $0x2800  }
0x1d: {  	[sflag:s14] =	ssyncset.done $0x0  }
0x1e: {  	s17 =	simm.s32 $0x14000;
	[sflag:s14] =	ssyncadd.s32 $0xFFFFD800  }
0x1f: {  	[tilespmem:s17], [sflag:$0x7] =	stream.linear.gather [hbm4b:s7+s4], $0x2800, $0x38;
	[tilespmem:$0x1F000] =	vst v63  }
0x20: {  	_ =	swait.ge [sflag:s14], $0x2800  }
0x21: {  	[sflag:s14] =	ssyncset.done $0x0  }
0x22: {  	[sflag:s14] =	ssyncadd.s32 $0xFFFFD800  }
0x23: {  	s1 =	simm.s32 $0x16800;
	[bflag:$0x0] =	sbarrier.arrive $0xFFFF  }
0x24: {  	[tilespmem:s1], [sflag:$0x1] =	stream.indirect.gather [spmem:s3], $0x80, s17, s16, $0xb8;
	[tilespmem:$0x1F000] =	vst v63  }
0x25: {  	s18 =	simm.s32 $0x1E800  }
0x26: {  	[tilespmem:s18], [sflag:$0x3] =	stream.linear.gather [hbm4b:s8+s4], $0x200, $0x38;
	[tilespmem:$0x1F000] =	vst v63  }
0x27: {  	s19 =	simm.s32 $0x14080  }
0x28: {  	[tilespmem:s20], [sflag:$0x2] =	stream.indirect.gather [spmem:s3], $0x80, s19, s16, $0xb8;
	[tilespmem:$0x1F000] =	vst v63  }
0x29: {  	s1 =	simm.s32 $0x0  }
0x2a: {  	[tilespmem:s21], [sflag:$0x4] =	stream.linear.gather [hbm4b:s9+s4], $0x200, $0x38;
	[tilespmem:$0x1F000] =	vst v63  }
.LBB2_2:
0x2b: {  	_ =	swait.ge [sflag:s22], $0x4000  }
0x2c: {  	[sflag:s22] =	ssyncset.done $0x0  }
0x2d: {  	[sflag:s22] =	ssyncadd.s32 $0xFFFFC000  }
0x2e: {  	_ =	swait.ge [sflag:s23], $0x200  }
0x2f: {  	p0 =	seq.s32 s1, $0x0;
	[sflag:s23] =	ssyncset.done $0x0  }
0x30: {  	s0 =	simm.s32 @!p0 $0x5;
	[sflag:s23] =	ssyncadd.s32 $0xFFFFFE00  }
0x31: {  	_ =	swait.ge @!p0 [sflag:s0], $0x200  }
0x32: {  	s5 =	simm.s32 $0x0;
	[sflag:s0] =	ssyncset.done @!p0 $0x0  }
0x33: {  	s17 =	sand.u32 $0x3FFFF000, s5;
	[sflag:s0] =	ssyncadd.s32 @!p0 $0xFFFFFE00  }
0x34: {  	v0 =	vld [tilespmem:s17+$0x16800]  }
0x35: {  	v1 =	vld [tilespmem:s17+$0x16880]  }
0x36: {  	v2 =	vld [tilespmem:s17+$0x16900]  }
0x37: {  	v3 =	vld [tilespmem:s17+$0x16980]  }
0x38: {  	v4 =	vld [tilespmem:s17+$0x16A00]  }
0x39: {  	v5 =	vld [tilespmem:s17+$0x16A80]  }
0x3a: {  	v0 =	vmax.f32 v0, v1;
	v1 =	vld [tilespmem:s17+$0x16B00]  }
0x3b: {  	v0 =	vmax.f32 v0, v2;
	v2 =	vld [tilespmem:s17+$0x16B80]  }
0x3c: {  	v0 =	vmax.f32 v0, v3;
	v3 =	vld [tilespmem:s17+$0x16C00]  }
0x3d: {  	v0 =	vmax.f32 v0, v4;
	v4 =	vld [tilespmem:s17+$0x16C80]  }
0x3e: {  	v0 =	vmax.f32 v0, v5;
	v5 =	vld [tilespmem:s17+$0x16D00]  }
0x3f: {  	v0 =	vmax.f32 v0, v1;
	v1 =	vld [tilespmem:s17+$0x16D80]  }
0x40: {  	v0 =	vmax.f32 v0, v2;
	v2 =	vld [tilespmem:s17+$0x16E00]  }
0x41: {  	v0 =	vmax.f32 v0, v3;
	v3 =	vld [tilespmem:s17+$0x16E80]  }
0x42: {  	v0 =	vmax.f32 v0, v4;
	v4 =	vld [tilespmem:s17+$0x16F00]  }
0x43: {  	v0 =	vmax.f32 v0, v5;
	v5 =	vld [tilespmem:s17+$0x16F80]  }
0x44: {  	v0 =	vmax.f32 v0, v1;
	v1 =	vld [tilespmem:s17+$0x17000]  }
0x45: {  	v0 =	vmax.f32 v0, v2;
	v2 =	vld [tilespmem:s17+$0x17080]  }
0x46: {  	v0 =	vmax.f32 v0, v3;
	v3 =	vld [tilespmem:s17+$0x17100]  }
0x47: {  	v0 =	vmax.f32 v0, v4;
	v4 =	vld [tilespmem:s17+$0x17180]  }
0x48: {  	v0 =	vmax.f32 v0, v5;
	v5 =	vld [tilespmem:s17+$0x17200]  }
0x49: {  	v0 =	vmax.f32 v0, v1;
	v1 =	vld [tilespmem:s17+$0x17280]  }
0x4a: {  	v0 =	vmax.f32 v0, v2;
	v2 =	vld [tilespmem:s17+$0x17300]  }
0x4b: {  	v0 =	vmax.f32 v0, v3;
	v3 =	vld [tilespmem:s17+$0x17380]  }
0x4c: {  	v0 =	vmax.f32 v0, v4;
	v4 =	vld [tilespmem:s17+$0x17400]  }
0x4d: {  	v0 =	vmax.f32 v0, v5;
	v5 =	vld [tilespmem:s17+$0x17480]  }
0x4e: {  	v0 =	vmax.f32 v0, v1;
	v1 =	vld [tilespmem:s17+$0x17500]  }
0x4f: {  	v0 =	vmax.f32 v0, v2;
	v2 =	vld [tilespmem:s17+$0x17580]  }
0x50: {  	v0 =	vmax.f32 v0, v3;
	v3 =	vld [tilespmem:s17+$0x17600]  }
0x51: {  	v0 =	vmax.f32 v0, v4;
	v4 =	vld [tilespmem:s17+$0x17680]  }
0x52: {  	v0 =	vmax.f32 v0, v5;
	v5 =	vld [tilespmem:s17+$0x17700]  }
0x53: {  	s18 =	simm.s32 $0x0;
	v0 =	vmax.f32 v0, v1;
	v1 =	vld [tilespmem:s17+$0x17780]  }
0x54: {  	v0 =	vmax.f32 v0, v2;
	v2 =	vld [tilespmem:s18+$0x1E800]  }
0x55: {  	v0 =	vmax.f32 v0, v3  }
0x56: {  	v0 =	vmax.f32 v0, v4  }
0x57: {  	v0 =	vmax.f32 v0, v5  }
0x58: {  	v0 =	vmax.f32 v0, v1  }
0x59: {  	v0 =	vadd.f32 v2, v0;
	_ =	sdelay $0x1  }
0x5a: {  	v0 =	vmax.f32 v0, $0.0e+00  }
0x5b: {  	[tilespmem:s18+$0x1EC00] =	vst v0  }
0x5c: {  	v0 =	vld [tilespmem:s17+$0x16810]  }
0x5d: {  	v1 =	vld [tilespmem:s17+$0x16890]  }
0x5e: {  	v2 =	vld [tilespmem:s17+$0x16910]  }
0x5f: {  	v3 =	vld [tilespmem:s17+$0x16990]  }
0x60: {  	v4 =	vld [tilespmem:s17+$0x16A10]  }
0x61: {  	v5 =	vld [tilespmem:s17+$0x16A90]  }
0x62: {  	v0 =	vmax.f32 v0, v1;
	v1 =	vld [tilespmem:s17+$0x16B10]  }
0x63: {  	v0 =	vmax.f32 v0, v2;
	v2 =	vld [tilespmem:s17+$0x16B90]  }
0x64: {  	v0 =	vmax.f32 v0, v3;
	v3 =	vld [tilespmem:s17+$0x16C10]  }
0x65: {  	v0 =	vmax.f32 v0, v4;
	v4 =	vld [tilespmem:s17+$0x16C90]  }
0x66: {  	v0 =	vmax.f32 v0, v5;
	v5 =	vld [tilespmem:s17+$0x16D10]  }
0x67: {  	v0 =	vmax.f32 v0, v1;
	v1 =	vld [tilespmem:s17+$0x16D90]  }
0x68: {  	v0 =	vmax.f32 v0, v2;
	v2 =	vld [tilespmem:s17+$0x16E10]  }
0x69: {  	v0 =	vmax.f32 v0, v3;
	v3 =	vld [tilespmem:s17+$0x16E90]  }
0x6a: {  	v0 =	vmax.f32 v0, v4;
	v4 =	vld [tilespmem:s17+$0x16F10]  }
0x6b: {  	v0 =	vmax.f32 v0, v5;
	v5 =	vld [tilespmem:s17+$0x16F90]  }
0x6c: {  	v0 =	vmax.f32 v0, v1;
	v1 =	vld [tilespmem:s17+$0x17010]  }
0x6d: {  	v0 =	vmax.f32 v0, v2;
	v2 =	vld [tilespmem:s17+$0x17090]  }
0x6e: {  	v0 =	vmax.f32 v0, v3;
	v3 =	vld [tilespmem:s17+$0x17110]  }
0x6f: {  	v0 =	vmax.f32 v0, v4;
	v4 =	vld [tilespmem:s17+$0x17190]  }
0x70: {  	v0 =	vmax.f32 v0, v5;
	v5 =	vld [tilespmem:s17+$0x17210]  }
0x71: {  	v0 =	vmax.f32 v0, v1;
	v1 =	vld [tilespmem:s17+$0x17290]  }
0x72: {  	v0 =	vmax.f32 v0, v2;
	v2 =	vld [tilespmem:s17+$0x17310]  }
0x73: {  	v0 =	vmax.f32 v0, v3;
	v3 =	vld [tilespmem:s17+$0x17390]  }
0x74: {  	v0 =	vmax.f32 v0, v4;
	v4 =	vld [tilespmem:s17+$0x17410]  }
0x75: {  	v0 =	vmax.f32 v0, v5;
	v5 =	vld [tilespmem:s17+$0x17490]  }
0x76: {  	v0 =	vmax.f32 v0, v1;
	v1 =	vld [tilespmem:s17+$0x17510]  }
0x77: {  	v0 =	vmax.f32 v0, v2;
	v2 =	vld [tilespmem:s17+$0x17590]  }
0x78: {  	v0 =	vmax.f32 v0, v3;
	v3 =	vld [tilespmem:s17+$0x17610]  }
0x79: {  	v0 =	vmax.f32 v0, v4;
	v4 =	vld [tilespmem:s17+$0x17690]  }
0x7a: {  	v0 =	vmax.f32 v0, v5;
	v5 =	vld [tilespmem:s17+$0x17710]  }
0x7b: {  	v0 =	vmax.f32 v0, v1;
	v1 =	vld [tilespmem:s17+$0x17790]  }
0x7c: {  	v0 =	vmax.f32 v0, v2;
	v2 =	vld [tilespmem:s18+$0x1E810]  }
0x7d: {  	v0 =	vmax.f32 v0, v3  }
0x7e: {  	v0 =	vmax.f32 v0, v4  }
0x7f: {  	v0 =	vmax.f32 v0, v5  }
0x80: {  	v0 =	vmax.f32 v0, v1  }
0x81: {  	v0 =	vadd.f32 v2, v0;
	_ =	sdelay $0x1  }
0x82: {  	v0 =	vmax.f32 v0, $0.0e+00  }
0x83: {  	[tilespmem:s18+$0x1EC10] =	vst v0  }
0x84: {  	v0 =	vld [tilespmem:s17+$0x16820]  }
0x85: {  	v1 =	vld [tilespmem:s17+$0x168A0]  }
0x86: {  	v2 =	vld [tilespmem:s17+$0x16920]  }
0x87: {  	v3 =	vld [tilespmem:s17+$0x169A0]  }
0x88: {  	v4 =	vld [tilespmem:s17+$0x16A20]  }
0x89: {  	v5 =	vld [tilespmem:s17+$0x16AA0]  }
0x8a: {  	v0 =	vmax.f32 v0, v1;
	v1 =	vld [tilespmem:s17+$0x16B20]  }
0x8b: {  	v0 =	vmax.f32 v0, v2;
	v2 =	vld [tilespmem:s17+$0x16BA0]  }
0x8c: {  	v0 =	vmax.f32 v0, v3;
	v3 =	vld [tilespmem:s17+$0x16C20]  }
0x8d: {  	v0 =	vmax.f32 v0, v4;
	v4 =	vld [tilespmem:s17+$0x16CA0]  }
0x8e: {  	v0 =	vmax.f32 v0, v5;
	v5 =	vld [tilespmem:s17+$0x16D20]  }
0x8f: {  	v0 =	vmax.f32 v0, v1;
	v1 =	vld [tilespmem:s17+$0x16DA0]  }
0x90: {  	v0 =	vmax.f32 v0, v2;
	v2 =	vld [tilespmem:s17+$0x16E20]  }
0x91: {  	v0 =	vmax.f32 v0, v3;
	v3 =	vld [tilespmem:s17+$0x16EA0]  }
0x92: {  	v0 =	vmax.f32 v0, v4;
	v4 =	vld [tilespmem:s17+$0x16F20]  }
0x93: {  	v0 =	vmax.f32 v0, v5;
	v5 =	vld [tilespmem:s17+$0x16FA0]  }
0x94: {  	v0 =	vmax.f32 v0, v1;
	v1 =	vld [tilespmem:s17+$0x17020]  }
0x95: {  	v0 =	vmax.f32 v0, v2;
	v2 =	vld [tilespmem:s17+$0x170A0]  }
0x96: {  	v0 =	vmax.f32 v0, v3;
	v3 =	vld [tilespmem:s17+$0x17120]  }
0x97: {  	v0 =	vmax.f32 v0, v4;
	v4 =	vld [tilespmem:s17+$0x171A0]  }
0x98: {  	v0 =	vmax.f32 v0, v5;
	v5 =	vld [tilespmem:s17+$0x17220]  }
0x99: {  	v0 =	vmax.f32 v0, v1;
	v1 =	vld [tilespmem:s17+$0x172A0]  }
0x9a: {  	v0 =	vmax.f32 v0, v2;
	v2 =	vld [tilespmem:s17+$0x17320]  }
0x9b: {  	v0 =	vmax.f32 v0, v3;
	v3 =	vld [tilespmem:s17+$0x173A0]  }
0x9c: {  	v0 =	vmax.f32 v0, v4;
	v4 =	vld [tilespmem:s17+$0x17420]  }
0x9d: {  	v0 =	vmax.f32 v0, v5;
	v5 =	vld [tilespmem:s17+$0x174A0]  }
0x9e: {  	v0 =	vmax.f32 v0, v1;
	v1 =	vld [tilespmem:s17+$0x17520]  }
0x9f: {  	v0 =	vmax.f32 v0, v2;
	v2 =	vld [tilespmem:s17+$0x175A0]  }
0xa0: {  	v0 =	vmax.f32 v0, v3;
	v3 =	vld [tilespmem:s17+$0x17620]  }
0xa1: {  	v0 =	vmax.f32 v0, v4;
	v4 =	vld [tilespmem:s17+$0x176A0]  }
0xa2: {  	v0 =	vmax.f32 v0, v5;
	v5 =	vld [tilespmem:s17+$0x17720]  }
0xa3: {  	v0 =	vmax.f32 v0, v1;
	v1 =	vld [tilespmem:s17+$0x177A0]  }
0xa4: {  	v0 =	vmax.f32 v0, v2;
	v2 =	vld [tilespmem:s18+$0x1E820]  }
0xa5: {  	v0 =	vmax.f32 v0, v3  }
0xa6: {  	v0 =	vmax.f32 v0, v4  }
0xa7: {  	v0 =	vmax.f32 v0, v5  }
0xa8: {  	v0 =	vmax.f32 v0, v1  }
0xa9: {  	v0 =	vadd.f32 v2, v0;
	_ =	sdelay $0x1  }
0xaa: {  	v0 =	vmax.f32 v0, $0.0e+00  }
0xab: {  	[tilespmem:s18+$0x1EC20] =	vst v0  }
0xac: {  	v0 =	vld [tilespmem:s17+$0x168B0]  }
0xad: {  	v1 =	vld [tilespmem:s17+$0x16830]  }
0xae: {  	v2 =	vld [tilespmem:s17+$0x16930]  }
0xaf: {  	v3 =	vld [tilespmem:s17+$0x169B0]  }
0xb0: {  	v4 =	vld [tilespmem:s17+$0x16A30]  }
0xb1: {  	v5 =	vld [tilespmem:s17+$0x16AB0]  }
0xb2: {  	v0 =	vmax.f32 v1, v0;
	v1 =	vld [tilespmem:s17+$0x16B30]  }
0xb3: {  	v0 =	vmax.f32 v0, v2;
	v2 =	vld [tilespmem:s17+$0x16BB0]  }
0xb4: {  	v0 =	vmax.f32 v0, v3;
	v3 =	vld [tilespmem:s17+$0x16C30]  }
0xb5: {  	v0 =	vmax.f32 v0, v4;
	v4 =	vld [tilespmem:s17+$0x16CB0]  }
0xb6: {  	v0 =	vmax.f32 v0, v5;
	v5 =	vld [tilespmem:s17+$0x16D30]  }
0xb7: {  	v0 =	vmax.f32 v0, v1;
	v1 =	vld [tilespmem:s17+$0x16DB0]  }
0xb8: {  	v0 =	vmax.f32 v0, v2;
	v2 =	vld [tilespmem:s17+$0x16E30]  }
0xb9: {  	v0 =	vmax.f32 v0, v3;
	v3 =	vld [tilespmem:s17+$0x16EB0]  }
0xba: {  	v0 =	vmax.f32 v0, v4;
	v4 =	vld [tilespmem:s17+$0x16F30]  }
0xbb: {  	v0 =	vmax.f32 v0, v5;
	v5 =	vld [tilespmem:s17+$0x16FB0]  }
0xbc: {  	v0 =	vmax.f32 v0, v1;
	v1 =	vld [tilespmem:s17+$0x17030]  }
0xbd: {  	v0 =	vmax.f32 v0, v2;
	v2 =	vld [tilespmem:s17+$0x170B0]  }
0xbe: {  	v0 =	vmax.f32 v0, v3;
	v3 =	vld [tilespmem:s17+$0x17130]  }
0xbf: {  	v0 =	vmax.f32 v0, v4;
	v4 =	vld [tilespmem:s17+$0x171B0]  }
0xc0: {  	v0 =	vmax.f32 v0, v5;
	v5 =	vld [tilespmem:s17+$0x17230]  }
0xc1: {  	v0 =	vmax.f32 v0, v1;
	v1 =	vld [tilespmem:s17+$0x172B0]  }
0xc2: {  	v0 =	vmax.f32 v0, v2;
	v2 =	vld [tilespmem:s17+$0x17330]  }
0xc3: {  	v0 =	vmax.f32 v0, v3;
	v3 =	vld [tilespmem:s17+$0x173B0]  }
0xc4: {  	v0 =	vmax.f32 v0, v4;
	v4 =	vld [tilespmem:s17+$0x17430]  }
0xc5: {  	v0 =	vmax.f32 v0, v5;
	v5 =	vld [tilespmem:s17+$0x174B0]  }
0xc6: {  	v0 =	vmax.f32 v0, v1;
	v1 =	vld [tilespmem:s17+$0x17530]  }
0xc7: {  	v0 =	vmax.f32 v0, v2;
	v2 =	vld [tilespmem:s17+$0x175B0]  }
0xc8: {  	v0 =	vmax.f32 v0, v3;
	v3 =	vld [tilespmem:s17+$0x17630]  }
0xc9: {  	v0 =	vmax.f32 v0, v4;
	v4 =	vld [tilespmem:s17+$0x176B0]  }
0xca: {  	v0 =	vmax.f32 v0, v5;
	v5 =	vld [tilespmem:s17+$0x17730]  }
0xcb: {  	v0 =	vmax.f32 v0, v1;
	v1 =	vld [tilespmem:s17+$0x177B0]  }
0xcc: {  	v0 =	vmax.f32 v0, v2;
	v2 =	vld [tilespmem:s18+$0x1E830]  }
0xcd: {  	v0 =	vmax.f32 v0, v3  }
0xce: {  	v0 =	vmax.f32 v0, v4  }
0xcf: {  	v0 =	vmax.f32 v0, v5  }
0xd0: {  	v0 =	vmax.f32 v0, v1  }
0xd1: {  	v0 =	vadd.f32 v2, v0;
	_ =	sdelay $0x1  }
0xd2: {  	v0 =	vmax.f32 v0, $0.0e+00  }
0xd3: {  	[tilespmem:s18+$0x1EC30] =	vst v0  }
0xd4: {  	v0 =	vld [tilespmem:s17+$0x168C0]  }
0xd5: {  	v1 =	vld [tilespmem:s17+$0x16840]  }
0xd6: {  	v2 =	vld [tilespmem:s17+$0x16940]  }
0xd7: {  	v3 =	vld [tilespmem:s17+$0x169C0]  }
0xd8: {  	v4 =	vld [tilespmem:s17+$0x16A40]  }
0xd9: {  	v5 =	vld [tilespmem:s17+$0x16AC0]  }
0xda: {  	v0 =	vmax.f32 v1, v0;
	v1 =	vld [tilespmem:s17+$0x16B40]  }
0xdb: {  	v0 =	vmax.f32 v0, v2;
	v2 =	vld [tilespmem:s17+$0x16BC0]  }
0xdc: {  	v0 =	vmax.f32 v0, v3;
	v3 =	vld [tilespmem:s17+$0x16C40]  }
0xdd: {  	v0 =	vmax.f32 v0, v4;
	v4 =	vld [tilespmem:s17+$0x16CC0]  }
0xde: {  	v0 =	vmax.f32 v0, v5;
	v5 =	vld [tilespmem:s17+$0x16D40]  }
0xdf: {  	v0 =	vmax.f32 v0, v1;
	v1 =	vld [tilespmem:s17+$0x16DC0]  }
0xe0: {  	v0 =	vmax.f32 v0, v2;
	v2 =	vld [tilespmem:s17+$0x16E40]  }
0xe1: {  	v0 =	vmax.f32 v0, v3;
	v3 =	vld [tilespmem:s17+$0x16EC0]  }
0xe2: {  	v0 =	vmax.f32 v0, v4;
	v4 =	vld [tilespmem:s17+$0x16F40]  }
0xe3: {  	v0 =	vmax.f32 v0, v5;
	v5 =	vld [tilespmem:s17+$0x16FC0]  }
0xe4: {  	v0 =	vmax.f32 v0, v1;
	v1 =	vld [tilespmem:s17+$0x17040]  }
0xe5: {  	v0 =	vmax.f32 v0, v2;
	v2 =	vld [tilespmem:s17+$0x170C0]  }
0xe6: {  	v0 =	vmax.f32 v0, v3;
	v3 =	vld [tilespmem:s17+$0x17140]  }
0xe7: {  	v0 =	vmax.f32 v0, v4;
	v4 =	vld [tilespmem:s17+$0x171C0]  }
0xe8: {  	v0 =	vmax.f32 v0, v5;
	v5 =	vld [tilespmem:s17+$0x17240]  }
0xe9: {  	v0 =	vmax.f32 v0, v1;
	v1 =	vld [tilespmem:s17+$0x172C0]  }
0xea: {  	v0 =	vmax.f32 v0, v2;
	v2 =	vld [tilespmem:s17+$0x17340]  }
0xeb: {  	v0 =	vmax.f32 v0, v3;
	v3 =	vld [tilespmem:s17+$0x173C0]  }
0xec: {  	v0 =	vmax.f32 v0, v4;
	v4 =	vld [tilespmem:s17+$0x17440]  }
0xed: {  	v0 =	vmax.f32 v0, v5;
	v5 =	vld [tilespmem:s17+$0x174C0]  }
0xee: {  	v0 =	vmax.f32 v0, v1;
	v1 =	vld [tilespmem:s17+$0x17540]  }
0xef: {  	v0 =	vmax.f32 v0, v2;
	v2 =	vld [tilespmem:s17+$0x175C0]  }
0xf0: {  	v0 =	vmax.f32 v0, v3;
	v3 =	vld [tilespmem:s17+$0x17640]  }
0xf1: {  	v0 =	vmax.f32 v0, v4;
	v4 =	vld [tilespmem:s17+$0x176C0]  }
0xf2: {  	v0 =	vmax.f32 v0, v5;
	v5 =	vld [tilespmem:s17+$0x17740]  }
0xf3: {  	v0 =	vmax.f32 v0, v1;
	v1 =	vld [tilespmem:s17+$0x177C0]  }
0xf4: {  	v0 =	vmax.f32 v0, v2;
	v2 =	vld [tilespmem:s18+$0x1E840]  }
0xf5: {  	v0 =	vmax.f32 v0, v3  }
0xf6: {  	v0 =	vmax.f32 v0, v4  }
0xf7: {  	v0 =	vmax.f32 v0, v5  }
0xf8: {  	v0 =	vmax.f32 v0, v1  }
0xf9: {  	v0 =	vadd.f32 v2, v0;
	_ =	sdelay $0x1  }
0xfa: {  	v0 =	vmax.f32 v0, $0.0e+00  }
0xfb: {  	[tilespmem:s18+$0x1EC40] =	vst v0  }
0xfc: {  	v0 =	vld [tilespmem:s17+$0x16850]  }
0xfd: {  	v1 =	vld [tilespmem:s17+$0x168D0]  }
0xfe: {  	v2 =	vld [tilespmem:s17+$0x16950]  }
0xff: {  	v3 =	vld [tilespmem:s17+$0x169D0]  }
0x100: {  	v4 =	vld [tilespmem:s17+$0x16A50]  }
0x101: {  	v5 =	vld [tilespmem:s17+$0x16AD0]  }
0x102: {  	v0 =	vmax.f32 v0, v1;
	v1 =	vld [tilespmem:s17+$0x16B50]  }
0x103: {  	v0 =	vmax.f32 v0, v2;
	v2 =	vld [tilespmem:s17+$0x16BD0]  }
0x104: {  	v0 =	vmax.f32 v0, v3;
	v3 =	vld [tilespmem:s17+$0x16C50]  }
0x105: {  	v0 =	vmax.f32 v0, v4;
	v4 =	vld [tilespmem:s17+$0x16CD0]  }
0x106: {  	v0 =	vmax.f32 v0, v5;
	v5 =	vld [tilespmem:s17+$0x16D50]  }
0x107: {  	v0 =	vmax.f32 v0, v1;
	v1 =	vld [tilespmem:s17+$0x16DD0]  }
0x108: {  	v0 =	vmax.f32 v0, v2;
	v2 =	vld [tilespmem:s17+$0x16E50]  }
0x109: {  	v0 =	vmax.f32 v0, v3;
	v3 =	vld [tilespmem:s17+$0x16ED0]  }
0x10a: {  	v0 =	vmax.f32 v0, v4;
	v4 =	vld [tilespmem:s17+$0x16F50]  }
0x10b: {  	v0 =	vmax.f32 v0, v5;
	v5 =	vld [tilespmem:s17+$0x16FD0]  }
0x10c: {  	v0 =	vmax.f32 v0, v1;
	v1 =	vld [tilespmem:s17+$0x17050]  }
0x10d: {  	v0 =	vmax.f32 v0, v2;
	v2 =	vld [tilespmem:s17+$0x170D0]  }
0x10e: {  	v0 =	vmax.f32 v0, v3;
	v3 =	vld [tilespmem:s17+$0x17150]  }
0x10f: {  	v0 =	vmax.f32 v0, v4;
	v4 =	vld [tilespmem:s17+$0x171D0]  }
0x110: {  	v0 =	vmax.f32 v0, v5;
	v5 =	vld [tilespmem:s17+$0x17250]  }
0x111: {  	v0 =	vmax.f32 v0, v1;
	v1 =	vld [tilespmem:s17+$0x172D0]  }
0x112: {  	v0 =	vmax.f32 v0, v2;
	v2 =	vld [tilespmem:s17+$0x17350]  }
0x113: {  	v0 =	vmax.f32 v0, v3;
	v3 =	vld [tilespmem:s17+$0x173D0]  }
0x114: {  	v0 =	vmax.f32 v0, v4;
	v4 =	vld [tilespmem:s17+$0x17450]  }
0x115: {  	v0 =	vmax.f32 v0, v5;
	v5 =	vld [tilespmem:s17+$0x174D0]  }
0x116: {  	v0 =	vmax.f32 v0, v1;
	v1 =	vld [tilespmem:s17+$0x17550]  }
0x117: {  	v0 =	vmax.f32 v0, v2;
	v2 =	vld [tilespmem:s17+$0x175D0]  }
0x118: {  	v0 =	vmax.f32 v0, v3;
	v3 =	vld [tilespmem:s17+$0x17650]  }
0x119: {  	v0 =	vmax.f32 v0, v4;
	v4 =	vld [tilespmem:s17+$0x176D0]  }
0x11a: {  	v0 =	vmax.f32 v0, v5;
	v5 =	vld [tilespmem:s17+$0x17750]  }
0x11b: {  	v0 =	vmax.f32 v0, v1;
	v1 =	vld [tilespmem:s17+$0x177D0]  }
0x11c: {  	v0 =	vmax.f32 v0, v2;
	v2 =	vld [tilespmem:s18+$0x1E850]  }
0x11d: {  	v0 =	vmax.f32 v0, v3  }
0x11e: {  	v0 =	vmax.f32 v0, v4  }
0x11f: {  	v0 =	vmax.f32 v0, v5  }
0x120: {  	v0 =	vmax.f32 v0, v1  }
0x121: {  	v0 =	vadd.f32 v2, v0;
	_ =	sdelay $0x1  }
0x122: {  	v0 =	vmax.f32 v0, $0.0e+00  }
0x123: {  	[tilespmem:s18+$0x1EC50] =	vst v0  }
0x124: {  	v0 =	vld [tilespmem:s17+$0x16860]  }
0x125: {  	v1 =	vld [tilespmem:s17+$0x168E0]  }
0x126: {  	v2 =	vld [tilespmem:s17+$0x16960]  }
0x127: {  	v3 =	vld [tilespmem:s17+$0x169E0]  }
0x128: {  	v4 =	vld [tilespmem:s17+$0x16A60]  }
0x129: {  	v5 =	vld [tilespmem:s17+$0x16AE0]  }
0x12a: {  	v0 =	vmax.f32 v0, v1;
	v1 =	vld [tilespmem:s17+$0x16B60]  }
0x12b: {  	v0 =	vmax.f32 v0, v2;
	v2 =	vld [tilespmem:s17+$0x16BE0]  }
0x12c: {  	v0 =	vmax.f32 v0, v3;
	v3 =	vld [tilespmem:s17+$0x16C60]  }
0x12d: {  	v0 =	vmax.f32 v0, v4;
	v4 =	vld [tilespmem:s17+$0x16CE0]  }
0x12e: {  	v0 =	vmax.f32 v0, v5;
	v5 =	vld [tilespmem:s17+$0x16D60]  }
0x12f: {  	v0 =	vmax.f32 v0, v1;
	v1 =	vld [tilespmem:s17+$0x16DE0]  }
0x130: {  	v0 =	vmax.f32 v0, v2;
	v2 =	vld [tilespmem:s17+$0x16E60]  }
0x131: {  	v0 =	vmax.f32 v0, v3;
	v3 =	vld [tilespmem:s17+$0x16EE0]  }
0x132: {  	v0 =	vmax.f32 v0, v4;
	v4 =	vld [tilespmem:s17+$0x16F60]  }
0x133: {  	v0 =	vmax.f32 v0, v5;
	v5 =	vld [tilespmem:s17+$0x16FE0]  }
0x134: {  	v0 =	vmax.f32 v0, v1;
	v1 =	vld [tilespmem:s17+$0x17060]  }
0x135: {  	v0 =	vmax.f32 v0, v2;
	v2 =	vld [tilespmem:s17+$0x170E0]  }
0x136: {  	v0 =	vmax.f32 v0, v3;
	v3 =	vld [tilespmem:s17+$0x17160]  }
0x137: {  	v0 =	vmax.f32 v0, v4;
	v4 =	vld [tilespmem:s17+$0x171E0]  }
0x138: {  	v0 =	vmax.f32 v0, v5;
	v5 =	vld [tilespmem:s17+$0x17260]  }
0x139: {  	v0 =	vmax.f32 v0, v1;
	v1 =	vld [tilespmem:s17+$0x172E0]  }
0x13a: {  	v0 =	vmax.f32 v0, v2;
	v2 =	vld [tilespmem:s17+$0x17360]  }
0x13b: {  	v0 =	vmax.f32 v0, v3;
	v3 =	vld [tilespmem:s17+$0x173E0]  }
0x13c: {  	v0 =	vmax.f32 v0, v4;
	v4 =	vld [tilespmem:s17+$0x17460]  }
0x13d: {  	v0 =	vmax.f32 v0, v5;
	v5 =	vld [tilespmem:s17+$0x174E0]  }
0x13e: {  	v0 =	vmax.f32 v0, v1;
	v1 =	vld [tilespmem:s17+$0x17560]  }
0x13f: {  	v0 =	vmax.f32 v0, v2;
	v2 =	vld [tilespmem:s17+$0x175E0]  }
0x140: {  	v0 =	vmax.f32 v0, v3;
	v3 =	vld [tilespmem:s17+$0x17660]  }
0x141: {  	v0 =	vmax.f32 v0, v4;
	v4 =	vld [tilespmem:s17+$0x176E0]  }
0x142: {  	v0 =	vmax.f32 v0, v5;
	v5 =	vld [tilespmem:s17+$0x17760]  }
0x143: {  	v0 =	vmax.f32 v0, v1;
	v1 =	vld [tilespmem:s17+$0x177E0]  }
0x144: {  	v0 =	vmax.f32 v0, v2;
	v2 =	vld [tilespmem:s18+$0x1E860]  }
0x145: {  	v0 =	vmax.f32 v0, v3  }
0x146: {  	v0 =	vmax.f32 v0, v4  }
0x147: {  	v0 =	vmax.f32 v0, v5  }
0x148: {  	v0 =	vmax.f32 v0, v1  }
0x149: {  	v0 =	vadd.f32 v2, v0;
	_ =	sdelay $0x1  }
0x14a: {  	v0 =	vmax.f32 v0, $0.0e+00  }
0x14b: {  	[tilespmem:s18+$0x1EC60] =	vst v0  }
0x14c: {  	v0 =	vld [tilespmem:s17+$0x16870]  }
0x14d: {  	v1 =	vld [tilespmem:s17+$0x168F0]  }
0x14e: {  	v2 =	vld [tilespmem:s17+$0x16970]  }
0x14f: {  	v3 =	vld [tilespmem:s17+$0x169F0]  }
0x150: {  	v4 =	vld [tilespmem:s17+$0x16A70]  }
0x151: {  	v5 =	vld [tilespmem:s17+$0x16AF0]  }
0x152: {  	v0 =	vmax.f32 v0, v1;
	v1 =	vld [tilespmem:s17+$0x16B70]  }
0x153: {  	v0 =	vmax.f32 v0, v2;
	v2 =	vld [tilespmem:s17+$0x16BF0]  }
0x154: {  	v0 =	vmax.f32 v0, v3;
	v3 =	vld [tilespmem:s17+$0x16C70]  }
0x155: {  	v0 =	vmax.f32 v0, v4;
	v4 =	vld [tilespmem:s17+$0x16CF0]  }
0x156: {  	v0 =	vmax.f32 v0, v5;
	v5 =	vld [tilespmem:s17+$0x16D70]  }
0x157: {  	v0 =	vmax.f32 v0, v1;
	v1 =	vld [tilespmem:s17+$0x16DF0]  }
0x158: {  	v0 =	vmax.f32 v0, v2;
	v2 =	vld [tilespmem:s17+$0x16E70]  }
0x159: {  	v0 =	vmax.f32 v0, v3;
	v3 =	vld [tilespmem:s17+$0x16EF0]  }
0x15a: {  	v0 =	vmax.f32 v0, v4;
	v4 =	vld [tilespmem:s17+$0x16F70]  }
0x15b: {  	v0 =	vmax.f32 v0, v5;
	v5 =	vld [tilespmem:s17+$0x16FF0]  }
0x15c: {  	v0 =	vmax.f32 v0, v1;
	v1 =	vld [tilespmem:s17+$0x17070]  }
0x15d: {  	v0 =	vmax.f32 v0, v2;
	v2 =	vld [tilespmem:s17+$0x170F0]  }
0x15e: {  	v0 =	vmax.f32 v0, v3;
	v3 =	vld [tilespmem:s17+$0x17170]  }
0x15f: {  	v0 =	vmax.f32 v0, v4;
	v4 =	vld [tilespmem:s17+$0x171F0]  }
0x160: {  	v0 =	vmax.f32 v0, v5;
	v5 =	vld [tilespmem:s17+$0x17270]  }
0x161: {  	v0 =	vmax.f32 v0, v1;
	v1 =	vld [tilespmem:s17+$0x172F0]  }
0x162: {  	v0 =	vmax.f32 v0, v2;
	v2 =	vld [tilespmem:s17+$0x17370]  }
0x163: {  	v6 =	vld [tilespmem:s17+$0x173F0];
	v0 =	vmax.f32 v0, v3  }
0x164: {  	v3 =	vld [tilespmem:s17+$0x17470];
	v0 =	vmax.f32 v0, v4  }
0x165: {  	v4 =	vmax.f32 v0, v5;
	v0 =	vld [tilespmem:s17+$0x174F0]  }
0x166: {  	v4 =	vmax.f32 v4, v1;
	v1 =	vld [tilespmem:s17+$0x17570]  }
0x167: {  	v4 =	vmax.f32 v4, v2;
	v2 =	vld [tilespmem:s17+$0x175F0]  }
0x168: {  	s19 =	sadd.s32 s10, s1;
	s15 =	simm.s32 $0x1;
	s0 =	sshll.u32 s1, $0x1;
	v5 =	vmax.f32 v4, v6;
	v4 =	vld [tilespmem:s17+$0x17670]  }
.LBB2_3:
0x169: {  	p1 =	sne.s32 s15, $0x3;
	v3 =	vmax.f32 v5, v3;
	v5 =	vld [tilespmem:s17+$0x176F0];
	s5 =	smov.u32 s15;
	s15 =	sadd.s32 $0x1, s15  }
0x16a: {  	v0 =	vmax.f32 v3, v0;
	v3 =	vld [tilespmem:s17+$0x17770]  }
0x16b: {  	v0 =	vmax.f32 v0, v1;
	v1 =	vld [tilespmem:s17+$0x177F0]  }
0x16c: {  	v0 =	vmax.f32 v0, v2;
	v2 =	vld [tilespmem:s18+$0x1E870]  }
0x16d: {  	v0 =	vmax.f32 v0, v4  }
0x16e: {  	v0 =	vmax.f32 v0, v5  }
0x16f: {  	v0 =	vmax.f32 v0, v3  }
0x170: {  	v0 =	vmax.f32 v0, v1  }
0x171: {  	s17 =	sshll.u32 s5, $0xC;
	v0 =	vadd.f32 v2, v0  }
0x172: {  	s17 =	sand.u32 $0x3FFFF000, s17  }
0x173: {  	v0 =	vmax.f32 v0, $0.0e+00  }
0x174: {  	[tilespmem:s18+$0x1EC70] =	vst v0  }
0x175: {  	v0 =	vld [tilespmem:s17+$0x16800]  }
0x176: {  	v1 =	vld [tilespmem:s17+$0x16880]  }
0x177: {  	v2 =	vld [tilespmem:s17+$0x16900]  }
0x178: {  	v3 =	vld [tilespmem:s17+$0x16980]  }
0x179: {  	v4 =	vld [tilespmem:s17+$0x16A00]  }
0x17a: {  	v5 =	vld [tilespmem:s17+$0x16A80]  }
0x17b: {  	v0 =	vmax.f32 v0, v1;
	v1 =	vld [tilespmem:s17+$0x16B00]  }
0x17c: {  	v0 =	vmax.f32 v0, v2;
	v2 =	vld [tilespmem:s17+$0x16B80]  }
0x17d: {  	v0 =	vmax.f32 v0, v3;
	v3 =	vld [tilespmem:s17+$0x16C00]  }
0x17e: {  	v0 =	vmax.f32 v0, v4;
	v4 =	vld [tilespmem:s17+$0x16C80]  }
0x17f: {  	v0 =	vmax.f32 v0, v5;
	v5 =	vld [tilespmem:s17+$0x16D00]  }
0x180: {  	v0 =	vmax.f32 v0, v1;
	v1 =	vld [tilespmem:s17+$0x16D80]  }
0x181: {  	v0 =	vmax.f32 v0, v2;
	v2 =	vld [tilespmem:s17+$0x16E00]  }
0x182: {  	v0 =	vmax.f32 v0, v3;
	v3 =	vld [tilespmem:s17+$0x16E80]  }
0x183: {  	v0 =	vmax.f32 v0, v4;
	v4 =	vld [tilespmem:s17+$0x16F00]  }
0x184: {  	v0 =	vmax.f32 v0, v5;
	v5 =	vld [tilespmem:s17+$0x16F80]  }
0x185: {  	v0 =	vmax.f32 v0, v1;
	v1 =	vld [tilespmem:s17+$0x17000]  }
0x186: {  	v0 =	vmax.f32 v0, v2;
	v2 =	vld [tilespmem:s17+$0x17080]  }
0x187: {  	v0 =	vmax.f32 v0, v3;
	v3 =	vld [tilespmem:s17+$0x17100]  }
0x188: {  	v0 =	vmax.f32 v0, v4;
	v4 =	vld [tilespmem:s17+$0x17180]  }
0x189: {  	v0 =	vmax.f32 v0, v5;
	v5 =	vld [tilespmem:s17+$0x17200]  }
0x18a: {  	v0 =	vmax.f32 v0, v1;
	v1 =	vld [tilespmem:s17+$0x17280]  }
0x18b: {  	v0 =	vmax.f32 v0, v2;
	v2 =	vld [tilespmem:s17+$0x17300]  }
0x18c: {  	v0 =	vmax.f32 v0, v3;
	v3 =	vld [tilespmem:s17+$0x17380]  }
0x18d: {  	v0 =	vmax.f32 v0, v4;
	v4 =	vld [tilespmem:s17+$0x17400]  }
0x18e: {  	v0 =	vmax.f32 v0, v5;
	v5 =	vld [tilespmem:s17+$0x17480]  }
0x18f: {  	v0 =	vmax.f32 v0, v1;
	v1 =	vld [tilespmem:s17+$0x17500]  }
0x190: {  	v0 =	vmax.f32 v0, v2;
	v2 =	vld [tilespmem:s17+$0x17580]  }
0x191: {  	v0 =	vmax.f32 v0, v3;
	v3 =	vld [tilespmem:s17+$0x17600]  }
0x192: {  	v0 =	vmax.f32 v0, v4;
	v4 =	vld [tilespmem:s17+$0x17680]  }
0x193: {  	v0 =	vmax.f32 v0, v5;
	v5 =	vld [tilespmem:s17+$0x17700]  }
0x194: {  	s18 =	sshll.u32 s5, $0x7;
	v0 =	vmax.f32 v0, v1;
	v1 =	vld [tilespmem:s17+$0x17780]  }
0x195: {  	v0 =	vmax.f32 v0, v2;
	v2 =	vld [tilespmem:s18+$0x1E800]  }
0x196: {  	v0 =	vmax.f32 v0, v3  }
0x197: {  	v0 =	vmax.f32 v0, v4  }
0x198: {  	v0 =	vmax.f32 v0, v5  }
0x199: {  	v0 =	vmax.f32 v0, v1  }
0x19a: {  	v0 =	vadd.f32 v2, v0;
	_ =	sdelay $0x1  }
0x19b: {  	v0 =	vmax.f32 v0, $0.0e+00  }
0x19c: {  	[tilespmem:s18+$0x1EC00] =	vst v0  }
0x19d: {  	v0 =	vld [tilespmem:s17+$0x16810]  }
0x19e: {  	v1 =	vld [tilespmem:s17+$0x16890]  }
0x19f: {  	v2 =	vld [tilespmem:s17+$0x16910]  }
0x1a0: {  	v3 =	vld [tilespmem:s17+$0x16990]  }
0x1a1: {  	v4 =	vld [tilespmem:s17+$0x16A10]  }
0x1a2: {  	v5 =	vld [tilespmem:s17+$0x16A90]  }
0x1a3: {  	v0 =	vmax.f32 v0, v1;
	v1 =	vld [tilespmem:s17+$0x16B10]  }
0x1a4: {  	v0 =	vmax.f32 v0, v2;
	v2 =	vld [tilespmem:s17+$0x16B90]  }
0x1a5: {  	v0 =	vmax.f32 v0, v3;
	v3 =	vld [tilespmem:s17+$0x16C10]  }
0x1a6: {  	v0 =	vmax.f32 v0, v4;
	v4 =	vld [tilespmem:s17+$0x16C90]  }
0x1a7: {  	v0 =	vmax.f32 v0, v5;
	v5 =	vld [tilespmem:s17+$0x16D10]  }
0x1a8: {  	v0 =	vmax.f32 v0, v1;
	v1 =	vld [tilespmem:s17+$0x16D90]  }
0x1a9: {  	v0 =	vmax.f32 v0, v2;
	v2 =	vld [tilespmem:s17+$0x16E10]  }
0x1aa: {  	v0 =	vmax.f32 v0, v3;
	v3 =	vld [tilespmem:s17+$0x16E90]  }
0x1ab: {  	v0 =	vmax.f32 v0, v4;
	v4 =	vld [tilespmem:s17+$0x16F10]  }
0x1ac: {  	v0 =	vmax.f32 v0, v5;
	v5 =	vld [tilespmem:s17+$0x16F90]  }
0x1ad: {  	v0 =	vmax.f32 v0, v1;
	v1 =	vld [tilespmem:s17+$0x17010]  }
0x1ae: {  	v0 =	vmax.f32 v0, v2;
	v2 =	vld [tilespmem:s17+$0x17090]  }
0x1af: {  	v0 =	vmax.f32 v0, v3;
	v3 =	vld [tilespmem:s17+$0x17110]  }
0x1b0: {  	v0 =	vmax.f32 v0, v4;
	v4 =	vld [tilespmem:s17+$0x17190]  }
0x1b1: {  	v0 =	vmax.f32 v0, v5;
	v5 =	vld [tilespmem:s17+$0x17210]  }
0x1b2: {  	v0 =	vmax.f32 v0, v1;
	v1 =	vld [tilespmem:s17+$0x17290]  }
0x1b3: {  	v0 =	vmax.f32 v0, v2;
	v2 =	vld [tilespmem:s17+$0x17310]  }
0x1b4: {  	v0 =	vmax.f32 v0, v3;
	v3 =	vld [tilespmem:s17+$0x17390]  }
0x1b5: {  	v0 =	vmax.f32 v0, v4;
	v4 =	vld [tilespmem:s17+$0x17410]  }
0x1b6: {  	v0 =	vmax.f32 v0, v5;
	v5 =	vld [tilespmem:s17+$0x17490]  }
0x1b7: {  	v0 =	vmax.f32 v0, v1;
	v1 =	vld [tilespmem:s17+$0x17510]  }
0x1b8: {  	v0 =	vmax.f32 v0, v2;
	v2 =	vld [tilespmem:s17+$0x17590]  }
0x1b9: {  	v0 =	vmax.f32 v0, v3;
	v3 =	vld [tilespmem:s17+$0x17610]  }
0x1ba: {  	v0 =	vmax.f32 v0, v4;
	v4 =	vld [tilespmem:s17+$0x17690]  }
0x1bb: {  	v0 =	vmax.f32 v0, v5;
	v5 =	vld [tilespmem:s17+$0x17710]  }
0x1bc: {  	v0 =	vmax.f32 v0, v1;
	v1 =	vld [tilespmem:s17+$0x17790]  }
0x1bd: {  	v0 =	vmax.f32 v0, v2;
	v2 =	vld [tilespmem:s18+$0x1E810]  }
0x1be: {  	v0 =	vmax.f32 v0, v3  }
0x1bf: {  	v0 =	vmax.f32 v0, v4  }
0x1c0: {  	v0 =	vmax.f32 v0, v5  }
0x1c1: {  	v0 =	vmax.f32 v0, v1  }
0x1c2: {  	v0 =	vadd.f32 v2, v0;
	_ =	sdelay $0x1  }
0x1c3: {  	v0 =	vmax.f32 v0, $0.0e+00  }
0x1c4: {  	[tilespmem:s18+$0x1EC10] =	vst v0  }
0x1c5: {  	v0 =	vld [tilespmem:s17+$0x16820]  }
0x1c6: {  	v1 =	vld [tilespmem:s17+$0x168A0]  }
0x1c7: {  	v2 =	vld [tilespmem:s17+$0x16920]  }
0x1c8: {  	v3 =	vld [tilespmem:s17+$0x169A0]  }
0x1c9: {  	v4 =	vld [tilespmem:s17+$0x16A20]  }
0x1ca: {  	v5 =	vld [tilespmem:s17+$0x16AA0]  }
0x1cb: {  	v0 =	vmax.f32 v0, v1;
	v1 =	vld [tilespmem:s17+$0x16B20]  }
0x1cc: {  	v0 =	vmax.f32 v0, v2;
	v2 =	vld [tilespmem:s17+$0x16BA0]  }
0x1cd: {  	v0 =	vmax.f32 v0, v3;
	v3 =	vld [tilespmem:s17+$0x16C20]  }
0x1ce: {  	v0 =	vmax.f32 v0, v4;
	v4 =	vld [tilespmem:s17+$0x16CA0]  }
0x1cf: {  	v0 =	vmax.f32 v0, v5;
	v5 =	vld [tilespmem:s17+$0x16D20]  }
0x1d0: {  	v0 =	vmax.f32 v0, v1;
	v1 =	vld [tilespmem:s17+$0x16DA0]  }
0x1d1: {  	v0 =	vmax.f32 v0, v2;
	v2 =	vld [tilespmem:s17+$0x16E20]  }
0x1d2: {  	v0 =	vmax.f32 v0, v3;
	v3 =	vld [tilespmem:s17+$0x16EA0]  }
0x1d3: {  	v0 =	vmax.f32 v0, v4;
	v4 =	vld [tilespmem:s17+$0x16F20]  }
0x1d4: {  	v0 =	vmax.f32 v0, v5;
	v5 =	vld [tilespmem:s17+$0x16FA0]  }
0x1d5: {  	v0 =	vmax.f32 v0, v1;
	v1 =	vld [tilespmem:s17+$0x17020]  }
0x1d6: {  	v0 =	vmax.f32 v0, v2;
	v2 =	vld [tilespmem:s17+$0x170A0]  }
0x1d7: {  	v0 =	vmax.f32 v0, v3;
	v3 =	vld [tilespmem:s17+$0x17120]  }
0x1d8: {  	v0 =	vmax.f32 v0, v4;
	v4 =	vld [tilespmem:s17+$0x171A0]  }
0x1d9: {  	v0 =	vmax.f32 v0, v5;
	v5 =	vld [tilespmem:s17+$0x17220]  }
0x1da: {  	v0 =	vmax.f32 v0, v1;
	v1 =	vld [tilespmem:s17+$0x172A0]  }
0x1db: {  	v0 =	vmax.f32 v0, v2;
	v2 =	vld [tilespmem:s17+$0x17320]  }
0x1dc: {  	v0 =	vmax.f32 v0, v3;
	v3 =	vld [tilespmem:s17+$0x173A0]  }
0x1dd: {  	v0 =	vmax.f32 v0, v4;
	v4 =	vld [tilespmem:s17+$0x17420]  }
0x1de: {  	v0 =	vmax.f32 v0, v5;
	v5 =	vld [tilespmem:s17+$0x174A0]  }
0x1df: {  	v0 =	vmax.f32 v0, v1;
	v1 =	vld [tilespmem:s17+$0x17520]  }
0x1e0: {  	v0 =	vmax.f32 v0, v2;
	v2 =	vld [tilespmem:s17+$0x175A0]  }
0x1e1: {  	v0 =	vmax.f32 v0, v3;
	v3 =	vld [tilespmem:s17+$0x17620]  }
0x1e2: {  	v0 =	vmax.f32 v0, v4;
	v4 =	vld [tilespmem:s17+$0x176A0]  }
0x1e3: {  	v0 =	vmax.f32 v0, v5;
	v5 =	vld [tilespmem:s17+$0x17720]  }
0x1e4: {  	v0 =	vmax.f32 v0, v1;
	v1 =	vld [tilespmem:s17+$0x177A0]  }
0x1e5: {  	v0 =	vmax.f32 v0, v2;
	v2 =	vld [tilespmem:s18+$0x1E820]  }
0x1e6: {  	v0 =	vmax.f32 v0, v3  }
0x1e7: {  	v0 =	vmax.f32 v0, v4  }
0x1e8: {  	v0 =	vmax.f32 v0, v5  }
0x1e9: {  	v0 =	vmax.f32 v0, v1  }
0x1ea: {  	v0 =	vadd.f32 v2, v0;
	_ =	sdelay $0x1  }
0x1eb: {  	v0 =	vmax.f32 v0, $0.0e+00  }
0x1ec: {  	[tilespmem:s18+$0x1EC20] =	vst v0  }
0x1ed: {  	v0 =	vld [tilespmem:s17+$0x168B0]  }
0x1ee: {  	v1 =	vld [tilespmem:s17+$0x16830]  }
0x1ef: {  	v2 =	vld [tilespmem:s17+$0x16930]  }
0x1f0: {  	v3 =	vld [tilespmem:s17+$0x169B0]  }
0x1f1: {  	v4 =	vld [tilespmem:s17+$0x16A30]  }
0x1f2: {  	v5 =	vld [tilespmem:s17+$0x16AB0]  }
0x1f3: {  	v0 =	vmax.f32 v1, v0;
	v1 =	vld [tilespmem:s17+$0x16B30]  }
0x1f4: {  	v0 =	vmax.f32 v0, v2;
	v2 =	vld [tilespmem:s17+$0x16BB0]  }
0x1f5: {  	v0 =	vmax.f32 v0, v3;
	v3 =	vld [tilespmem:s17+$0x16C30]  }
0x1f6: {  	v0 =	vmax.f32 v0, v4;
	v4 =	vld [tilespmem:s17+$0x16CB0]  }
0x1f7: {  	v0 =	vmax.f32 v0, v5;
	v5 =	vld [tilespmem:s17+$0x16D30]  }
0x1f8: {  	v0 =	vmax.f32 v0, v1;
	v1 =	vld [tilespmem:s17+$0x16DB0]  }
0x1f9: {  	v0 =	vmax.f32 v0, v2;
	v2 =	vld [tilespmem:s17+$0x16E30]  }
0x1fa: {  	v0 =	vmax.f32 v0, v3;
	v3 =	vld [tilespmem:s17+$0x16EB0]  }
0x1fb: {  	v0 =	vmax.f32 v0, v4;
	v4 =	vld [tilespmem:s17+$0x16F30]  }
0x1fc: {  	v0 =	vmax.f32 v0, v5;
	v5 =	vld [tilespmem:s17+$0x16FB0]  }
0x1fd: {  	v0 =	vmax.f32 v0, v1;
	v1 =	vld [tilespmem:s17+$0x17030]  }
0x1fe: {  	v0 =	vmax.f32 v0, v2;
	v2 =	vld [tilespmem:s17+$0x170B0]  }
0x1ff: {  	v0 =	vmax.f32 v0, v3;
	v3 =	vld [tilespmem:s17+$0x17130]  }
0x200: {  	v0 =	vmax.f32 v0, v4;
	v4 =	vld [tilespmem:s17+$0x171B0]  }
0x201: {  	v0 =	vmax.f32 v0, v5;
	v5 =	vld [tilespmem:s17+$0x17230]  }
0x202: {  	v0 =	vmax.f32 v0, v1;
	v1 =	vld [tilespmem:s17+$0x172B0]  }
0x203: {  	v0 =	vmax.f32 v0, v2;
	v2 =	vld [tilespmem:s17+$0x17330]  }
0x204: {  	v0 =	vmax.f32 v0, v3;
	v3 =	vld [tilespmem:s17+$0x173B0]  }
0x205: {  	v0 =	vmax.f32 v0, v4;
	v4 =	vld [tilespmem:s17+$0x17430]  }
0x206: {  	v0 =	vmax.f32 v0, v5;
	v5 =	vld [tilespmem:s17+$0x174B0]  }
0x207: {  	v0 =	vmax.f32 v0, v1;
	v1 =	vld [tilespmem:s17+$0x17530]  }
0x208: {  	v0 =	vmax.f32 v0, v2;
	v2 =	vld [tilespmem:s17+$0x175B0]  }
0x209: {  	v0 =	vmax.f32 v0, v3;
	v3 =	vld [tilespmem:s17+$0x17630]  }
0x20a: {  	v0 =	vmax.f32 v0, v4;
	v4 =	vld [tilespmem:s17+$0x176B0]  }
0x20b: {  	v0 =	vmax.f32 v0, v5;
	v5 =	vld [tilespmem:s17+$0x17730]  }
0x20c: {  	v0 =	vmax.f32 v0, v1;
	v1 =	vld [tilespmem:s17+$0x177B0]  }
0x20d: {  	v0 =	vmax.f32 v0, v2;
	v2 =	vld [tilespmem:s18+$0x1E830]  }
0x20e: {  	v0 =	vmax.f32 v0, v3  }
0x20f: {  	v0 =	vmax.f32 v0, v4  }
0x210: {  	v0 =	vmax.f32 v0, v5  }
0x211: {  	v0 =	vmax.f32 v0, v1  }
0x212: {  	v0 =	vadd.f32 v2, v0;
	_ =	sdelay $0x1  }
0x213: {  	v0 =	vmax.f32 v0, $0.0e+00  }
0x214: {  	[tilespmem:s18+$0x1EC30] =	vst v0  }
0x215: {  	v0 =	vld [tilespmem:s17+$0x169C0]  }
0x216: {  	v1 =	vld [tilespmem:s17+$0x168C0]  }
0x217: {  	v2 =	vld [tilespmem:s17+$0x16840]  }
0x218: {  	v3 =	vld [tilespmem:s17+$0x16940];
	_ =	sdelay $0x1  }
0x219: {  	v4 =	vld [tilespmem:s17+$0x16A40]  }
0x21a: {  	v5 =	vld [tilespmem:s17+$0x16AC0]  }
0x21b: {  	v1 =	vmax.f32 v2, v1;
	v2 =	vld [tilespmem:s17+$0x16B40]  }
0x21c: {  	v1 =	vmax.f32 v1, v3;
	v3 =	vld [tilespmem:s17+$0x16BC0]  }
0x21d: {  	v0 =	vmax.f32 v1, v0;
	v1 =	vld [tilespmem:s17+$0x16C40]  }
0x21e: {  	v0 =	vmax.f32 v0, v4;
	v4 =	vld [tilespmem:s17+$0x16CC0]  }
0x21f: {  	v0 =	vmax.f32 v0, v5;
	v5 =	vld [tilespmem:s17+$0x16D40]  }
0x220: {  	v0 =	vmax.f32 v0, v2;
	v2 =	vld [tilespmem:s17+$0x16DC0]  }
0x221: {  	v0 =	vmax.f32 v0, v3;
	v3 =	vld [tilespmem:s17+$0x16E40]  }
0x222: {  	v0 =	vmax.f32 v0, v1;
	v1 =	vld [tilespmem:s17+$0x16EC0]  }
0x223: {  	v0 =	vmax.f32 v0, v4;
	v4 =	vld [tilespmem:s17+$0x16F40]  }
0x224: {  	v0 =	vmax.f32 v0, v5;
	v5 =	vld [tilespmem:s17+$0x16FC0]  }
0x225: {  	v0 =	vmax.f32 v0, v2;
	v2 =	vld [tilespmem:s17+$0x17040]  }
0x226: {  	v0 =	vmax.f32 v0, v3;
	v3 =	vld [tilespmem:s17+$0x170C0]  }
0x227: {  	v0 =	vmax.f32 v0, v1;
	v1 =	vld [tilespmem:s17+$0x17140]  }
0x228: {  	v0 =	vmax.f32 v0, v4;
	v4 =	vld [tilespmem:s17+$0x171C0]  }
0x229: {  	v0 =	vmax.f32 v0, v5;
	v5 =	vld [tilespmem:s17+$0x17240]  }
0x22a: {  	v0 =	vmax.f32 v0, v2;
	v2 =	vld [tilespmem:s17+$0x172C0]  }
0x22b: {  	v0 =	vmax.f32 v0, v3;
	v3 =	vld [tilespmem:s17+$0x17340]  }
0x22c: {  	v0 =	vmax.f32 v0, v1;
	v1 =	vld [tilespmem:s17+$0x173C0]  }
0x22d: {  	v0 =	vmax.f32 v0, v4;
	v4 =	vld [tilespmem:s17+$0x17440]  }
0x22e: {  	v0 =	vmax.f32 v0, v5;
	v5 =	vld [tilespmem:s17+$0x174C0]  }
0x22f: {  	v0 =	vmax.f32 v0, v2;
	v2 =	vld [tilespmem:s17+$0x17540]  }
0x230: {  	v0 =	vmax.f32 v0, v3;
	v3 =	vld [tilespmem:s17+$0x175C0]  }
0x231: {  	v0 =	vmax.f32 v0, v1;
	v1 =	vld [tilespmem:s17+$0x17640]  }
0x232: {  	v0 =	vmax.f32 v0, v4;
	v4 =	vld [tilespmem:s17+$0x176C0]  }
0x233: {  	v0 =	vmax.f32 v0, v5;
	v5 =	vld [tilespmem:s17+$0x17740]  }
0x234: {  	v0 =	vmax.f32 v0, v2;
	v2 =	vld [tilespmem:s17+$0x177C0]  }
0x235: {  	v0 =	vmax.f32 v0, v3;
	v3 =	vld [tilespmem:s18+$0x1E840]  }
0x236: {  	v0 =	vmax.f32 v0, v1  }
0x237: {  	v0 =	vmax.f32 v0, v4  }
0x238: {  	v0 =	vmax.f32 v0, v5  }
0x239: {  	v0 =	vmax.f32 v0, v2  }
0x23a: {  	v0 =	vadd.f32 v3, v0;
	_ =	sdelay $0x1  }
0x23b: {  	v0 =	vmax.f32 v0, $0.0e+00  }
0x23c: {  	[tilespmem:s18+$0x1EC40] =	vst v0  }
0x23d: {  	v0 =	vld [tilespmem:s17+$0x16850]  }
0x23e: {  	v1 =	vld [tilespmem:s17+$0x168D0]  }
0x23f: {  	v2 =	vld [tilespmem:s17+$0x16950]  }
0x240: {  	v3 =	vld [tilespmem:s17+$0x169D0]  }
0x241: {  	v4 =	vld [tilespmem:s17+$0x16A50]  }
0x242: {  	v5 =	vld [tilespmem:s17+$0x16AD0]  }
0x243: {  	v0 =	vmax.f32 v0, v1;
	v1 =	vld [tilespmem:s17+$0x16B50]  }
0x244: {  	v0 =	vmax.f32 v0, v2;
	v2 =	vld [tilespmem:s17+$0x16BD0]  }
0x245: {  	v0 =	vmax.f32 v0, v3;
	v3 =	vld [tilespmem:s17+$0x16C50]  }
0x246: {  	v0 =	vmax.f32 v0, v4;
	v4 =	vld [tilespmem:s17+$0x16CD0]  }
0x247: {  	v0 =	vmax.f32 v0, v5;
	v5 =	vld [tilespmem:s17+$0x16D50]  }
0x248: {  	v0 =	vmax.f32 v0, v1;
	v1 =	vld [tilespmem:s17+$0x16DD0]  }
0x249: {  	v0 =	vmax.f32 v0, v2;
	v2 =	vld [tilespmem:s17+$0x16E50]  }
0x24a: {  	v0 =	vmax.f32 v0, v3;
	v3 =	vld [tilespmem:s17+$0x16ED0]  }
0x24b: {  	v0 =	vmax.f32 v0, v4;
	v4 =	vld [tilespmem:s17+$0x16F50]  }
0x24c: {  	v0 =	vmax.f32 v0, v5;
	v5 =	vld [tilespmem:s17+$0x16FD0]  }
0x24d: {  	v0 =	vmax.f32 v0, v1;
	v1 =	vld [tilespmem:s17+$0x17050]  }
0x24e: {  	v0 =	vmax.f32 v0, v2;
	v2 =	vld [tilespmem:s17+$0x170D0]  }
0x24f: {  	v0 =	vmax.f32 v0, v3;
	v3 =	vld [tilespmem:s17+$0x17150]  }
0x250: {  	v0 =	vmax.f32 v0, v4;
	v4 =	vld [tilespmem:s17+$0x171D0]  }
0x251: {  	v0 =	vmax.f32 v0, v5;
	v5 =	vld [tilespmem:s17+$0x17250]  }
0x252: {  	v0 =	vmax.f32 v0, v1;
	v1 =	vld [tilespmem:s17+$0x172D0]  }
0x253: {  	v0 =	vmax.f32 v0, v2;
	v2 =	vld [tilespmem:s17+$0x17350]  }
0x254: {  	v0 =	vmax.f32 v0, v3;
	v3 =	vld [tilespmem:s17+$0x173D0]  }
0x255: {  	v0 =	vmax.f32 v0, v4;
	v4 =	vld [tilespmem:s17+$0x17450]  }
0x256: {  	v0 =	vmax.f32 v0, v5;
	v5 =	vld [tilespmem:s17+$0x174D0]  }
0x257: {  	v0 =	vmax.f32 v0, v1;
	v1 =	vld [tilespmem:s17+$0x17550]  }
0x258: {  	v0 =	vmax.f32 v0, v2;
	v2 =	vld [tilespmem:s17+$0x175D0]  }
0x259: {  	v0 =	vmax.f32 v0, v3;
	v3 =	vld [tilespmem:s17+$0x17650]  }
0x25a: {  	v0 =	vmax.f32 v0, v4;
	v4 =	vld [tilespmem:s17+$0x176D0]  }
0x25b: {  	v0 =	vmax.f32 v0, v5;
	v5 =	vld [tilespmem:s17+$0x17750]  }
0x25c: {  	v0 =	vmax.f32 v0, v1;
	v1 =	vld [tilespmem:s17+$0x177D0]  }
0x25d: {  	v0 =	vmax.f32 v0, v2;
	v2 =	vld [tilespmem:s18+$0x1E850]  }
0x25e: {  	v0 =	vmax.f32 v0, v3  }
0x25f: {  	v0 =	vmax.f32 v0, v4  }
0x260: {  	v0 =	vmax.f32 v0, v5  }
0x261: {  	v0 =	vmax.f32 v0, v1  }
0x262: {  	v0 =	vadd.f32 v2, v0;
	_ =	sdelay $0x1  }
0x263: {  	v0 =	vmax.f32 v0, $0.0e+00  }
0x264: {  	[tilespmem:s18+$0x1EC50] =	vst v0  }
0x265: {  	v0 =	vld [tilespmem:s17+$0x16860]  }
0x266: {  	v1 =	vld [tilespmem:s17+$0x168E0]  }
0x267: {  	v2 =	vld [tilespmem:s17+$0x16960]  }
0x268: {  	v3 =	vld [tilespmem:s17+$0x169E0]  }
0x269: {  	v4 =	vld [tilespmem:s17+$0x16A60]  }
0x26a: {  	v5 =	vld [tilespmem:s17+$0x16AE0]  }
0x26b: {  	v0 =	vmax.f32 v0, v1;
	v1 =	vld [tilespmem:s17+$0x16B60]  }
0x26c: {  	v0 =	vmax.f32 v0, v2;
	v2 =	vld [tilespmem:s17+$0x16BE0]  }
0x26d: {  	v0 =	vmax.f32 v0, v3;
	v3 =	vld [tilespmem:s17+$0x16C60]  }
0x26e: {  	v0 =	vmax.f32 v0, v4;
	v4 =	vld [tilespmem:s17+$0x16CE0]  }
0x26f: {  	v0 =	vmax.f32 v0, v5;
	v5 =	vld [tilespmem:s17+$0x16D60]  }
0x270: {  	v0 =	vmax.f32 v0, v1;
	v1 =	vld [tilespmem:s17+$0x16DE0]  }
0x271: {  	v0 =	vmax.f32 v0, v2;
	v2 =	vld [tilespmem:s17+$0x16E60]  }
0x272: {  	v0 =	vmax.f32 v0, v3;
	v3 =	vld [tilespmem:s17+$0x16EE0]  }
0x273: {  	v0 =	vmax.f32 v0, v4;
	v4 =	vld [tilespmem:s17+$0x16F60]  }
0x274: {  	v0 =	vmax.f32 v0, v5;
	v5 =	vld [tilespmem:s17+$0x16FE0]  }
0x275: {  	v0 =	vmax.f32 v0, v1;
	v1 =	vld [tilespmem:s17+$0x17060]  }
0x276: {  	v0 =	vmax.f32 v0, v2;
	v2 =	vld [tilespmem:s17+$0x170E0]  }
0x277: {  	v0 =	vmax.f32 v0, v3;
	v3 =	vld [tilespmem:s17+$0x17160]  }
0x278: {  	v0 =	vmax.f32 v0, v4;
	v4 =	vld [tilespmem:s17+$0x171E0]  }
0x279: {  	v0 =	vmax.f32 v0, v5;
	v5 =	vld [tilespmem:s17+$0x17260]  }
0x27a: {  	v0 =	vmax.f32 v0, v1;
	v1 =	vld [tilespmem:s17+$0x172E0]  }
0x27b: {  	v0 =	vmax.f32 v0, v2;
	v2 =	vld [tilespmem:s17+$0x17360]  }
0x27c: {  	v0 =	vmax.f32 v0, v3;
	v3 =	vld [tilespmem:s17+$0x173E0]  }
0x27d: {  	v0 =	vmax.f32 v0, v4;
	v4 =	vld [tilespmem:s17+$0x17460]  }
0x27e: {  	v0 =	vmax.f32 v0, v5;
	v5 =	vld [tilespmem:s17+$0x174E0]  }
0x27f: {  	v0 =	vmax.f32 v0, v1;
	v1 =	vld [tilespmem:s17+$0x17560]  }
0x280: {  	v0 =	vmax.f32 v0, v2;
	v2 =	vld [tilespmem:s17+$0x175E0]  }
0x281: {  	v0 =	vmax.f32 v0, v3;
	v3 =	vld [tilespmem:s17+$0x17660]  }
0x282: {  	v0 =	vmax.f32 v0, v4;
	v4 =	vld [tilespmem:s17+$0x176E0]  }
0x283: {  	v0 =	vmax.f32 v0, v5;
	v5 =	vld [tilespmem:s17+$0x17760]  }
0x284: {  	v0 =	vmax.f32 v0, v1;
	v1 =	vld [tilespmem:s17+$0x177E0]  }
0x285: {  	v0 =	vmax.f32 v0, v2;
	v2 =	vld [tilespmem:s18+$0x1E860]  }
0x286: {  	v0 =	vmax.f32 v0, v3  }
0x287: {  	v0 =	vmax.f32 v0, v4  }
0x288: {  	v0 =	vmax.f32 v0, v5  }
0x289: {  	v0 =	vmax.f32 v0, v1  }
0x28a: {  	v0 =	vadd.f32 v2, v0;
	_ =	sdelay $0x1  }
0x28b: {  	v0 =	vmax.f32 v0, $0.0e+00  }
0x28c: {  	[tilespmem:s18+$0x1EC60] =	vst v0  }
0x28d: {  	v0 =	vld [tilespmem:s17+$0x16870]  }
0x28e: {  	v1 =	vld [tilespmem:s17+$0x168F0]  }
0x28f: {  	v2 =	vld [tilespmem:s17+$0x16970]  }
0x290: {  	v3 =	vld [tilespmem:s17+$0x169F0]  }
0x291: {  	v4 =	vld [tilespmem:s17+$0x16A70]  }
0x292: {  	v5 =	vld [tilespmem:s17+$0x16AF0]  }
0x293: {  	v0 =	vmax.f32 v0, v1;
	v1 =	vld [tilespmem:s17+$0x16B70]  }
0x294: {  	v0 =	vmax.f32 v0, v2;
	v2 =	vld [tilespmem:s17+$0x16BF0]  }
0x295: {  	v0 =	vmax.f32 v0, v3;
	v3 =	vld [tilespmem:s17+$0x16C70]  }
0x296: {  	v0 =	vmax.f32 v0, v4;
	v4 =	vld [tilespmem:s17+$0x16CF0]  }
0x297: {  	v0 =	vmax.f32 v0, v5;
	v5 =	vld [tilespmem:s17+$0x16D70]  }
0x298: {  	v0 =	vmax.f32 v0, v1;
	v1 =	vld [tilespmem:s17+$0x16DF0]  }
0x299: {  	v0 =	vmax.f32 v0, v2;
	v2 =	vld [tilespmem:s17+$0x16E70]  }
0x29a: {  	v0 =	vmax.f32 v0, v3;
	v3 =	vld [tilespmem:s17+$0x16EF0]  }
0x29b: {  	v0 =	vmax.f32 v0, v4;
	v4 =	vld [tilespmem:s17+$0x16F70]  }
0x29c: {  	v0 =	vmax.f32 v0, v5;
	v5 =	vld [tilespmem:s17+$0x16FF0]  }
0x29d: {  	v0 =	vmax.f32 v0, v1;
	v1 =	vld [tilespmem:s17+$0x17070]  }
0x29e: {  	v0 =	vmax.f32 v0, v2;
	v2 =	vld [tilespmem:s17+$0x170F0]  }
0x29f: {  	v0 =	vmax.f32 v0, v3;
	v3 =	vld [tilespmem:s17+$0x17170]  }
0x2a0: {  	v0 =	vmax.f32 v0, v4;
	v4 =	vld [tilespmem:s17+$0x171F0]  }
0x2a1: {  	v0 =	vmax.f32 v0, v5;
	v5 =	vld [tilespmem:s17+$0x17270]  }
0x2a2: {  	v0 =	vmax.f32 v0, v1;
	v1 =	vld [tilespmem:s17+$0x172F0]  }
0x2a3: {  	v0 =	vmax.f32 v0, v2;
	v2 =	vld [tilespmem:s17+$0x17370]  }
0x2a4: {  	v0 =	vmax.f32 v0, v3;
	v6 =	vld [tilespmem:s17+$0x173F0]  }
.Ltmp2:
0x2a5: {  	v0 =	vmax.f32 v0, v4;
	v3 =	vld [tilespmem:s17+$0x17470];
	(pc) =	sbr.rel @p1 .LBB2_3-.Ltmp2, $4  }
0x2a6: {  	v4 =	vmax.f32 v0, v5;
	v0 =	vld [tilespmem:s17+$0x174F0]  }
0x2a7: {  	v4 =	vmax.f32 v4, v1;
	v1 =	vld [tilespmem:s17+$0x17570]  }
0x2a8: {  	v4 =	vmax.f32 v4, v2;
	v2 =	vld [tilespmem:s17+$0x175F0]  }
0x2a9: {  	v5 =	vmax.f32 v4, v6;
	v4 =	vld [tilespmem:s17+$0x17670]  }
0x2aa: {  	v3 =	vmax.f32 v5, v3;
	v5 =	vld [tilespmem:s17+$0x176F0]  }
0x2ab: {  	v0 =	vmax.f32 v3, v0;
	v3 =	vld [tilespmem:s17+$0x17770]  }
0x2ac: {  	v0 =	vmax.f32 v0, v1;
	v1 =	vld [tilespmem:s17+$0x177F0]  }
0x2ad: {  	v0 =	vmax.f32 v0, v2;
	v2 =	vld [tilespmem:s18+$0x1E870]  }
0x2ae: {  	v0 =	vmax.f32 v0, v4  }
0x2af: {  	v0 =	vmax.f32 v0, v5  }
0x2b0: {  	v0 =	vmax.f32 v0, v3  }
0x2b1: {  	v0 =	vmax.f32 v0, v1  }
0x2b2: {  	v0 =	vadd.f32 v2, v0;
	_ =	sdelay $0x1  }
0x2b3: {  	s5 =	sshll.u32 s19, $0x7;
	v0 =	vmax.f32 v0, $0.0e+00  }
0x2b4: {  	p1 =	seq.s32 s1, $0x27;
	s5 =	sadd.s32 s2, s5;
	[tilespmem:s18+$0x1EC70] =	vst v0  }
0x2b5: {  	[hbm4b:s5+s4] =	stream.linear.scatter [tilespmem:s24], [sflag:$0x5], $0x200, $0x38;
	[tilespmem:$0x1F000] =	vst v63  }
0x2b6: {  	s5 =	sadd.s32 @!p1 $0x2, s0  }
0x2b7: {  	s15 =	sshll.u32 @!p1 s5, $0x7  }
0x2b8: {  	s17 =	simm.s32 @!p1 $0x80;
	s15 =	sand.u32 @!p1 $0x3FFFFF80, s15  }
0x2b9: {  	s18 =	simm.s32 @!p1 $0x16800;
	s5 =	sshll.u32 @!p1 s5, $0x6;
	s15 =	sadd.s32 @!p1 $0x14000, s15  }
0x2ba: {  	[tilespmem:s18], [sflag:$0x1] =	stream.indirect.gather @!p1 [spmem:s3], $0x80, s15, s17, $0xb8;
	[tilespmem:$0x1F000] =	vst v63  }
0x2bb: {  	s5 =	sadd.s32 @!p1 s5, s8;
	s15 =	simm.s32 @!p1 $0x0;
	s17 =	simm.s32 @!p1 $0x1E800  }
0x2bc: {  	[tilespmem:s17], [sflag:$0x3] =	stream.linear.gather @!p1 [hbm4b:s5+s15], $0x200, $0x38;
	[tilespmem:$0x1F000] =	vst v63  }
0x2bd: {  	_ =	swait.ge [sflag:s25], $0x4000  }
0x2be: {  	[sflag:s25] =	ssyncset.done $0x0  }
0x2bf: {  	[sflag:s25] =	ssyncadd.s32 $0xFFFFC000  }
0x2c0: {  	_ =	swait.ge [sflag:s26], $0x200  }
0x2c1: {  	[sflag:s26] =	ssyncset.done $0x0  }
0x2c2: {  	s5 =	simm.s32 @!p0 $0x6;
	[sflag:s26] =	ssyncadd.s32 $0xFFFFFE00  }
0x2c3: {  	_ =	swait.ge @!p0 [sflag:s5], $0x200  }
0x2c4: {  	s19 =	simm.s32 $0x0;
	[sflag:s5] =	ssyncset.done @!p0 $0x0  }
0x2c5: {  	s17 =	sand.u32 $0x3FFFF000, s19;
	[sflag:s5] =	ssyncadd.s32 @!p0 $0xFFFFFE00  }
0x2c6: {  	v0 =	vld [tilespmem:s17+$0x1A800]  }
0x2c7: {  	v1 =	vld [tilespmem:s17+$0x1A880]  }
0x2c8: {  	v2 =	vld [tilespmem:s17+$0x1A900]  }
0x2c9: {  	v3 =	vld [tilespmem:s17+$0x1A980]  }
0x2ca: {  	v4 =	vld [tilespmem:s17+$0x1AA00]  }
0x2cb: {  	v5 =	vld [tilespmem:s17+$0x1AA80]  }
0x2cc: {  	v0 =	vmax.f32 v0, v1;
	v1 =	vld [tilespmem:s17+$0x1AB00]  }
0x2cd: {  	v0 =	vmax.f32 v0, v2;
	v2 =	vld [tilespmem:s17+$0x1AB80]  }
0x2ce: {  	v0 =	vmax.f32 v0, v3;
	v3 =	vld [tilespmem:s17+$0x1AC00]  }
0x2cf: {  	v0 =	vmax.f32 v0, v4;
	v4 =	vld [tilespmem:s17+$0x1AC80]  }
0x2d0: {  	v0 =	vmax.f32 v0, v5;
	v5 =	vld [tilespmem:s17+$0x1AD00]  }
0x2d1: {  	v0 =	vmax.f32 v0, v1;
	v1 =	vld [tilespmem:s17+$0x1AD80]  }
0x2d2: {  	v0 =	vmax.f32 v0, v2;
	v2 =	vld [tilespmem:s17+$0x1AE00]  }
0x2d3: {  	v0 =	vmax.f32 v0, v3;
	v3 =	vld [tilespmem:s17+$0x1AE80]  }
0x2d4: {  	v0 =	vmax.f32 v0, v4;
	v4 =	vld [tilespmem:s17+$0x1AF00]  }
0x2d5: {  	v0 =	vmax.f32 v0, v5;
	v5 =	vld [tilespmem:s17+$0x1AF80]  }
0x2d6: {  	v0 =	vmax.f32 v0, v1;
	v1 =	vld [tilespmem:s17+$0x1B000]  }
0x2d7: {  	v0 =	vmax.f32 v0, v2;
	v2 =	vld [tilespmem:s17+$0x1B080]  }
0x2d8: {  	v0 =	vmax.f32 v0, v3;
	v3 =	vld [tilespmem:s17+$0x1B100]  }
0x2d9: {  	v0 =	vmax.f32 v0, v4;
	v4 =	vld [tilespmem:s17+$0x1B180]  }
0x2da: {  	v0 =	vmax.f32 v0, v5;
	v5 =	vld [tilespmem:s17+$0x1B200]  }
0x2db: {  	v0 =	vmax.f32 v0, v1;
	v1 =	vld [tilespmem:s17+$0x1B280]  }
0x2dc: {  	v0 =	vmax.f32 v0, v2;
	v2 =	vld [tilespmem:s17+$0x1B300]  }
0x2dd: {  	v0 =	vmax.f32 v0, v3;
	v3 =	vld [tilespmem:s17+$0x1B380]  }
0x2de: {  	v0 =	vmax.f32 v0, v4;
	v4 =	vld [tilespmem:s17+$0x1B400]  }
0x2df: {  	v0 =	vmax.f32 v0, v5;
	v5 =	vld [tilespmem:s17+$0x1B480]  }
0x2e0: {  	v0 =	vmax.f32 v0, v1;
	v1 =	vld [tilespmem:s17+$0x1B500]  }
0x2e1: {  	v0 =	vmax.f32 v0, v2;
	v2 =	vld [tilespmem:s17+$0x1B580]  }
0x2e2: {  	v0 =	vmax.f32 v0, v3;
	v3 =	vld [tilespmem:s17+$0x1B600]  }
0x2e3: {  	v0 =	vmax.f32 v0, v4;
	v4 =	vld [tilespmem:s17+$0x1B680]  }
0x2e4: {  	v0 =	vmax.f32 v0, v5;
	v5 =	vld [tilespmem:s17+$0x1B700]  }
0x2e5: {  	s18 =	simm.s32 $0x0;
	v0 =	vmax.f32 v0, v1;
	v1 =	vld [tilespmem:s17+$0x1B780]  }
0x2e6: {  	v0 =	vmax.f32 v0, v2;
	v2 =	vld [tilespmem:s18+$0x1EA00]  }
0x2e7: {  	v0 =	vmax.f32 v0, v3  }
0x2e8: {  	v0 =	vmax.f32 v0, v4  }
0x2e9: {  	v0 =	vmax.f32 v0, v5  }
0x2ea: {  	v0 =	vmax.f32 v0, v1  }
0x2eb: {  	v0 =	vadd.f32 v2, v0;
	_ =	sdelay $0x1  }
0x2ec: {  	v0 =	vmax.f32 v0, $0.0e+00  }
0x2ed: {  	[tilespmem:s18+$0x1EE00] =	vst v0  }
0x2ee: {  	v0 =	vld [tilespmem:s17+$0x1A810]  }
0x2ef: {  	v1 =	vld [tilespmem:s17+$0x1A890]  }
0x2f0: {  	v2 =	vld [tilespmem:s17+$0x1A910]  }
0x2f1: {  	v3 =	vld [tilespmem:s17+$0x1A990]  }
0x2f2: {  	v4 =	vld [tilespmem:s17+$0x1AA10]  }
0x2f3: {  	v5 =	vld [tilespmem:s17+$0x1AA90]  }
0x2f4: {  	v0 =	vmax.f32 v0, v1;
	v1 =	vld [tilespmem:s17+$0x1AB10]  }
0x2f5: {  	v0 =	vmax.f32 v0, v2;
	v2 =	vld [tilespmem:s17+$0x1AB90]  }
0x2f6: {  	v0 =	vmax.f32 v0, v3;
	v3 =	vld [tilespmem:s17+$0x1AC10]  }
0x2f7: {  	v0 =	vmax.f32 v0, v4;
	v4 =	vld [tilespmem:s17+$0x1AC90]  }
0x2f8: {  	v0 =	vmax.f32 v0, v5;
	v5 =	vld [tilespmem:s17+$0x1AD10]  }
0x2f9: {  	v0 =	vmax.f32 v0, v1;
	v1 =	vld [tilespmem:s17+$0x1AD90]  }
0x2fa: {  	v0 =	vmax.f32 v0, v2;
	v2 =	vld [tilespmem:s17+$0x1AE10]  }
0x2fb: {  	v0 =	vmax.f32 v0, v3;
	v3 =	vld [tilespmem:s17+$0x1AE90]  }
0x2fc: {  	v0 =	vmax.f32 v0, v4;
	v4 =	vld [tilespmem:s17+$0x1AF10]  }
0x2fd: {  	v0 =	vmax.f32 v0, v5;
	v5 =	vld [tilespmem:s17+$0x1AF90]  }
0x2fe: {  	v0 =	vmax.f32 v0, v1;
	v1 =	vld [tilespmem:s17+$0x1B010]  }
0x2ff: {  	v0 =	vmax.f32 v0, v2;
	v2 =	vld [tilespmem:s17+$0x1B090]  }
0x300: {  	v0 =	vmax.f32 v0, v3;
	v3 =	vld [tilespmem:s17+$0x1B110]  }
0x301: {  	v0 =	vmax.f32 v0, v4;
	v4 =	vld [tilespmem:s17+$0x1B190]  }
0x302: {  	v0 =	vmax.f32 v0, v5;
	v5 =	vld [tilespmem:s17+$0x1B210]  }
0x303: {  	v0 =	vmax.f32 v0, v1;
	v1 =	vld [tilespmem:s17+$0x1B290]  }
0x304: {  	v0 =	vmax.f32 v0, v2;
	v2 =	vld [tilespmem:s17+$0x1B310]  }
0x305: {  	v0 =	vmax.f32 v0, v3;
	v3 =	vld [tilespmem:s17+$0x1B390]  }
0x306: {  	v0 =	vmax.f32 v0, v4;
	v4 =	vld [tilespmem:s17+$0x1B410]  }
0x307: {  	v0 =	vmax.f32 v0, v5;
	v5 =	vld [tilespmem:s17+$0x1B490]  }
0x308: {  	v0 =	vmax.f32 v0, v1;
	v1 =	vld [tilespmem:s17+$0x1B510]  }
0x309: {  	v0 =	vmax.f32 v0, v2;
	v2 =	vld [tilespmem:s17+$0x1B590]  }
0x30a: {  	v0 =	vmax.f32 v0, v3;
	v3 =	vld [tilespmem:s17+$0x1B610]  }
0x30b: {  	v0 =	vmax.f32 v0, v4;
	v4 =	vld [tilespmem:s17+$0x1B690]  }
0x30c: {  	v0 =	vmax.f32 v0, v5;
	v5 =	vld [tilespmem:s17+$0x1B710]  }
0x30d: {  	v0 =	vmax.f32 v0, v1;
	v1 =	vld [tilespmem:s17+$0x1B790]  }
0x30e: {  	v0 =	vmax.f32 v0, v2;
	v2 =	vld [tilespmem:s18+$0x1EA10]  }
0x30f: {  	v0 =	vmax.f32 v0, v3  }
0x310: {  	v0 =	vmax.f32 v0, v4  }
0x311: {  	v0 =	vmax.f32 v0, v5  }
0x312: {  	v0 =	vmax.f32 v0, v1  }
0x313: {  	v0 =	vadd.f32 v2, v0;
	_ =	sdelay $0x1  }
0x314: {  	v0 =	vmax.f32 v0, $0.0e+00  }
0x315: {  	[tilespmem:s18+$0x1EE10] =	vst v0  }
0x316: {  	v0 =	vld [tilespmem:s17+$0x1A820]  }
0x317: {  	v1 =	vld [tilespmem:s17+$0x1A8A0]  }
0x318: {  	v2 =	vld [tilespmem:s17+$0x1A920]  }
0x319: {  	v3 =	vld [tilespmem:s17+$0x1A9A0]  }
0x31a: {  	v4 =	vld [tilespmem:s17+$0x1AA20]  }
0x31b: {  	v5 =	vld [tilespmem:s17+$0x1AAA0]  }
0x31c: {  	v0 =	vmax.f32 v0, v1;
	v1 =	vld [tilespmem:s17+$0x1AB20]  }
0x31d: {  	v0 =	vmax.f32 v0, v2;
	v2 =	vld [tilespmem:s17+$0x1ABA0]  }
0x31e: {  	v0 =	vmax.f32 v0, v3;
	v3 =	vld [tilespmem:s17+$0x1AC20]  }
0x31f: {  	v0 =	vmax.f32 v0, v4;
	v4 =	vld [tilespmem:s17+$0x1ACA0]  }
0x320: {  	v0 =	vmax.f32 v0, v5;
	v5 =	vld [tilespmem:s17+$0x1AD20]  }
0x321: {  	v0 =	vmax.f32 v0, v1;
	v1 =	vld [tilespmem:s17+$0x1ADA0]  }
0x322: {  	v0 =	vmax.f32 v0, v2;
	v2 =	vld [tilespmem:s17+$0x1AE20]  }
0x323: {  	v0 =	vmax.f32 v0, v3;
	v3 =	vld [tilespmem:s17+$0x1AEA0]  }
0x324: {  	v0 =	vmax.f32 v0, v4;
	v4 =	vld [tilespmem:s17+$0x1AF20]  }
0x325: {  	v0 =	vmax.f32 v0, v5;
	v5 =	vld [tilespmem:s17+$0x1AFA0]  }
0x326: {  	v0 =	vmax.f32 v0, v1;
	v1 =	vld [tilespmem:s17+$0x1B020]  }
0x327: {  	v0 =	vmax.f32 v0, v2;
	v2 =	vld [tilespmem:s17+$0x1B0A0]  }
0x328: {  	v0 =	vmax.f32 v0, v3;
	v3 =	vld [tilespmem:s17+$0x1B120]  }
0x329: {  	v0 =	vmax.f32 v0, v4;
	v4 =	vld [tilespmem:s17+$0x1B1A0]  }
0x32a: {  	v0 =	vmax.f32 v0, v5;
	v5 =	vld [tilespmem:s17+$0x1B220]  }
0x32b: {  	v0 =	vmax.f32 v0, v1;
	v1 =	vld [tilespmem:s17+$0x1B2A0]  }
0x32c: {  	v0 =	vmax.f32 v0, v2;
	v2 =	vld [tilespmem:s17+$0x1B320]  }
0x32d: {  	v0 =	vmax.f32 v0, v3;
	v3 =	vld [tilespmem:s17+$0x1B3A0]  }
0x32e: {  	v0 =	vmax.f32 v0, v4;
	v4 =	vld [tilespmem:s17+$0x1B420]  }
0x32f: {  	v0 =	vmax.f32 v0, v5;
	v5 =	vld [tilespmem:s17+$0x1B4A0]  }
0x330: {  	v0 =	vmax.f32 v0, v1;
	v1 =	vld [tilespmem:s17+$0x1B520]  }
0x331: {  	v0 =	vmax.f32 v0, v2;
	v2 =	vld [tilespmem:s17+$0x1B5A0]  }
0x332: {  	v0 =	vmax.f32 v0, v3;
	v3 =	vld [tilespmem:s17+$0x1B620]  }
0x333: {  	v0 =	vmax.f32 v0, v4;
	v4 =	vld [tilespmem:s17+$0x1B6A0]  }
0x334: {  	v0 =	vmax.f32 v0, v5;
	v5 =	vld [tilespmem:s17+$0x1B720]  }
0x335: {  	v0 =	vmax.f32 v0, v1;
	v1 =	vld [tilespmem:s17+$0x1B7A0]  }
0x336: {  	v0 =	vmax.f32 v0, v2;
	v2 =	vld [tilespmem:s18+$0x1EA20]  }
0x337: {  	v0 =	vmax.f32 v0, v3  }
0x338: {  	v0 =	vmax.f32 v0, v4  }
0x339: {  	v0 =	vmax.f32 v0, v5  }
0x33a: {  	v0 =	vmax.f32 v0, v1  }
0x33b: {  	v0 =	vadd.f32 v2, v0;
	_ =	sdelay $0x1  }
0x33c: {  	v0 =	vmax.f32 v0, $0.0e+00  }
0x33d: {  	[tilespmem:s18+$0x1EE20] =	vst v0  }
0x33e: {  	v0 =	vld [tilespmem:s17+$0x1A8B0]  }
0x33f: {  	v1 =	vld [tilespmem:s17+$0x1A830]  }
0x340: {  	v2 =	vld [tilespmem:s17+$0x1A930]  }
0x341: {  	v3 =	vld [tilespmem:s17+$0x1A9B0]  }
0x342: {  	v4 =	vld [tilespmem:s17+$0x1AA30]  }
0x343: {  	v5 =	vld [tilespmem:s17+$0x1AAB0]  }
0x344: {  	v0 =	vmax.f32 v1, v0;
	v1 =	vld [tilespmem:s17+$0x1AB30]  }
0x345: {  	v0 =	vmax.f32 v0, v2;
	v2 =	vld [tilespmem:s17+$0x1ABB0]  }
0x346: {  	v0 =	vmax.f32 v0, v3;
	v3 =	vld [tilespmem:s17+$0x1AC30]  }
0x347: {  	v0 =	vmax.f32 v0, v4;
	v4 =	vld [tilespmem:s17+$0x1ACB0]  }
0x348: {  	v0 =	vmax.f32 v0, v5;
	v5 =	vld [tilespmem:s17+$0x1AD30]  }
0x349: {  	v0 =	vmax.f32 v0, v1;
	v1 =	vld [tilespmem:s17+$0x1ADB0]  }
0x34a: {  	v0 =	vmax.f32 v0, v2;
	v2 =	vld [tilespmem:s17+$0x1AE30]  }
0x34b: {  	v0 =	vmax.f32 v0, v3;
	v3 =	vld [tilespmem:s17+$0x1AEB0]  }
0x34c: {  	v0 =	vmax.f32 v0, v4;
	v4 =	vld [tilespmem:s17+$0x1AF30]  }
0x34d: {  	v0 =	vmax.f32 v0, v5;
	v5 =	vld [tilespmem:s17+$0x1AFB0]  }
0x34e: {  	v0 =	vmax.f32 v0, v1;
	v1 =	vld [tilespmem:s17+$0x1B030]  }
0x34f: {  	v0 =	vmax.f32 v0, v2;
	v2 =	vld [tilespmem:s17+$0x1B0B0]  }
0x350: {  	v0 =	vmax.f32 v0, v3;
	v3 =	vld [tilespmem:s17+$0x1B130]  }
0x351: {  	v0 =	vmax.f32 v0, v4;
	v4 =	vld [tilespmem:s17+$0x1B1B0]  }
0x352: {  	v0 =	vmax.f32 v0, v5;
	v5 =	vld [tilespmem:s17+$0x1B230]  }
0x353: {  	v0 =	vmax.f32 v0, v1;
	v1 =	vld [tilespmem:s17+$0x1B2B0]  }
0x354: {  	v0 =	vmax.f32 v0, v2;
	v2 =	vld [tilespmem:s17+$0x1B330]  }
0x355: {  	v0 =	vmax.f32 v0, v3;
	v3 =	vld [tilespmem:s17+$0x1B3B0]  }
0x356: {  	v0 =	vmax.f32 v0, v4;
	v4 =	vld [tilespmem:s17+$0x1B430]  }
0x357: {  	v0 =	vmax.f32 v0, v5;
	v5 =	vld [tilespmem:s17+$0x1B4B0]  }
0x358: {  	v0 =	vmax.f32 v0, v1;
	v1 =	vld [tilespmem:s17+$0x1B530]  }
0x359: {  	v0 =	vmax.f32 v0, v2;
	v2 =	vld [tilespmem:s17+$0x1B5B0]  }
0x35a: {  	v0 =	vmax.f32 v0, v3;
	v3 =	vld [tilespmem:s17+$0x1B630]  }
0x35b: {  	v0 =	vmax.f32 v0, v4;
	v4 =	vld [tilespmem:s17+$0x1B6B0]  }
0x35c: {  	v0 =	vmax.f32 v0, v5;
	v5 =	vld [tilespmem:s17+$0x1B730]  }
0x35d: {  	v0 =	vmax.f32 v0, v1;
	v1 =	vld [tilespmem:s17+$0x1B7B0]  }
0x35e: {  	v0 =	vmax.f32 v0, v2;
	v2 =	vld [tilespmem:s18+$0x1EA30]  }
0x35f: {  	v0 =	vmax.f32 v0, v3  }
0x360: {  	v0 =	vmax.f32 v0, v4  }
0x361: {  	v0 =	vmax.f32 v0, v5  }
0x362: {  	v0 =	vmax.f32 v0, v1  }
0x363: {  	v0 =	vadd.f32 v2, v0;
	_ =	sdelay $0x1  }
0x364: {  	v0 =	vmax.f32 v0, $0.0e+00  }
0x365: {  	[tilespmem:s18+$0x1EE30] =	vst v0  }
0x366: {  	v0 =	vld [tilespmem:s17+$0x1A8C0]  }
0x367: {  	v1 =	vld [tilespmem:s17+$0x1A840]  }
0x368: {  	v2 =	vld [tilespmem:s17+$0x1A940]  }
0x369: {  	v3 =	vld [tilespmem:s17+$0x1A9C0]  }
0x36a: {  	v4 =	vld [tilespmem:s17+$0x1AA40]  }
0x36b: {  	v5 =	vld [tilespmem:s17+$0x1AAC0]  }
0x36c: {  	v0 =	vmax.f32 v1, v0;
	v1 =	vld [tilespmem:s17+$0x1AB40]  }
0x36d: {  	v0 =	vmax.f32 v0, v2;
	v2 =	vld [tilespmem:s17+$0x1ABC0]  }
0x36e: {  	v0 =	vmax.f32 v0, v3;
	v3 =	vld [tilespmem:s17+$0x1AC40]  }
0x36f: {  	v0 =	vmax.f32 v0, v4;
	v4 =	vld [tilespmem:s17+$0x1ACC0]  }
0x370: {  	v0 =	vmax.f32 v0, v5;
	v5 =	vld [tilespmem:s17+$0x1AD40]  }
0x371: {  	v0 =	vmax.f32 v0, v1;
	v1 =	vld [tilespmem:s17+$0x1ADC0]  }
0x372: {  	v0 =	vmax.f32 v0, v2;
	v2 =	vld [tilespmem:s17+$0x1AE40]  }
0x373: {  	v0 =	vmax.f32 v0, v3;
	v3 =	vld [tilespmem:s17+$0x1AEC0]  }
0x374: {  	v0 =	vmax.f32 v0, v4;
	v4 =	vld [tilespmem:s17+$0x1AF40]  }
0x375: {  	v0 =	vmax.f32 v0, v5;
	v5 =	vld [tilespmem:s17+$0x1AFC0]  }
0x376: {  	v0 =	vmax.f32 v0, v1;
	v1 =	vld [tilespmem:s17+$0x1B040]  }
0x377: {  	v0 =	vmax.f32 v0, v2;
	v2 =	vld [tilespmem:s17+$0x1B0C0]  }
0x378: {  	v0 =	vmax.f32 v0, v3;
	v3 =	vld [tilespmem:s17+$0x1B140]  }
0x379: {  	v0 =	vmax.f32 v0, v4;
	v4 =	vld [tilespmem:s17+$0x1B1C0]  }
0x37a: {  	v0 =	vmax.f32 v0, v5;
	v5 =	vld [tilespmem:s17+$0x1B240]  }
0x37b: {  	v0 =	vmax.f32 v0, v1;
	v1 =	vld [tilespmem:s17+$0x1B2C0]  }
0x37c: {  	v0 =	vmax.f32 v0, v2;
	v2 =	vld [tilespmem:s17+$0x1B340]  }
0x37d: {  	v0 =	vmax.f32 v0, v3;
	v3 =	vld [tilespmem:s17+$0x1B3C0]  }
0x37e: {  	v0 =	vmax.f32 v0, v4;
	v4 =	vld [tilespmem:s17+$0x1B440]  }
0x37f: {  	v0 =	vmax.f32 v0, v5;
	v5 =	vld [tilespmem:s17+$0x1B4C0]  }
0x380: {  	v0 =	vmax.f32 v0, v1;
	v1 =	vld [tilespmem:s17+$0x1B540]  }
0x381: {  	v0 =	vmax.f32 v0, v2;
	v2 =	vld [tilespmem:s17+$0x1B5C0]  }
0x382: {  	v0 =	vmax.f32 v0, v3;
	v3 =	vld [tilespmem:s17+$0x1B640]  }
0x383: {  	v0 =	vmax.f32 v0, v4;
	v4 =	vld [tilespmem:s17+$0x1B6C0]  }
0x384: {  	v0 =	vmax.f32 v0, v5;
	v5 =	vld [tilespmem:s17+$0x1B740]  }
0x385: {  	v0 =	vmax.f32 v0, v1;
	v1 =	vld [tilespmem:s17+$0x1B7C0]  }
0x386: {  	v0 =	vmax.f32 v0, v2;
	v2 =	vld [tilespmem:s18+$0x1EA40]  }
0x387: {  	v0 =	vmax.f32 v0, v3  }
0x388: {  	v0 =	vmax.f32 v0, v4  }
0x389: {  	v0 =	vmax.f32 v0, v5  }
0x38a: {  	v0 =	vmax.f32 v0, v1  }
0x38b: {  	v0 =	vadd.f32 v2, v0;
	_ =	sdelay $0x1  }
0x38c: {  	v0 =	vmax.f32 v0, $0.0e+00  }
0x38d: {  	[tilespmem:s18+$0x1EE40] =	vst v0  }
0x38e: {  	v0 =	vld [tilespmem:s17+$0x1A850]  }
0x38f: {  	v1 =	vld [tilespmem:s17+$0x1A8D0]  }
0x390: {  	v2 =	vld [tilespmem:s17+$0x1A950]  }
0x391: {  	v3 =	vld [tilespmem:s17+$0x1A9D0]  }
0x392: {  	v4 =	vld [tilespmem:s17+$0x1AA50]  }
0x393: {  	v5 =	vld [tilespmem:s17+$0x1AAD0]  }
0x394: {  	v0 =	vmax.f32 v0, v1;
	v1 =	vld [tilespmem:s17+$0x1AB50]  }
0x395: {  	v0 =	vmax.f32 v0, v2;
	v2 =	vld [tilespmem:s17+$0x1ABD0]  }
0x396: {  	v0 =	vmax.f32 v0, v3;
	v3 =	vld [tilespmem:s17+$0x1AC50]  }
0x397: {  	v0 =	vmax.f32 v0, v4;
	v4 =	vld [tilespmem:s17+$0x1ACD0]  }
0x398: {  	v0 =	vmax.f32 v0, v5;
	v5 =	vld [tilespmem:s17+$0x1AD50]  }
0x399: {  	v0 =	vmax.f32 v0, v1;
	v1 =	vld [tilespmem:s17+$0x1ADD0]  }
0x39a: {  	v0 =	vmax.f32 v0, v2;
	v2 =	vld [tilespmem:s17+$0x1AE50]  }
0x39b: {  	v0 =	vmax.f32 v0, v3;
	v3 =	vld [tilespmem:s17+$0x1AED0]  }
0x39c: {  	v0 =	vmax.f32 v0, v4;
	v4 =	vld [tilespmem:s17+$0x1AF50]  }
0x39d: {  	v0 =	vmax.f32 v0, v5;
	v5 =	vld [tilespmem:s17+$0x1AFD0]  }
0x39e: {  	v0 =	vmax.f32 v0, v1;
	v1 =	vld [tilespmem:s17+$0x1B050]  }
0x39f: {  	v0 =	vmax.f32 v0, v2;
	v2 =	vld [tilespmem:s17+$0x1B0D0]  }
0x3a0: {  	v0 =	vmax.f32 v0, v3;
	v3 =	vld [tilespmem:s17+$0x1B150]  }
0x3a1: {  	v0 =	vmax.f32 v0, v4;
	v4 =	vld [tilespmem:s17+$0x1B1D0]  }
0x3a2: {  	v0 =	vmax.f32 v0, v5;
	v5 =	vld [tilespmem:s17+$0x1B250]  }
0x3a3: {  	v0 =	vmax.f32 v0, v1;
	v1 =	vld [tilespmem:s17+$0x1B2D0]  }
0x3a4: {  	v0 =	vmax.f32 v0, v2;
	v2 =	vld [tilespmem:s17+$0x1B350]  }
0x3a5: {  	v0 =	vmax.f32 v0, v3;
	v3 =	vld [tilespmem:s17+$0x1B3D0]  }
0x3a6: {  	v0 =	vmax.f32 v0, v4;
	v4 =	vld [tilespmem:s17+$0x1B450]  }
0x3a7: {  	v0 =	vmax.f32 v0, v5;
	v5 =	vld [tilespmem:s17+$0x1B4D0]  }
0x3a8: {  	v0 =	vmax.f32 v0, v1;
	v1 =	vld [tilespmem:s17+$0x1B550]  }
0x3a9: {  	v0 =	vmax.f32 v0, v2;
	v2 =	vld [tilespmem:s17+$0x1B5D0]  }
0x3aa: {  	v0 =	vmax.f32 v0, v3;
	v3 =	vld [tilespmem:s17+$0x1B650]  }
0x3ab: {  	v0 =	vmax.f32 v0, v4;
	v4 =	vld [tilespmem:s17+$0x1B6D0]  }
0x3ac: {  	v0 =	vmax.f32 v0, v5;
	v5 =	vld [tilespmem:s17+$0x1B750]  }
0x3ad: {  	v0 =	vmax.f32 v0, v1;
	v1 =	vld [tilespmem:s17+$0x1B7D0]  }
0x3ae: {  	v0 =	vmax.f32 v0, v2;
	v2 =	vld [tilespmem:s18+$0x1EA50]  }
0x3af: {  	v0 =	vmax.f32 v0, v3  }
0x3b0: {  	v0 =	vmax.f32 v0, v4  }
0x3b1: {  	v0 =	vmax.f32 v0, v5  }
0x3b2: {  	v0 =	vmax.f32 v0, v1  }
0x3b3: {  	v0 =	vadd.f32 v2, v0;
	_ =	sdelay $0x1  }
0x3b4: {  	v0 =	vmax.f32 v0, $0.0e+00  }
0x3b5: {  	[tilespmem:s18+$0x1EE50] =	vst v0  }
0x3b6: {  	v0 =	vld [tilespmem:s17+$0x1A860]  }
0x3b7: {  	v1 =	vld [tilespmem:s17+$0x1A8E0]  }
0x3b8: {  	v2 =	vld [tilespmem:s17+$0x1A960]  }
0x3b9: {  	v3 =	vld [tilespmem:s17+$0x1A9E0]  }
0x3ba: {  	v4 =	vld [tilespmem:s17+$0x1AA60]  }
0x3bb: {  	v5 =	vld [tilespmem:s17+$0x1AAE0]  }
0x3bc: {  	v0 =	vmax.f32 v0, v1;
	v1 =	vld [tilespmem:s17+$0x1AB60]  }
0x3bd: {  	v0 =	vmax.f32 v0, v2;
	v2 =	vld [tilespmem:s17+$0x1ABE0]  }
0x3be: {  	v0 =	vmax.f32 v0, v3;
	v3 =	vld [tilespmem:s17+$0x1AC60]  }
0x3bf: {  	v0 =	vmax.f32 v0, v4;
	v4 =	vld [tilespmem:s17+$0x1ACE0]  }
0x3c0: {  	v0 =	vmax.f32 v0, v5;
	v5 =	vld [tilespmem:s17+$0x1AD60]  }
0x3c1: {  	v0 =	vmax.f32 v0, v1;
	v1 =	vld [tilespmem:s17+$0x1ADE0]  }
0x3c2: {  	v0 =	vmax.f32 v0, v2;
	v2 =	vld [tilespmem:s17+$0x1AE60]  }
0x3c3: {  	v0 =	vmax.f32 v0, v3;
	v3 =	vld [tilespmem:s17+$0x1AEE0]  }
0x3c4: {  	v0 =	vmax.f32 v0, v4;
	v4 =	vld [tilespmem:s17+$0x1AF60]  }
0x3c5: {  	v0 =	vmax.f32 v0, v5;
	v5 =	vld [tilespmem:s17+$0x1AFE0]  }
0x3c6: {  	v0 =	vmax.f32 v0, v1;
	v1 =	vld [tilespmem:s17+$0x1B060]  }
0x3c7: {  	v0 =	vmax.f32 v0, v2;
	v2 =	vld [tilespmem:s17+$0x1B0E0]  }
0x3c8: {  	v0 =	vmax.f32 v0, v3;
	v3 =	vld [tilespmem:s17+$0x1B160]  }
0x3c9: {  	v0 =	vmax.f32 v0, v4;
	v4 =	vld [tilespmem:s17+$0x1B1E0]  }
0x3ca: {  	v0 =	vmax.f32 v0, v5;
	v5 =	vld [tilespmem:s17+$0x1B260]  }
0x3cb: {  	v0 =	vmax.f32 v0, v1;
	v1 =	vld [tilespmem:s17+$0x1B2E0]  }
0x3cc: {  	v0 =	vmax.f32 v0, v2;
	v2 =	vld [tilespmem:s17+$0x1B360]  }
0x3cd: {  	v0 =	vmax.f32 v0, v3;
	v3 =	vld [tilespmem:s17+$0x1B3E0]  }
0x3ce: {  	v0 =	vmax.f32 v0, v4;
	v4 =	vld [tilespmem:s17+$0x1B460]  }
0x3cf: {  	v0 =	vmax.f32 v0, v5;
	v5 =	vld [tilespmem:s17+$0x1B4E0]  }
0x3d0: {  	v0 =	vmax.f32 v0, v1;
	v1 =	vld [tilespmem:s17+$0x1B560]  }
0x3d1: {  	v0 =	vmax.f32 v0, v2;
	v2 =	vld [tilespmem:s17+$0x1B5E0]  }
0x3d2: {  	v0 =	vmax.f32 v0, v3;
	v3 =	vld [tilespmem:s17+$0x1B660]  }
0x3d3: {  	v0 =	vmax.f32 v0, v4;
	v4 =	vld [tilespmem:s17+$0x1B6E0]  }
0x3d4: {  	v0 =	vmax.f32 v0, v5;
	v5 =	vld [tilespmem:s17+$0x1B760]  }
0x3d5: {  	v0 =	vmax.f32 v0, v1;
	v1 =	vld [tilespmem:s17+$0x1B7E0]  }
0x3d6: {  	v0 =	vmax.f32 v0, v2;
	v2 =	vld [tilespmem:s18+$0x1EA60]  }
0x3d7: {  	v0 =	vmax.f32 v0, v3  }
0x3d8: {  	v0 =	vmax.f32 v0, v4  }
0x3d9: {  	v0 =	vmax.f32 v0, v5  }
0x3da: {  	v0 =	vmax.f32 v0, v1  }
0x3db: {  	v0 =	vadd.f32 v2, v0;
	_ =	sdelay $0x1  }
0x3dc: {  	v0 =	vmax.f32 v0, $0.0e+00  }
0x3dd: {  	[tilespmem:s18+$0x1EE60] =	vst v0  }
0x3de: {  	v0 =	vld [tilespmem:s17+$0x1A870]  }
0x3df: {  	v1 =	vld [tilespmem:s17+$0x1A8F0]  }
0x3e0: {  	v2 =	vld [tilespmem:s17+$0x1A970]  }
0x3e1: {  	v3 =	vld [tilespmem:s17+$0x1A9F0]  }
0x3e2: {  	v4 =	vld [tilespmem:s17+$0x1AA70]  }
0x3e3: {  	v5 =	vld [tilespmem:s17+$0x1AAF0]  }
0x3e4: {  	v0 =	vmax.f32 v0, v1;
	v1 =	vld [tilespmem:s17+$0x1AB70]  }
0x3e5: {  	v0 =	vmax.f32 v0, v2;
	v2 =	vld [tilespmem:s17+$0x1ABF0]  }
0x3e6: {  	v0 =	vmax.f32 v0, v3;
	v3 =	vld [tilespmem:s17+$0x1AC70]  }
0x3e7: {  	v0 =	vmax.f32 v0, v4;
	v4 =	vld [tilespmem:s17+$0x1ACF0]  }
0x3e8: {  	v0 =	vmax.f32 v0, v5;
	v5 =	vld [tilespmem:s17+$0x1AD70]  }
0x3e9: {  	v0 =	vmax.f32 v0, v1;
	v1 =	vld [tilespmem:s17+$0x1ADF0]  }
0x3ea: {  	v0 =	vmax.f32 v0, v2;
	v2 =	vld [tilespmem:s17+$0x1AE70]  }
0x3eb: {  	v0 =	vmax.f32 v0, v3;
	v3 =	vld [tilespmem:s17+$0x1AEF0]  }
0x3ec: {  	v0 =	vmax.f32 v0, v4;
	v4 =	vld [tilespmem:s17+$0x1AF70]  }
0x3ed: {  	v0 =	vmax.f32 v0, v5;
	v5 =	vld [tilespmem:s17+$0x1AFF0]  }
0x3ee: {  	v0 =	vmax.f32 v0, v1;
	v1 =	vld [tilespmem:s17+$0x1B070]  }
0x3ef: {  	v0 =	vmax.f32 v0, v2;
	v2 =	vld [tilespmem:s17+$0x1B0F0]  }
0x3f0: {  	v0 =	vmax.f32 v0, v3;
	v3 =	vld [tilespmem:s17+$0x1B170]  }
0x3f1: {  	v0 =	vmax.f32 v0, v4;
	v4 =	vld [tilespmem:s17+$0x1B1F0]  }
0x3f2: {  	v0 =	vmax.f32 v0, v5;
	v5 =	vld [tilespmem:s17+$0x1B270]  }
0x3f3: {  	v0 =	vmax.f32 v0, v1;
	v1 =	vld [tilespmem:s17+$0x1B2F0]  }
0x3f4: {  	v0 =	vmax.f32 v0, v2;
	v2 =	vld [tilespmem:s17+$0x1B370]  }
0x3f5: {  	v0 =	vmax.f32 v0, v3;
	v3 =	vld [tilespmem:s17+$0x1B3F0]  }
0x3f6: {  	v0 =	vmax.f32 v0, v4;
	v4 =	vld [tilespmem:s17+$0x1B470]  }
0x3f7: {  	v5 =	vmax.f32 v0, v5;
	v0 =	vld [tilespmem:s17+$0x1B4F0]  }
0x3f8: {  	v5 =	vmax.f32 v5, v1;
	v1 =	vld [tilespmem:s17+$0x1B570]  }
0x3f9: {  	v5 =	vmax.f32 v5, v2;
	v2 =	vld [tilespmem:s17+$0x1B5F0]  }
0x3fa: {  	s15 =	simm.s32 $0x1;
	v5 =	vmax.f32 v5, v3;
	v3 =	vld [tilespmem:s17+$0x1B670]  }
.LBB2_5:
0x3fb: {  	p0 =	sne.s32 s15, $0x3;
	v4 =	vmax.f32 v5, v4;
	v5 =	vld [tilespmem:s17+$0x1B6F0];
	s5 =	smov.u32 s15;
	s15 =	sadd.s32 $0x1, s15  }
0x3fc: {  	v0 =	vmax.f32 v4, v0;
	v4 =	vld [tilespmem:s17+$0x1B770]  }
0x3fd: {  	v0 =	vmax.f32 v0, v1;
	v1 =	vld [tilespmem:s17+$0x1B7F0]  }
0x3fe: {  	v0 =	vmax.f32 v0, v2;
	v2 =	vld [tilespmem:s18+$0x1EA70]  }
0x3ff: {  	v0 =	vmax.f32 v0, v3  }
0x400: {  	v0 =	vmax.f32 v0, v5  }
0x401: {  	v0 =	vmax.f32 v0, v4  }
0x402: {  	v0 =	vmax.f32 v0, v1  }
0x403: {  	s17 =	sshll.u32 s5, $0xC;
	v0 =	vadd.f32 v2, v0  }
0x404: {  	s17 =	sand.u32 $0x3FFFF000, s17  }
0x405: {  	v0 =	vmax.f32 v0, $0.0e+00  }
0x406: {  	[tilespmem:s18+$0x1EE70] =	vst v0  }
0x407: {  	v0 =	vld [tilespmem:s17+$0x1A800]  }
0x408: {  	v1 =	vld [tilespmem:s17+$0x1A880]  }
0x409: {  	v2 =	vld [tilespmem:s17+$0x1A900]  }
0x40a: {  	v3 =	vld [tilespmem:s17+$0x1A980]  }
0x40b: {  	v4 =	vld [tilespmem:s17+$0x1AA00]  }
0x40c: {  	v5 =	vld [tilespmem:s17+$0x1AA80]  }
0x40d: {  	v0 =	vmax.f32 v0, v1;
	v1 =	vld [tilespmem:s17+$0x1AB00]  }
0x40e: {  	v0 =	vmax.f32 v0, v2;
	v2 =	vld [tilespmem:s17+$0x1AB80]  }
0x40f: {  	v0 =	vmax.f32 v0, v3;
	v3 =	vld [tilespmem:s17+$0x1AC00]  }
0x410: {  	v0 =	vmax.f32 v0, v4;
	v4 =	vld [tilespmem:s17+$0x1AC80]  }
0x411: {  	v0 =	vmax.f32 v0, v5;
	v5 =	vld [tilespmem:s17+$0x1AD00]  }
0x412: {  	v0 =	vmax.f32 v0, v1;
	v1 =	vld [tilespmem:s17+$0x1AD80]  }
0x413: {  	v0 =	vmax.f32 v0, v2;
	v2 =	vld [tilespmem:s17+$0x1AE00]  }
0x414: {  	v0 =	vmax.f32 v0, v3;
	v3 =	vld [tilespmem:s17+$0x1AE80]  }
0x415: {  	v0 =	vmax.f32 v0, v4;
	v4 =	vld [tilespmem:s17+$0x1AF00]  }
0x416: {  	v0 =	vmax.f32 v0, v5;
	v5 =	vld [tilespmem:s17+$0x1AF80]  }
0x417: {  	v0 =	vmax.f32 v0, v1;
	v1 =	vld [tilespmem:s17+$0x1B000]  }
0x418: {  	v0 =	vmax.f32 v0, v2;
	v2 =	vld [tilespmem:s17+$0x1B080]  }
0x419: {  	v0 =	vmax.f32 v0, v3;
	v3 =	vld [tilespmem:s17+$0x1B100]  }
0x41a: {  	v0 =	vmax.f32 v0, v4;
	v4 =	vld [tilespmem:s17+$0x1B180]  }
0x41b: {  	v0 =	vmax.f32 v0, v5;
	v5 =	vld [tilespmem:s17+$0x1B200]  }
0x41c: {  	v0 =	vmax.f32 v0, v1;
	v1 =	vld [tilespmem:s17+$0x1B280]  }
0x41d: {  	v0 =	vmax.f32 v0, v2;
	v2 =	vld [tilespmem:s17+$0x1B300]  }
0x41e: {  	v0 =	vmax.f32 v0, v3;
	v3 =	vld [tilespmem:s17+$0x1B380]  }
0x41f: {  	v0 =	vmax.f32 v0, v4;
	v4 =	vld [tilespmem:s17+$0x1B400]  }
0x420: {  	v0 =	vmax.f32 v0, v5;
	v5 =	vld [tilespmem:s17+$0x1B480]  }
0x421: {  	v0 =	vmax.f32 v0, v1;
	v1 =	vld [tilespmem:s17+$0x1B500]  }
0x422: {  	v0 =	vmax.f32 v0, v2;
	v2 =	vld [tilespmem:s17+$0x1B580]  }
0x423: {  	v0 =	vmax.f32 v0, v3;
	v3 =	vld [tilespmem:s17+$0x1B600]  }
0x424: {  	v0 =	vmax.f32 v0, v4;
	v4 =	vld [tilespmem:s17+$0x1B680]  }
0x425: {  	v0 =	vmax.f32 v0, v5;
	v5 =	vld [tilespmem:s17+$0x1B700]  }
0x426: {  	s18 =	sshll.u32 s5, $0x7;
	v0 =	vmax.f32 v0, v1;
	v1 =	vld [tilespmem:s17+$0x1B780]  }
0x427: {  	v0 =	vmax.f32 v0, v2;
	v2 =	vld [tilespmem:s18+$0x1EA00]  }
0x428: {  	v0 =	vmax.f32 v0, v3  }
0x429: {  	v0 =	vmax.f32 v0, v4  }
0x42a: {  	v0 =	vmax.f32 v0, v5  }
0x42b: {  	v0 =	vmax.f32 v0, v1  }
0x42c: {  	v0 =	vadd.f32 v2, v0;
	_ =	sdelay $0x1  }
0x42d: {  	v0 =	vmax.f32 v0, $0.0e+00  }
0x42e: {  	[tilespmem:s18+$0x1EE00] =	vst v0  }
0x42f: {  	v0 =	vld [tilespmem:s17+$0x1A810]  }
0x430: {  	v1 =	vld [tilespmem:s17+$0x1A890]  }
0x431: {  	v2 =	vld [tilespmem:s17+$0x1A910]  }
0x432: {  	v3 =	vld [tilespmem:s17+$0x1A990]  }
0x433: {  	v4 =	vld [tilespmem:s17+$0x1AA10]  }
0x434: {  	v5 =	vld [tilespmem:s17+$0x1AA90]  }
0x435: {  	v0 =	vmax.f32 v0, v1;
	v1 =	vld [tilespmem:s17+$0x1AB10]  }
0x436: {  	v0 =	vmax.f32 v0, v2;
	v2 =	vld [tilespmem:s17+$0x1AB90]  }
0x437: {  	v0 =	vmax.f32 v0, v3;
	v3 =	vld [tilespmem:s17+$0x1AC10]  }
0x438: {  	v0 =	vmax.f32 v0, v4;
	v4 =	vld [tilespmem:s17+$0x1AC90]  }
0x439: {  	v0 =	vmax.f32 v0, v5;
	v5 =	vld [tilespmem:s17+$0x1AD10]  }
0x43a: {  	v0 =	vmax.f32 v0, v1;
	v1 =	vld [tilespmem:s17+$0x1AD90]  }
0x43b: {  	v0 =	vmax.f32 v0, v2;
	v2 =	vld [tilespmem:s17+$0x1AE10]  }
0x43c: {  	v0 =	vmax.f32 v0, v3;
	v3 =	vld [tilespmem:s17+$0x1AE90]  }
0x43d: {  	v0 =	vmax.f32 v0, v4;
	v4 =	vld [tilespmem:s17+$0x1AF10]  }
0x43e: {  	v0 =	vmax.f32 v0, v5;
	v5 =	vld [tilespmem:s17+$0x1AF90]  }
0x43f: {  	v0 =	vmax.f32 v0, v1;
	v1 =	vld [tilespmem:s17+$0x1B010]  }
0x440: {  	v0 =	vmax.f32 v0, v2;
	v2 =	vld [tilespmem:s17+$0x1B090]  }
0x441: {  	v0 =	vmax.f32 v0, v3;
	v3 =	vld [tilespmem:s17+$0x1B110]  }
0x442: {  	v0 =	vmax.f32 v0, v4;
	v4 =	vld [tilespmem:s17+$0x1B190]  }
0x443: {  	v0 =	vmax.f32 v0, v5;
	v5 =	vld [tilespmem:s17+$0x1B210]  }
0x444: {  	v0 =	vmax.f32 v0, v1;
	v1 =	vld [tilespmem:s17+$0x1B290]  }
0x445: {  	v0 =	vmax.f32 v0, v2;
	v2 =	vld [tilespmem:s17+$0x1B310]  }
0x446: {  	v0 =	vmax.f32 v0, v3;
	v3 =	vld [tilespmem:s17+$0x1B390]  }
0x447: {  	v0 =	vmax.f32 v0, v4;
	v4 =	vld [tilespmem:s17+$0x1B410]  }
0x448: {  	v0 =	vmax.f32 v0, v5;
	v5 =	vld [tilespmem:s17+$0x1B490]  }
0x449: {  	v0 =	vmax.f32 v0, v1;
	v1 =	vld [tilespmem:s17+$0x1B510]  }
0x44a: {  	v0 =	vmax.f32 v0, v2;
	v2 =	vld [tilespmem:s17+$0x1B590]  }
0x44b: {  	v0 =	vmax.f32 v0, v3;
	v3 =	vld [tilespmem:s17+$0x1B610]  }
0x44c: {  	v0 =	vmax.f32 v0, v4;
	v4 =	vld [tilespmem:s17+$0x1B690]  }
0x44d: {  	v0 =	vmax.f32 v0, v5;
	v5 =	vld [tilespmem:s17+$0x1B710]  }
0x44e: {  	v0 =	vmax.f32 v0, v1;
	v1 =	vld [tilespmem:s17+$0x1B790]  }
0x44f: {  	v0 =	vmax.f32 v0, v2;
	v2 =	vld [tilespmem:s18+$0x1EA10]  }
0x450: {  	v0 =	vmax.f32 v0, v3  }
0x451: {  	v0 =	vmax.f32 v0, v4  }
0x452: {  	v0 =	vmax.f32 v0, v5  }
0x453: {  	v0 =	vmax.f32 v0, v1  }
0x454: {  	v0 =	vadd.f32 v2, v0;
	_ =	sdelay $0x1  }
0x455: {  	v0 =	vmax.f32 v0, $0.0e+00  }
0x456: {  	[tilespmem:s18+$0x1EE10] =	vst v0  }
0x457: {  	v0 =	vld [tilespmem:s17+$0x1A820]  }
0x458: {  	v1 =	vld [tilespmem:s17+$0x1A8A0]  }
0x459: {  	v2 =	vld [tilespmem:s17+$0x1A920]  }
0x45a: {  	v3 =	vld [tilespmem:s17+$0x1A9A0]  }
0x45b: {  	v4 =	vld [tilespmem:s17+$0x1AA20]  }
0x45c: {  	v5 =	vld [tilespmem:s17+$0x1AAA0]  }
0x45d: {  	v0 =	vmax.f32 v0, v1;
	v1 =	vld [tilespmem:s17+$0x1AB20]  }
0x45e: {  	v0 =	vmax.f32 v0, v2;
	v2 =	vld [tilespmem:s17+$0x1ABA0]  }
0x45f: {  	v0 =	vmax.f32 v0, v3;
	v3 =	vld [tilespmem:s17+$0x1AC20]  }
0x460: {  	v0 =	vmax.f32 v0, v4;
	v4 =	vld [tilespmem:s17+$0x1ACA0]  }
0x461: {  	v0 =	vmax.f32 v0, v5;
	v5 =	vld [tilespmem:s17+$0x1AD20]  }
0x462: {  	v0 =	vmax.f32 v0, v1;
	v1 =	vld [tilespmem:s17+$0x1ADA0]  }
0x463: {  	v0 =	vmax.f32 v0, v2;
	v2 =	vld [tilespmem:s17+$0x1AE20]  }
0x464: {  	v0 =	vmax.f32 v0, v3;
	v3 =	vld [tilespmem:s17+$0x1AEA0]  }
0x465: {  	v0 =	vmax.f32 v0, v4;
	v4 =	vld [tilespmem:s17+$0x1AF20]  }
0x466: {  	v0 =	vmax.f32 v0, v5;
	v5 =	vld [tilespmem:s17+$0x1AFA0]  }
0x467: {  	v0 =	vmax.f32 v0, v1;
	v1 =	vld [tilespmem:s17+$0x1B020]  }
0x468: {  	v0 =	vmax.f32 v0, v2;
	v2 =	vld [tilespmem:s17+$0x1B0A0]  }
0x469: {  	v0 =	vmax.f32 v0, v3;
	v3 =	vld [tilespmem:s17+$0x1B120]  }
0x46a: {  	v0 =	vmax.f32 v0, v4;
	v4 =	vld [tilespmem:s17+$0x1B1A0]  }
0x46b: {  	v0 =	vmax.f32 v0, v5;
	v5 =	vld [tilespmem:s17+$0x1B220]  }
0x46c: {  	v0 =	vmax.f32 v0, v1;
	v1 =	vld [tilespmem:s17+$0x1B2A0]  }
0x46d: {  	v0 =	vmax.f32 v0, v2;
	v2 =	vld [tilespmem:s17+$0x1B320]  }
0x46e: {  	v0 =	vmax.f32 v0, v3;
	v3 =	vld [tilespmem:s17+$0x1B3A0]  }
0x46f: {  	v0 =	vmax.f32 v0, v4;
	v4 =	vld [tilespmem:s17+$0x1B420]  }
0x470: {  	v0 =	vmax.f32 v0, v5;
	v5 =	vld [tilespmem:s17+$0x1B4A0]  }
0x471: {  	v0 =	vmax.f32 v0, v1;
	v1 =	vld [tilespmem:s17+$0x1B520]  }
0x472: {  	v0 =	vmax.f32 v0, v2;
	v2 =	vld [tilespmem:s17+$0x1B5A0]  }
0x473: {  	v0 =	vmax.f32 v0, v3;
	v3 =	vld [tilespmem:s17+$0x1B620]  }
0x474: {  	v0 =	vmax.f32 v0, v4;
	v4 =	vld [tilespmem:s17+$0x1B6A0]  }
0x475: {  	v0 =	vmax.f32 v0, v5;
	v5 =	vld [tilespmem:s17+$0x1B720]  }
0x476: {  	v0 =	vmax.f32 v0, v1;
	v1 =	vld [tilespmem:s17+$0x1B7A0]  }
0x477: {  	v0 =	vmax.f32 v0, v2;
	v2 =	vld [tilespmem:s18+$0x1EA20]  }
0x478: {  	v0 =	vmax.f32 v0, v3  }
0x479: {  	v0 =	vmax.f32 v0, v4  }
0x47a: {  	v0 =	vmax.f32 v0, v5  }
0x47b: {  	v0 =	vmax.f32 v0, v1  }
0x47c: {  	v0 =	vadd.f32 v2, v0;
	_ =	sdelay $0x1  }
0x47d: {  	v0 =	vmax.f32 v0, $0.0e+00  }
0x47e: {  	[tilespmem:s18+$0x1EE20] =	vst v0  }
0x47f: {  	v0 =	vld [tilespmem:s17+$0x1A8B0]  }
0x480: {  	v1 =	vld [tilespmem:s17+$0x1A830]  }
0x481: {  	v2 =	vld [tilespmem:s17+$0x1A930]  }
0x482: {  	v3 =	vld [tilespmem:s17+$0x1A9B0]  }
0x483: {  	v4 =	vld [tilespmem:s17+$0x1AA30]  }
0x484: {  	v5 =	vld [tilespmem:s17+$0x1AAB0]  }
0x485: {  	v0 =	vmax.f32 v1, v0;
	v1 =	vld [tilespmem:s17+$0x1AB30]  }
0x486: {  	v0 =	vmax.f32 v0, v2;
	v2 =	vld [tilespmem:s17+$0x1ABB0]  }
0x487: {  	v0 =	vmax.f32 v0, v3;
	v3 =	vld [tilespmem:s17+$0x1AC30]  }
0x488: {  	v0 =	vmax.f32 v0, v4;
	v4 =	vld [tilespmem:s17+$0x1ACB0]  }
0x489: {  	v0 =	vmax.f32 v0, v5;
	v5 =	vld [tilespmem:s17+$0x1AD30]  }
0x48a: {  	v0 =	vmax.f32 v0, v1;
	v1 =	vld [tilespmem:s17+$0x1ADB0]  }
0x48b: {  	v0 =	vmax.f32 v0, v2;
	v2 =	vld [tilespmem:s17+$0x1AE30]  }
0x48c: {  	v0 =	vmax.f32 v0, v3;
	v3 =	vld [tilespmem:s17+$0x1AEB0]  }
0x48d: {  	v0 =	vmax.f32 v0, v4;
	v4 =	vld [tilespmem:s17+$0x1AF30]  }
0x48e: {  	v0 =	vmax.f32 v0, v5;
	v5 =	vld [tilespmem:s17+$0x1AFB0]  }
0x48f: {  	v0 =	vmax.f32 v0, v1;
	v1 =	vld [tilespmem:s17+$0x1B030]  }
0x490: {  	v0 =	vmax.f32 v0, v2;
	v2 =	vld [tilespmem:s17+$0x1B0B0]  }
0x491: {  	v0 =	vmax.f32 v0, v3;
	v3 =	vld [tilespmem:s17+$0x1B130]  }
0x492: {  	v0 =	vmax.f32 v0, v4;
	v4 =	vld [tilespmem:s17+$0x1B1B0]  }
0x493: {  	v0 =	vmax.f32 v0, v5;
	v5 =	vld [tilespmem:s17+$0x1B230]  }
0x494: {  	v0 =	vmax.f32 v0, v1;
	v1 =	vld [tilespmem:s17+$0x1B2B0]  }
0x495: {  	v0 =	vmax.f32 v0, v2;
	v2 =	vld [tilespmem:s17+$0x1B330]  }
0x496: {  	v0 =	vmax.f32 v0, v3;
	v3 =	vld [tilespmem:s17+$0x1B3B0]  }
0x497: {  	v0 =	vmax.f32 v0, v4;
	v4 =	vld [tilespmem:s17+$0x1B430]  }
0x498: {  	v0 =	vmax.f32 v0, v5;
	v5 =	vld [tilespmem:s17+$0x1B4B0]  }
0x499: {  	v0 =	vmax.f32 v0, v1;
	v1 =	vld [tilespmem:s17+$0x1B530]  }
0x49a: {  	v0 =	vmax.f32 v0, v2;
	v2 =	vld [tilespmem:s17+$0x1B5B0]  }
0x49b: {  	v0 =	vmax.f32 v0, v3;
	v3 =	vld [tilespmem:s17+$0x1B630]  }
0x49c: {  	v0 =	vmax.f32 v0, v4;
	v4 =	vld [tilespmem:s17+$0x1B6B0]  }
0x49d: {  	v0 =	vmax.f32 v0, v5;
	v5 =	vld [tilespmem:s17+$0x1B730]  }
0x49e: {  	v0 =	vmax.f32 v0, v1;
	v1 =	vld [tilespmem:s17+$0x1B7B0]  }
0x49f: {  	v0 =	vmax.f32 v0, v2;
	v2 =	vld [tilespmem:s18+$0x1EA30]  }
0x4a0: {  	v0 =	vmax.f32 v0, v3  }
0x4a1: {  	v0 =	vmax.f32 v0, v4  }
0x4a2: {  	v0 =	vmax.f32 v0, v5  }
0x4a3: {  	v0 =	vmax.f32 v0, v1  }
0x4a4: {  	v0 =	vadd.f32 v2, v0;
	_ =	sdelay $0x1  }
0x4a5: {  	v0 =	vmax.f32 v0, $0.0e+00  }
0x4a6: {  	[tilespmem:s18+$0x1EE30] =	vst v0  }
0x4a7: {  	v0 =	vld [tilespmem:s17+$0x1A9C0]  }
0x4a8: {  	v1 =	vld [tilespmem:s17+$0x1A8C0]  }
0x4a9: {  	v2 =	vld [tilespmem:s17+$0x1A840]  }
0x4aa: {  	v3 =	vld [tilespmem:s17+$0x1A940];
	_ =	sdelay $0x1  }
0x4ab: {  	v4 =	vld [tilespmem:s17+$0x1AA40]  }
0x4ac: {  	v5 =	vld [tilespmem:s17+$0x1AAC0]  }
0x4ad: {  	v1 =	vmax.f32 v2, v1;
	v2 =	vld [tilespmem:s17+$0x1AB40]  }
0x4ae: {  	v1 =	vmax.f32 v1, v3;
	v3 =	vld [tilespmem:s17+$0x1ABC0]  }
0x4af: {  	v0 =	vmax.f32 v1, v0;
	v1 =	vld [tilespmem:s17+$0x1AC40]  }
0x4b0: {  	v0 =	vmax.f32 v0, v4;
	v4 =	vld [tilespmem:s17+$0x1ACC0]  }
0x4b1: {  	v0 =	vmax.f32 v0, v5;
	v5 =	vld [tilespmem:s17+$0x1AD40]  }
0x4b2: {  	v0 =	vmax.f32 v0, v2;
	v2 =	vld [tilespmem:s17+$0x1ADC0]  }
0x4b3: {  	v0 =	vmax.f32 v0, v3;
	v3 =	vld [tilespmem:s17+$0x1AE40]  }
0x4b4: {  	v0 =	vmax.f32 v0, v1;
	v1 =	vld [tilespmem:s17+$0x1AEC0]  }
0x4b5: {  	v0 =	vmax.f32 v0, v4;
	v4 =	vld [tilespmem:s17+$0x1AF40]  }
0x4b6: {  	v0 =	vmax.f32 v0, v5;
	v5 =	vld [tilespmem:s17+$0x1AFC0]  }
0x4b7: {  	v0 =	vmax.f32 v0, v2;
	v2 =	vld [tilespmem:s17+$0x1B040]  }
0x4b8: {  	v0 =	vmax.f32 v0, v3;
	v3 =	vld [tilespmem:s17+$0x1B0C0]  }
0x4b9: {  	v0 =	vmax.f32 v0, v1;
	v1 =	vld [tilespmem:s17+$0x1B140]  }
0x4ba: {  	v0 =	vmax.f32 v0, v4;
	v4 =	vld [tilespmem:s17+$0x1B1C0]  }
0x4bb: {  	v0 =	vmax.f32 v0, v5;
	v5 =	vld [tilespmem:s17+$0x1B240]  }
0x4bc: {  	v0 =	vmax.f32 v0, v2;
	v2 =	vld [tilespmem:s17+$0x1B2C0]  }
0x4bd: {  	v0 =	vmax.f32 v0, v3;
	v3 =	vld [tilespmem:s17+$0x1B340]  }
0x4be: {  	v0 =	vmax.f32 v0, v1;
	v1 =	vld [tilespmem:s17+$0x1B3C0]  }
0x4bf: {  	v0 =	vmax.f32 v0, v4;
	v4 =	vld [tilespmem:s17+$0x1B440]  }
0x4c0: {  	v0 =	vmax.f32 v0, v5;
	v5 =	vld [tilespmem:s17+$0x1B4C0]  }
0x4c1: {  	v0 =	vmax.f32 v0, v2;
	v2 =	vld [tilespmem:s17+$0x1B540]  }
0x4c2: {  	v0 =	vmax.f32 v0, v3;
	v3 =	vld [tilespmem:s17+$0x1B5C0]  }
0x4c3: {  	v0 =	vmax.f32 v0, v1;
	v1 =	vld [tilespmem:s17+$0x1B640]  }
0x4c4: {  	v0 =	vmax.f32 v0, v4;
	v4 =	vld [tilespmem:s17+$0x1B6C0]  }
0x4c5: {  	v0 =	vmax.f32 v0, v5;
	v5 =	vld [tilespmem:s17+$0x1B740]  }
0x4c6: {  	v0 =	vmax.f32 v0, v2;
	v2 =	vld [tilespmem:s17+$0x1B7C0]  }
0x4c7: {  	v0 =	vmax.f32 v0, v3;
	v3 =	vld [tilespmem:s18+$0x1EA40]  }
0x4c8: {  	v0 =	vmax.f32 v0, v1  }
0x4c9: {  	v0 =	vmax.f32 v0, v4  }
0x4ca: {  	v0 =	vmax.f32 v0, v5  }
0x4cb: {  	v0 =	vmax.f32 v0, v2  }
0x4cc: {  	v0 =	vadd.f32 v3, v0;
	_ =	sdelay $0x1  }
0x4cd: {  	v0 =	vmax.f32 v0, $0.0e+00  }
0x4ce: {  	[tilespmem:s18+$0x1EE40] =	vst v0  }
0x4cf: {  	v0 =	vld [tilespmem:s17+$0x1A850]  }
0x4d0: {  	v1 =	vld [tilespmem:s17+$0x1A8D0]  }
0x4d1: {  	v2 =	vld [tilespmem:s17+$0x1A950]  }
0x4d2: {  	v3 =	vld [tilespmem:s17+$0x1A9D0]  }
0x4d3: {  	v4 =	vld [tilespmem:s17+$0x1AA50]  }
0x4d4: {  	v5 =	vld [tilespmem:s17+$0x1AAD0]  }
0x4d5: {  	v0 =	vmax.f32 v0, v1;
	v1 =	vld [tilespmem:s17+$0x1AB50]  }
0x4d6: {  	v0 =	vmax.f32 v0, v2;
	v2 =	vld [tilespmem:s17+$0x1ABD0]  }
0x4d7: {  	v0 =	vmax.f32 v0, v3;
	v3 =	vld [tilespmem:s17+$0x1AC50]  }
0x4d8: {  	v0 =	vmax.f32 v0, v4;
	v4 =	vld [tilespmem:s17+$0x1ACD0]  }
0x4d9: {  	v0 =	vmax.f32 v0, v5;
	v5 =	vld [tilespmem:s17+$0x1AD50]  }
0x4da: {  	v0 =	vmax.f32 v0, v1;
	v1 =	vld [tilespmem:s17+$0x1ADD0]  }
0x4db: {  	v0 =	vmax.f32 v0, v2;
	v2 =	vld [tilespmem:s17+$0x1AE50]  }
0x4dc: {  	v0 =	vmax.f32 v0, v3;
	v3 =	vld [tilespmem:s17+$0x1AED0]  }
0x4dd: {  	v0 =	vmax.f32 v0, v4;
	v4 =	vld [tilespmem:s17+$0x1AF50]  }
0x4de: {  	v0 =	vmax.f32 v0, v5;
	v5 =	vld [tilespmem:s17+$0x1AFD0]  }
0x4df: {  	v0 =	vmax.f32 v0, v1;
	v1 =	vld [tilespmem:s17+$0x1B050]  }
0x4e0: {  	v0 =	vmax.f32 v0, v2;
	v2 =	vld [tilespmem:s17+$0x1B0D0]  }
0x4e1: {  	v0 =	vmax.f32 v0, v3;
	v3 =	vld [tilespmem:s17+$0x1B150]  }
0x4e2: {  	v0 =	vmax.f32 v0, v4;
	v4 =	vld [tilespmem:s17+$0x1B1D0]  }
0x4e3: {  	v0 =	vmax.f32 v0, v5;
	v5 =	vld [tilespmem:s17+$0x1B250]  }
0x4e4: {  	v0 =	vmax.f32 v0, v1;
	v1 =	vld [tilespmem:s17+$0x1B2D0]  }
0x4e5: {  	v0 =	vmax.f32 v0, v2;
	v2 =	vld [tilespmem:s17+$0x1B350]  }
0x4e6: {  	v0 =	vmax.f32 v0, v3;
	v3 =	vld [tilespmem:s17+$0x1B3D0]  }
0x4e7: {  	v0 =	vmax.f32 v0, v4;
	v4 =	vld [tilespmem:s17+$0x1B450]  }
0x4e8: {  	v0 =	vmax.f32 v0, v5;
	v5 =	vld [tilespmem:s17+$0x1B4D0]  }
0x4e9: {  	v0 =	vmax.f32 v0, v1;
	v1 =	vld [tilespmem:s17+$0x1B550]  }
0x4ea: {  	v0 =	vmax.f32 v0, v2;
	v2 =	vld [tilespmem:s17+$0x1B5D0]  }
0x4eb: {  	v0 =	vmax.f32 v0, v3;
	v3 =	vld [tilespmem:s17+$0x1B650]  }
0x4ec: {  	v0 =	vmax.f32 v0, v4;
	v4 =	vld [tilespmem:s17+$0x1B6D0]  }
0x4ed: {  	v0 =	vmax.f32 v0, v5;
	v5 =	vld [tilespmem:s17+$0x1B750]  }
0x4ee: {  	v0 =	vmax.f32 v0, v1;
	v1 =	vld [tilespmem:s17+$0x1B7D0]  }
0x4ef: {  	v0 =	vmax.f32 v0, v2;
	v2 =	vld [tilespmem:s18+$0x1EA50]  }
0x4f0: {  	v0 =	vmax.f32 v0, v3  }
0x4f1: {  	v0 =	vmax.f32 v0, v4  }
0x4f2: {  	v0 =	vmax.f32 v0, v5  }
0x4f3: {  	v0 =	vmax.f32 v0, v1  }
0x4f4: {  	v0 =	vadd.f32 v2, v0;
	_ =	sdelay $0x1  }
0x4f5: {  	v0 =	vmax.f32 v0, $0.0e+00  }
0x4f6: {  	[tilespmem:s18+$0x1EE50] =	vst v0  }
0x4f7: {  	v0 =	vld [tilespmem:s17+$0x1A860]  }
0x4f8: {  	v1 =	vld [tilespmem:s17+$0x1A8E0]  }
0x4f9: {  	v2 =	vld [tilespmem:s17+$0x1A960]  }
0x4fa: {  	v3 =	vld [tilespmem:s17+$0x1A9E0]  }
0x4fb: {  	v4 =	vld [tilespmem:s17+$0x1AA60]  }
0x4fc: {  	v5 =	vld [tilespmem:s17+$0x1AAE0]  }
0x4fd: {  	v0 =	vmax.f32 v0, v1;
	v1 =	vld [tilespmem:s17+$0x1AB60]  }
0x4fe: {  	v0 =	vmax.f32 v0, v2;
	v2 =	vld [tilespmem:s17+$0x1ABE0]  }
0x4ff: {  	v0 =	vmax.f32 v0, v3;
	v3 =	vld [tilespmem:s17+$0x1AC60]  }
0x500: {  	v0 =	vmax.f32 v0, v4;
	v4 =	vld [tilespmem:s17+$0x1ACE0]  }
0x501: {  	v0 =	vmax.f32 v0, v5;
	v5 =	vld [tilespmem:s17+$0x1AD60]  }
0x502: {  	v0 =	vmax.f32 v0, v1;
	v1 =	vld [tilespmem:s17+$0x1ADE0]  }
0x503: {  	v0 =	vmax.f32 v0, v2;
	v2 =	vld [tilespmem:s17+$0x1AE60]  }
0x504: {  	v0 =	vmax.f32 v0, v3;
	v3 =	vld [tilespmem:s17+$0x1AEE0]  }
0x505: {  	v0 =	vmax.f32 v0, v4;
	v4 =	vld [tilespmem:s17+$0x1AF60]  }
0x506: {  	v0 =	vmax.f32 v0, v5;
	v5 =	vld [tilespmem:s17+$0x1AFE0]  }
0x507: {  	v0 =	vmax.f32 v0, v1;
	v1 =	vld [tilespmem:s17+$0x1B060]  }
0x508: {  	v0 =	vmax.f32 v0, v2;
	v2 =	vld [tilespmem:s17+$0x1B0E0]  }
0x509: {  	v0 =	vmax.f32 v0, v3;
	v3 =	vld [tilespmem:s17+$0x1B160]  }
0x50a: {  	v0 =	vmax.f32 v0, v4;
	v4 =	vld [tilespmem:s17+$0x1B1E0]  }
0x50b: {  	v0 =	vmax.f32 v0, v5;
	v5 =	vld [tilespmem:s17+$0x1B260]  }
0x50c: {  	v0 =	vmax.f32 v0, v1;
	v1 =	vld [tilespmem:s17+$0x1B2E0]  }
0x50d: {  	v0 =	vmax.f32 v0, v2;
	v2 =	vld [tilespmem:s17+$0x1B360]  }
0x50e: {  	v0 =	vmax.f32 v0, v3;
	v3 =	vld [tilespmem:s17+$0x1B3E0]  }
0x50f: {  	v0 =	vmax.f32 v0, v4;
	v4 =	vld [tilespmem:s17+$0x1B460]  }
0x510: {  	v0 =	vmax.f32 v0, v5;
	v5 =	vld [tilespmem:s17+$0x1B4E0]  }
0x511: {  	v0 =	vmax.f32 v0, v1;
	v1 =	vld [tilespmem:s17+$0x1B560]  }
0x512: {  	v0 =	vmax.f32 v0, v2;
	v2 =	vld [tilespmem:s17+$0x1B5E0]  }
0x513: {  	v0 =	vmax.f32 v0, v3;
	v3 =	vld [tilespmem:s17+$0x1B660]  }
0x514: {  	v0 =	vmax.f32 v0, v4;
	v4 =	vld [tilespmem:s17+$0x1B6E0]  }
0x515: {  	v0 =	vmax.f32 v0, v5;
	v5 =	vld [tilespmem:s17+$0x1B760]  }
0x516: {  	v0 =	vmax.f32 v0, v1;
	v1 =	vld [tilespmem:s17+$0x1B7E0]  }
0x517: {  	v0 =	vmax.f32 v0, v2;
	v2 =	vld [tilespmem:s18+$0x1EA60]  }
0x518: {  	v0 =	vmax.f32 v0, v3  }
0x519: {  	v0 =	vmax.f32 v0, v4  }
0x51a: {  	v0 =	vmax.f32 v0, v5  }
0x51b: {  	v0 =	vmax.f32 v0, v1  }
0x51c: {  	v0 =	vadd.f32 v2, v0;
	_ =	sdelay $0x1  }
0x51d: {  	v0 =	vmax.f32 v0, $0.0e+00  }
0x51e: {  	[tilespmem:s18+$0x1EE60] =	vst v0  }
0x51f: {  	v0 =	vld [tilespmem:s17+$0x1A870]  }
0x520: {  	v1 =	vld [tilespmem:s17+$0x1A8F0]  }
0x521: {  	v2 =	vld [tilespmem:s17+$0x1A970]  }
0x522: {  	v3 =	vld [tilespmem:s17+$0x1A9F0]  }
0x523: {  	v4 =	vld [tilespmem:s17+$0x1AA70]  }
0x524: {  	v5 =	vld [tilespmem:s17+$0x1AAF0]  }
0x525: {  	v0 =	vmax.f32 v0, v1;
	v1 =	vld [tilespmem:s17+$0x1AB70]  }
0x526: {  	v0 =	vmax.f32 v0, v2;
	v2 =	vld [tilespmem:s17+$0x1ABF0]  }
0x527: {  	v0 =	vmax.f32 v0, v3;
	v3 =	vld [tilespmem:s17+$0x1AC70]  }
0x528: {  	v0 =	vmax.f32 v0, v4;
	v4 =	vld [tilespmem:s17+$0x1ACF0]  }
0x529: {  	v0 =	vmax.f32 v0, v5;
	v5 =	vld [tilespmem:s17+$0x1AD70]  }
0x52a: {  	v0 =	vmax.f32 v0, v1;
	v1 =	vld [tilespmem:s17+$0x1ADF0]  }
0x52b: {  	v0 =	vmax.f32 v0, v2;
	v2 =	vld [tilespmem:s17+$0x1AE70]  }
0x52c: {  	v0 =	vmax.f32 v0, v3;
	v3 =	vld [tilespmem:s17+$0x1AEF0]  }
0x52d: {  	v0 =	vmax.f32 v0, v4;
	v4 =	vld [tilespmem:s17+$0x1AF70]  }
0x52e: {  	v0 =	vmax.f32 v0, v5;
	v5 =	vld [tilespmem:s17+$0x1AFF0]  }
0x52f: {  	v0 =	vmax.f32 v0, v1;
	v1 =	vld [tilespmem:s17+$0x1B070]  }
0x530: {  	v0 =	vmax.f32 v0, v2;
	v2 =	vld [tilespmem:s17+$0x1B0F0]  }
0x531: {  	v0 =	vmax.f32 v0, v3;
	v3 =	vld [tilespmem:s17+$0x1B170]  }
0x532: {  	v0 =	vmax.f32 v0, v4;
	v4 =	vld [tilespmem:s17+$0x1B1F0]  }
0x533: {  	v0 =	vmax.f32 v0, v5;
	v5 =	vld [tilespmem:s17+$0x1B270]  }
0x534: {  	v0 =	vmax.f32 v0, v1;
	v1 =	vld [tilespmem:s17+$0x1B2F0]  }
0x535: {  	v0 =	vmax.f32 v0, v2;
	v2 =	vld [tilespmem:s17+$0x1B370]  }
0x536: {  	v0 =	vmax.f32 v0, v3;
	v3 =	vld [tilespmem:s17+$0x1B3F0]  }
.Ltmp3:
0x537: {  	v0 =	vmax.f32 v0, v4;
	v4 =	vld [tilespmem:s17+$0x1B470];
	(pc) =	sbr.rel @p0 .LBB2_5-.Ltmp3, $4  }
0x538: {  	v5 =	vmax.f32 v0, v5;
	v0 =	vld [tilespmem:s17+$0x1B4F0]  }
0x539: {  	v5 =	vmax.f32 v5, v1;
	v1 =	vld [tilespmem:s17+$0x1B570]  }
0x53a: {  	v5 =	vmax.f32 v5, v2;
	v2 =	vld [tilespmem:s17+$0x1B5F0]  }
0x53b: {  	v5 =	vmax.f32 v5, v3;
	v3 =	vld [tilespmem:s17+$0x1B670]  }
0x53c: {  	v4 =	vmax.f32 v5, v4;
	v60 =	vld [tilespmem:s17+$0x1B6F0]  }
0x53d: {  	v61 =	vld [tilespmem:s17+$0x1B770];
	v0 =	vmax.f32 v4, v0  }
0x53e: {  	v62 =	vld [tilespmem:s17+$0x1B7F0];
	v0 =	vmax.f32 v0, v1  }
0x53f: {  	v63 =	vld [tilespmem:s18+$0x1EA70];
	v0 =	vmax.f32 v0, v2  }
0x540: {  	v0 =	vmax.f32 v0, v3  }
0x541: {  	v0 =	vmax.f32 v0, v60  }
0x542: {  	v0 =	vmax.f32 v0, v61  }
0x543: {  	v0 =	vmax.f32 v0, v62  }
.Ltmp4:
0x544: {  	v0 =	vadd.f32 v63, v0;
	(pc) =	sbr.rel @p1 .LBB2_8-.Ltmp4, $4  }
0x545: {  	_ = 	snop  }
0x546: {  	s5 =	sshll.u32 s1, $0x7;
	v0 =	vmax.f32 v0, $0.0e+00  }
0x547: {  	s5 =	sadd.s32 s12, s5;
	[tilespmem:s18+$0x1EE70] =	vst v0  }
0x548: {  	[hbm4b:s5+s4] =	stream.linear.scatter [tilespmem:s28], [sflag:$0x6], $0x200, $0x38;
	[tilespmem:$0x1F000] =	vst v63  }
0x549: {  	s0 =	sadd.s32 $0x3, s0  }
0x54a: {  	s5 =	sshll.u32 s0, $0x7  }
.Ltmp5:
0x54b: {  	s5 =	sand.u32 $0x3FFFFF80, s5;
	(pc) =	sbr.rel .LBB2_2-.Ltmp5, $4  }
0x54c: {  	s0 =	sshll.u32 s0, $0x6;
	s5 =	sadd.s32 $0x14000, s5  }
0x54d: {  	[tilespmem:s20], [sflag:$0x2] =	stream.indirect.gather [spmem:s3], $0x80, s5, s16, $0xb8;
	[tilespmem:$0x1F000] =	vst v63  }
0x54e: {  	s1 =	sadd.s32 $0x1, s1;
	s0 =	sadd.s32 s0, s8  }
0x54f: {  	[tilespmem:s21], [sflag:$0x4] =	stream.linear.gather [hbm4b:s0+s4], $0x200, $0x38;
	[tilespmem:$0x1F000] =	vst v63  }
.LBB2_9:
0x550: {  	_ =	sfence.sel $0x180000  }
0x551: {  	[bflag:$0x0] =	sbarrier.arrive $0xFFFF  }
0x552: {  	_ =	strace $0x90000047  }
0x553: {  	s0 =	stileid.u32;
	[bflag:$0x2] =	sbarrier.arrive $0xFFFF  }
0x554: {  	p0 =	sne.s32 s0, $0x0;
	s0 =	rddreg [dreg:$0x3]  }
0x555: {  	s0 =	sadd.s32 @!p0 $0x100000, s0  }
0x556: {  	[sflag:s0] =	ssyncadd.tile.s32 @!p0 $0x1;
	_ =	shalt  }
.Lfunc_end2:
_tile_overlayer_lowered:
.L_overlay_start_2:
0x557: {  	(tag) =	ssettag $0x2  }
0x558: {  	s0 =	rddreg [dreg:$0x0];
	s2 =	stileid.u32  }
0x559: {  	s1 =	rddreg [dreg:$0x1];
	p0 =	sne.s32 s2, $0x0  }
0x55a: {  	s3 =	rddreg [dreg:$0x2];
	[bflag:$0x3] =	sbarrier.arrive $0xFFFF;
	s2 =	simm.s32 @!p0 $0x1C07  }
0x55b: {  	[timem:s3], [sflag:s2] =	dma.local @!p0 [hbm:s0], s1  }
0x55c: {  	s0 =	simm.s32 @!p0 $0x7  }
0x55d: {  	_ =	swait.ge @!p0 [sflag:s0], s1  }
0x55e: {  	s1 =	ssub.s32 @!p0 $0x0, s1;
	[sflag:s0] =	ssyncset.done @!p0 $0x0  }
0x55f: {  	[sflag:s0] =	ssyncadd.s32 @!p0 s1  }
0x560: {  	[bflag:$0x3] =	sbarrier.arrive $0xFFFF  }
0x561: {  	_ =	shalt  }

</sc_bundles>
